<compile_context>
chip_gen: v7x
topology: tpu7x:2x2x1
jax: 0.10.2.dev20260603
libtpu: 0.0.44.dev20260713+nightly
codegen_flags: <defaults>
</compile_context>

<pallas_src>
import functools
import jax
import jax.numpy as jnp
from jax import lax
from jax.experimental import pallas as pl
from jax.experimental.pallas import tpu as pltpu
from jax.experimental.pallas import tpu_sc as plsc

_P, _C, _D = 2048, 128, 128
_NC, _NS = 2, 16
_NW = _NC * _NS
_CG = 4
_PG = _NW // _CG
_CW = _C // _CG
_PW = _P // _PG
_DG = _D // 16


_HP = _PW // 2
_NQ = _CW // 4
_NB = 2 * _NQ


def _sc_body(time_hbm, chan_hbm, out_hbm, time_v, chan_v, out_v,
             sem_out0, sem_out1, sem_out2, sem_out3):
    sems = (sem_out0, sem_out1, sem_out2, sem_out3)
    wid = lax.axis_index("s") * _NC + lax.axis_index("c")
    g = wid // _PG
    h = wid % _PG
    c0 = g * _CW
    p0 = h * _PW
    pltpu.sync_copy(time_hbm.at[pl.ds(p0, _PW)], time_v)
    pltpu.sync_copy(chan_hbm.at[pl.ds(c0, _CW)], chan_v)

    def out_slice(c, hf):
        return out_hbm.at[pl.ds((c0 + c) * _P + p0 + hf * _HP, _HP)]

    def fire_store(c, hf, b):
        pltpu.async_copy(out_v.at[b], out_slice(c, hf), sems[b])

    def wait_store(c, hf, b):
        pltpu.make_async_copy(out_v.at[b], out_slice(c, hf), sems[b]).wait()

    def compute2(q, hf, jp):
        cvs = [[chan_v[q + _NQ * (jp + u), pl.ds(d * 16, 16)]
                for d in range(_DG)] for u in range(2)]

        @plsc.parallel_loop(0, _HP, unroll=2)
        def p_body(p):
            for d in range(_DG):
                t = time_v[hf * _HP + p, pl.ds(d * 16, 16)]
                for u in range(2):
                    out_v[jp + u, p, pl.ds(d * 16, 16)] = t + cvs[u][d]

    for jp in (0, 2):
        compute2(0, 0, jp)
        for u in range(2):
            fire_store(_NQ * (jp + u), 0, jp + u)
    for jp in (0, 2):
        for u in range(2):
            wait_store(_NQ * (jp + u), 1, jp + u)
        compute2(0, 1, jp)
        for u in range(2):
            fire_store(_NQ * (jp + u), 1, jp + u)

    def quad(q, carry):
        for hf in range(2):
            for jp in (0, 2):
                for u in range(2):
                    wait_store(q + _NQ * (jp + u), hf, jp + u)
                compute2(q, hf, jp)
                for u in range(2):
                    fire_store(q + _NQ * (jp + u), hf, jp + u)
        return carry

    lax.fori_loop(1, _NQ, quad, 0)

    for j in range(4):
        wait_store(_NQ - 1 + _NQ * j, 1, j)


def kernel(num_patches_per_channel, num_channels, time_embed, channel_embed):
    del num_patches_per_channel, num_channels
    mesh = plsc.VectorSubcoreMesh(core_axis_name="c", subcore_axis_name="s")
    run = functools.partial(
        pl.kernel,
        out_type=jax.ShapeDtypeStruct((_C * _P, _D), jnp.float32),
        mesh=mesh,
        scratch_types=[
            pltpu.VMEM((_PW, _D), jnp.float32),
            pltpu.VMEM((_CW, _D), jnp.float32),
            pltpu.VMEM((4, _HP, _D), jnp.float32),
            pltpu.SemaphoreType.DMA,
            pltpu.SemaphoreType.DMA,
            pltpu.SemaphoreType.DMA,
            pltpu.SemaphoreType.DMA,
        ],
    )(_sc_body)
    return run(time_embed, channel_embed)

# --- scband reference (transcript-rebuilt; emitter-appended) ---
"""Pipeline reference for scband-positional-embedding2-d-40956808134967 (READ-ONLY COPY).

The authoritative reference and input builder live on the scoring server;
editing this copy changes nothing except your own understanding.
"""

import jax, jax.numpy as jnp
import numpy as np

MAX_PATCHES = 2048
MAX_CHANNELS = 128
EMBED_DIM = 128

def setup_inputs(seed: int = 0) -> dict:
    key = jax.random.key(seed)
    k1, k2 = jax.random.split(key)
    time_embed = jax.random.normal(k1, (MAX_PATCHES, EMBED_DIM), dtype=jnp.float32)
    channel_embed = jax.random.normal(k2, (MAX_CHANNELS, EMBED_DIM), dtype=jnp.float32)
    return {
        "num_patches_per_channel": 2048,
        "num_channels": 128,
        "time_embed": time_embed,
        "channel_embed": channel_embed,
    }

def reference(num_patches_per_channel, num_channels, time_embed, channel_embed):
    P = time_embed.shape[0]
    C = channel_embed.shape[0]
    p_traced = jnp.asarray(num_patches_per_channel, dtype=jnp.int32)
    c_traced = jnp.asarray(num_channels, dtype=jnp.int32)
    # time_pos = arange(P).repeat(C)  (torch .repeat == tile)
    time_pos = jnp.tile(jnp.arange(P, dtype=jnp.int32), C) % p_traced
    # channel_pos = arange(C).repeat_interleave(P)
    channel_pos = jnp.repeat(jnp.arange(C, dtype=jnp.int32), P) % c_traced
    return jnp.take(time_embed, time_pos, axis=0) + jnp.take(channel_embed, channel_pos, axis=0)

if __name__ == "__main__":
    import jax
    _d = setup_inputs()
    print(jax.jit(kernel)(*tuple(_d.values())))

</pallas_src>

<mosaic_0001>
#map = affine_map<(d0, d1) -> (0, 0)>
module attributes {stable_mosaic.version = 14 : i64} {
  func.func @_sc_body(%arg0: i32, %arg1: i32, %arg2: memref<2048x128xf32, #tpu.memory_space<hbm>>, %arg3: memref<128x128xf32, #tpu.memory_space<hbm>>, %arg4: memref<262144x128xf32, #tpu.memory_space<hbm>>, %arg5: memref<256x128xf32, #tpu.memory_space<vmem>>, %arg6: memref<32x128xf32, #tpu.memory_space<vmem>>, %arg7: memref<4x128x128xf32, #tpu.memory_space<vmem>>, %arg8: memref<!tpu.dma_semaphore, #tpu.memory_space<semaphore_mem>>, %arg9: memref<!tpu.dma_semaphore, #tpu.memory_space<semaphore_mem>>, %arg10: memref<!tpu.dma_semaphore, #tpu.memory_space<semaphore_mem>>, %arg11: memref<!tpu.dma_semaphore, #tpu.memory_space<semaphore_mem>>) attributes {dimension_semantics = [#tpu.dimension_semantics<core_parallel>, #tpu.dimension_semantics<subcore_parallel>], iteration_bounds = array<i64: 2, 16>, scalar_prefetch = 0 : i64, scratch_operands = 7 : i64, tpu.core_type = #tpu.core_type<sc_vector_subcore>, window_params = [{transform_indices = #map}, {transform_indices = #map}, {transform_indices = #map}]} {
    %mul3A = arith.constant 2 : i32
    %mul3A_0 = arith.muli %arg1, %mul3A : i32
    %add3A = arith.addi %mul3A_0, %arg0 : i32
    %jit3A = arith.constant 8 : i32
    %div3A = arith.divsi %add3A, %jit3A : i32
    %sign3A = arith.constant 0 : i32
    %sign3A_1 = arith.cmpi sgt, %add3A, %sign3A : i32
    %sign3A_2 = arith.extui %sign3A_1 : i1 to i32
    %sign3A_3 = arith.constant 0 : i32
    %sign3A_4 = arith.cmpi slt, %add3A, %sign3A_3 : i32
    %sign3A_5 = arith.extui %sign3A_4 : i1 to i32
    %sign3A_6 = arith.subi %sign3A_2, %sign3A_5 : i32
    %sign3A_7 = arith.constant 0 : i32
    %sign3A_8 = arith.cmpi sgt, %jit3A, %sign3A_7 : i32
    %sign3A_9 = arith.extui %sign3A_8 : i1 to i32
    %sign3A_10 = arith.constant 0 : i32
    %sign3A_11 = arith.cmpi slt, %jit3A, %sign3A_10 : i32
    %sign3A_12 = arith.extui %sign3A_11 : i1 to i32
    %sign3A_13 = arith.subi %sign3A_9, %sign3A_12 : i32
    %ne3A = arith.cmpi ne, %sign3A_6, %sign3A_13 : i32
    %rem3A = arith.remsi %add3A, %jit3A : i32
    %ne3A_14 = arith.constant 0 : i32
    %ne3A_15 = arith.cmpi ne, %rem3A, %ne3A_14 : i32
    %and3A = arith.andi %ne3A, %ne3A_15 : i1
    %sub3A = arith.constant 1 : i32
    %sub3A_16 = arith.subi %div3A, %sub3A : i32
    %select_n3A = arith.select %and3A, %sub3A_16, %div3A : i32
    %jit3A_17 = arith.constant 8 : i32
    %eq3A = arith.constant 0 : i32
    %eq3A_18 = arith.cmpi eq, %jit3A_17, %eq3A : i32
    %jit3A_19 = arith.constant 1 : i32
    %select_n3A_20 = arith.select %eq3A_18, %jit3A_19, %jit3A_17 : i32
    %rem3A_21 = arith.remsi %add3A, %select_n3A_20 : i32
    %ne3A_22 = arith.constant 0 : i32
    %ne3A_23 = arith.cmpi ne, %rem3A_21, %ne3A_22 : i32
    %lt3A = arith.constant 0 : i32
    %lt3A_24 = arith.cmpi slt, %rem3A_21, %lt3A : i32
    %lt3A_25 = arith.constant 0 : i32
    %lt3A_26 = arith.cmpi slt, %select_n3A_20, %lt3A_25 : i32
    %ne3A_27 = arith.xori %lt3A_24, %lt3A_26 : i1
    %and3A_28 = arith.andi %ne3A_27, %ne3A_23 : i1
    %add3A_29 = arith.addi %rem3A_21, %select_n3A_20 : i32
    %select_n3A_30 = arith.select %and3A_28, %add3A_29, %rem3A_21 : i32
    %mul3A_31 = arith.constant 32 : i32
    %mul3A_32 = arith.muli %select_n3A, %mul3A_31 : i32
    %mul3A_33 = arith.constant 256 : i32
    %mul3A_34 = arith.muli %select_n3A_30, %mul3A_33 : i32
    "tpu.region"() ({
      %run_scoped3A = tpu.sem_alloc : memref<!tpu.dma_semaphore, #tpu.memory_space<semaphore_mem>>
      %dma_start3A_688 = arith.constant 0 : i32
      %dma_start3A_689 = tpu.memref_slice %arg2[%mul3A_34, %dma_start3A_688] : memref<2048x128xf32, #tpu.memory_space<hbm>> -> memref<256x128xf32, #tpu.memory_space<hbm>>
      %dma_start3A_690 = arith.constant 0 : i32
      %dma_start3A_691 = tpu.memref_slice %arg2[%mul3A_34, %dma_start3A_690] : memref<2048x128xf32, #tpu.memory_space<hbm>> -> memref<256x128xf32, #tpu.memory_space<hbm>>
      tpu.enqueue_dma source(%dma_start3A_691 : memref<256x128xf32, #tpu.memory_space<hbm>>) target(%arg5 : memref<256x128xf32, #tpu.memory_space<vmem>>) target_semaphore(%run_scoped3A : memref<!tpu.dma_semaphore, #tpu.memory_space<semaphore_mem>>)
      %dma_wait3A_692 = arith.constant 0 : i32
      %dma_wait3A_693 = tpu.memref_slice %arg2[%mul3A_34, %dma_wait3A_692] : memref<2048x128xf32, #tpu.memory_space<hbm>> -> memref<256x128xf32, #tpu.memory_space<hbm>>
      %dma_wait3A_694 = arith.constant 0 : i32
      %dma_wait3A_695 = tpu.memref_slice %arg2[%mul3A_34, %dma_wait3A_694] : memref<2048x128xf32, #tpu.memory_space<hbm>> -> memref<256x128xf32, #tpu.memory_space<hbm>>
      tpu.wait_dma2 semaphore(%run_scoped3A : memref<!tpu.dma_semaphore, #tpu.memory_space<semaphore_mem>>) src(%dma_wait3A_695 : memref<256x128xf32, #tpu.memory_space<hbm>>) dst(%arg5 : memref<256x128xf32, #tpu.memory_space<vmem>>)
      tpu.yield
    }) : () -> ()
    "tpu.region"() ({
      %run_scoped3A = tpu.sem_alloc : memref<!tpu.dma_semaphore, #tpu.memory_space<semaphore_mem>>
      %dma_start3A_688 = arith.constant 0 : i32
      %dma_start3A_689 = tpu.memref_slice %arg3[%mul3A_32, %dma_start3A_688] : memref<128x128xf32, #tpu.memory_space<hbm>> -> memref<32x128xf32, #tpu.memory_space<hbm>>
      %dma_start3A_690 = arith.constant 0 : i32
      %dma_start3A_691 = tpu.memref_slice %arg3[%mul3A_32, %dma_start3A_690] : memref<128x128xf32, #tpu.memory_space<hbm>> -> memref<32x128xf32, #tpu.memory_space<hbm>>
      tpu.enqueue_dma source(%dma_start3A_691 : memref<32x128xf32, #tpu.memory_space<hbm>>) target(%arg6 : memref<32x128xf32, #tpu.memory_space<vmem>>) target_semaphore(%run_scoped3A : memref<!tpu.dma_semaphore, #tpu.memory_space<semaphore_mem>>)
      %dma_wait3A_692 = arith.constant 0 : i32
      %dma_wait3A_693 = tpu.memref_slice %arg3[%mul3A_32, %dma_wait3A_692] : memref<128x128xf32, #tpu.memory_space<hbm>> -> memref<32x128xf32, #tpu.memory_space<hbm>>
      %dma_wait3A_694 = arith.constant 0 : i32
      %dma_wait3A_695 = tpu.memref_slice %arg3[%mul3A_32, %dma_wait3A_694] : memref<128x128xf32, #tpu.memory_space<hbm>> -> memref<32x128xf32, #tpu.memory_space<hbm>>
      tpu.wait_dma2 semaphore(%run_scoped3A : memref<!tpu.dma_semaphore, #tpu.memory_space<semaphore_mem>>) src(%dma_wait3A_695 : memref<32x128xf32, #tpu.memory_space<hbm>>) dst(%arg6 : memref<32x128xf32, #tpu.memory_space<vmem>>)
      tpu.yield
    }) : () -> ()
    %get3A = arith.constant 0 : i32
    %get3A_35 = arith.index_cast %get3A : i32 to index
    %get3A_36 = arith.constant 0 : index
    %get3A_37 = tpu.vector_load %arg6[%get3A_35, %get3A_36] {strides = array<i32>} : memref<32x128xf32, #tpu.memory_space<vmem>>, vector<1x16xf32>,
    %get3A_38 = vector.shape_cast %get3A_37 : vector<1x16xf32> to vector<16xf32>
    %get3A_39 = arith.constant 0 : i32
    %get3A_40 = arith.index_cast %get3A_39 : i32 to index
    %get3A_41 = arith.constant 16 : index
    %get3A_42 = tpu.vector_load %arg6[%get3A_40, %get3A_41] {strides = array<i32>} : memref<32x128xf32, #tpu.memory_space<vmem>>, vector<1x16xf32>,
    %get3A_43 = vector.shape_cast %get3A_42 : vector<1x16xf32> to vector<16xf32>
    %get3A_44 = arith.constant 0 : i32
    %get3A_45 = arith.index_cast %get3A_44 : i32 to index
    %get3A_46 = arith.constant 32 : index
    %get3A_47 = tpu.vector_load %arg6[%get3A_45, %get3A_46] {strides = array<i32>} : memref<32x128xf32, #tpu.memory_space<vmem>>, vector<1x16xf32>,
    %get3A_48 = vector.shape_cast %get3A_47 : vector<1x16xf32> to vector<16xf32>
    %get3A_49 = arith.constant 0 : i32
    %get3A_50 = arith.index_cast %get3A_49 : i32 to index
    %get3A_51 = arith.constant 48 : index
    %get3A_52 = tpu.vector_load %arg6[%get3A_50, %get3A_51] {strides = array<i32>} : memref<32x128xf32, #tpu.memory_space<vmem>>, vector<1x16xf32>,
    %get3A_53 = vector.shape_cast %get3A_52 : vector<1x16xf32> to vector<16xf32>
    %get3A_54 = arith.constant 0 : i32
    %get3A_55 = arith.index_cast %get3A_54 : i32 to index
    %get3A_56 = arith.constant 64 : index
    %get3A_57 = tpu.vector_load %arg6[%get3A_55, %get3A_56] {strides = array<i32>} : memref<32x128xf32, #tpu.memory_space<vmem>>, vector<1x16xf32>,
    %get3A_58 = vector.shape_cast %get3A_57 : vector<1x16xf32> to vector<16xf32>
    %get3A_59 = arith.constant 0 : i32
    %get3A_60 = arith.index_cast %get3A_59 : i32 to index
    %get3A_61 = arith.constant 80 : index
    %get3A_62 = tpu.vector_load %arg6[%get3A_60, %get3A_61] {strides = array<i32>} : memref<32x128xf32, #tpu.memory_space<vmem>>, vector<1x16xf32>,
    %get3A_63 = vector.shape_cast %get3A_62 : vector<1x16xf32> to vector<16xf32>
    %get3A_64 = arith.constant 0 : i32
    %get3A_65 = arith.index_cast %get3A_64 : i32 to index
    %get3A_66 = arith.constant 96 : index
    %get3A_67 = tpu.vector_load %arg6[%get3A_65, %get3A_66] {strides = array<i32>} : memref<32x128xf32, #tpu.memory_space<vmem>>, vector<1x16xf32>,
    %get3A_68 = vector.shape_cast %get3A_67 : vector<1x16xf32> to vector<16xf32>
    %get3A_69 = arith.constant 0 : i32
    %get3A_70 = arith.index_cast %get3A_69 : i32 to index
    %get3A_71 = arith.constant 112 : index
    %get3A_72 = tpu.vector_load %arg6[%get3A_70, %get3A_71] {strides = array<i32>} : memref<32x128xf32, #tpu.memory_space<vmem>>, vector<1x16xf32>,
    %get3A_73 = vector.shape_cast %get3A_72 : vector<1x16xf32> to vector<16xf32>
    %get3A_74 = arith.constant 8 : i32
    %get3A_75 = arith.index_cast %get3A_74 : i32 to index
    %get3A_76 = arith.constant 0 : index
    %get3A_77 = tpu.vector_load %arg6[%get3A_75, %get3A_76] {strides = array<i32>} : memref<32x128xf32, #tpu.memory_space<vmem>>, vector<1x16xf32>,
    %get3A_78 = vector.shape_cast %get3A_77 : vector<1x16xf32> to vector<16xf32>
    %get3A_79 = arith.constant 8 : i32
    %get3A_80 = arith.index_cast %get3A_79 : i32 to index
    %get3A_81 = arith.constant 16 : index
    %get3A_82 = tpu.vector_load %arg6[%get3A_80, %get3A_81] {strides = array<i32>} : memref<32x128xf32, #tpu.memory_space<vmem>>, vector<1x16xf32>,
    %get3A_83 = vector.shape_cast %get3A_82 : vector<1x16xf32> to vector<16xf32>
    %get3A_84 = arith.constant 8 : i32
    %get3A_85 = arith.index_cast %get3A_84 : i32 to index
    %get3A_86 = arith.constant 32 : index
    %get3A_87 = tpu.vector_load %arg6[%get3A_85, %get3A_86] {strides = array<i32>} : memref<32x128xf32, #tpu.memory_space<vmem>>, vector<1x16xf32>,
    %get3A_88 = vector.shape_cast %get3A_87 : vector<1x16xf32> to vector<16xf32>
    %get3A_89 = arith.constant 8 : i32
    %get3A_90 = arith.index_cast %get3A_89 : i32 to index
    %get3A_91 = arith.constant 48 : index
    %get3A_92 = tpu.vector_load %arg6[%get3A_90, %get3A_91] {strides = array<i32>} : memref<32x128xf32, #tpu.memory_space<vmem>>, vector<1x16xf32>,
    %get3A_93 = vector.shape_cast %get3A_92 : vector<1x16xf32> to vector<16xf32>
    %get3A_94 = arith.constant 8 : i32
    %get3A_95 = arith.index_cast %get3A_94 : i32 to index
    %get3A_96 = arith.constant 64 : index
    %get3A_97 = tpu.vector_load %arg6[%get3A_95, %get3A_96] {strides = array<i32>} : memref<32x128xf32, #tpu.memory_space<vmem>>, vector<1x16xf32>,
    %get3A_98 = vector.shape_cast %get3A_97 : vector<1x16xf32> to vector<16xf32>
    %get3A_99 = arith.constant 8 : i32
    %get3A_100 = arith.index_cast %get3A_99 : i32 to index
    %get3A_101 = arith.constant 80 : index
    %get3A_102 = tpu.vector_load %arg6[%get3A_100, %get3A_101] {strides = array<i32>} : memref<32x128xf32, #tpu.memory_space<vmem>>, vector<1x16xf32>,
    %get3A_103 = vector.shape_cast %get3A_102 : vector<1x16xf32> to vector<16xf32>
    %get3A_104 = arith.constant 8 : i32
    %get3A_105 = arith.index_cast %get3A_104 : i32 to index
    %get3A_106 = arith.constant 96 : index
    %get3A_107 = tpu.vector_load %arg6[%get3A_105, %get3A_106] {strides = array<i32>} : memref<32x128xf32, #tpu.memory_space<vmem>>, vector<1x16xf32>,
    %get3A_108 = vector.shape_cast %get3A_107 : vector<1x16xf32> to vector<16xf32>
    %get3A_109 = arith.constant 8 : i32
    %get3A_110 = arith.index_cast %get3A_109 : i32 to index
    %get3A_111 = arith.constant 112 : index
    %get3A_112 = tpu.vector_load %arg6[%get3A_110, %get3A_111] {strides = array<i32>} : memref<32x128xf32, #tpu.memory_space<vmem>>, vector<1x16xf32>,
    %get3A_113 = vector.shape_cast %get3A_112 : vector<1x16xf32> to vector<16xf32>
    %parallel_loop3A = arith.constant 0 : i32
    %parallel_loop3A_114 = arith.constant 128 : i32
    %parallel_loop3A_115 = arith.constant 1 : i32
    scf.for %parallel_loop3A_688 = %parallel_loop3A to %parallel_loop3A_114 step %parallel_loop3A_115  : i32 {
      %parallel_loop3A_689 = arith.constant 0 : i32
      %parallel_loop3A_690 = arith.addi %parallel_loop3A_689, %parallel_loop3A_688 : i32
      %parallel_loop3A_691 = arith.index_cast %parallel_loop3A_690 : i32 to index
      %parallel_loop3A_692 = arith.constant 0 : index
      %parallel_loop3A_693 = tpu.vector_load %arg5[%parallel_loop3A_691, %parallel_loop3A_692] {strides = array<i32>} : memref<256x128xf32, #tpu.memory_space<vmem>>, vector<1x16xf32>,
      %parallel_loop3A_694 = vector.shape_cast %parallel_loop3A_693 : vector<1x16xf32> to vector<16xf32>
      %parallel_loop3A_695 = arith.addf %parallel_loop3A_694, %get3A_38 : vector<16xf32>
      %parallel_loop3A_696 = arith.constant 0 : i32
      %parallel_loop3A_697 = arith.index_cast %parallel_loop3A_696 : i32 to index
      %parallel_loop3A_698 = arith.index_cast %parallel_loop3A_688 : i32 to index
      %parallel_loop3A_699 = arith.constant 0 : index
      %parallel_loop3A_700 = tpu.vector_load %arg7[%parallel_loop3A_697, %parallel_loop3A_698, %parallel_loop3A_699] {strides = array<i32>} : memref<4x128x128xf32, #tpu.memory_space<vmem>>, vector<1x1x16xf32>,
      %parallel_loop3A_701 = vector.shape_cast %parallel_loop3A_700 : vector<1x1x16xf32> to vector<16xf32>
      %parallel_loop3A_702 = vector.shape_cast %parallel_loop3A_695 : vector<16xf32> to vector<1x1x16xf32>
      tpu.vector_store %arg7[%parallel_loop3A_697, %parallel_loop3A_698, %parallel_loop3A_699], %parallel_loop3A_702 {strides = array<i32>} : memref<4x128x128xf32, #tpu.memory_space<vmem>>, vector<1x1x16xf32>,
      %parallel_loop3A_703 = arith.addf %parallel_loop3A_694, %get3A_78 : vector<16xf32>
      %parallel_loop3A_704 = arith.constant 1 : i32
      %parallel_loop3A_705 = arith.index_cast %parallel_loop3A_704 : i32 to index
      %parallel_loop3A_706 = arith.index_cast %parallel_loop3A_688 : i32 to index
      %parallel_loop3A_707 = arith.constant 0 : index
      %parallel_loop3A_708 = tpu.vector_load %arg7[%parallel_loop3A_705, %parallel_loop3A_706, %parallel_loop3A_707] {strides = array<i32>} : memref<4x128x128xf32, #tpu.memory_space<vmem>>, vector<1x1x16xf32>,
      %parallel_loop3A_709 = vector.shape_cast %parallel_loop3A_708 : vector<1x1x16xf32> to vector<16xf32>
      %parallel_loop3A_710 = vector.shape_cast %parallel_loop3A_703 : vector<16xf32> to vector<1x1x16xf32>
      tpu.vector_store %arg7[%parallel_loop3A_705, %parallel_loop3A_706, %parallel_loop3A_707], %parallel_loop3A_710 {strides = array<i32>} : memref<4x128x128xf32, #tpu.memory_space<vmem>>, vector<1x1x16xf32>,
      %parallel_loop3A_711 = arith.constant 0 : i32
      %parallel_loop3A_712 = arith.addi %parallel_loop3A_711, %parallel_loop3A_688 : i32
      %parallel_loop3A_713 = arith.index_cast %parallel_loop3A_712 : i32 to index
      %parallel_loop3A_714 = arith.constant 16 : index
      %parallel_loop3A_715 = tpu.vector_load %arg5[%parallel_loop3A_713, %parallel_loop3A_714] {strides = array<i32>} : memref<256x128xf32, #tpu.memory_space<vmem>>, vector<1x16xf32>,
      %parallel_loop3A_716 = vector.shape_cast %parallel_loop3A_715 : vector<1x16xf32> to vector<16xf32>
      %parallel_loop3A_717 = arith.addf %parallel_loop3A_716, %get3A_43 : vector<16xf32>
      %parallel_loop3A_718 = arith.constant 0 : i32
      %parallel_loop3A_719 = arith.index_cast %parallel_loop3A_718 : i32 to index
      %parallel_loop3A_720 = arith.index_cast %parallel_loop3A_688 : i32 to index
      %parallel_loop3A_721 = arith.constant 16 : index
      %parallel_loop3A_722 = tpu.vector_load %arg7[%parallel_loop3A_719, %parallel_loop3A_720, %parallel_loop3A_721] {strides = array<i32>} : memref<4x128x128xf32, #tpu.memory_space<vmem>>, vector<1x1x16xf32>,
      %parallel_loop3A_723 = vector.shape_cast %parallel_loop3A_722 : vector<1x1x16xf32> to vector<16xf32>
      %parallel_loop3A_724 = vector.shape_cast %parallel_loop3A_717 : vector<16xf32> to vector<1x1x16xf32>
      tpu.vector_store %arg7[%parallel_loop3A_719, %parallel_loop3A_720, %parallel_loop3A_721], %parallel_loop3A_724 {strides = array<i32>} : memref<4x128x128xf32, #tpu.memory_space<vmem>>, vector<1x1x16xf32>,
      %parallel_loop3A_725 = arith.addf %parallel_loop3A_716, %get3A_83 : vector<16xf32>
      %parallel_loop3A_726 = arith.constant 1 : i32
      %parallel_loop3A_727 = arith.index_cast %parallel_loop3A_726 : i32 to index
      %parallel_loop3A_728 = arith.index_cast %parallel_loop3A_688 : i32 to index
      %parallel_loop3A_729 = arith.constant 16 : index
      %parallel_loop3A_730 = tpu.vector_load %arg7[%parallel_loop3A_727, %parallel_loop3A_728, %parallel_loop3A_729] {strides = array<i32>} : memref<4x128x128xf32, #tpu.memory_space<vmem>>, vector<1x1x16xf32>,
      %parallel_loop3A_731 = vector.shape_cast %parallel_loop3A_730 : vector<1x1x16xf32> to vector<16xf32>
      %parallel_loop3A_732 = vector.shape_cast %parallel_loop3A_725 : vector<16xf32> to vector<1x1x16xf32>
      tpu.vector_store %arg7[%parallel_loop3A_727, %parallel_loop3A_728, %parallel_loop3A_729], %parallel_loop3A_732 {strides = array<i32>} : memref<4x128x128xf32, #tpu.memory_space<vmem>>, vector<1x1x16xf32>,
      %parallel_loop3A_733 = arith.constant 0 : i32
      %parallel_loop3A_734 = arith.addi %parallel_loop3A_733, %parallel_loop3A_688 : i32
      %parallel_loop3A_735 = arith.index_cast %parallel_loop3A_734 : i32 to index
      %parallel_loop3A_736 = arith.constant 32 : index
      %parallel_loop3A_737 = tpu.vector_load %arg5[%parallel_loop3A_735, %parallel_loop3A_736] {strides = array<i32>} : memref<256x128xf32, #tpu.memory_space<vmem>>, vector<1x16xf32>,
      %parallel_loop3A_738 = vector.shape_cast %parallel_loop3A_737 : vector<1x16xf32> to vector<16xf32>
      %parallel_loop3A_739 = arith.addf %parallel_loop3A_738, %get3A_48 : vector<16xf32>
      %parallel_loop3A_740 = arith.constant 0 : i32
      %parallel_loop3A_741 = arith.index_cast %parallel_loop3A_740 : i32 to index
      %parallel_loop3A_742 = arith.index_cast %parallel_loop3A_688 : i32 to index
      %parallel_loop3A_743 = arith.constant 32 : index
      %parallel_loop3A_744 = tpu.vector_load %arg7[%parallel_loop3A_741, %parallel_loop3A_742, %parallel_loop3A_743] {strides = array<i32>} : memref<4x128x128xf32, #tpu.memory_space<vmem>>, vector<1x1x16xf32>,
      %parallel_loop3A_745 = vector.shape_cast %parallel_loop3A_744 : vector<1x1x16xf32> to vector<16xf32>
      %parallel_loop3A_746 = vector.shape_cast %parallel_loop3A_739 : vector<16xf32> to vector<1x1x16xf32>
      tpu.vector_store %arg7[%parallel_loop3A_741, %parallel_loop3A_742, %parallel_loop3A_743], %parallel_loop3A_746 {strides = array<i32>} : memref<4x128x128xf32, #tpu.memory_space<vmem>>, vector<1x1x16xf32>,
      %parallel_loop3A_747 = arith.addf %parallel_loop3A_738, %get3A_88 : vector<16xf32>
      %parallel_loop3A_748 = arith.constant 1 : i32
      %parallel_loop3A_749 = arith.index_cast %parallel_loop3A_748 : i32 to index
      %parallel_loop3A_750 = arith.index_cast %parallel_loop3A_688 : i32 to index
      %parallel_loop3A_751 = arith.constant 32 : index
      %parallel_loop3A_752 = tpu.vector_load %arg7[%parallel_loop3A_749, %parallel_loop3A_750, %parallel_loop3A_751] {strides = array<i32>} : memref<4x128x128xf32, #tpu.memory_space<vmem>>, vector<1x1x16xf32>,
      %parallel_loop3A_753 = vector.shape_cast %parallel_loop3A_752 : vector<1x1x16xf32> to vector<16xf32>
      %parallel_loop3A_754 = vector.shape_cast %parallel_loop3A_747 : vector<16xf32> to vector<1x1x16xf32>
      tpu.vector_store %arg7[%parallel_loop3A_749, %parallel_loop3A_750, %parallel_loop3A_751], %parallel_loop3A_754 {strides = array<i32>} : memref<4x128x128xf32, #tpu.memory_space<vmem>>, vector<1x1x16xf32>,
      %parallel_loop3A_755 = arith.constant 0 : i32
      %parallel_loop3A_756 = arith.addi %parallel_loop3A_755, %parallel_loop3A_688 : i32
      %parallel_loop3A_757 = arith.index_cast %parallel_loop3A_756 : i32 to index
      %parallel_loop3A_758 = arith.constant 48 : index
      %parallel_loop3A_759 = tpu.vector_load %arg5[%parallel_loop3A_757, %parallel_loop3A_758] {strides = array<i32>} : memref<256x128xf32, #tpu.memory_space<vmem>>, vector<1x16xf32>,
      %parallel_loop3A_760 = vector.shape_cast %parallel_loop3A_759 : vector<1x16xf32> to vector<16xf32>
      %parallel_loop3A_761 = arith.addf %parallel_loop3A_760, %get3A_53 : vector<16xf32>
      %parallel_loop3A_762 = arith.constant 0 : i32
      %parallel_loop3A_763 = arith.index_cast %parallel_loop3A_762 : i32 to index
      %parallel_loop3A_764 = arith.index_cast %parallel_loop3A_688 : i32 to index
      %parallel_loop3A_765 = arith.constant 48 : index
      %parallel_loop3A_766 = tpu.vector_load %arg7[%parallel_loop3A_763, %parallel_loop3A_764, %parallel_loop3A_765] {strides = array<i32>} : memref<4x128x128xf32, #tpu.memory_space<vmem>>, vector<1x1x16xf32>,
      %parallel_loop3A_767 = vector.shape_cast %parallel_loop3A_766 : vector<1x1x16xf32> to vector<16xf32>
      %parallel_loop3A_768 = vector.shape_cast %parallel_loop3A_761 : vector<16xf32> to vector<1x1x16xf32>
      tpu.vector_store %arg7[%parallel_loop3A_763, %parallel_loop3A_764, %parallel_loop3A_765], %parallel_loop3A_768 {strides = array<i32>} : memref<4x128x128xf32, #tpu.memory_space<vmem>>, vector<1x1x16xf32>,
      %parallel_loop3A_769 = arith.addf %parallel_loop3A_760, %get3A_93 : vector<16xf32>
      %parallel_loop3A_770 = arith.constant 1 : i32
      %parallel_loop3A_771 = arith.index_cast %parallel_loop3A_770 : i32 to index
      %parallel_loop3A_772 = arith.index_cast %parallel_loop3A_688 : i32 to index
      %parallel_loop3A_773 = arith.constant 48 : index
      %parallel_loop3A_774 = tpu.vector_load %arg7[%parallel_loop3A_771, %parallel_loop3A_772, %parallel_loop3A_773] {strides = array<i32>} : memref<4x128x128xf32, #tpu.memory_space<vmem>>, vector<1x1x16xf32>,
      %parallel_loop3A_775 = vector.shape_cast %parallel_loop3A_774 : vector<1x1x16xf32> to vector<16xf32>
      %parallel_loop3A_776 = vector.shape_cast %parallel_loop3A_769 : vector<16xf32> to vector<1x1x16xf32>
      tpu.vector_store %arg7[%parallel_loop3A_771, %parallel_loop3A_772, %parallel_loop3A_773], %parallel_loop3A_776 {strides = array<i32>} : memref<4x128x128xf32, #tpu.memory_space<vmem>>, vector<1x1x16xf32>,
      %parallel_loop3A_777 = arith.constant 0 : i32
      %parallel_loop3A_778 = arith.addi %parallel_loop3A_777, %parallel_loop3A_688 : i32
      %parallel_loop3A_779 = arith.index_cast %parallel_loop3A_778 : i32 to index
      %parallel_loop3A_780 = arith.constant 64 : index
      %parallel_loop3A_781 = tpu.vector_load %arg5[%parallel_loop3A_779, %parallel_loop3A_780] {strides = array<i32>} : memref<256x128xf32, #tpu.memory_space<vmem>>, vector<1x16xf32>,
      %parallel_loop3A_782 = vector.shape_cast %parallel_loop3A_781 : vector<1x16xf32> to vector<16xf32>
      %parallel_loop3A_783 = arith.addf %parallel_loop3A_782, %get3A_58 : vector<16xf32>
      %parallel_loop3A_784 = arith.constant 0 : i32
      %parallel_loop3A_785 = arith.index_cast %parallel_loop3A_784 : i32 to index
      %parallel_loop3A_786 = arith.index_cast %parallel_loop3A_688 : i32 to index
      %parallel_loop3A_787 = arith.constant 64 : index
      %parallel_loop3A_788 = tpu.vector_load %arg7[%parallel_loop3A_785, %parallel_loop3A_786, %parallel_loop3A_787] {strides = array<i32>} : memref<4x128x128xf32, #tpu.memory_space<vmem>>, vector<1x1x16xf32>,
      %parallel_loop3A_789 = vector.shape_cast %parallel_loop3A_788 : vector<1x1x16xf32> to vector<16xf32>
      %parallel_loop3A_790 = vector.shape_cast %parallel_loop3A_783 : vector<16xf32> to vector<1x1x16xf32>
      tpu.vector_store %arg7[%parallel_loop3A_785, %parallel_loop3A_786, %parallel_loop3A_787], %parallel_loop3A_790 {strides = array<i32>} : memref<4x128x128xf32, #tpu.memory_space<vmem>>, vector<1x1x16xf32>,
      %parallel_loop3A_791 = arith.addf %parallel_loop3A_782, %get3A_98 : vector<16xf32>
      %parallel_loop3A_792 = arith.constant 1 : i32
      %parallel_loop3A_793 = arith.index_cast %parallel_loop3A_792 : i32 to index
      %parallel_loop3A_794 = arith.index_cast %parallel_loop3A_688 : i32 to index
      %parallel_loop3A_795 = arith.constant 64 : index
      %parallel_loop3A_796 = tpu.vector_load %arg7[%parallel_loop3A_793, %parallel_loop3A_794, %parallel_loop3A_795] {strides = array<i32>} : memref<4x128x128xf32, #tpu.memory_space<vmem>>, vector<1x1x16xf32>,
      %parallel_loop3A_797 = vector.shape_cast %parallel_loop3A_796 : vector<1x1x16xf32> to vector<16xf32>
      %parallel_loop3A_798 = vector.shape_cast %parallel_loop3A_791 : vector<16xf32> to vector<1x1x16xf32>
      tpu.vector_store %arg7[%parallel_loop3A_793, %parallel_loop3A_794, %parallel_loop3A_795], %parallel_loop3A_798 {strides = array<i32>} : memref<4x128x128xf32, #tpu.memory_space<vmem>>, vector<1x1x16xf32>,
      %parallel_loop3A_799 = arith.constant 0 : i32
      %parallel_loop3A_800 = arith.addi %parallel_loop3A_799, %parallel_loop3A_688 : i32
      %parallel_loop3A_801 = arith.index_cast %parallel_loop3A_800 : i32 to index
      %parallel_loop3A_802 = arith.constant 80 : index
      %parallel_loop3A_803 = tpu.vector_load %arg5[%parallel_loop3A_801, %parallel_loop3A_802] {strides = array<i32>} : memref<256x128xf32, #tpu.memory_space<vmem>>, vector<1x16xf32>,
      %parallel_loop3A_804 = vector.shape_cast %parallel_loop3A_803 : vector<1x16xf32> to vector<16xf32>
      %parallel_loop3A_805 = arith.addf %parallel_loop3A_804, %get3A_63 : vector<16xf32>
      %parallel_loop3A_806 = arith.constant 0 : i32
      %parallel_loop3A_807 = arith.index_cast %parallel_loop3A_806 : i32 to index
      %parallel_loop3A_808 = arith.index_cast %parallel_loop3A_688 : i32 to index
      %parallel_loop3A_809 = arith.constant 80 : index
      %parallel_loop3A_810 = tpu.vector_load %arg7[%parallel_loop3A_807, %parallel_loop3A_808, %parallel_loop3A_809] {strides = array<i32>} : memref<4x128x128xf32, #tpu.memory_space<vmem>>, vector<1x1x16xf32>,
      %parallel_loop3A_811 = vector.shape_cast %parallel_loop3A_810 : vector<1x1x16xf32> to vector<16xf32>
      %parallel_loop3A_812 = vector.shape_cast %parallel_loop3A_805 : vector<16xf32> to vector<1x1x16xf32>
      tpu.vector_store %arg7[%parallel_loop3A_807, %parallel_loop3A_808, %parallel_loop3A_809], %parallel_loop3A_812 {strides = array<i32>} : memref<4x128x128xf32, #tpu.memory_space<vmem>>, vector<1x1x16xf32>,
      %parallel_loop3A_813 = arith.addf %parallel_loop3A_804, %get3A_103 : vector<16xf32>
      %parallel_loop3A_814 = arith.constant 1 : i32
      %parallel_loop3A_815 = arith.index_cast %parallel_loop3A_814 : i32 to index
      %parallel_loop3A_816 = arith.index_cast %parallel_loop3A_688 : i32 to index
      %parallel_loop3A_817 = arith.constant 80 : index
      %parallel_loop3A_818 = tpu.vector_load %arg7[%parallel_loop3A_815, %parallel_loop3A_816, %parallel_loop3A_817] {strides = array<i32>} : memref<4x128x128xf32, #tpu.memory_space<vmem>>, vector<1x1x16xf32>,
      %parallel_loop3A_819 = vector.shape_cast %parallel_loop3A_818 : vector<1x1x16xf32> to vector<16xf32>
      %parallel_loop3A_820 = vector.shape_cast %parallel_loop3A_813 : vector<16xf32> to vector<1x1x16xf32>
      tpu.vector_store %arg7[%parallel_loop3A_815, %parallel_loop3A_816, %parallel_loop3A_817], %parallel_loop3A_820 {strides = array<i32>} : memref<4x128x128xf32, #tpu.memory_space<vmem>>, vector<1x1x16xf32>,
      %parallel_loop3A_821 = arith.constant 0 : i32
      %parallel_loop3A_822 = arith.addi %parallel_loop3A_821, %parallel_loop3A_688 : i32
      %parallel_loop3A_823 = arith.index_cast %parallel_loop3A_822 : i32 to index
      %parallel_loop3A_824 = arith.constant 96 : index
      %parallel_loop3A_825 = tpu.vector_load %arg5[%parallel_loop3A_823, %parallel_loop3A_824] {strides = array<i32>} : memref<256x128xf32, #tpu.memory_space<vmem>>, vector<1x16xf32>,
      %parallel_loop3A_826 = vector.shape_cast %parallel_loop3A_825 : vector<1x16xf32> to vector<16xf32>
      %parallel_loop3A_827 = arith.addf %parallel_loop3A_826, %get3A_68 : vector<16xf32>
      %parallel_loop3A_828 = arith.constant 0 : i32
      %parallel_loop3A_829 = arith.index_cast %parallel_loop3A_828 : i32 to index
      %parallel_loop3A_830 = arith.index_cast %parallel_loop3A_688 : i32 to index
      %parallel_loop3A_831 = arith.constant 96 : index
      %parallel_loop3A_832 = tpu.vector_load %arg7[%parallel_loop3A_829, %parallel_loop3A_830, %parallel_loop3A_831] {strides = array<i32>} : memref<4x128x128xf32, #tpu.memory_space<vmem>>, vector<1x1x16xf32>,
      %parallel_loop3A_833 = vector.shape_cast %parallel_loop3A_832 : vector<1x1x16xf32> to vector<16xf32>
      %parallel_loop3A_834 = vector.shape_cast %parallel_loop3A_827 : vector<16xf32> to vector<1x1x16xf32>
      tpu.vector_store %arg7[%parallel_loop3A_829, %parallel_loop3A_830, %parallel_loop3A_831], %parallel_loop3A_834 {strides = array<i32>} : memref<4x128x128xf32, #tpu.memory_space<vmem>>, vector<1x1x16xf32>,
      %parallel_loop3A_835 = arith.addf %parallel_loop3A_826, %get3A_108 : vector<16xf32>
      %parallel_loop3A_836 = arith.constant 1 : i32
      %parallel_loop3A_837 = arith.index_cast %parallel_loop3A_836 : i32 to index
      %parallel_loop3A_838 = arith.index_cast %parallel_loop3A_688 : i32 to index
      %parallel_loop3A_839 = arith.constant 96 : index
      %parallel_loop3A_840 = tpu.vector_load %arg7[%parallel_loop3A_837, %parallel_loop3A_838, %parallel_loop3A_839] {strides = array<i32>} : memref<4x128x128xf32, #tpu.memory_space<vmem>>, vector<1x1x16xf32>,
      %parallel_loop3A_841 = vector.shape_cast %parallel_loop3A_840 : vector<1x1x16xf32> to vector<16xf32>
      %parallel_loop3A_842 = vector.shape_cast %parallel_loop3A_835 : vector<16xf32> to vector<1x1x16xf32>
      tpu.vector_store %arg7[%parallel_loop3A_837, %parallel_loop3A_838, %parallel_loop3A_839], %parallel_loop3A_842 {strides = array<i32>} : memref<4x128x128xf32, #tpu.memory_space<vmem>>, vector<1x1x16xf32>,
      %parallel_loop3A_843 = arith.constant 0 : i32
      %parallel_loop3A_844 = arith.addi %parallel_loop3A_843, %parallel_loop3A_688 : i32
      %parallel_loop3A_845 = arith.index_cast %parallel_loop3A_844 : i32 to index
      %parallel_loop3A_846 = arith.constant 112 : index
      %parallel_loop3A_847 = tpu.vector_load %arg5[%parallel_loop3A_845, %parallel_loop3A_846] {strides = array<i32>} : memref<256x128xf32, #tpu.memory_space<vmem>>, vector<1x16xf32>,
      %parallel_loop3A_848 = vector.shape_cast %parallel_loop3A_847 : vector<1x16xf32> to vector<16xf32>
      %parallel_loop3A_849 = arith.addf %parallel_loop3A_848, %get3A_73 : vector<16xf32>
      %parallel_loop3A_850 = arith.constant 0 : i32
      %parallel_loop3A_851 = arith.index_cast %parallel_loop3A_850 : i32 to index
      %parallel_loop3A_852 = arith.index_cast %parallel_loop3A_688 : i32 to index
      %parallel_loop3A_853 = arith.constant 112 : index
      %parallel_loop3A_854 = tpu.vector_load %arg7[%parallel_loop3A_851, %parallel_loop3A_852, %parallel_loop3A_853] {strides = array<i32>} : memref<4x128x128xf32, #tpu.memory_space<vmem>>, vector<1x1x16xf32>,
      %parallel_loop3A_855 = vector.shape_cast %parallel_loop3A_854 : vector<1x1x16xf32> to vector<16xf32>
      %parallel_loop3A_856 = vector.shape_cast %parallel_loop3A_849 : vector<16xf32> to vector<1x1x16xf32>
      tpu.vector_store %arg7[%parallel_loop3A_851, %parallel_loop3A_852, %parallel_loop3A_853], %parallel_loop3A_856 {strides = array<i32>} : memref<4x128x128xf32, #tpu.memory_space<vmem>>, vector<1x1x16xf32>,
      %parallel_loop3A_857 = arith.addf %parallel_loop3A_848, %get3A_113 : vector<16xf32>
      %parallel_loop3A_858 = arith.constant 1 : i32
      %parallel_loop3A_859 = arith.index_cast %parallel_loop3A_858 : i32 to index
      %parallel_loop3A_860 = arith.index_cast %parallel_loop3A_688 : i32 to index
      %parallel_loop3A_861 = arith.constant 112 : index
      %parallel_loop3A_862 = tpu.vector_load %arg7[%parallel_loop3A_859, %parallel_loop3A_860, %parallel_loop3A_861] {strides = array<i32>} : memref<4x128x128xf32, #tpu.memory_space<vmem>>, vector<1x1x16xf32>,
      %parallel_loop3A_863 = vector.shape_cast %parallel_loop3A_862 : vector<1x1x16xf32> to vector<16xf32>
      %parallel_loop3A_864 = vector.shape_cast %parallel_loop3A_857 : vector<16xf32> to vector<1x1x16xf32>
      tpu.vector_store %arg7[%parallel_loop3A_859, %parallel_loop3A_860, %parallel_loop3A_861], %parallel_loop3A_864 {strides = array<i32>} : memref<4x128x128xf32, #tpu.memory_space<vmem>>, vector<1x1x16xf32>,
    } {sc.loop_unroll_factor = 2 : i64, sc.parallel_access}
    %add3A_116 = arith.constant 0 : i32
    %add3A_117 = arith.addi %mul3A_32, %add3A_116 : i32
    %mul3A_118 = arith.constant 2048 : i32
    %mul3A_119 = arith.muli %add3A_117, %mul3A_118 : i32
    %add3A_120 = arith.addi %mul3A_119, %mul3A_34 : i32
    %add3A_121 = arith.constant 0 : i32
    %add3A_122 = arith.addi %add3A_120, %add3A_121 : i32
    %dma_start3A = arith.constant 0 : i32
    %dma_start3A_123 = arith.constant 0 : i32
    %dma_start3A_124 = arith.constant 0 : i32
    %dma_start3A_125 = tpu.memref_slice %arg7[%dma_start3A, %dma_start3A_123, %dma_start3A_124] : memref<4x128x128xf32, #tpu.memory_space<vmem>> -> memref<1x128x128xf32, #tpu.memory_space<vmem>>
    %dma_start3A_126 = tpu.memref_squeeze %dma_start3A_125 : memref<1x128x128xf32, #tpu.memory_space<vmem>> -> memref<128x128xf32, #tpu.memory_space<vmem>>
    %dma_start3A_127 = arith.constant 0 : i32
    %dma_start3A_128 = tpu.memref_slice %arg4[%add3A_122, %dma_start3A_127] : memref<262144x128xf32, #tpu.memory_space<hbm>> -> memref<128x128xf32, #tpu.memory_space<hbm>>
    %dma_start3A_129 = arith.constant 0 : i32
    %dma_start3A_130 = tpu.memref_slice %arg4[%add3A_122, %dma_start3A_129] : memref<262144x128xf32, #tpu.memory_space<hbm>> -> memref<128x128xf32, #tpu.memory_space<hbm>>
    %dma_start3A_131 = arith.constant 0 : i32
    %dma_start3A_132 = arith.constant 0 : i32
    %dma_start3A_133 = tpu.memref_slice %arg7[%dma_start3A, %dma_start3A_131, %dma_start3A_132] : memref<4x128x128xf32, #tpu.memory_space<vmem>> -> memref<1x128x128xf32, #tpu.memory_space<vmem>>
    %dma_start3A_134 = tpu.memref_squeeze %dma_start3A_133 : memref<1x128x128xf32, #tpu.memory_space<vmem>> -> memref<128x128xf32, #tpu.memory_space<vmem>>
    tpu.enqueue_dma source(%dma_start3A_134 : memref<128x128xf32, #tpu.memory_space<vmem>>) target(%dma_start3A_130 : memref<128x128xf32, #tpu.memory_space<hbm>>) target_semaphore(%arg8 : memref<!tpu.dma_semaphore, #tpu.memory_space<semaphore_mem>>)
    %add3A_135 = arith.constant 8 : i32
    %add3A_136 = arith.addi %mul3A_32, %add3A_135 : i32
    %mul3A_137 = arith.constant 2048 : i32
    %mul3A_138 = arith.muli %add3A_136, %mul3A_137 : i32
    %add3A_139 = arith.addi %mul3A_138, %mul3A_34 : i32
    %add3A_140 = arith.constant 0 : i32
    %add3A_141 = arith.addi %add3A_139, %add3A_140 : i32
    %dma_start3A_142 = arith.constant 1 : i32
    %dma_start3A_143 = arith.constant 0 : i32
    %dma_start3A_144 = arith.constant 0 : i32
    %dma_start3A_145 = tpu.memref_slice %arg7[%dma_start3A_142, %dma_start3A_143, %dma_start3A_144] : memref<4x128x128xf32, #tpu.memory_space<vmem>> -> memref<1x128x128xf32, #tpu.memory_space<vmem>>
    %dma_start3A_146 = tpu.memref_squeeze %dma_start3A_145 : memref<1x128x128xf32, #tpu.memory_space<vmem>> -> memref<128x128xf32, #tpu.memory_space<vmem>>
    %dma_start3A_147 = arith.constant 0 : i32
    %dma_start3A_148 = tpu.memref_slice %arg4[%add3A_141, %dma_start3A_147] : memref<262144x128xf32, #tpu.memory_space<hbm>> -> memref<128x128xf32, #tpu.memory_space<hbm>>
    %dma_start3A_149 = arith.constant 0 : i32
    %dma_start3A_150 = tpu.memref_slice %arg4[%add3A_141, %dma_start3A_149] : memref<262144x128xf32, #tpu.memory_space<hbm>> -> memref<128x128xf32, #tpu.memory_space<hbm>>
    %dma_start3A_151 = arith.constant 0 : i32
    %dma_start3A_152 = arith.constant 0 : i32
    %dma_start3A_153 = tpu.memref_slice %arg7[%dma_start3A_142, %dma_start3A_151, %dma_start3A_152] : memref<4x128x128xf32, #tpu.memory_space<vmem>> -> memref<1x128x128xf32, #tpu.memory_space<vmem>>
    %dma_start3A_154 = tpu.memref_squeeze %dma_start3A_153 : memref<1x128x128xf32, #tpu.memory_space<vmem>> -> memref<128x128xf32, #tpu.memory_space<vmem>>
    tpu.enqueue_dma source(%dma_start3A_154 : memref<128x128xf32, #tpu.memory_space<vmem>>) target(%dma_start3A_150 : memref<128x128xf32, #tpu.memory_space<hbm>>) target_semaphore(%arg9 : memref<!tpu.dma_semaphore, #tpu.memory_space<semaphore_mem>>)
    %get3A_155 = arith.constant 16 : i32
    %get3A_156 = arith.index_cast %get3A_155 : i32 to index
    %get3A_157 = arith.constant 0 : index
    %get3A_158 = tpu.vector_load %arg6[%get3A_156, %get3A_157] {strides = array<i32>} : memref<32x128xf32, #tpu.memory_space<vmem>>, vector<1x16xf32>,
    %get3A_159 = vector.shape_cast %get3A_158 : vector<1x16xf32> to vector<16xf32>
    %get3A_160 = arith.constant 16 : i32
    %get3A_161 = arith.index_cast %get3A_160 : i32 to index
    %get3A_162 = arith.constant 16 : index
    %get3A_163 = tpu.vector_load %arg6[%get3A_161, %get3A_162] {strides = array<i32>} : memref<32x128xf32, #tpu.memory_space<vmem>>, vector<1x16xf32>,
    %get3A_164 = vector.shape_cast %get3A_163 : vector<1x16xf32> to vector<16xf32>
    %get3A_165 = arith.constant 16 : i32
    %get3A_166 = arith.index_cast %get3A_165 : i32 to index
    %get3A_167 = arith.constant 32 : index
    %get3A_168 = tpu.vector_load %arg6[%get3A_166, %get3A_167] {strides = array<i32>} : memref<32x128xf32, #tpu.memory_space<vmem>>, vector<1x16xf32>,
    %get3A_169 = vector.shape_cast %get3A_168 : vector<1x16xf32> to vector<16xf32>
    %get3A_170 = arith.constant 16 : i32
    %get3A_171 = arith.index_cast %get3A_170 : i32 to index
    %get3A_172 = arith.constant 48 : index
    %get3A_173 = tpu.vector_load %arg6[%get3A_171, %get3A_172] {strides = array<i32>} : memref<32x128xf32, #tpu.memory_space<vmem>>, vector<1x16xf32>,
    %get3A_174 = vector.shape_cast %get3A_173 : vector<1x16xf32> to vector<16xf32>
    %get3A_175 = arith.constant 16 : i32
    %get3A_176 = arith.index_cast %get3A_175 : i32 to index
    %get3A_177 = arith.constant 64 : index
    %get3A_178 = tpu.vector_load %arg6[%get3A_176, %get3A_177] {strides = array<i32>} : memref<32x128xf32, #tpu.memory_space<vmem>>, vector<1x16xf32>,
    %get3A_179 = vector.shape_cast %get3A_178 : vector<1x16xf32> to vector<16xf32>
    %get3A_180 = arith.constant 16 : i32
    %get3A_181 = arith.index_cast %get3A_180 : i32 to index
    %get3A_182 = arith.constant 80 : index
    %get3A_183 = tpu.vector_load %arg6[%get3A_181, %get3A_182] {strides = array<i32>} : memref<32x128xf32, #tpu.memory_space<vmem>>, vector<1x16xf32>,
    %get3A_184 = vector.shape_cast %get3A_183 : vector<1x16xf32> to vector<16xf32>
    %get3A_185 = arith.constant 16 : i32
    %get3A_186 = arith.index_cast %get3A_185 : i32 to index
    %get3A_187 = arith.constant 96 : index
    %get3A_188 = tpu.vector_load %arg6[%get3A_186, %get3A_187] {strides = array<i32>} : memref<32x128xf32, #tpu.memory_space<vmem>>, vector<1x16xf32>,
    %get3A_189 = vector.shape_cast %get3A_188 : vector<1x16xf32> to vector<16xf32>
    %get3A_190 = arith.constant 16 : i32
    %get3A_191 = arith.index_cast %get3A_190 : i32 to index
    %get3A_192 = arith.constant 112 : index
    %get3A_193 = tpu.vector_load %arg6[%get3A_191, %get3A_192] {strides = array<i32>} : memref<32x128xf32, #tpu.memory_space<vmem>>, vector<1x16xf32>,
    %get3A_194 = vector.shape_cast %get3A_193 : vector<1x16xf32> to vector<16xf32>
    %get3A_195 = arith.constant 24 : i32
    %get3A_196 = arith.index_cast %get3A_195 : i32 to index
    %get3A_197 = arith.constant 0 : index
    %get3A_198 = tpu.vector_load %arg6[%get3A_196, %get3A_197] {strides = array<i32>} : memref<32x128xf32, #tpu.memory_space<vmem>>, vector<1x16xf32>,
    %get3A_199 = vector.shape_cast %get3A_198 : vector<1x16xf32> to vector<16xf32>
    %get3A_200 = arith.constant 24 : i32
    %get3A_201 = arith.index_cast %get3A_200 : i32 to index
    %get3A_202 = arith.constant 16 : index
    %get3A_203 = tpu.vector_load %arg6[%get3A_201, %get3A_202] {strides = array<i32>} : memref<32x128xf32, #tpu.memory_space<vmem>>, vector<1x16xf32>,
    %get3A_204 = vector.shape_cast %get3A_203 : vector<1x16xf32> to vector<16xf32>
    %get3A_205 = arith.constant 24 : i32
    %get3A_206 = arith.index_cast %get3A_205 : i32 to index
    %get3A_207 = arith.constant 32 : index
    %get3A_208 = tpu.vector_load %arg6[%get3A_206, %get3A_207] {strides = array<i32>} : memref<32x128xf32, #tpu.memory_space<vmem>>, vector<1x16xf32>,
    %get3A_209 = vector.shape_cast %get3A_208 : vector<1x16xf32> to vector<16xf32>
    %get3A_210 = arith.constant 24 : i32
    %get3A_211 = arith.index_cast %get3A_210 : i32 to index
    %get3A_212 = arith.constant 48 : index
    %get3A_213 = tpu.vector_load %arg6[%get3A_211, %get3A_212] {strides = array<i32>} : memref<32x128xf32, #tpu.memory_space<vmem>>, vector<1x16xf32>,
    %get3A_214 = vector.shape_cast %get3A_213 : vector<1x16xf32> to vector<16xf32>
    %get3A_215 = arith.constant 24 : i32
    %get3A_216 = arith.index_cast %get3A_215 : i32 to index
    %get3A_217 = arith.constant 64 : index
    %get3A_218 = tpu.vector_load %arg6[%get3A_216, %get3A_217] {strides = array<i32>} : memref<32x128xf32, #tpu.memory_space<vmem>>, vector<1x16xf32>,
    %get3A_219 = vector.shape_cast %get3A_218 : vector<1x16xf32> to vector<16xf32>
    %get3A_220 = arith.constant 24 : i32
    %get3A_221 = arith.index_cast %get3A_220 : i32 to index
    %get3A_222 = arith.constant 80 : index
    %get3A_223 = tpu.vector_load %arg6[%get3A_221, %get3A_222] {strides = array<i32>} : memref<32x128xf32, #tpu.memory_space<vmem>>, vector<1x16xf32>,
    %get3A_224 = vector.shape_cast %get3A_223 : vector<1x16xf32> to vector<16xf32>
    %get3A_225 = arith.constant 24 : i32
    %get3A_226 = arith.index_cast %get3A_225 : i32 to index
    %get3A_227 = arith.constant 96 : index
    %get3A_228 = tpu.vector_load %arg6[%get3A_226, %get3A_227] {strides = array<i32>} : memref<32x128xf32, #tpu.memory_space<vmem>>, vector<1x16xf32>,
    %get3A_229 = vector.shape_cast %get3A_228 : vector<1x16xf32> to vector<16xf32>
    %get3A_230 = arith.constant 24 : i32
    %get3A_231 = arith.index_cast %get3A_230 : i32 to index
    %get3A_232 = arith.constant 112 : index
    %get3A_233 = tpu.vector_load %arg6[%get3A_231, %get3A_232] {strides = array<i32>} : memref<32x128xf32, #tpu.memory_space<vmem>>, vector<1x16xf32>,
    %get3A_234 = vector.shape_cast %get3A_233 : vector<1x16xf32> to vector<16xf32>
    %parallel_loop3A_235 = arith.constant 0 : i32
    %parallel_loop3A_236 = arith.constant 128 : i32
    %parallel_loop3A_237 = arith.constant 1 : i32
    scf.for %parallel_loop3A_688 = %parallel_loop3A_235 to %parallel_loop3A_236 step %parallel_loop3A_237  : i32 {
      %parallel_loop3A_689 = arith.constant 0 : i32
      %parallel_loop3A_690 = arith.addi %parallel_loop3A_689, %parallel_loop3A_688 : i32
      %parallel_loop3A_691 = arith.index_cast %parallel_loop3A_690 : i32 to index
      %parallel_loop3A_692 = arith.constant 0 : index
      %parallel_loop3A_693 = tpu.vector_load %arg5[%parallel_loop3A_691, %parallel_loop3A_692] {strides = array<i32>} : memref<256x128xf32, #tpu.memory_space<vmem>>, vector<1x16xf32>,
      %parallel_loop3A_694 = vector.shape_cast %parallel_loop3A_693 : vector<1x16xf32> to vector<16xf32>
      %parallel_loop3A_695 = arith.addf %parallel_loop3A_694, %get3A_159 : vector<16xf32>
      %parallel_loop3A_696 = arith.constant 2 : i32
      %parallel_loop3A_697 = arith.index_cast %parallel_loop3A_696 : i32 to index
      %parallel_loop3A_698 = arith.index_cast %parallel_loop3A_688 : i32 to index
      %parallel_loop3A_699 = arith.constant 0 : index
      %parallel_loop3A_700 = tpu.vector_load %arg7[%parallel_loop3A_697, %parallel_loop3A_698, %parallel_loop3A_699] {strides = array<i32>} : memref<4x128x128xf32, #tpu.memory_space<vmem>>, vector<1x1x16xf32>,
      %parallel_loop3A_701 = vector.shape_cast %parallel_loop3A_700 : vector<1x1x16xf32> to vector<16xf32>
      %parallel_loop3A_702 = vector.shape_cast %parallel_loop3A_695 : vector<16xf32> to vector<1x1x16xf32>
      tpu.vector_store %arg7[%parallel_loop3A_697, %parallel_loop3A_698, %parallel_loop3A_699], %parallel_loop3A_702 {strides = array<i32>} : memref<4x128x128xf32, #tpu.memory_space<vmem>>, vector<1x1x16xf32>,
      %parallel_loop3A_703 = arith.addf %parallel_loop3A_694, %get3A_199 : vector<16xf32>
      %parallel_loop3A_704 = arith.constant 3 : i32
      %parallel_loop3A_705 = arith.index_cast %parallel_loop3A_704 : i32 to index
      %parallel_loop3A_706 = arith.index_cast %parallel_loop3A_688 : i32 to index
      %parallel_loop3A_707 = arith.constant 0 : index
      %parallel_loop3A_708 = tpu.vector_load %arg7[%parallel_loop3A_705, %parallel_loop3A_706, %parallel_loop3A_707] {strides = array<i32>} : memref<4x128x128xf32, #tpu.memory_space<vmem>>, vector<1x1x16xf32>,
      %parallel_loop3A_709 = vector.shape_cast %parallel_loop3A_708 : vector<1x1x16xf32> to vector<16xf32>
      %parallel_loop3A_710 = vector.shape_cast %parallel_loop3A_703 : vector<16xf32> to vector<1x1x16xf32>
      tpu.vector_store %arg7[%parallel_loop3A_705, %parallel_loop3A_706, %parallel_loop3A_707], %parallel_loop3A_710 {strides = array<i32>} : memref<4x128x128xf32, #tpu.memory_space<vmem>>, vector<1x1x16xf32>,
      %parallel_loop3A_711 = arith.constant 0 : i32
      %parallel_loop3A_712 = arith.addi %parallel_loop3A_711, %parallel_loop3A_688 : i32
      %parallel_loop3A_713 = arith.index_cast %parallel_loop3A_712 : i32 to index
      %parallel_loop3A_714 = arith.constant 16 : index
      %parallel_loop3A_715 = tpu.vector_load %arg5[%parallel_loop3A_713, %parallel_loop3A_714] {strides = array<i32>} : memref<256x128xf32, #tpu.memory_space<vmem>>, vector<1x16xf32>,
      %parallel_loop3A_716 = vector.shape_cast %parallel_loop3A_715 : vector<1x16xf32> to vector<16xf32>
      %parallel_loop3A_717 = arith.addf %parallel_loop3A_716, %get3A_164 : vector<16xf32>
      %parallel_loop3A_718 = arith.constant 2 : i32
      %parallel_loop3A_719 = arith.index_cast %parallel_loop3A_718 : i32 to index
      %parallel_loop3A_720 = arith.index_cast %parallel_loop3A_688 : i32 to index
      %parallel_loop3A_721 = arith.constant 16 : index
      %parallel_loop3A_722 = tpu.vector_load %arg7[%parallel_loop3A_719, %parallel_loop3A_720, %parallel_loop3A_721] {strides = array<i32>} : memref<4x128x128xf32, #tpu.memory_space<vmem>>, vector<1x1x16xf32>,
      %parallel_loop3A_723 = vector.shape_cast %parallel_loop3A_722 : vector<1x1x16xf32> to vector<16xf32>
      %parallel_loop3A_724 = vector.shape_cast %parallel_loop3A_717 : vector<16xf32> to vector<1x1x16xf32>
      tpu.vector_store %arg7[%parallel_loop3A_719, %parallel_loop3A_720, %parallel_loop3A_721], %parallel_loop3A_724 {strides = array<i32>} : memref<4x128x128xf32, #tpu.memory_space<vmem>>, vector<1x1x16xf32>,
      %parallel_loop3A_725 = arith.addf %parallel_loop3A_716, %get3A_204 : vector<16xf32>
      %parallel_loop3A_726 = arith.constant 3 : i32
      %parallel_loop3A_727 = arith.index_cast %parallel_loop3A_726 : i32 to index
      %parallel_loop3A_728 = arith.index_cast %parallel_loop3A_688 : i32 to index
      %parallel_loop3A_729 = arith.constant 16 : index
      %parallel_loop3A_730 = tpu.vector_load %arg7[%parallel_loop3A_727, %parallel_loop3A_728, %parallel_loop3A_729] {strides = array<i32>} : memref<4x128x128xf32, #tpu.memory_space<vmem>>, vector<1x1x16xf32>,
      %parallel_loop3A_731 = vector.shape_cast %parallel_loop3A_730 : vector<1x1x16xf32> to vector<16xf32>
      %parallel_loop3A_732 = vector.shape_cast %parallel_loop3A_725 : vector<16xf32> to vector<1x1x16xf32>
      tpu.vector_store %arg7[%parallel_loop3A_727, %parallel_loop3A_728, %parallel_loop3A_729], %parallel_loop3A_732 {strides = array<i32>} : memref<4x128x128xf32, #tpu.memory_space<vmem>>, vector<1x1x16xf32>,
      %parallel_loop3A_733 = arith.constant 0 : i32
      %parallel_loop3A_734 = arith.addi %parallel_loop3A_733, %parallel_loop3A_688 : i32
      %parallel_loop3A_735 = arith.index_cast %parallel_loop3A_734 : i32 to index
      %parallel_loop3A_736 = arith.constant 32 : index
      %parallel_loop3A_737 = tpu.vector_load %arg5[%parallel_loop3A_735, %parallel_loop3A_736] {strides = array<i32>} : memref<256x128xf32, #tpu.memory_space<vmem>>, vector<1x16xf32>,
      %parallel_loop3A_738 = vector.shape_cast %parallel_loop3A_737 : vector<1x16xf32> to vector<16xf32>
      %parallel_loop3A_739 = arith.addf %parallel_loop3A_738, %get3A_169 : vector<16xf32>
      %parallel_loop3A_740 = arith.constant 2 : i32
      %parallel_loop3A_741 = arith.index_cast %parallel_loop3A_740 : i32 to index
      %parallel_loop3A_742 = arith.index_cast %parallel_loop3A_688 : i32 to index
      %parallel_loop3A_743 = arith.constant 32 : index
      %parallel_loop3A_744 = tpu.vector_load %arg7[%parallel_loop3A_741, %parallel_loop3A_742, %parallel_loop3A_743] {strides = array<i32>} : memref<4x128x128xf32, #tpu.memory_space<vmem>>, vector<1x1x16xf32>,
      %parallel_loop3A_745 = vector.shape_cast %parallel_loop3A_744 : vector<1x1x16xf32> to vector<16xf32>
      %parallel_loop3A_746 = vector.shape_cast %parallel_loop3A_739 : vector<16xf32> to vector<1x1x16xf32>
      tpu.vector_store %arg7[%parallel_loop3A_741, %parallel_loop3A_742, %parallel_loop3A_743], %parallel_loop3A_746 {strides = array<i32>} : memref<4x128x128xf32, #tpu.memory_space<vmem>>, vector<1x1x16xf32>,
      %parallel_loop3A_747 = arith.addf %parallel_loop3A_738, %get3A_209 : vector<16xf32>
      %parallel_loop3A_748 = arith.constant 3 : i32
      %parallel_loop3A_749 = arith.index_cast %parallel_loop3A_748 : i32 to index
      %parallel_loop3A_750 = arith.index_cast %parallel_loop3A_688 : i32 to index
      %parallel_loop3A_751 = arith.constant 32 : index
      %parallel_loop3A_752 = tpu.vector_load %arg7[%parallel_loop3A_749, %parallel_loop3A_750, %parallel_loop3A_751] {strides = array<i32>} : memref<4x128x128xf32, #tpu.memory_space<vmem>>, vector<1x1x16xf32>,
      %parallel_loop3A_753 = vector.shape_cast %parallel_loop3A_752 : vector<1x1x16xf32> to vector<16xf32>
      %parallel_loop3A_754 = vector.shape_cast %parallel_loop3A_747 : vector<16xf32> to vector<1x1x16xf32>
      tpu.vector_store %arg7[%parallel_loop3A_749, %parallel_loop3A_750, %parallel_loop3A_751], %parallel_loop3A_754 {strides = array<i32>} : memref<4x128x128xf32, #tpu.memory_space<vmem>>, vector<1x1x16xf32>,
      %parallel_loop3A_755 = arith.constant 0 : i32
      %parallel_loop3A_756 = arith.addi %parallel_loop3A_755, %parallel_loop3A_688 : i32
      %parallel_loop3A_757 = arith.index_cast %parallel_loop3A_756 : i32 to index
      %parallel_loop3A_758 = arith.constant 48 : index
      %parallel_loop3A_759 = tpu.vector_load %arg5[%parallel_loop3A_757, %parallel_loop3A_758] {strides = array<i32>} : memref<256x128xf32, #tpu.memory_space<vmem>>, vector<1x16xf32>,
      %parallel_loop3A_760 = vector.shape_cast %parallel_loop3A_759 : vector<1x16xf32> to vector<16xf32>
      %parallel_loop3A_761 = arith.addf %parallel_loop3A_760, %get3A_174 : vector<16xf32>
      %parallel_loop3A_762 = arith.constant 2 : i32
      %parallel_loop3A_763 = arith.index_cast %parallel_loop3A_762 : i32 to index
      %parallel_loop3A_764 = arith.index_cast %parallel_loop3A_688 : i32 to index
      %parallel_loop3A_765 = arith.constant 48 : index
      %parallel_loop3A_766 = tpu.vector_load %arg7[%parallel_loop3A_763, %parallel_loop3A_764, %parallel_loop3A_765] {strides = array<i32>} : memref<4x128x128xf32, #tpu.memory_space<vmem>>, vector<1x1x16xf32>,
      %parallel_loop3A_767 = vector.shape_cast %parallel_loop3A_766 : vector<1x1x16xf32> to vector<16xf32>
      %parallel_loop3A_768 = vector.shape_cast %parallel_loop3A_761 : vector<16xf32> to vector<1x1x16xf32>
      tpu.vector_store %arg7[%parallel_loop3A_763, %parallel_loop3A_764, %parallel_loop3A_765], %parallel_loop3A_768 {strides = array<i32>} : memref<4x128x128xf32, #tpu.memory_space<vmem>>, vector<1x1x16xf32>,
      %parallel_loop3A_769 = arith.addf %parallel_loop3A_760, %get3A_214 : vector<16xf32>
      %parallel_loop3A_770 = arith.constant 3 : i32
      %parallel_loop3A_771 = arith.index_cast %parallel_loop3A_770 : i32 to index
      %parallel_loop3A_772 = arith.index_cast %parallel_loop3A_688 : i32 to index
      %parallel_loop3A_773 = arith.constant 48 : index
      %parallel_loop3A_774 = tpu.vector_load %arg7[%parallel_loop3A_771, %parallel_loop3A_772, %parallel_loop3A_773] {strides = array<i32>} : memref<4x128x128xf32, #tpu.memory_space<vmem>>, vector<1x1x16xf32>,
      %parallel_loop3A_775 = vector.shape_cast %parallel_loop3A_774 : vector<1x1x16xf32> to vector<16xf32>
      %parallel_loop3A_776 = vector.shape_cast %parallel_loop3A_769 : vector<16xf32> to vector<1x1x16xf32>
      tpu.vector_store %arg7[%parallel_loop3A_771, %parallel_loop3A_772, %parallel_loop3A_773], %parallel_loop3A_776 {strides = array<i32>} : memref<4x128x128xf32, #tpu.memory_space<vmem>>, vector<1x1x16xf32>,
      %parallel_loop3A_777 = arith.constant 0 : i32
      %parallel_loop3A_778 = arith.addi %parallel_loop3A_777, %parallel_loop3A_688 : i32
      %parallel_loop3A_779 = arith.index_cast %parallel_loop3A_778 : i32 to index
      %parallel_loop3A_780 = arith.constant 64 : index
      %parallel_loop3A_781 = tpu.vector_load %arg5[%parallel_loop3A_779, %parallel_loop3A_780] {strides = array<i32>} : memref<256x128xf32, #tpu.memory_space<vmem>>, vector<1x16xf32>,
      %parallel_loop3A_782 = vector.shape_cast %parallel_loop3A_781 : vector<1x16xf32> to vector<16xf32>
      %parallel_loop3A_783 = arith.addf %parallel_loop3A_782, %get3A_179 : vector<16xf32>
      %parallel_loop3A_784 = arith.constant 2 : i32
      %parallel_loop3A_785 = arith.index_cast %parallel_loop3A_784 : i32 to index
      %parallel_loop3A_786 = arith.index_cast %parallel_loop3A_688 : i32 to index
      %parallel_loop3A_787 = arith.constant 64 : index
      %parallel_loop3A_788 = tpu.vector_load %arg7[%parallel_loop3A_785, %parallel_loop3A_786, %parallel_loop3A_787] {strides = array<i32>} : memref<4x128x128xf32, #tpu.memory_space<vmem>>, vector<1x1x16xf32>,
      %parallel_loop3A_789 = vector.shape_cast %parallel_loop3A_788 : vector<1x1x16xf32> to vector<16xf32>
      %parallel_loop3A_790 = vector.shape_cast %parallel_loop3A_783 : vector<16xf32> to vector<1x1x16xf32>
      tpu.vector_store %arg7[%parallel_loop3A_785, %parallel_loop3A_786, %parallel_loop3A_787], %parallel_loop3A_790 {strides = array<i32>} : memref<4x128x128xf32, #tpu.memory_space<vmem>>, vector<1x1x16xf32>,
      %parallel_loop3A_791 = arith.addf %parallel_loop3A_782, %get3A_219 : vector<16xf32>
      %parallel_loop3A_792 = arith.constant 3 : i32
      %parallel_loop3A_793 = arith.index_cast %parallel_loop3A_792 : i32 to index
      %parallel_loop3A_794 = arith.index_cast %parallel_loop3A_688 : i32 to index
      %parallel_loop3A_795 = arith.constant 64 : index
      %parallel_loop3A_796 = tpu.vector_load %arg7[%parallel_loop3A_793, %parallel_loop3A_794, %parallel_loop3A_795] {strides = array<i32>} : memref<4x128x128xf32, #tpu.memory_space<vmem>>, vector<1x1x16xf32>,
      %parallel_loop3A_797 = vector.shape_cast %parallel_loop3A_796 : vector<1x1x16xf32> to vector<16xf32>
      %parallel_loop3A_798 = vector.shape_cast %parallel_loop3A_791 : vector<16xf32> to vector<1x1x16xf32>
      tpu.vector_store %arg7[%parallel_loop3A_793, %parallel_loop3A_794, %parallel_loop3A_795], %parallel_loop3A_798 {strides = array<i32>} : memref<4x128x128xf32, #tpu.memory_space<vmem>>, vector<1x1x16xf32>,
      %parallel_loop3A_799 = arith.constant 0 : i32
      %parallel_loop3A_800 = arith.addi %parallel_loop3A_799, %parallel_loop3A_688 : i32
      %parallel_loop3A_801 = arith.index_cast %parallel_loop3A_800 : i32 to index
      %parallel_loop3A_802 = arith.constant 80 : index
      %parallel_loop3A_803 = tpu.vector_load %arg5[%parallel_loop3A_801, %parallel_loop3A_802] {strides = array<i32>} : memref<256x128xf32, #tpu.memory_space<vmem>>, vector<1x16xf32>,
      %parallel_loop3A_804 = vector.shape_cast %parallel_loop3A_803 : vector<1x16xf32> to vector<16xf32>
      %parallel_loop3A_805 = arith.addf %parallel_loop3A_804, %get3A_184 : vector<16xf32>
      %parallel_loop3A_806 = arith.constant 2 : i32
      %parallel_loop3A_807 = arith.index_cast %parallel_loop3A_806 : i32 to index
      %parallel_loop3A_808 = arith.index_cast %parallel_loop3A_688 : i32 to index
      %parallel_loop3A_809 = arith.constant 80 : index
      %parallel_loop3A_810 = tpu.vector_load %arg7[%parallel_loop3A_807, %parallel_loop3A_808, %parallel_loop3A_809] {strides = array<i32>} : memref<4x128x128xf32, #tpu.memory_space<vmem>>, vector<1x1x16xf32>,
      %parallel_loop3A_811 = vector.shape_cast %parallel_loop3A_810 : vector<1x1x16xf32> to vector<16xf32>
      %parallel_loop3A_812 = vector.shape_cast %parallel_loop3A_805 : vector<16xf32> to vector<1x1x16xf32>
      tpu.vector_store %arg7[%parallel_loop3A_807, %parallel_loop3A_808, %parallel_loop3A_809], %parallel_loop3A_812 {strides = array<i32>} : memref<4x128x128xf32, #tpu.memory_space<vmem>>, vector<1x1x16xf32>,
      %parallel_loop3A_813 = arith.addf %parallel_loop3A_804, %get3A_224 : vector<16xf32>
      %parallel_loop3A_814 = arith.constant 3 : i32
      %parallel_loop3A_815 = arith.index_cast %parallel_loop3A_814 : i32 to index
      %parallel_loop3A_816 = arith.index_cast %parallel_loop3A_688 : i32 to index
      %parallel_loop3A_817 = arith.constant 80 : index
      %parallel_loop3A_818 = tpu.vector_load %arg7[%parallel_loop3A_815, %parallel_loop3A_816, %parallel_loop3A_817] {strides = array<i32>} : memref<4x128x128xf32, #tpu.memory_space<vmem>>, vector<1x1x16xf32>,
      %parallel_loop3A_819 = vector.shape_cast %parallel_loop3A_818 : vector<1x1x16xf32> to vector<16xf32>
      %parallel_loop3A_820 = vector.shape_cast %parallel_loop3A_813 : vector<16xf32> to vector<1x1x16xf32>
      tpu.vector_store %arg7[%parallel_loop3A_815, %parallel_loop3A_816, %parallel_loop3A_817], %parallel_loop3A_820 {strides = array<i32>} : memref<4x128x128xf32, #tpu.memory_space<vmem>>, vector<1x1x16xf32>,
      %parallel_loop3A_821 = arith.constant 0 : i32
      %parallel_loop3A_822 = arith.addi %parallel_loop3A_821, %parallel_loop3A_688 : i32
      %parallel_loop3A_823 = arith.index_cast %parallel_loop3A_822 : i32 to index
      %parallel_loop3A_824 = arith.constant 96 : index
      %parallel_loop3A_825 = tpu.vector_load %arg5[%parallel_loop3A_823, %parallel_loop3A_824] {strides = array<i32>} : memref<256x128xf32, #tpu.memory_space<vmem>>, vector<1x16xf32>,
      %parallel_loop3A_826 = vector.shape_cast %parallel_loop3A_825 : vector<1x16xf32> to vector<16xf32>
      %parallel_loop3A_827 = arith.addf %parallel_loop3A_826, %get3A_189 : vector<16xf32>
      %parallel_loop3A_828 = arith.constant 2 : i32
      %parallel_loop3A_829 = arith.index_cast %parallel_loop3A_828 : i32 to index
      %parallel_loop3A_830 = arith.index_cast %parallel_loop3A_688 : i32 to index
      %parallel_loop3A_831 = arith.constant 96 : index
      %parallel_loop3A_832 = tpu.vector_load %arg7[%parallel_loop3A_829, %parallel_loop3A_830, %parallel_loop3A_831] {strides = array<i32>} : memref<4x128x128xf32, #tpu.memory_space<vmem>>, vector<1x1x16xf32>,
      %parallel_loop3A_833 = vector.shape_cast %parallel_loop3A_832 : vector<1x1x16xf32> to vector<16xf32>
      %parallel_loop3A_834 = vector.shape_cast %parallel_loop3A_827 : vector<16xf32> to vector<1x1x16xf32>
      tpu.vector_store %arg7[%parallel_loop3A_829, %parallel_loop3A_830, %parallel_loop3A_831], %parallel_loop3A_834 {strides = array<i32>} : memref<4x128x128xf32, #tpu.memory_space<vmem>>, vector<1x1x16xf32>,
      %parallel_loop3A_835 = arith.addf %parallel_loop3A_826, %get3A_229 : vector<16xf32>
      %parallel_loop3A_836 = arith.constant 3 : i32
      %parallel_loop3A_837 = arith.index_cast %parallel_loop3A_836 : i32 to index
      %parallel_loop3A_838 = arith.index_cast %parallel_loop3A_688 : i32 to index
      %parallel_loop3A_839 = arith.constant 96 : index
      %parallel_loop3A_840 = tpu.vector_load %arg7[%parallel_loop3A_837, %parallel_loop3A_838, %parallel_loop3A_839] {strides = array<i32>} : memref<4x128x128xf32, #tpu.memory_space<vmem>>, vector<1x1x16xf32>,
      %parallel_loop3A_841 = vector.shape_cast %parallel_loop3A_840 : vector<1x1x16xf32> to vector<16xf32>
      %parallel_loop3A_842 = vector.shape_cast %parallel_loop3A_835 : vector<16xf32> to vector<1x1x16xf32>
      tpu.vector_store %arg7[%parallel_loop3A_837, %parallel_loop3A_838, %parallel_loop3A_839], %parallel_loop3A_842 {strides = array<i32>} : memref<4x128x128xf32, #tpu.memory_space<vmem>>, vector<1x1x16xf32>,
      %parallel_loop3A_843 = arith.constant 0 : i32
      %parallel_loop3A_844 = arith.addi %parallel_loop3A_843, %parallel_loop3A_688 : i32
      %parallel_loop3A_845 = arith.index_cast %parallel_loop3A_844 : i32 to index
      %parallel_loop3A_846 = arith.constant 112 : index
      %parallel_loop3A_847 = tpu.vector_load %arg5[%parallel_loop3A_845, %parallel_loop3A_846] {strides = array<i32>} : memref<256x128xf32, #tpu.memory_space<vmem>>, vector<1x16xf32>,
      %parallel_loop3A_848 = vector.shape_cast %parallel_loop3A_847 : vector<1x16xf32> to vector<16xf32>
      %parallel_loop3A_849 = arith.addf %parallel_loop3A_848, %get3A_194 : vector<16xf32>
      %parallel_loop3A_850 = arith.constant 2 : i32
      %parallel_loop3A_851 = arith.index_cast %parallel_loop3A_850 : i32 to index
      %parallel_loop3A_852 = arith.index_cast %parallel_loop3A_688 : i32 to index
      %parallel_loop3A_853 = arith.constant 112 : index
      %parallel_loop3A_854 = tpu.vector_load %arg7[%parallel_loop3A_851, %parallel_loop3A_852, %parallel_loop3A_853] {strides = array<i32>} : memref<4x128x128xf32, #tpu.memory_space<vmem>>, vector<1x1x16xf32>,
      %parallel_loop3A_855 = vector.shape_cast %parallel_loop3A_854 : vector<1x1x16xf32> to vector<16xf32>
      %parallel_loop3A_856 = vector.shape_cast %parallel_loop3A_849 : vector<16xf32> to vector<1x1x16xf32>
      tpu.vector_store %arg7[%parallel_loop3A_851, %parallel_loop3A_852, %parallel_loop3A_853], %parallel_loop3A_856 {strides = array<i32>} : memref<4x128x128xf32, #tpu.memory_space<vmem>>, vector<1x1x16xf32>,
      %parallel_loop3A_857 = arith.addf %parallel_loop3A_848, %get3A_234 : vector<16xf32>
      %parallel_loop3A_858 = arith.constant 3 : i32
      %parallel_loop3A_859 = arith.index_cast %parallel_loop3A_858 : i32 to index
      %parallel_loop3A_860 = arith.index_cast %parallel_loop3A_688 : i32 to index
      %parallel_loop3A_861 = arith.constant 112 : index
      %parallel_loop3A_862 = tpu.vector_load %arg7[%parallel_loop3A_859, %parallel_loop3A_860, %parallel_loop3A_861] {strides = array<i32>} : memref<4x128x128xf32, #tpu.memory_space<vmem>>, vector<1x1x16xf32>,
      %parallel_loop3A_863 = vector.shape_cast %parallel_loop3A_862 : vector<1x1x16xf32> to vector<16xf32>
      %parallel_loop3A_864 = vector.shape_cast %parallel_loop3A_857 : vector<16xf32> to vector<1x1x16xf32>
      tpu.vector_store %arg7[%parallel_loop3A_859, %parallel_loop3A_860, %parallel_loop3A_861], %parallel_loop3A_864 {strides = array<i32>} : memref<4x128x128xf32, #tpu.memory_space<vmem>>, vector<1x1x16xf32>,
    } {sc.loop_unroll_factor = 2 : i64, sc.parallel_access}
    %add3A_238 = arith.constant 16 : i32
    %add3A_239 = arith.addi %mul3A_32, %add3A_238 : i32
    %mul3A_240 = arith.constant 2048 : i32
    %mul3A_241 = arith.muli %add3A_239, %mul3A_240 : i32
    %add3A_242 = arith.addi %mul3A_241, %mul3A_34 : i32
    %add3A_243 = arith.constant 0 : i32
    %add3A_244 = arith.addi %add3A_242, %add3A_243 : i32
    %dma_start3A_245 = arith.constant 2 : i32
    %dma_start3A_246 = arith.constant 0 : i32
    %dma_start3A_247 = arith.constant 0 : i32
    %dma_start3A_248 = tpu.memref_slice %arg7[%dma_start3A_245, %dma_start3A_246, %dma_start3A_247] : memref<4x128x128xf32, #tpu.memory_space<vmem>> -> memref<1x128x128xf32, #tpu.memory_space<vmem>>
    %dma_start3A_249 = tpu.memref_squeeze %dma_start3A_248 : memref<1x128x128xf32, #tpu.memory_space<vmem>> -> memref<128x128xf32, #tpu.memory_space<vmem>>
    %dma_start3A_250 = arith.constant 0 : i32
    %dma_start3A_251 = tpu.memref_slice %arg4[%add3A_244, %dma_start3A_250] : memref<262144x128xf32, #tpu.memory_space<hbm>> -> memref<128x128xf32, #tpu.memory_space<hbm>>
    %dma_start3A_252 = arith.constant 0 : i32
    %dma_start3A_253 = tpu.memref_slice %arg4[%add3A_244, %dma_start3A_252] : memref<262144x128xf32, #tpu.memory_space<hbm>> -> memref<128x128xf32, #tpu.memory_space<hbm>>
    %dma_start3A_254 = arith.constant 0 : i32
    %dma_start3A_255 = arith.constant 0 : i32
    %dma_start3A_256 = tpu.memref_slice %arg7[%dma_start3A_245, %dma_start3A_254, %dma_start3A_255] : memref<4x128x128xf32, #tpu.memory_space<vmem>> -> memref<1x128x128xf32, #tpu.memory_space<vmem>>
    %dma_start3A_257 = tpu.memref_squeeze %dma_start3A_256 : memref<1x128x128xf32, #tpu.memory_space<vmem>> -> memref<128x128xf32, #tpu.memory_space<vmem>>
    tpu.enqueue_dma source(%dma_start3A_257 : memref<128x128xf32, #tpu.memory_space<vmem>>) target(%dma_start3A_253 : memref<128x128xf32, #tpu.memory_space<hbm>>) target_semaphore(%arg10 : memref<!tpu.dma_semaphore, #tpu.memory_space<semaphore_mem>>)
    %add3A_258 = arith.constant 24 : i32
    %add3A_259 = arith.addi %mul3A_32, %add3A_258 : i32
    %mul3A_260 = arith.constant 2048 : i32
    %mul3A_261 = arith.muli %add3A_259, %mul3A_260 : i32
    %add3A_262 = arith.addi %mul3A_261, %mul3A_34 : i32
    %add3A_263 = arith.constant 0 : i32
    %add3A_264 = arith.addi %add3A_262, %add3A_263 : i32
    %dma_start3A_265 = arith.constant 3 : i32
    %dma_start3A_266 = arith.constant 0 : i32
    %dma_start3A_267 = arith.constant 0 : i32
    %dma_start3A_268 = tpu.memref_slice %arg7[%dma_start3A_265, %dma_start3A_266, %dma_start3A_267] : memref<4x128x128xf32, #tpu.memory_space<vmem>> -> memref<1x128x128xf32, #tpu.memory_space<vmem>>
    %dma_start3A_269 = tpu.memref_squeeze %dma_start3A_268 : memref<1x128x128xf32, #tpu.memory_space<vmem>> -> memref<128x128xf32, #tpu.memory_space<vmem>>
    %dma_start3A_270 = arith.constant 0 : i32
    %dma_start3A_271 = tpu.memref_slice %arg4[%add3A_264, %dma_start3A_270] : memref<262144x128xf32, #tpu.memory_space<hbm>> -> memref<128x128xf32, #tpu.memory_space<hbm>>
    %dma_start3A_272 = arith.constant 0 : i32
    %dma_start3A_273 = tpu.memref_slice %arg4[%add3A_264, %dma_start3A_272] : memref<262144x128xf32, #tpu.memory_space<hbm>> -> memref<128x128xf32, #tpu.memory_space<hbm>>
    %dma_start3A_274 = arith.constant 0 : i32
    %dma_start3A_275 = arith.constant 0 : i32
    %dma_start3A_276 = tpu.memref_slice %arg7[%dma_start3A_265, %dma_start3A_274, %dma_start3A_275] : memref<4x128x128xf32, #tpu.memory_space<vmem>> -> memref<1x128x128xf32, #tpu.memory_space<vmem>>
    %dma_start3A_277 = tpu.memref_squeeze %dma_start3A_276 : memref<1x128x128xf32, #tpu.memory_space<vmem>> -> memref<128x128xf32, #tpu.memory_space<vmem>>
    tpu.enqueue_dma source(%dma_start3A_277 : memref<128x128xf32, #tpu.memory_space<vmem>>) target(%dma_start3A_273 : memref<128x128xf32, #tpu.memory_space<hbm>>) target_semaphore(%arg11 : memref<!tpu.dma_semaphore, #tpu.memory_space<semaphore_mem>>)
    %add3A_278 = arith.constant 0 : i32
    %add3A_279 = arith.addi %mul3A_32, %add3A_278 : i32
    %mul3A_280 = arith.constant 2048 : i32
    %mul3A_281 = arith.muli %add3A_279, %mul3A_280 : i32
    %add3A_282 = arith.addi %mul3A_281, %mul3A_34 : i32
    %add3A_283 = arith.constant 128 : i32
    %add3A_284 = arith.addi %add3A_282, %add3A_283 : i32
    %dma_wait3A = arith.constant 0 : i32
    %dma_wait3A_285 = arith.constant 0 : i32
    %dma_wait3A_286 = arith.constant 0 : i32
    %dma_wait3A_287 = tpu.memref_slice %arg7[%dma_wait3A, %dma_wait3A_285, %dma_wait3A_286] : memref<4x128x128xf32, #tpu.memory_space<vmem>> -> memref<1x128x128xf32, #tpu.memory_space<vmem>>
    %dma_wait3A_288 = tpu.memref_squeeze %dma_wait3A_287 : memref<1x128x128xf32, #tpu.memory_space<vmem>> -> memref<128x128xf32, #tpu.memory_space<vmem>>
    %dma_wait3A_289 = arith.constant 0 : i32
    %dma_wait3A_290 = tpu.memref_slice %arg4[%add3A_284, %dma_wait3A_289] : memref<262144x128xf32, #tpu.memory_space<hbm>> -> memref<128x128xf32, #tpu.memory_space<hbm>>
    %dma_wait3A_291 = arith.constant 0 : i32
    %dma_wait3A_292 = tpu.memref_slice %arg4[%add3A_284, %dma_wait3A_291] : memref<262144x128xf32, #tpu.memory_space<hbm>> -> memref<128x128xf32, #tpu.memory_space<hbm>>
    %dma_wait3A_293 = arith.constant 0 : i32
    %dma_wait3A_294 = arith.constant 0 : i32
    %dma_wait3A_295 = tpu.memref_slice %arg7[%dma_wait3A, %dma_wait3A_293, %dma_wait3A_294] : memref<4x128x128xf32, #tpu.memory_space<vmem>> -> memref<1x128x128xf32, #tpu.memory_space<vmem>>
    %dma_wait3A_296 = tpu.memref_squeeze %dma_wait3A_295 : memref<1x128x128xf32, #tpu.memory_space<vmem>> -> memref<128x128xf32, #tpu.memory_space<vmem>>
    tpu.wait_dma2 semaphore(%arg8 : memref<!tpu.dma_semaphore, #tpu.memory_space<semaphore_mem>>) src(%dma_wait3A_296 : memref<128x128xf32, #tpu.memory_space<vmem>>) dst(%dma_wait3A_292 : memref<128x128xf32, #tpu.memory_space<hbm>>)
    %add3A_297 = arith.constant 8 : i32
    %add3A_298 = arith.addi %mul3A_32, %add3A_297 : i32
    %mul3A_299 = arith.constant 2048 : i32
    %mul3A_300 = arith.muli %add3A_298, %mul3A_299 : i32
    %add3A_301 = arith.addi %mul3A_300, %mul3A_34 : i32
    %add3A_302 = arith.constant 128 : i32
    %add3A_303 = arith.addi %add3A_301, %add3A_302 : i32
    %dma_wait3A_304 = arith.constant 1 : i32
    %dma_wait3A_305 = arith.constant 0 : i32
    %dma_wait3A_306 = arith.constant 0 : i32
    %dma_wait3A_307 = tpu.memref_slice %arg7[%dma_wait3A_304, %dma_wait3A_305, %dma_wait3A_306] : memref<4x128x128xf32, #tpu.memory_space<vmem>> -> memref<1x128x128xf32, #tpu.memory_space<vmem>>
    %dma_wait3A_308 = tpu.memref_squeeze %dma_wait3A_307 : memref<1x128x128xf32, #tpu.memory_space<vmem>> -> memref<128x128xf32, #tpu.memory_space<vmem>>
    %dma_wait3A_309 = arith.constant 0 : i32
    %dma_wait3A_310 = tpu.memref_slice %arg4[%add3A_303, %dma_wait3A_309] : memref<262144x128xf32, #tpu.memory_space<hbm>> -> memref<128x128xf32, #tpu.memory_space<hbm>>
    %dma_wait3A_311 = arith.constant 0 : i32
    %dma_wait3A_312 = tpu.memref_slice %arg4[%add3A_303, %dma_wait3A_311] : memref<262144x128xf32, #tpu.memory_space<hbm>> -> memref<128x128xf32, #tpu.memory_space<hbm>>
    %dma_wait3A_313 = arith.constant 0 : i32
    %dma_wait3A_314 = arith.constant 0 : i32
    %dma_wait3A_315 = tpu.memref_slice %arg7[%dma_wait3A_304, %dma_wait3A_313, %dma_wait3A_314] : memref<4x128x128xf32, #tpu.memory_space<vmem>> -> memref<1x128x128xf32, #tpu.memory_space<vmem>>
    %dma_wait3A_316 = tpu.memref_squeeze %dma_wait3A_315 : memref<1x128x128xf32, #tpu.memory_space<vmem>> -> memref<128x128xf32, #tpu.memory_space<vmem>>
    tpu.wait_dma2 semaphore(%arg9 : memref<!tpu.dma_semaphore, #tpu.memory_space<semaphore_mem>>) src(%dma_wait3A_316 : memref<128x128xf32, #tpu.memory_space<vmem>>) dst(%dma_wait3A_312 : memref<128x128xf32, #tpu.memory_space<hbm>>)
    %get3A_317 = arith.constant 0 : i32
    %get3A_318 = arith.index_cast %get3A_317 : i32 to index
    %get3A_319 = arith.constant 0 : index
    %get3A_320 = tpu.vector_load %arg6[%get3A_318, %get3A_319] {strides = array<i32>} : memref<32x128xf32, #tpu.memory_space<vmem>>, vector<1x16xf32>,
    %get3A_321 = vector.shape_cast %get3A_320 : vector<1x16xf32> to vector<16xf32>
    %get3A_322 = arith.constant 0 : i32
    %get3A_323 = arith.index_cast %get3A_322 : i32 to index
    %get3A_324 = arith.constant 16 : index
    %get3A_325 = tpu.vector_load %arg6[%get3A_323, %get3A_324] {strides = array<i32>} : memref<32x128xf32, #tpu.memory_space<vmem>>, vector<1x16xf32>,
    %get3A_326 = vector.shape_cast %get3A_325 : vector<1x16xf32> to vector<16xf32>
    %get3A_327 = arith.constant 0 : i32
    %get3A_328 = arith.index_cast %get3A_327 : i32 to index
    %get3A_329 = arith.constant 32 : index
    %get3A_330 = tpu.vector_load %arg6[%get3A_328, %get3A_329] {strides = array<i32>} : memref<32x128xf32, #tpu.memory_space<vmem>>, vector<1x16xf32>,
    %get3A_331 = vector.shape_cast %get3A_330 : vector<1x16xf32> to vector<16xf32>
    %get3A_332 = arith.constant 0 : i32
    %get3A_333 = arith.index_cast %get3A_332 : i32 to index
    %get3A_334 = arith.constant 48 : index
    %get3A_335 = tpu.vector_load %arg6[%get3A_333, %get3A_334] {strides = array<i32>} : memref<32x128xf32, #tpu.memory_space<vmem>>, vector<1x16xf32>,
    %get3A_336 = vector.shape_cast %get3A_335 : vector<1x16xf32> to vector<16xf32>
    %get3A_337 = arith.constant 0 : i32
    %get3A_338 = arith.index_cast %get3A_337 : i32 to index
    %get3A_339 = arith.constant 64 : index
    %get3A_340 = tpu.vector_load %arg6[%get3A_338, %get3A_339] {strides = array<i32>} : memref<32x128xf32, #tpu.memory_space<vmem>>, vector<1x16xf32>,
    %get3A_341 = vector.shape_cast %get3A_340 : vector<1x16xf32> to vector<16xf32>
    %get3A_342 = arith.constant 0 : i32
    %get3A_343 = arith.index_cast %get3A_342 : i32 to index
    %get3A_344 = arith.constant 80 : index
    %get3A_345 = tpu.vector_load %arg6[%get3A_343, %get3A_344] {strides = array<i32>} : memref<32x128xf32, #tpu.memory_space<vmem>>, vector<1x16xf32>,
    %get3A_346 = vector.shape_cast %get3A_345 : vector<1x16xf32> to vector<16xf32>
    %get3A_347 = arith.constant 0 : i32
    %get3A_348 = arith.index_cast %get3A_347 : i32 to index
    %get3A_349 = arith.constant 96 : index
    %get3A_350 = tpu.vector_load %arg6[%get3A_348, %get3A_349] {strides = array<i32>} : memref<32x128xf32, #tpu.memory_space<vmem>>, vector<1x16xf32>,
    %get3A_351 = vector.shape_cast %get3A_350 : vector<1x16xf32> to vector<16xf32>
    %get3A_352 = arith.constant 0 : i32
    %get3A_353 = arith.index_cast %get3A_352 : i32 to index
    %get3A_354 = arith.constant 112 : index
    %get3A_355 = tpu.vector_load %arg6[%get3A_353, %get3A_354] {strides = array<i32>} : memref<32x128xf32, #tpu.memory_space<vmem>>, vector<1x16xf32>,
    %get3A_356 = vector.shape_cast %get3A_355 : vector<1x16xf32> to vector<16xf32>
    %get3A_357 = arith.constant 8 : i32
    %get3A_358 = arith.index_cast %get3A_357 : i32 to index
    %get3A_359 = arith.constant 0 : index
    %get3A_360 = tpu.vector_load %arg6[%get3A_358, %get3A_359] {strides = array<i32>} : memref<32x128xf32, #tpu.memory_space<vmem>>, vector<1x16xf32>,
    %get3A_361 = vector.shape_cast %get3A_360 : vector<1x16xf32> to vector<16xf32>
    %get3A_362 = arith.constant 8 : i32
    %get3A_363 = arith.index_cast %get3A_362 : i32 to index
    %get3A_364 = arith.constant 16 : index
    %get3A_365 = tpu.vector_load %arg6[%get3A_363, %get3A_364] {strides = array<i32>} : memref<32x128xf32, #tpu.memory_space<vmem>>, vector<1x16xf32>,
    %get3A_366 = vector.shape_cast %get3A_365 : vector<1x16xf32> to vector<16xf32>
    %get3A_367 = arith.constant 8 : i32
    %get3A_368 = arith.index_cast %get3A_367 : i32 to index
    %get3A_369 = arith.constant 32 : index
    %get3A_370 = tpu.vector_load %arg6[%get3A_368, %get3A_369] {strides = array<i32>} : memref<32x128xf32, #tpu.memory_space<vmem>>, vector<1x16xf32>,
    %get3A_371 = vector.shape_cast %get3A_370 : vector<1x16xf32> to vector<16xf32>
    %get3A_372 = arith.constant 8 : i32
    %get3A_373 = arith.index_cast %get3A_372 : i32 to index
    %get3A_374 = arith.constant 48 : index
    %get3A_375 = tpu.vector_load %arg6[%get3A_373, %get3A_374] {strides = array<i32>} : memref<32x128xf32, #tpu.memory_space<vmem>>, vector<1x16xf32>,
    %get3A_376 = vector.shape_cast %get3A_375 : vector<1x16xf32> to vector<16xf32>
    %get3A_377 = arith.constant 8 : i32
    %get3A_378 = arith.index_cast %get3A_377 : i32 to index
    %get3A_379 = arith.constant 64 : index
    %get3A_380 = tpu.vector_load %arg6[%get3A_378, %get3A_379] {strides = array<i32>} : memref<32x128xf32, #tpu.memory_space<vmem>>, vector<1x16xf32>,
    %get3A_381 = vector.shape_cast %get3A_380 : vector<1x16xf32> to vector<16xf32>
    %get3A_382 = arith.constant 8 : i32
    %get3A_383 = arith.index_cast %get3A_382 : i32 to index
    %get3A_384 = arith.constant 80 : index
    %get3A_385 = tpu.vector_load %arg6[%get3A_383, %get3A_384] {strides = array<i32>} : memref<32x128xf32, #tpu.memory_space<vmem>>, vector<1x16xf32>,
    %get3A_386 = vector.shape_cast %get3A_385 : vector<1x16xf32> to vector<16xf32>
    %get3A_387 = arith.constant 8 : i32
    %get3A_388 = arith.index_cast %get3A_387 : i32 to index
    %get3A_389 = arith.constant 96 : index
    %get3A_390 = tpu.vector_load %arg6[%get3A_388, %get3A_389] {strides = array<i32>} : memref<32x128xf32, #tpu.memory_space<vmem>>, vector<1x16xf32>,
    %get3A_391 = vector.shape_cast %get3A_390 : vector<1x16xf32> to vector<16xf32>
    %get3A_392 = arith.constant 8 : i32
    %get3A_393 = arith.index_cast %get3A_392 : i32 to index
    %get3A_394 = arith.constant 112 : index
    %get3A_395 = tpu.vector_load %arg6[%get3A_393, %get3A_394] {strides = array<i32>} : memref<32x128xf32, #tpu.memory_space<vmem>>, vector<1x16xf32>,
    %get3A_396 = vector.shape_cast %get3A_395 : vector<1x16xf32> to vector<16xf32>
    %parallel_loop3A_397 = arith.constant 0 : i32
    %parallel_loop3A_398 = arith.constant 128 : i32
    %parallel_loop3A_399 = arith.constant 1 : i32
    scf.for %parallel_loop3A_688 = %parallel_loop3A_397 to %parallel_loop3A_398 step %parallel_loop3A_399  : i32 {
      %parallel_loop3A_689 = arith.constant 128 : i32
      %parallel_loop3A_690 = arith.addi %parallel_loop3A_689, %parallel_loop3A_688 : i32
      %parallel_loop3A_691 = arith.index_cast %parallel_loop3A_690 : i32 to index
      %parallel_loop3A_692 = arith.constant 0 : index
      %parallel_loop3A_693 = tpu.vector_load %arg5[%parallel_loop3A_691, %parallel_loop3A_692] {strides = array<i32>} : memref<256x128xf32, #tpu.memory_space<vmem>>, vector<1x16xf32>,
      %parallel_loop3A_694 = vector.shape_cast %parallel_loop3A_693 : vector<1x16xf32> to vector<16xf32>
      %parallel_loop3A_695 = arith.addf %parallel_loop3A_694, %get3A_321 : vector<16xf32>
      %parallel_loop3A_696 = arith.constant 0 : i32
      %parallel_loop3A_697 = arith.index_cast %parallel_loop3A_696 : i32 to index
      %parallel_loop3A_698 = arith.index_cast %parallel_loop3A_688 : i32 to index
      %parallel_loop3A_699 = arith.constant 0 : index
      %parallel_loop3A_700 = tpu.vector_load %arg7[%parallel_loop3A_697, %parallel_loop3A_698, %parallel_loop3A_699] {strides = array<i32>} : memref<4x128x128xf32, #tpu.memory_space<vmem>>, vector<1x1x16xf32>,
      %parallel_loop3A_701 = vector.shape_cast %parallel_loop3A_700 : vector<1x1x16xf32> to vector<16xf32>
      %parallel_loop3A_702 = vector.shape_cast %parallel_loop3A_695 : vector<16xf32> to vector<1x1x16xf32>
      tpu.vector_store %arg7[%parallel_loop3A_697, %parallel_loop3A_698, %parallel_loop3A_699], %parallel_loop3A_702 {strides = array<i32>} : memref<4x128x128xf32, #tpu.memory_space<vmem>>, vector<1x1x16xf32>,
      %parallel_loop3A_703 = arith.addf %parallel_loop3A_694, %get3A_361 : vector<16xf32>
      %parallel_loop3A_704 = arith.constant 1 : i32
      %parallel_loop3A_705 = arith.index_cast %parallel_loop3A_704 : i32 to index
      %parallel_loop3A_706 = arith.index_cast %parallel_loop3A_688 : i32 to index
      %parallel_loop3A_707 = arith.constant 0 : index
      %parallel_loop3A_708 = tpu.vector_load %arg7[%parallel_loop3A_705, %parallel_loop3A_706, %parallel_loop3A_707] {strides = array<i32>} : memref<4x128x128xf32, #tpu.memory_space<vmem>>, vector<1x1x16xf32>,
      %parallel_loop3A_709 = vector.shape_cast %parallel_loop3A_708 : vector<1x1x16xf32> to vector<16xf32>
      %parallel_loop3A_710 = vector.shape_cast %parallel_loop3A_703 : vector<16xf32> to vector<1x1x16xf32>
      tpu.vector_store %arg7[%parallel_loop3A_705, %parallel_loop3A_706, %parallel_loop3A_707], %parallel_loop3A_710 {strides = array<i32>} : memref<4x128x128xf32, #tpu.memory_space<vmem>>, vector<1x1x16xf32>,
      %parallel_loop3A_711 = arith.constant 128 : i32
      %parallel_loop3A_712 = arith.addi %parallel_loop3A_711, %parallel_loop3A_688 : i32
      %parallel_loop3A_713 = arith.index_cast %parallel_loop3A_712 : i32 to index
      %parallel_loop3A_714 = arith.constant 16 : index
      %parallel_loop3A_715 = tpu.vector_load %arg5[%parallel_loop3A_713, %parallel_loop3A_714] {strides = array<i32>} : memref<256x128xf32, #tpu.memory_space<vmem>>, vector<1x16xf32>,
      %parallel_loop3A_716 = vector.shape_cast %parallel_loop3A_715 : vector<1x16xf32> to vector<16xf32>
      %parallel_loop3A_717 = arith.addf %parallel_loop3A_716, %get3A_326 : vector<16xf32>
      %parallel_loop3A_718 = arith.constant 0 : i32
      %parallel_loop3A_719 = arith.index_cast %parallel_loop3A_718 : i32 to index
      %parallel_loop3A_720 = arith.index_cast %parallel_loop3A_688 : i32 to index
      %parallel_loop3A_721 = arith.constant 16 : index
      %parallel_loop3A_722 = tpu.vector_load %arg7[%parallel_loop3A_719, %parallel_loop3A_720, %parallel_loop3A_721] {strides = array<i32>} : memref<4x128x128xf32, #tpu.memory_space<vmem>>, vector<1x1x16xf32>,
      %parallel_loop3A_723 = vector.shape_cast %parallel_loop3A_722 : vector<1x1x16xf32> to vector<16xf32>
      %parallel_loop3A_724 = vector.shape_cast %parallel_loop3A_717 : vector<16xf32> to vector<1x1x16xf32>
      tpu.vector_store %arg7[%parallel_loop3A_719, %parallel_loop3A_720, %parallel_loop3A_721], %parallel_loop3A_724 {strides = array<i32>} : memref<4x128x128xf32, #tpu.memory_space<vmem>>, vector<1x1x16xf32>,
      %parallel_loop3A_725 = arith.addf %parallel_loop3A_716, %get3A_366 : vector<16xf32>
      %parallel_loop3A_726 = arith.constant 1 : i32
      %parallel_loop3A_727 = arith.index_cast %parallel_loop3A_726 : i32 to index
      %parallel_loop3A_728 = arith.index_cast %parallel_loop3A_688 : i32 to index
      %parallel_loop3A_729 = arith.constant 16 : index
      %parallel_loop3A_730 = tpu.vector_load %arg7[%parallel_loop3A_727, %parallel_loop3A_728, %parallel_loop3A_729] {strides = array<i32>} : memref<4x128x128xf32, #tpu.memory_space<vmem>>, vector<1x1x16xf32>,
      %parallel_loop3A_731 = vector.shape_cast %parallel_loop3A_730 : vector<1x1x16xf32> to vector<16xf32>
      %parallel_loop3A_732 = vector.shape_cast %parallel_loop3A_725 : vector<16xf32> to vector<1x1x16xf32>
      tpu.vector_store %arg7[%parallel_loop3A_727, %parallel_loop3A_728, %parallel_loop3A_729], %parallel_loop3A_732 {strides = array<i32>} : memref<4x128x128xf32, #tpu.memory_space<vmem>>, vector<1x1x16xf32>,
      %parallel_loop3A_733 = arith.constant 128 : i32
      %parallel_loop3A_734 = arith.addi %parallel_loop3A_733, %parallel_loop3A_688 : i32
      %parallel_loop3A_735 = arith.index_cast %parallel_loop3A_734 : i32 to index
      %parallel_loop3A_736 = arith.constant 32 : index
      %parallel_loop3A_737 = tpu.vector_load %arg5[%parallel_loop3A_735, %parallel_loop3A_736] {strides = array<i32>} : memref<256x128xf32, #tpu.memory_space<vmem>>, vector<1x16xf32>,
      %parallel_loop3A_738 = vector.shape_cast %parallel_loop3A_737 : vector<1x16xf32> to vector<16xf32>
      %parallel_loop3A_739 = arith.addf %parallel_loop3A_738, %get3A_331 : vector<16xf32>
      %parallel_loop3A_740 = arith.constant 0 : i32
      %parallel_loop3A_741 = arith.index_cast %parallel_loop3A_740 : i32 to index
      %parallel_loop3A_742 = arith.index_cast %parallel_loop3A_688 : i32 to index
      %parallel_loop3A_743 = arith.constant 32 : index
      %parallel_loop3A_744 = tpu.vector_load %arg7[%parallel_loop3A_741, %parallel_loop3A_742, %parallel_loop3A_743] {strides = array<i32>} : memref<4x128x128xf32, #tpu.memory_space<vmem>>, vector<1x1x16xf32>,
      %parallel_loop3A_745 = vector.shape_cast %parallel_loop3A_744 : vector<1x1x16xf32> to vector<16xf32>
      %parallel_loop3A_746 = vector.shape_cast %parallel_loop3A_739 : vector<16xf32> to vector<1x1x16xf32>
      tpu.vector_store %arg7[%parallel_loop3A_741, %parallel_loop3A_742, %parallel_loop3A_743], %parallel_loop3A_746 {strides = array<i32>} : memref<4x128x128xf32, #tpu.memory_space<vmem>>, vector<1x1x16xf32>,
      %parallel_loop3A_747 = arith.addf %parallel_loop3A_738, %get3A_371 : vector<16xf32>
      %parallel_loop3A_748 = arith.constant 1 : i32
      %parallel_loop3A_749 = arith.index_cast %parallel_loop3A_748 : i32 to index
      %parallel_loop3A_750 = arith.index_cast %parallel_loop3A_688 : i32 to index
      %parallel_loop3A_751 = arith.constant 32 : index
      %parallel_loop3A_752 = tpu.vector_load %arg7[%parallel_loop3A_749, %parallel_loop3A_750, %parallel_loop3A_751] {strides = array<i32>} : memref<4x128x128xf32, #tpu.memory_space<vmem>>, vector<1x1x16xf32>,
      %parallel_loop3A_753 = vector.shape_cast %parallel_loop3A_752 : vector<1x1x16xf32> to vector<16xf32>
      %parallel_loop3A_754 = vector.shape_cast %parallel_loop3A_747 : vector<16xf32> to vector<1x1x16xf32>
      tpu.vector_store %arg7[%parallel_loop3A_749, %parallel_loop3A_750, %parallel_loop3A_751], %parallel_loop3A_754 {strides = array<i32>} : memref<4x128x128xf32, #tpu.memory_space<vmem>>, vector<1x1x16xf32>,
      %parallel_loop3A_755 = arith.constant 128 : i32
      %parallel_loop3A_756 = arith.addi %parallel_loop3A_755, %parallel_loop3A_688 : i32
      %parallel_loop3A_757 = arith.index_cast %parallel_loop3A_756 : i32 to index
      %parallel_loop3A_758 = arith.constant 48 : index
      %parallel_loop3A_759 = tpu.vector_load %arg5[%parallel_loop3A_757, %parallel_loop3A_758] {strides = array<i32>} : memref<256x128xf32, #tpu.memory_space<vmem>>, vector<1x16xf32>,
      %parallel_loop3A_760 = vector.shape_cast %parallel_loop3A_759 : vector<1x16xf32> to vector<16xf32>
      %parallel_loop3A_761 = arith.addf %parallel_loop3A_760, %get3A_336 : vector<16xf32>
      %parallel_loop3A_762 = arith.constant 0 : i32
      %parallel_loop3A_763 = arith.index_cast %parallel_loop3A_762 : i32 to index
      %parallel_loop3A_764 = arith.index_cast %parallel_loop3A_688 : i32 to index
      %parallel_loop3A_765 = arith.constant 48 : index
      %parallel_loop3A_766 = tpu.vector_load %arg7[%parallel_loop3A_763, %parallel_loop3A_764, %parallel_loop3A_765] {strides = array<i32>} : memref<4x128x128xf32, #tpu.memory_space<vmem>>, vector<1x1x16xf32>,
      %parallel_loop3A_767 = vector.shape_cast %parallel_loop3A_766 : vector<1x1x16xf32> to vector<16xf32>
      %parallel_loop3A_768 = vector.shape_cast %parallel_loop3A_761 : vector<16xf32> to vector<1x1x16xf32>
      tpu.vector_store %arg7[%parallel_loop3A_763, %parallel_loop3A_764, %parallel_loop3A_765], %parallel_loop3A_768 {strides = array<i32>} : memref<4x128x128xf32, #tpu.memory_space<vmem>>, vector<1x1x16xf32>,
      %parallel_loop3A_769 = arith.addf %parallel_loop3A_760, %get3A_376 : vector<16xf32>
      %parallel_loop3A_770 = arith.constant 1 : i32
      %parallel_loop3A_771 = arith.index_cast %parallel_loop3A_770 : i32 to index
      %parallel_loop3A_772 = arith.index_cast %parallel_loop3A_688 : i32 to index
      %parallel_loop3A_773 = arith.constant 48 : index
      %parallel_loop3A_774 = tpu.vector_load %arg7[%parallel_loop3A_771, %parallel_loop3A_772, %parallel_loop3A_773] {strides = array<i32>} : memref<4x128x128xf32, #tpu.memory_space<vmem>>, vector<1x1x16xf32>,
      %parallel_loop3A_775 = vector.shape_cast %parallel_loop3A_774 : vector<1x1x16xf32> to vector<16xf32>
      %parallel_loop3A_776 = vector.shape_cast %parallel_loop3A_769 : vector<16xf32> to vector<1x1x16xf32>
      tpu.vector_store %arg7[%parallel_loop3A_771, %parallel_loop3A_772, %parallel_loop3A_773], %parallel_loop3A_776 {strides = array<i32>} : memref<4x128x128xf32, #tpu.memory_space<vmem>>, vector<1x1x16xf32>,
      %parallel_loop3A_777 = arith.constant 128 : i32
      %parallel_loop3A_778 = arith.addi %parallel_loop3A_777, %parallel_loop3A_688 : i32
      %parallel_loop3A_779 = arith.index_cast %parallel_loop3A_778 : i32 to index
      %parallel_loop3A_780 = arith.constant 64 : index
      %parallel_loop3A_781 = tpu.vector_load %arg5[%parallel_loop3A_779, %parallel_loop3A_780] {strides = array<i32>} : memref<256x128xf32, #tpu.memory_space<vmem>>, vector<1x16xf32>,
      %parallel_loop3A_782 = vector.shape_cast %parallel_loop3A_781 : vector<1x16xf32> to vector<16xf32>
      %parallel_loop3A_783 = arith.addf %parallel_loop3A_782, %get3A_341 : vector<16xf32>
      %parallel_loop3A_784 = arith.constant 0 : i32
      %parallel_loop3A_785 = arith.index_cast %parallel_loop3A_784 : i32 to index
      %parallel_loop3A_786 = arith.index_cast %parallel_loop3A_688 : i32 to index
      %parallel_loop3A_787 = arith.constant 64 : index
      %parallel_loop3A_788 = tpu.vector_load %arg7[%parallel_loop3A_785, %parallel_loop3A_786, %parallel_loop3A_787] {strides = array<i32>} : memref<4x128x128xf32, #tpu.memory_space<vmem>>, vector<1x1x16xf32>,
      %parallel_loop3A_789 = vector.shape_cast %parallel_loop3A_788 : vector<1x1x16xf32> to vector<16xf32>
      %parallel_loop3A_790 = vector.shape_cast %parallel_loop3A_783 : vector<16xf32> to vector<1x1x16xf32>
      tpu.vector_store %arg7[%parallel_loop3A_785, %parallel_loop3A_786, %parallel_loop3A_787], %parallel_loop3A_790 {strides = array<i32>} : memref<4x128x128xf32, #tpu.memory_space<vmem>>, vector<1x1x16xf32>,
      %parallel_loop3A_791 = arith.addf %parallel_loop3A_782, %get3A_381 : vector<16xf32>
      %parallel_loop3A_792 = arith.constant 1 : i32
      %parallel_loop3A_793 = arith.index_cast %parallel_loop3A_792 : i32 to index
      %parallel_loop3A_794 = arith.index_cast %parallel_loop3A_688 : i32 to index
      %parallel_loop3A_795 = arith.constant 64 : index
      %parallel_loop3A_796 = tpu.vector_load %arg7[%parallel_loop3A_793, %parallel_loop3A_794, %parallel_loop3A_795] {strides = array<i32>} : memref<4x128x128xf32, #tpu.memory_space<vmem>>, vector<1x1x16xf32>,
      %parallel_loop3A_797 = vector.shape_cast %parallel_loop3A_796 : vector<1x1x16xf32> to vector<16xf32>
      %parallel_loop3A_798 = vector.shape_cast %parallel_loop3A_791 : vector<16xf32> to vector<1x1x16xf32>
      tpu.vector_store %arg7[%parallel_loop3A_793, %parallel_loop3A_794, %parallel_loop3A_795], %parallel_loop3A_798 {strides = array<i32>} : memref<4x128x128xf32, #tpu.memory_space<vmem>>, vector<1x1x16xf32>,
      %parallel_loop3A_799 = arith.constant 128 : i32
      %parallel_loop3A_800 = arith.addi %parallel_loop3A_799, %parallel_loop3A_688 : i32
      %parallel_loop3A_801 = arith.index_cast %parallel_loop3A_800 : i32 to index
      %parallel_loop3A_802 = arith.constant 80 : index
      %parallel_loop3A_803 = tpu.vector_load %arg5[%parallel_loop3A_801, %parallel_loop3A_802] {strides = array<i32>} : memref<256x128xf32, #tpu.memory_space<vmem>>, vector<1x16xf32>,
      %parallel_loop3A_804 = vector.shape_cast %parallel_loop3A_803 : vector<1x16xf32> to vector<16xf32>
      %parallel_loop3A_805 = arith.addf %parallel_loop3A_804, %get3A_346 : vector<16xf32>
      %parallel_loop3A_806 = arith.constant 0 : i32
      %parallel_loop3A_807 = arith.index_cast %parallel_loop3A_806 : i32 to index
      %parallel_loop3A_808 = arith.index_cast %parallel_loop3A_688 : i32 to index
      %parallel_loop3A_809 = arith.constant 80 : index
      %parallel_loop3A_810 = tpu.vector_load %arg7[%parallel_loop3A_807, %parallel_loop3A_808, %parallel_loop3A_809] {strides = array<i32>} : memref<4x128x128xf32, #tpu.memory_space<vmem>>, vector<1x1x16xf32>,
      %parallel_loop3A_811 = vector.shape_cast %parallel_loop3A_810 : vector<1x1x16xf32> to vector<16xf32>
      %parallel_loop3A_812 = vector.shape_cast %parallel_loop3A_805 : vector<16xf32> to vector<1x1x16xf32>
      tpu.vector_store %arg7[%parallel_loop3A_807, %parallel_loop3A_808, %parallel_loop3A_809], %parallel_loop3A_812 {strides = array<i32>} : memref<4x128x128xf32, #tpu.memory_space<vmem>>, vector<1x1x16xf32>,
      %parallel_loop3A_813 = arith.addf %parallel_loop3A_804, %get3A_386 : vector<16xf32>
      %parallel_loop3A_814 = arith.constant 1 : i32
      %parallel_loop3A_815 = arith.index_cast %parallel_loop3A_814 : i32 to index
      %parallel_loop3A_816 = arith.index_cast %parallel_loop3A_688 : i32 to index
      %parallel_loop3A_817 = arith.constant 80 : index
      %parallel_loop3A_818 = tpu.vector_load %arg7[%parallel_loop3A_815, %parallel_loop3A_816, %parallel_loop3A_817] {strides = array<i32>} : memref<4x128x128xf32, #tpu.memory_space<vmem>>, vector<1x1x16xf32>,
      %parallel_loop3A_819 = vector.shape_cast %parallel_loop3A_818 : vector<1x1x16xf32> to vector<16xf32>
      %parallel_loop3A_820 = vector.shape_cast %parallel_loop3A_813 : vector<16xf32> to vector<1x1x16xf32>
      tpu.vector_store %arg7[%parallel_loop3A_815, %parallel_loop3A_816, %parallel_loop3A_817], %parallel_loop3A_820 {strides = array<i32>} : memref<4x128x128xf32, #tpu.memory_space<vmem>>, vector<1x1x16xf32>,
      %parallel_loop3A_821 = arith.constant 128 : i32
      %parallel_loop3A_822 = arith.addi %parallel_loop3A_821, %parallel_loop3A_688 : i32
      %parallel_loop3A_823 = arith.index_cast %parallel_loop3A_822 : i32 to index
      %parallel_loop3A_824 = arith.constant 96 : index
      %parallel_loop3A_825 = tpu.vector_load %arg5[%parallel_loop3A_823, %parallel_loop3A_824] {strides = array<i32>} : memref<256x128xf32, #tpu.memory_space<vmem>>, vector<1x16xf32>,
      %parallel_loop3A_826 = vector.shape_cast %parallel_loop3A_825 : vector<1x16xf32> to vector<16xf32>
      %parallel_loop3A_827 = arith.addf %parallel_loop3A_826, %get3A_351 : vector<16xf32>
      %parallel_loop3A_828 = arith.constant 0 : i32
      %parallel_loop3A_829 = arith.index_cast %parallel_loop3A_828 : i32 to index
      %parallel_loop3A_830 = arith.index_cast %parallel_loop3A_688 : i32 to index
      %parallel_loop3A_831 = arith.constant 96 : index
      %parallel_loop3A_832 = tpu.vector_load %arg7[%parallel_loop3A_829, %parallel_loop3A_830, %parallel_loop3A_831] {strides = array<i32>} : memref<4x128x128xf32, #tpu.memory_space<vmem>>, vector<1x1x16xf32>,
      %parallel_loop3A_833 = vector.shape_cast %parallel_loop3A_832 : vector<1x1x16xf32> to vector<16xf32>
      %parallel_loop3A_834 = vector.shape_cast %parallel_loop3A_827 : vector<16xf32> to vector<1x1x16xf32>
      tpu.vector_store %arg7[%parallel_loop3A_829, %parallel_loop3A_830, %parallel_loop3A_831], %parallel_loop3A_834 {strides = array<i32>} : memref<4x128x128xf32, #tpu.memory_space<vmem>>, vector<1x1x16xf32>,
      %parallel_loop3A_835 = arith.addf %parallel_loop3A_826, %get3A_391 : vector<16xf32>
      %parallel_loop3A_836 = arith.constant 1 : i32
      %parallel_loop3A_837 = arith.index_cast %parallel_loop3A_836 : i32 to index
      %parallel_loop3A_838 = arith.index_cast %parallel_loop3A_688 : i32 to index
      %parallel_loop3A_839 = arith.constant 96 : index
      %parallel_loop3A_840 = tpu.vector_load %arg7[%parallel_loop3A_837, %parallel_loop3A_838, %parallel_loop3A_839] {strides = array<i32>} : memref<4x128x128xf32, #tpu.memory_space<vmem>>, vector<1x1x16xf32>,
      %parallel_loop3A_841 = vector.shape_cast %parallel_loop3A_840 : vector<1x1x16xf32> to vector<16xf32>
      %parallel_loop3A_842 = vector.shape_cast %parallel_loop3A_835 : vector<16xf32> to vector<1x1x16xf32>
      tpu.vector_store %arg7[%parallel_loop3A_837, %parallel_loop3A_838, %parallel_loop3A_839], %parallel_loop3A_842 {strides = array<i32>} : memref<4x128x128xf32, #tpu.memory_space<vmem>>, vector<1x1x16xf32>,
      %parallel_loop3A_843 = arith.constant 128 : i32
      %parallel_loop3A_844 = arith.addi %parallel_loop3A_843, %parallel_loop3A_688 : i32
      %parallel_loop3A_845 = arith.index_cast %parallel_loop3A_844 : i32 to index
      %parallel_loop3A_846 = arith.constant 112 : index
      %parallel_loop3A_847 = tpu.vector_load %arg5[%parallel_loop3A_845, %parallel_loop3A_846] {strides = array<i32>} : memref<256x128xf32, #tpu.memory_space<vmem>>, vector<1x16xf32>,
      %parallel_loop3A_848 = vector.shape_cast %parallel_loop3A_847 : vector<1x16xf32> to vector<16xf32>
      %parallel_loop3A_849 = arith.addf %parallel_loop3A_848, %get3A_356 : vector<16xf32>
      %parallel_loop3A_850 = arith.constant 0 : i32
      %parallel_loop3A_851 = arith.index_cast %parallel_loop3A_850 : i32 to index
      %parallel_loop3A_852 = arith.index_cast %parallel_loop3A_688 : i32 to index
      %parallel_loop3A_853 = arith.constant 112 : index
      %parallel_loop3A_854 = tpu.vector_load %arg7[%parallel_loop3A_851, %parallel_loop3A_852, %parallel_loop3A_853] {strides = array<i32>} : memref<4x128x128xf32, #tpu.memory_space<vmem>>, vector<1x1x16xf32>,
      %parallel_loop3A_855 = vector.shape_cast %parallel_loop3A_854 : vector<1x1x16xf32> to vector<16xf32>
      %parallel_loop3A_856 = vector.shape_cast %parallel_loop3A_849 : vector<16xf32> to vector<1x1x16xf32>
      tpu.vector_store %arg7[%parallel_loop3A_851, %parallel_loop3A_852, %parallel_loop3A_853], %parallel_loop3A_856 {strides = array<i32>} : memref<4x128x128xf32, #tpu.memory_space<vmem>>, vector<1x1x16xf32>,
      %parallel_loop3A_857 = arith.addf %parallel_loop3A_848, %get3A_396 : vector<16xf32>
      %parallel_loop3A_858 = arith.constant 1 : i32
      %parallel_loop3A_859 = arith.index_cast %parallel_loop3A_858 : i32 to index
      %parallel_loop3A_860 = arith.index_cast %parallel_loop3A_688 : i32 to index
      %parallel_loop3A_861 = arith.constant 112 : index
      %parallel_loop3A_862 = tpu.vector_load %arg7[%parallel_loop3A_859, %parallel_loop3A_860, %parallel_loop3A_861] {strides = array<i32>} : memref<4x128x128xf32, #tpu.memory_space<vmem>>, vector<1x1x16xf32>,
      %parallel_loop3A_863 = vector.shape_cast %parallel_loop3A_862 : vector<1x1x16xf32> to vector<16xf32>
      %parallel_loop3A_864 = vector.shape_cast %parallel_loop3A_857 : vector<16xf32> to vector<1x1x16xf32>
      tpu.vector_store %arg7[%parallel_loop3A_859, %parallel_loop3A_860, %parallel_loop3A_861], %parallel_loop3A_864 {strides = array<i32>} : memref<4x128x128xf32, #tpu.memory_space<vmem>>, vector<1x1x16xf32>,
    } {sc.loop_unroll_factor = 2 : i64, sc.parallel_access}
    %add3A_400 = arith.constant 0 : i32
    %add3A_401 = arith.addi %mul3A_32, %add3A_400 : i32
    %mul3A_402 = arith.constant 2048 : i32
    %mul3A_403 = arith.muli %add3A_401, %mul3A_402 : i32
    %add3A_404 = arith.addi %mul3A_403, %mul3A_34 : i32
    %add3A_405 = arith.constant 128 : i32
    %add3A_406 = arith.addi %add3A_404, %add3A_405 : i32
    %dma_start3A_407 = arith.constant 0 : i32
    %dma_start3A_408 = arith.constant 0 : i32
    %dma_start3A_409 = arith.constant 0 : i32
    %dma_start3A_410 = tpu.memref_slice %arg7[%dma_start3A_407, %dma_start3A_408, %dma_start3A_409] : memref<4x128x128xf32, #tpu.memory_space<vmem>> -> memref<1x128x128xf32, #tpu.memory_space<vmem>>
    %dma_start3A_411 = tpu.memref_squeeze %dma_start3A_410 : memref<1x128x128xf32, #tpu.memory_space<vmem>> -> memref<128x128xf32, #tpu.memory_space<vmem>>
    %dma_start3A_412 = arith.constant 0 : i32
    %dma_start3A_413 = tpu.memref_slice %arg4[%add3A_406, %dma_start3A_412] : memref<262144x128xf32, #tpu.memory_space<hbm>> -> memref<128x128xf32, #tpu.memory_space<hbm>>
    %dma_start3A_414 = arith.constant 0 : i32
    %dma_start3A_415 = tpu.memref_slice %arg4[%add3A_406, %dma_start3A_414] : memref<262144x128xf32, #tpu.memory_space<hbm>> -> memref<128x128xf32, #tpu.memory_space<hbm>>
    %dma_start3A_416 = arith.constant 0 : i32
    %dma_start3A_417 = arith.constant 0 : i32
    %dma_start3A_418 = tpu.memref_slice %arg7[%dma_start3A_407, %dma_start3A_416, %dma_start3A_417] : memref<4x128x128xf32, #tpu.memory_space<vmem>> -> memref<1x128x128xf32, #tpu.memory_space<vmem>>
    %dma_start3A_419 = tpu.memref_squeeze %dma_start3A_418 : memref<1x128x128xf32, #tpu.memory_space<vmem>> -> memref<128x128xf32, #tpu.memory_space<vmem>>
    tpu.enqueue_dma source(%dma_start3A_419 : memref<128x128xf32, #tpu.memory_space<vmem>>) target(%dma_start3A_415 : memref<128x128xf32, #tpu.memory_space<hbm>>) target_semaphore(%arg8 : memref<!tpu.dma_semaphore, #tpu.memory_space<semaphore_mem>>)
    %add3A_420 = arith.constant 8 : i32
    %add3A_421 = arith.addi %mul3A_32, %add3A_420 : i32
    %mul3A_422 = arith.constant 2048 : i32
    %mul3A_423 = arith.muli %add3A_421, %mul3A_422 : i32
    %add3A_424 = arith.addi %mul3A_423, %mul3A_34 : i32
    %add3A_425 = arith.constant 128 : i32
    %add3A_426 = arith.addi %add3A_424, %add3A_425 : i32
    %dma_start3A_427 = arith.constant 1 : i32
    %dma_start3A_428 = arith.constant 0 : i32
    %dma_start3A_429 = arith.constant 0 : i32
    %dma_start3A_430 = tpu.memref_slice %arg7[%dma_start3A_427, %dma_start3A_428, %dma_start3A_429] : memref<4x128x128xf32, #tpu.memory_space<vmem>> -> memref<1x128x128xf32, #tpu.memory_space<vmem>>
    %dma_start3A_431 = tpu.memref_squeeze %dma_start3A_430 : memref<1x128x128xf32, #tpu.memory_space<vmem>> -> memref<128x128xf32, #tpu.memory_space<vmem>>
    %dma_start3A_432 = arith.constant 0 : i32
    %dma_start3A_433 = tpu.memref_slice %arg4[%add3A_426, %dma_start3A_432] : memref<262144x128xf32, #tpu.memory_space<hbm>> -> memref<128x128xf32, #tpu.memory_space<hbm>>
    %dma_start3A_434 = arith.constant 0 : i32
    %dma_start3A_435 = tpu.memref_slice %arg4[%add3A_426, %dma_start3A_434] : memref<262144x128xf32, #tpu.memory_space<hbm>> -> memref<128x128xf32, #tpu.memory_space<hbm>>
    %dma_start3A_436 = arith.constant 0 : i32
    %dma_start3A_437 = arith.constant 0 : i32
    %dma_start3A_438 = tpu.memref_slice %arg7[%dma_start3A_427, %dma_start3A_436, %dma_start3A_437] : memref<4x128x128xf32, #tpu.memory_space<vmem>> -> memref<1x128x128xf32, #tpu.memory_space<vmem>>
    %dma_start3A_439 = tpu.memref_squeeze %dma_start3A_438 : memref<1x128x128xf32, #tpu.memory_space<vmem>> -> memref<128x128xf32, #tpu.memory_space<vmem>>
    tpu.enqueue_dma source(%dma_start3A_439 : memref<128x128xf32, #tpu.memory_space<vmem>>) target(%dma_start3A_435 : memref<128x128xf32, #tpu.memory_space<hbm>>) target_semaphore(%arg9 : memref<!tpu.dma_semaphore, #tpu.memory_space<semaphore_mem>>)
    %add3A_440 = arith.constant 16 : i32
    %add3A_441 = arith.addi %mul3A_32, %add3A_440 : i32
    %mul3A_442 = arith.constant 2048 : i32
    %mul3A_443 = arith.muli %add3A_441, %mul3A_442 : i32
    %add3A_444 = arith.addi %mul3A_443, %mul3A_34 : i32
    %add3A_445 = arith.constant 128 : i32
    %add3A_446 = arith.addi %add3A_444, %add3A_445 : i32
    %dma_wait3A_447 = arith.constant 2 : i32
    %dma_wait3A_448 = arith.constant 0 : i32
    %dma_wait3A_449 = arith.constant 0 : i32
    %dma_wait3A_450 = tpu.memref_slice %arg7[%dma_wait3A_447, %dma_wait3A_448, %dma_wait3A_449] : memref<4x128x128xf32, #tpu.memory_space<vmem>> -> memref<1x128x128xf32, #tpu.memory_space<vmem>>
    %dma_wait3A_451 = tpu.memref_squeeze %dma_wait3A_450 : memref<1x128x128xf32, #tpu.memory_space<vmem>> -> memref<128x128xf32, #tpu.memory_space<vmem>>
    %dma_wait3A_452 = arith.constant 0 : i32
    %dma_wait3A_453 = tpu.memref_slice %arg4[%add3A_446, %dma_wait3A_452] : memref<262144x128xf32, #tpu.memory_space<hbm>> -> memref<128x128xf32, #tpu.memory_space<hbm>>
    %dma_wait3A_454 = arith.constant 0 : i32
    %dma_wait3A_455 = tpu.memref_slice %arg4[%add3A_446, %dma_wait3A_454] : memref<262144x128xf32, #tpu.memory_space<hbm>> -> memref<128x128xf32, #tpu.memory_space<hbm>>
    %dma_wait3A_456 = arith.constant 0 : i32
    %dma_wait3A_457 = arith.constant 0 : i32
    %dma_wait3A_458 = tpu.memref_slice %arg7[%dma_wait3A_447, %dma_wait3A_456, %dma_wait3A_457] : memref<4x128x128xf32, #tpu.memory_space<vmem>> -> memref<1x128x128xf32, #tpu.memory_space<vmem>>
    %dma_wait3A_459 = tpu.memref_squeeze %dma_wait3A_458 : memref<1x128x128xf32, #tpu.memory_space<vmem>> -> memref<128x128xf32, #tpu.memory_space<vmem>>
    tpu.wait_dma2 semaphore(%arg10 : memref<!tpu.dma_semaphore, #tpu.memory_space<semaphore_mem>>) src(%dma_wait3A_459 : memref<128x128xf32, #tpu.memory_space<vmem>>) dst(%dma_wait3A_455 : memref<128x128xf32, #tpu.memory_space<hbm>>)
    %add3A_460 = arith.constant 24 : i32
    %add3A_461 = arith.addi %mul3A_32, %add3A_460 : i32
    %mul3A_462 = arith.constant 2048 : i32
    %mul3A_463 = arith.muli %add3A_461, %mul3A_462 : i32
    %add3A_464 = arith.addi %mul3A_463, %mul3A_34 : i32
    %add3A_465 = arith.constant 128 : i32
    %add3A_466 = arith.addi %add3A_464, %add3A_465 : i32
    %dma_wait3A_467 = arith.constant 3 : i32
    %dma_wait3A_468 = arith.constant 0 : i32
    %dma_wait3A_469 = arith.constant 0 : i32
    %dma_wait3A_470 = tpu.memref_slice %arg7[%dma_wait3A_467, %dma_wait3A_468, %dma_wait3A_469] : memref<4x128x128xf32, #tpu.memory_space<vmem>> -> memref<1x128x128xf32, #tpu.memory_space<vmem>>
    %dma_wait3A_471 = tpu.memref_squeeze %dma_wait3A_470 : memref<1x128x128xf32, #tpu.memory_space<vmem>> -> memref<128x128xf32, #tpu.memory_space<vmem>>
    %dma_wait3A_472 = arith.constant 0 : i32
    %dma_wait3A_473 = tpu.memref_slice %arg4[%add3A_466, %dma_wait3A_472] : memref<262144x128xf32, #tpu.memory_space<hbm>> -> memref<128x128xf32, #tpu.memory_space<hbm>>
    %dma_wait3A_474 = arith.constant 0 : i32
    %dma_wait3A_475 = tpu.memref_slice %arg4[%add3A_466, %dma_wait3A_474] : memref<262144x128xf32, #tpu.memory_space<hbm>> -> memref<128x128xf32, #tpu.memory_space<hbm>>
    %dma_wait3A_476 = arith.constant 0 : i32
    %dma_wait3A_477 = arith.constant 0 : i32
    %dma_wait3A_478 = tpu.memref_slice %arg7[%dma_wait3A_467, %dma_wait3A_476, %dma_wait3A_477] : memref<4x128x128xf32, #tpu.memory_space<vmem>> -> memref<1x128x128xf32, #tpu.memory_space<vmem>>
    %dma_wait3A_479 = tpu.memref_squeeze %dma_wait3A_478 : memref<1x128x128xf32, #tpu.memory_space<vmem>> -> memref<128x128xf32, #tpu.memory_space<vmem>>
    tpu.wait_dma2 semaphore(%arg11 : memref<!tpu.dma_semaphore, #tpu.memory_space<semaphore_mem>>) src(%dma_wait3A_479 : memref<128x128xf32, #tpu.memory_space<vmem>>) dst(%dma_wait3A_475 : memref<128x128xf32, #tpu.memory_space<hbm>>)
    %get3A_480 = arith.constant 16 : i32
    %get3A_481 = arith.index_cast %get3A_480 : i32 to index
    %get3A_482 = arith.constant 0 : index
    %get3A_483 = tpu.vector_load %arg6[%get3A_481, %get3A_482] {strides = array<i32>} : memref<32x128xf32, #tpu.memory_space<vmem>>, vector<1x16xf32>,
    %get3A_484 = vector.shape_cast %get3A_483 : vector<1x16xf32> to vector<16xf32>
    %get3A_485 = arith.constant 16 : i32
    %get3A_486 = arith.index_cast %get3A_485 : i32 to index
    %get3A_487 = arith.constant 16 : index
    %get3A_488 = tpu.vector_load %arg6[%get3A_486, %get3A_487] {strides = array<i32>} : memref<32x128xf32, #tpu.memory_space<vmem>>, vector<1x16xf32>,
    %get3A_489 = vector.shape_cast %get3A_488 : vector<1x16xf32> to vector<16xf32>
    %get3A_490 = arith.constant 16 : i32
    %get3A_491 = arith.index_cast %get3A_490 : i32 to index
    %get3A_492 = arith.constant 32 : index
    %get3A_493 = tpu.vector_load %arg6[%get3A_491, %get3A_492] {strides = array<i32>} : memref<32x128xf32, #tpu.memory_space<vmem>>, vector<1x16xf32>,
    %get3A_494 = vector.shape_cast %get3A_493 : vector<1x16xf32> to vector<16xf32>
    %get3A_495 = arith.constant 16 : i32
    %get3A_496 = arith.index_cast %get3A_495 : i32 to index
    %get3A_497 = arith.constant 48 : index
    %get3A_498 = tpu.vector_load %arg6[%get3A_496, %get3A_497] {strides = array<i32>} : memref<32x128xf32, #tpu.memory_space<vmem>>, vector<1x16xf32>,
    %get3A_499 = vector.shape_cast %get3A_498 : vector<1x16xf32> to vector<16xf32>
    %get3A_500 = arith.constant 16 : i32
    %get3A_501 = arith.index_cast %get3A_500 : i32 to index
    %get3A_502 = arith.constant 64 : index
    %get3A_503 = tpu.vector_load %arg6[%get3A_501, %get3A_502] {strides = array<i32>} : memref<32x128xf32, #tpu.memory_space<vmem>>, vector<1x16xf32>,
    %get3A_504 = vector.shape_cast %get3A_503 : vector<1x16xf32> to vector<16xf32>
    %get3A_505 = arith.constant 16 : i32
    %get3A_506 = arith.index_cast %get3A_505 : i32 to index
    %get3A_507 = arith.constant 80 : index
    %get3A_508 = tpu.vector_load %arg6[%get3A_506, %get3A_507] {strides = array<i32>} : memref<32x128xf32, #tpu.memory_space<vmem>>, vector<1x16xf32>,
    %get3A_509 = vector.shape_cast %get3A_508 : vector<1x16xf32> to vector<16xf32>
    %get3A_510 = arith.constant 16 : i32
    %get3A_511 = arith.index_cast %get3A_510 : i32 to index
    %get3A_512 = arith.constant 96 : index
    %get3A_513 = tpu.vector_load %arg6[%get3A_511, %get3A_512] {strides = array<i32>} : memref<32x128xf32, #tpu.memory_space<vmem>>, vector<1x16xf32>,
    %get3A_514 = vector.shape_cast %get3A_513 : vector<1x16xf32> to vector<16xf32>
    %get3A_515 = arith.constant 16 : i32
    %get3A_516 = arith.index_cast %get3A_515 : i32 to index
    %get3A_517 = arith.constant 112 : index
    %get3A_518 = tpu.vector_load %arg6[%get3A_516, %get3A_517] {strides = array<i32>} : memref<32x128xf32, #tpu.memory_space<vmem>>, vector<1x16xf32>,
    %get3A_519 = vector.shape_cast %get3A_518 : vector<1x16xf32> to vector<16xf32>
    %get3A_520 = arith.constant 24 : i32
    %get3A_521 = arith.index_cast %get3A_520 : i32 to index
    %get3A_522 = arith.constant 0 : index
    %get3A_523 = tpu.vector_load %arg6[%get3A_521, %get3A_522] {strides = array<i32>} : memref<32x128xf32, #tpu.memory_space<vmem>>, vector<1x16xf32>,
    %get3A_524 = vector.shape_cast %get3A_523 : vector<1x16xf32> to vector<16xf32>
    %get3A_525 = arith.constant 24 : i32
    %get3A_526 = arith.index_cast %get3A_525 : i32 to index
    %get3A_527 = arith.constant 16 : index
    %get3A_528 = tpu.vector_load %arg6[%get3A_526, %get3A_527] {strides = array<i32>} : memref<32x128xf32, #tpu.memory_space<vmem>>, vector<1x16xf32>,
    %get3A_529 = vector.shape_cast %get3A_528 : vector<1x16xf32> to vector<16xf32>
    %get3A_530 = arith.constant 24 : i32
    %get3A_531 = arith.index_cast %get3A_530 : i32 to index
    %get3A_532 = arith.constant 32 : index
    %get3A_533 = tpu.vector_load %arg6[%get3A_531, %get3A_532] {strides = array<i32>} : memref<32x128xf32, #tpu.memory_space<vmem>>, vector<1x16xf32>,
    %get3A_534 = vector.shape_cast %get3A_533 : vector<1x16xf32> to vector<16xf32>
    %get3A_535 = arith.constant 24 : i32
    %get3A_536 = arith.index_cast %get3A_535 : i32 to index
    %get3A_537 = arith.constant 48 : index
    %get3A_538 = tpu.vector_load %arg6[%get3A_536, %get3A_537] {strides = array<i32>} : memref<32x128xf32, #tpu.memory_space<vmem>>, vector<1x16xf32>,
    %get3A_539 = vector.shape_cast %get3A_538 : vector<1x16xf32> to vector<16xf32>
    %get3A_540 = arith.constant 24 : i32
    %get3A_541 = arith.index_cast %get3A_540 : i32 to index
    %get3A_542 = arith.constant 64 : index
    %get3A_543 = tpu.vector_load %arg6[%get3A_541, %get3A_542] {strides = array<i32>} : memref<32x128xf32, #tpu.memory_space<vmem>>, vector<1x16xf32>,
    %get3A_544 = vector.shape_cast %get3A_543 : vector<1x16xf32> to vector<16xf32>
    %get3A_545 = arith.constant 24 : i32
    %get3A_546 = arith.index_cast %get3A_545 : i32 to index
    %get3A_547 = arith.constant 80 : index
    %get3A_548 = tpu.vector_load %arg6[%get3A_546, %get3A_547] {strides = array<i32>} : memref<32x128xf32, #tpu.memory_space<vmem>>, vector<1x16xf32>,
    %get3A_549 = vector.shape_cast %get3A_548 : vector<1x16xf32> to vector<16xf32>
    %get3A_550 = arith.constant 24 : i32
    %get3A_551 = arith.index_cast %get3A_550 : i32 to index
    %get3A_552 = arith.constant 96 : index
    %get3A_553 = tpu.vector_load %arg6[%get3A_551, %get3A_552] {strides = array<i32>} : memref<32x128xf32, #tpu.memory_space<vmem>>, vector<1x16xf32>,
    %get3A_554 = vector.shape_cast %get3A_553 : vector<1x16xf32> to vector<16xf32>
    %get3A_555 = arith.constant 24 : i32
    %get3A_556 = arith.index_cast %get3A_555 : i32 to index
    %get3A_557 = arith.constant 112 : index
    %get3A_558 = tpu.vector_load %arg6[%get3A_556, %get3A_557] {strides = array<i32>} : memref<32x128xf32, #tpu.memory_space<vmem>>, vector<1x16xf32>,
    %get3A_559 = vector.shape_cast %get3A_558 : vector<1x16xf32> to vector<16xf32>
    %parallel_loop3A_560 = arith.constant 0 : i32
    %parallel_loop3A_561 = arith.constant 128 : i32
    %parallel_loop3A_562 = arith.constant 1 : i32
    scf.for %parallel_loop3A_688 = %parallel_loop3A_560 to %parallel_loop3A_561 step %parallel_loop3A_562  : i32 {
      %parallel_loop3A_689 = arith.constant 128 : i32
      %parallel_loop3A_690 = arith.addi %parallel_loop3A_689, %parallel_loop3A_688 : i32
      %parallel_loop3A_691 = arith.index_cast %parallel_loop3A_690 : i32 to index
      %parallel_loop3A_692 = arith.constant 0 : index
      %parallel_loop3A_693 = tpu.vector_load %arg5[%parallel_loop3A_691, %parallel_loop3A_692] {strides = array<i32>} : memref<256x128xf32, #tpu.memory_space<vmem>>, vector<1x16xf32>,
      %parallel_loop3A_694 = vector.shape_cast %parallel_loop3A_693 : vector<1x16xf32> to vector<16xf32>
      %parallel_loop3A_695 = arith.addf %parallel_loop3A_694, %get3A_484 : vector<16xf32>
      %parallel_loop3A_696 = arith.constant 2 : i32
      %parallel_loop3A_697 = arith.index_cast %parallel_loop3A_696 : i32 to index
      %parallel_loop3A_698 = arith.index_cast %parallel_loop3A_688 : i32 to index
      %parallel_loop3A_699 = arith.constant 0 : index
      %parallel_loop3A_700 = tpu.vector_load %arg7[%parallel_loop3A_697, %parallel_loop3A_698, %parallel_loop3A_699] {strides = array<i32>} : memref<4x128x128xf32, #tpu.memory_space<vmem>>, vector<1x1x16xf32>,
      %parallel_loop3A_701 = vector.shape_cast %parallel_loop3A_700 : vector<1x1x16xf32> to vector<16xf32>
      %parallel_loop3A_702 = vector.shape_cast %parallel_loop3A_695 : vector<16xf32> to vector<1x1x16xf32>
      tpu.vector_store %arg7[%parallel_loop3A_697, %parallel_loop3A_698, %parallel_loop3A_699], %parallel_loop3A_702 {strides = array<i32>} : memref<4x128x128xf32, #tpu.memory_space<vmem>>, vector<1x1x16xf32>,
      %parallel_loop3A_703 = arith.addf %parallel_loop3A_694, %get3A_524 : vector<16xf32>
      %parallel_loop3A_704 = arith.constant 3 : i32
      %parallel_loop3A_705 = arith.index_cast %parallel_loop3A_704 : i32 to index
      %parallel_loop3A_706 = arith.index_cast %parallel_loop3A_688 : i32 to index
      %parallel_loop3A_707 = arith.constant 0 : index
      %parallel_loop3A_708 = tpu.vector_load %arg7[%parallel_loop3A_705, %parallel_loop3A_706, %parallel_loop3A_707] {strides = array<i32>} : memref<4x128x128xf32, #tpu.memory_space<vmem>>, vector<1x1x16xf32>,
      %parallel_loop3A_709 = vector.shape_cast %parallel_loop3A_708 : vector<1x1x16xf32> to vector<16xf32>
      %parallel_loop3A_710 = vector.shape_cast %parallel_loop3A_703 : vector<16xf32> to vector<1x1x16xf32>
      tpu.vector_store %arg7[%parallel_loop3A_705, %parallel_loop3A_706, %parallel_loop3A_707], %parallel_loop3A_710 {strides = array<i32>} : memref<4x128x128xf32, #tpu.memory_space<vmem>>, vector<1x1x16xf32>,
      %parallel_loop3A_711 = arith.constant 128 : i32
      %parallel_loop3A_712 = arith.addi %parallel_loop3A_711, %parallel_loop3A_688 : i32
      %parallel_loop3A_713 = arith.index_cast %parallel_loop3A_712 : i32 to index
      %parallel_loop3A_714 = arith.constant 16 : index
      %parallel_loop3A_715 = tpu.vector_load %arg5[%parallel_loop3A_713, %parallel_loop3A_714] {strides = array<i32>} : memref<256x128xf32, #tpu.memory_space<vmem>>, vector<1x16xf32>,
      %parallel_loop3A_716 = vector.shape_cast %parallel_loop3A_715 : vector<1x16xf32> to vector<16xf32>
      %parallel_loop3A_717 = arith.addf %parallel_loop3A_716, %get3A_489 : vector<16xf32>
      %parallel_loop3A_718 = arith.constant 2 : i32
      %parallel_loop3A_719 = arith.index_cast %parallel_loop3A_718 : i32 to index
      %parallel_loop3A_720 = arith.index_cast %parallel_loop3A_688 : i32 to index
      %parallel_loop3A_721 = arith.constant 16 : index
      %parallel_loop3A_722 = tpu.vector_load %arg7[%parallel_loop3A_719, %parallel_loop3A_720, %parallel_loop3A_721] {strides = array<i32>} : memref<4x128x128xf32, #tpu.memory_space<vmem>>, vector<1x1x16xf32>,
      %parallel_loop3A_723 = vector.shape_cast %parallel_loop3A_722 : vector<1x1x16xf32> to vector<16xf32>
      %parallel_loop3A_724 = vector.shape_cast %parallel_loop3A_717 : vector<16xf32> to vector<1x1x16xf32>
      tpu.vector_store %arg7[%parallel_loop3A_719, %parallel_loop3A_720, %parallel_loop3A_721], %parallel_loop3A_724 {strides = array<i32>} : memref<4x128x128xf32, #tpu.memory_space<vmem>>, vector<1x1x16xf32>,
      %parallel_loop3A_725 = arith.addf %parallel_loop3A_716, %get3A_529 : vector<16xf32>
      %parallel_loop3A_726 = arith.constant 3 : i32
      %parallel_loop3A_727 = arith.index_cast %parallel_loop3A_726 : i32 to index
      %parallel_loop3A_728 = arith.index_cast %parallel_loop3A_688 : i32 to index
      %parallel_loop3A_729 = arith.constant 16 : index
      %parallel_loop3A_730 = tpu.vector_load %arg7[%parallel_loop3A_727, %parallel_loop3A_728, %parallel_loop3A_729] {strides = array<i32>} : memref<4x128x128xf32, #tpu.memory_space<vmem>>, vector<1x1x16xf32>,
      %parallel_loop3A_731 = vector.shape_cast %parallel_loop3A_730 : vector<1x1x16xf32> to vector<16xf32>
      %parallel_loop3A_732 = vector.shape_cast %parallel_loop3A_725 : vector<16xf32> to vector<1x1x16xf32>
      tpu.vector_store %arg7[%parallel_loop3A_727, %parallel_loop3A_728, %parallel_loop3A_729], %parallel_loop3A_732 {strides = array<i32>} : memref<4x128x128xf32, #tpu.memory_space<vmem>>, vector<1x1x16xf32>,
      %parallel_loop3A_733 = arith.constant 128 : i32
      %parallel_loop3A_734 = arith.addi %parallel_loop3A_733, %parallel_loop3A_688 : i32
      %parallel_loop3A_735 = arith.index_cast %parallel_loop3A_734 : i32 to index
      %parallel_loop3A_736 = arith.constant 32 : index
      %parallel_loop3A_737 = tpu.vector_load %arg5[%parallel_loop3A_735, %parallel_loop3A_736] {strides = array<i32>} : memref<256x128xf32, #tpu.memory_space<vmem>>, vector<1x16xf32>,
      %parallel_loop3A_738 = vector.shape_cast %parallel_loop3A_737 : vector<1x16xf32> to vector<16xf32>
      %parallel_loop3A_739 = arith.addf %parallel_loop3A_738, %get3A_494 : vector<16xf32>
      %parallel_loop3A_740 = arith.constant 2 : i32
      %parallel_loop3A_741 = arith.index_cast %parallel_loop3A_740 : i32 to index
      %parallel_loop3A_742 = arith.index_cast %parallel_loop3A_688 : i32 to index
      %parallel_loop3A_743 = arith.constant 32 : index
      %parallel_loop3A_744 = tpu.vector_load %arg7[%parallel_loop3A_741, %parallel_loop3A_742, %parallel_loop3A_743] {strides = array<i32>} : memref<4x128x128xf32, #tpu.memory_space<vmem>>, vector<1x1x16xf32>,
      %parallel_loop3A_745 = vector.shape_cast %parallel_loop3A_744 : vector<1x1x16xf32> to vector<16xf32>
      %parallel_loop3A_746 = vector.shape_cast %parallel_loop3A_739 : vector<16xf32> to vector<1x1x16xf32>
      tpu.vector_store %arg7[%parallel_loop3A_741, %parallel_loop3A_742, %parallel_loop3A_743], %parallel_loop3A_746 {strides = array<i32>} : memref<4x128x128xf32, #tpu.memory_space<vmem>>, vector<1x1x16xf32>,
      %parallel_loop3A_747 = arith.addf %parallel_loop3A_738, %get3A_534 : vector<16xf32>
      %parallel_loop3A_748 = arith.constant 3 : i32
      %parallel_loop3A_749 = arith.index_cast %parallel_loop3A_748 : i32 to index
      %parallel_loop3A_750 = arith.index_cast %parallel_loop3A_688 : i32 to index
      %parallel_loop3A_751 = arith.constant 32 : index
      %parallel_loop3A_752 = tpu.vector_load %arg7[%parallel_loop3A_749, %parallel_loop3A_750, %parallel_loop3A_751] {strides = array<i32>} : memref<4x128x128xf32, #tpu.memory_space<vmem>>, vector<1x1x16xf32>,
      %parallel_loop3A_753 = vector.shape_cast %parallel_loop3A_752 : vector<1x1x16xf32> to vector<16xf32>
      %parallel_loop3A_754 = vector.shape_cast %parallel_loop3A_747 : vector<16xf32> to vector<1x1x16xf32>
      tpu.vector_store %arg7[%parallel_loop3A_749, %parallel_loop3A_750, %parallel_loop3A_751], %parallel_loop3A_754 {strides = array<i32>} : memref<4x128x128xf32, #tpu.memory_space<vmem>>, vector<1x1x16xf32>,
      %parallel_loop3A_755 = arith.constant 128 : i32
      %parallel_loop3A_756 = arith.addi %parallel_loop3A_755, %parallel_loop3A_688 : i32
      %parallel_loop3A_757 = arith.index_cast %parallel_loop3A_756 : i32 to index
      %parallel_loop3A_758 = arith.constant 48 : index
      %parallel_loop3A_759 = tpu.vector_load %arg5[%parallel_loop3A_757, %parallel_loop3A_758] {strides = array<i32>} : memref<256x128xf32, #tpu.memory_space<vmem>>, vector<1x16xf32>,
      %parallel_loop3A_760 = vector.shape_cast %parallel_loop3A_759 : vector<1x16xf32> to vector<16xf32>
      %parallel_loop3A_761 = arith.addf %parallel_loop3A_760, %get3A_499 : vector<16xf32>
      %parallel_loop3A_762 = arith.constant 2 : i32
      %parallel_loop3A_763 = arith.index_cast %parallel_loop3A_762 : i32 to index
      %parallel_loop3A_764 = arith.index_cast %parallel_loop3A_688 : i32 to index
      %parallel_loop3A_765 = arith.constant 48 : index
      %parallel_loop3A_766 = tpu.vector_load %arg7[%parallel_loop3A_763, %parallel_loop3A_764, %parallel_loop3A_765] {strides = array<i32>} : memref<4x128x128xf32, #tpu.memory_space<vmem>>, vector<1x1x16xf32>,
      %parallel_loop3A_767 = vector.shape_cast %parallel_loop3A_766 : vector<1x1x16xf32> to vector<16xf32>
      %parallel_loop3A_768 = vector.shape_cast %parallel_loop3A_761 : vector<16xf32> to vector<1x1x16xf32>
      tpu.vector_store %arg7[%parallel_loop3A_763, %parallel_loop3A_764, %parallel_loop3A_765], %parallel_loop3A_768 {strides = array<i32>} : memref<4x128x128xf32, #tpu.memory_space<vmem>>, vector<1x1x16xf32>,
      %parallel_loop3A_769 = arith.addf %parallel_loop3A_760, %get3A_539 : vector<16xf32>
      %parallel_loop3A_770 = arith.constant 3 : i32
      %parallel_loop3A_771 = arith.index_cast %parallel_loop3A_770 : i32 to index
      %parallel_loop3A_772 = arith.index_cast %parallel_loop3A_688 : i32 to index
      %parallel_loop3A_773 = arith.constant 48 : index
      %parallel_loop3A_774 = tpu.vector_load %arg7[%parallel_loop3A_771, %parallel_loop3A_772, %parallel_loop3A_773] {strides = array<i32>} : memref<4x128x128xf32, #tpu.memory_space<vmem>>, vector<1x1x16xf32>,
      %parallel_loop3A_775 = vector.shape_cast %parallel_loop3A_774 : vector<1x1x16xf32> to vector<16xf32>
      %parallel_loop3A_776 = vector.shape_cast %parallel_loop3A_769 : vector<16xf32> to vector<1x1x16xf32>
      tpu.vector_store %arg7[%parallel_loop3A_771, %parallel_loop3A_772, %parallel_loop3A_773], %parallel_loop3A_776 {strides = array<i32>} : memref<4x128x128xf32, #tpu.memory_space<vmem>>, vector<1x1x16xf32>,
      %parallel_loop3A_777 = arith.constant 128 : i32
      %parallel_loop3A_778 = arith.addi %parallel_loop3A_777, %parallel_loop3A_688 : i32
      %parallel_loop3A_779 = arith.index_cast %parallel_loop3A_778 : i32 to index
      %parallel_loop3A_780 = arith.constant 64 : index
      %parallel_loop3A_781 = tpu.vector_load %arg5[%parallel_loop3A_779, %parallel_loop3A_780] {strides = array<i32>} : memref<256x128xf32, #tpu.memory_space<vmem>>, vector<1x16xf32>,
      %parallel_loop3A_782 = vector.shape_cast %parallel_loop3A_781 : vector<1x16xf32> to vector<16xf32>
      %parallel_loop3A_783 = arith.addf %parallel_loop3A_782, %get3A_504 : vector<16xf32>
      %parallel_loop3A_784 = arith.constant 2 : i32
      %parallel_loop3A_785 = arith.index_cast %parallel_loop3A_784 : i32 to index
      %parallel_loop3A_786 = arith.index_cast %parallel_loop3A_688 : i32 to index
      %parallel_loop3A_787 = arith.constant 64 : index
      %parallel_loop3A_788 = tpu.vector_load %arg7[%parallel_loop3A_785, %parallel_loop3A_786, %parallel_loop3A_787] {strides = array<i32>} : memref<4x128x128xf32, #tpu.memory_space<vmem>>, vector<1x1x16xf32>,
      %parallel_loop3A_789 = vector.shape_cast %parallel_loop3A_788 : vector<1x1x16xf32> to vector<16xf32>
      %parallel_loop3A_790 = vector.shape_cast %parallel_loop3A_783 : vector<16xf32> to vector<1x1x16xf32>
      tpu.vector_store %arg7[%parallel_loop3A_785, %parallel_loop3A_786, %parallel_loop3A_787], %parallel_loop3A_790 {strides = array<i32>} : memref<4x128x128xf32, #tpu.memory_space<vmem>>, vector<1x1x16xf32>,
      %parallel_loop3A_791 = arith.addf %parallel_loop3A_782, %get3A_544 : vector<16xf32>
      %parallel_loop3A_792 = arith.constant 3 : i32
      %parallel_loop3A_793 = arith.index_cast %parallel_loop3A_792 : i32 to index
      %parallel_loop3A_794 = arith.index_cast %parallel_loop3A_688 : i32 to index
      %parallel_loop3A_795 = arith.constant 64 : index
      %parallel_loop3A_796 = tpu.vector_load %arg7[%parallel_loop3A_793, %parallel_loop3A_794, %parallel_loop3A_795] {strides = array<i32>} : memref<4x128x128xf32, #tpu.memory_space<vmem>>, vector<1x1x16xf32>,
      %parallel_loop3A_797 = vector.shape_cast %parallel_loop3A_796 : vector<1x1x16xf32> to vector<16xf32>
      %parallel_loop3A_798 = vector.shape_cast %parallel_loop3A_791 : vector<16xf32> to vector<1x1x16xf32>
      tpu.vector_store %arg7[%parallel_loop3A_793, %parallel_loop3A_794, %parallel_loop3A_795], %parallel_loop3A_798 {strides = array<i32>} : memref<4x128x128xf32, #tpu.memory_space<vmem>>, vector<1x1x16xf32>,
      %parallel_loop3A_799 = arith.constant 128 : i32
      %parallel_loop3A_800 = arith.addi %parallel_loop3A_799, %parallel_loop3A_688 : i32
      %parallel_loop3A_801 = arith.index_cast %parallel_loop3A_800 : i32 to index
      %parallel_loop3A_802 = arith.constant 80 : index
      %parallel_loop3A_803 = tpu.vector_load %arg5[%parallel_loop3A_801, %parallel_loop3A_802] {strides = array<i32>} : memref<256x128xf32, #tpu.memory_space<vmem>>, vector<1x16xf32>,
      %parallel_loop3A_804 = vector.shape_cast %parallel_loop3A_803 : vector<1x16xf32> to vector<16xf32>
      %parallel_loop3A_805 = arith.addf %parallel_loop3A_804, %get3A_509 : vector<16xf32>
      %parallel_loop3A_806 = arith.constant 2 : i32
      %parallel_loop3A_807 = arith.index_cast %parallel_loop3A_806 : i32 to index
      %parallel_loop3A_808 = arith.index_cast %parallel_loop3A_688 : i32 to index
      %parallel_loop3A_809 = arith.constant 80 : index
      %parallel_loop3A_810 = tpu.vector_load %arg7[%parallel_loop3A_807, %parallel_loop3A_808, %parallel_loop3A_809] {strides = array<i32>} : memref<4x128x128xf32, #tpu.memory_space<vmem>>, vector<1x1x16xf32>,
      %parallel_loop3A_811 = vector.shape_cast %parallel_loop3A_810 : vector<1x1x16xf32> to vector<16xf32>
      %parallel_loop3A_812 = vector.shape_cast %parallel_loop3A_805 : vector<16xf32> to vector<1x1x16xf32>
      tpu.vector_store %arg7[%parallel_loop3A_807, %parallel_loop3A_808, %parallel_loop3A_809], %parallel_loop3A_812 {strides = array<i32>} : memref<4x128x128xf32, #tpu.memory_space<vmem>>, vector<1x1x16xf32>,
      %parallel_loop3A_813 = arith.addf %parallel_loop3A_804, %get3A_549 : vector<16xf32>
      %parallel_loop3A_814 = arith.constant 3 : i32
      %parallel_loop3A_815 = arith.index_cast %parallel_loop3A_814 : i32 to index
      %parallel_loop3A_816 = arith.index_cast %parallel_loop3A_688 : i32 to index
      %parallel_loop3A_817 = arith.constant 80 : index
      %parallel_loop3A_818 = tpu.vector_load %arg7[%parallel_loop3A_815, %parallel_loop3A_816, %parallel_loop3A_817] {strides = array<i32>} : memref<4x128x128xf32, #tpu.memory_space<vmem>>, vector<1x1x16xf32>,
      %parallel_loop3A_819 = vector.shape_cast %parallel_loop3A_818 : vector<1x1x16xf32> to vector<16xf32>
      %parallel_loop3A_820 = vector.shape_cast %parallel_loop3A_813 : vector<16xf32> to vector<1x1x16xf32>
      tpu.vector_store %arg7[%parallel_loop3A_815, %parallel_loop3A_816, %parallel_loop3A_817], %parallel_loop3A_820 {strides = array<i32>} : memref<4x128x128xf32, #tpu.memory_space<vmem>>, vector<1x1x16xf32>,
      %parallel_loop3A_821 = arith.constant 128 : i32
      %parallel_loop3A_822 = arith.addi %parallel_loop3A_821, %parallel_loop3A_688 : i32
      %parallel_loop3A_823 = arith.index_cast %parallel_loop3A_822 : i32 to index
      %parallel_loop3A_824 = arith.constant 96 : index
      %parallel_loop3A_825 = tpu.vector_load %arg5[%parallel_loop3A_823, %parallel_loop3A_824] {strides = array<i32>} : memref<256x128xf32, #tpu.memory_space<vmem>>, vector<1x16xf32>,
      %parallel_loop3A_826 = vector.shape_cast %parallel_loop3A_825 : vector<1x16xf32> to vector<16xf32>
      %parallel_loop3A_827 = arith.addf %parallel_loop3A_826, %get3A_514 : vector<16xf32>
      %parallel_loop3A_828 = arith.constant 2 : i32
      %parallel_loop3A_829 = arith.index_cast %parallel_loop3A_828 : i32 to index
      %parallel_loop3A_830 = arith.index_cast %parallel_loop3A_688 : i32 to index
      %parallel_loop3A_831 = arith.constant 96 : index
      %parallel_loop3A_832 = tpu.vector_load %arg7[%parallel_loop3A_829, %parallel_loop3A_830, %parallel_loop3A_831] {strides = array<i32>} : memref<4x128x128xf32, #tpu.memory_space<vmem>>, vector<1x1x16xf32>,
      %parallel_loop3A_833 = vector.shape_cast %parallel_loop3A_832 : vector<1x1x16xf32> to vector<16xf32>
      %parallel_loop3A_834 = vector.shape_cast %parallel_loop3A_827 : vector<16xf32> to vector<1x1x16xf32>
      tpu.vector_store %arg7[%parallel_loop3A_829, %parallel_loop3A_830, %parallel_loop3A_831], %parallel_loop3A_834 {strides = array<i32>} : memref<4x128x128xf32, #tpu.memory_space<vmem>>, vector<1x1x16xf32>,
      %parallel_loop3A_835 = arith.addf %parallel_loop3A_826, %get3A_554 : vector<16xf32>
      %parallel_loop3A_836 = arith.constant 3 : i32
      %parallel_loop3A_837 = arith.index_cast %parallel_loop3A_836 : i32 to index
      %parallel_loop3A_838 = arith.index_cast %parallel_loop3A_688 : i32 to index
      %parallel_loop3A_839 = arith.constant 96 : index
      %parallel_loop3A_840 = tpu.vector_load %arg7[%parallel_loop3A_837, %parallel_loop3A_838, %parallel_loop3A_839] {strides = array<i32>} : memref<4x128x128xf32, #tpu.memory_space<vmem>>, vector<1x1x16xf32>,
      %parallel_loop3A_841 = vector.shape_cast %parallel_loop3A_840 : vector<1x1x16xf32> to vector<16xf32>
      %parallel_loop3A_842 = vector.shape_cast %parallel_loop3A_835 : vector<16xf32> to vector<1x1x16xf32>
      tpu.vector_store %arg7[%parallel_loop3A_837, %parallel_loop3A_838, %parallel_loop3A_839], %parallel_loop3A_842 {strides = array<i32>} : memref<4x128x128xf32, #tpu.memory_space<vmem>>, vector<1x1x16xf32>,
      %parallel_loop3A_843 = arith.constant 128 : i32
      %parallel_loop3A_844 = arith.addi %parallel_loop3A_843, %parallel_loop3A_688 : i32
      %parallel_loop3A_845 = arith.index_cast %parallel_loop3A_844 : i32 to index
      %parallel_loop3A_846 = arith.constant 112 : index
      %parallel_loop3A_847 = tpu.vector_load %arg5[%parallel_loop3A_845, %parallel_loop3A_846] {strides = array<i32>} : memref<256x128xf32, #tpu.memory_space<vmem>>, vector<1x16xf32>,
      %parallel_loop3A_848 = vector.shape_cast %parallel_loop3A_847 : vector<1x16xf32> to vector<16xf32>
      %parallel_loop3A_849 = arith.addf %parallel_loop3A_848, %get3A_519 : vector<16xf32>
      %parallel_loop3A_850 = arith.constant 2 : i32
      %parallel_loop3A_851 = arith.index_cast %parallel_loop3A_850 : i32 to index
      %parallel_loop3A_852 = arith.index_cast %parallel_loop3A_688 : i32 to index
      %parallel_loop3A_853 = arith.constant 112 : index
      %parallel_loop3A_854 = tpu.vector_load %arg7[%parallel_loop3A_851, %parallel_loop3A_852, %parallel_loop3A_853] {strides = array<i32>} : memref<4x128x128xf32, #tpu.memory_space<vmem>>, vector<1x1x16xf32>,
      %parallel_loop3A_855 = vector.shape_cast %parallel_loop3A_854 : vector<1x1x16xf32> to vector<16xf32>
      %parallel_loop3A_856 = vector.shape_cast %parallel_loop3A_849 : vector<16xf32> to vector<1x1x16xf32>
      tpu.vector_store %arg7[%parallel_loop3A_851, %parallel_loop3A_852, %parallel_loop3A_853], %parallel_loop3A_856 {strides = array<i32>} : memref<4x128x128xf32, #tpu.memory_space<vmem>>, vector<1x1x16xf32>,
      %parallel_loop3A_857 = arith.addf %parallel_loop3A_848, %get3A_559 : vector<16xf32>
      %parallel_loop3A_858 = arith.constant 3 : i32
      %parallel_loop3A_859 = arith.index_cast %parallel_loop3A_858 : i32 to index
      %parallel_loop3A_860 = arith.index_cast %parallel_loop3A_688 : i32 to index
      %parallel_loop3A_861 = arith.constant 112 : index
      %parallel_loop3A_862 = tpu.vector_load %arg7[%parallel_loop3A_859, %parallel_loop3A_860, %parallel_loop3A_861] {strides = array<i32>} : memref<4x128x128xf32, #tpu.memory_space<vmem>>, vector<1x1x16xf32>,
      %parallel_loop3A_863 = vector.shape_cast %parallel_loop3A_862 : vector<1x1x16xf32> to vector<16xf32>
      %parallel_loop3A_864 = vector.shape_cast %parallel_loop3A_857 : vector<16xf32> to vector<1x1x16xf32>
      tpu.vector_store %arg7[%parallel_loop3A_859, %parallel_loop3A_860, %parallel_loop3A_861], %parallel_loop3A_864 {strides = array<i32>} : memref<4x128x128xf32, #tpu.memory_space<vmem>>, vector<1x1x16xf32>,
    } {sc.loop_unroll_factor = 2 : i64, sc.parallel_access}
    %add3A_563 = arith.constant 16 : i32
    %add3A_564 = arith.addi %mul3A_32, %add3A_563 : i32
    %mul3A_565 = arith.constant 2048 : i32
    %mul3A_566 = arith.muli %add3A_564, %mul3A_565 : i32
    %add3A_567 = arith.addi %mul3A_566, %mul3A_34 : i32
    %add3A_568 = arith.constant 128 : i32
    %add3A_569 = arith.addi %add3A_567, %add3A_568 : i32
    %dma_start3A_570 = arith.constant 2 : i32
    %dma_start3A_571 = arith.constant 0 : i32
    %dma_start3A_572 = arith.constant 0 : i32
    %dma_start3A_573 = tpu.memref_slice %arg7[%dma_start3A_570, %dma_start3A_571, %dma_start3A_572] : memref<4x128x128xf32, #tpu.memory_space<vmem>> -> memref<1x128x128xf32, #tpu.memory_space<vmem>>
    %dma_start3A_574 = tpu.memref_squeeze %dma_start3A_573 : memref<1x128x128xf32, #tpu.memory_space<vmem>> -> memref<128x128xf32, #tpu.memory_space<vmem>>
    %dma_start3A_575 = arith.constant 0 : i32
    %dma_start3A_576 = tpu.memref_slice %arg4[%add3A_569, %dma_start3A_575] : memref<262144x128xf32, #tpu.memory_space<hbm>> -> memref<128x128xf32, #tpu.memory_space<hbm>>
    %dma_start3A_577 = arith.constant 0 : i32
    %dma_start3A_578 = tpu.memref_slice %arg4[%add3A_569, %dma_start3A_577] : memref<262144x128xf32, #tpu.memory_space<hbm>> -> memref<128x128xf32, #tpu.memory_space<hbm>>
    %dma_start3A_579 = arith.constant 0 : i32
    %dma_start3A_580 = arith.constant 0 : i32
    %dma_start3A_581 = tpu.memref_slice %arg7[%dma_start3A_570, %dma_start3A_579, %dma_start3A_580] : memref<4x128x128xf32, #tpu.memory_space<vmem>> -> memref<1x128x128xf32, #tpu.memory_space<vmem>>
    %dma_start3A_582 = tpu.memref_squeeze %dma_start3A_581 : memref<1x128x128xf32, #tpu.memory_space<vmem>> -> memref<128x128xf32, #tpu.memory_space<vmem>>
    tpu.enqueue_dma source(%dma_start3A_582 : memref<128x128xf32, #tpu.memory_space<vmem>>) target(%dma_start3A_578 : memref<128x128xf32, #tpu.memory_space<hbm>>) target_semaphore(%arg10 : memref<!tpu.dma_semaphore, #tpu.memory_space<semaphore_mem>>)
    %add3A_583 = arith.constant 24 : i32
    %add3A_584 = arith.addi %mul3A_32, %add3A_583 : i32
    %mul3A_585 = arith.constant 2048 : i32
    %mul3A_586 = arith.muli %add3A_584, %mul3A_585 : i32
    %add3A_587 = arith.addi %mul3A_586, %mul3A_34 : i32
    %add3A_588 = arith.constant 128 : i32
    %add3A_589 = arith.addi %add3A_587, %add3A_588 : i32
    %dma_start3A_590 = arith.constant 3 : i32
    %dma_start3A_591 = arith.constant 0 : i32
    %dma_start3A_592 = arith.constant 0 : i32
    %dma_start3A_593 = tpu.memref_slice %arg7[%dma_start3A_590, %dma_start3A_591, %dma_start3A_592] : memref<4x128x128xf32, #tpu.memory_space<vmem>> -> memref<1x128x128xf32, #tpu.memory_space<vmem>>
    %dma_start3A_594 = tpu.memref_squeeze %dma_start3A_593 : memref<1x128x128xf32, #tpu.memory_space<vmem>> -> memref<128x128xf32, #tpu.memory_space<vmem>>
    %dma_start3A_595 = arith.constant 0 : i32
    %dma_start3A_596 = tpu.memref_slice %arg4[%add3A_589, %dma_start3A_595] : memref<262144x128xf32, #tpu.memory_space<hbm>> -> memref<128x128xf32, #tpu.memory_space<hbm>>
    %dma_start3A_597 = arith.constant 0 : i32
    %dma_start3A_598 = tpu.memref_slice %arg4[%add3A_589, %dma_start3A_597] : memref<262144x128xf32, #tpu.memory_space<hbm>> -> memref<128x128xf32, #tpu.memory_space<hbm>>
    %dma_start3A_599 = arith.constant 0 : i32
    %dma_start3A_600 = arith.constant 0 : i32
    %dma_start3A_601 = tpu.memref_slice %arg7[%dma_start3A_590, %dma_start3A_599, %dma_start3A_600] : memref<4x128x128xf32, #tpu.memory_space<vmem>> -> memref<1x128x128xf32, #tpu.memory_space<vmem>>
    %dma_start3A_602 = tpu.memref_squeeze %dma_start3A_601 : memref<1x128x128xf32, #tpu.memory_space<vmem>> -> memref<128x128xf32, #tpu.memory_space<vmem>>
    tpu.enqueue_dma source(%dma_start3A_602 : memref<128x128xf32, #tpu.memory_space<vmem>>) target(%dma_start3A_598 : memref<128x128xf32, #tpu.memory_space<hbm>>) target_semaphore(%arg11 : memref<!tpu.dma_semaphore, #tpu.memory_space<semaphore_mem>>)
    %scan3A = arith.constant 0 : i32
    %scan3A_603 = arith.constant 1 : i32
    %scan3A_604 = arith.constant 7 : i32
    %scan3A_605 = arith.addi %scan3A_603, %scan3A_604 : i32
    %scan3A_606 = arith.constant 1 : i32
    scf.for %scan3A_688 = %scan3A_603 to %scan3A_605 step %scan3A_606  : i32 {
      %add3A_689 = arith.constant 0 : i32
      %add3A_690 = arith.addi %scan3A_688, %add3A_689 : i32
      %add3A_691 = arith.addi %mul3A_32, %add3A_690 : i32
      %mul3A_692 = arith.constant 2048 : i32
      %mul3A_693 = arith.muli %add3A_691, %mul3A_692 : i32
      %add3A_694 = arith.addi %mul3A_693, %mul3A_34 : i32
      %add3A_695 = arith.constant 0 : i32
      %add3A_696 = arith.addi %add3A_694, %add3A_695 : i32
      %dma_wait3A_697 = arith.constant 0 : i32
      %dma_wait3A_698 = arith.constant 0 : i32
      %dma_wait3A_699 = arith.constant 0 : i32
      %dma_wait3A_700 = tpu.memref_slice %arg7[%dma_wait3A_697, %dma_wait3A_698, %dma_wait3A_699] : memref<4x128x128xf32, #tpu.memory_space<vmem>> -> memref<1x128x128xf32, #tpu.memory_space<vmem>>
      %dma_wait3A_701 = tpu.memref_squeeze %dma_wait3A_700 : memref<1x128x128xf32, #tpu.memory_space<vmem>> -> memref<128x128xf32, #tpu.memory_space<vmem>>
      %dma_wait3A_702 = arith.constant 0 : i32
      %dma_wait3A_703 = tpu.memref_slice %arg4[%add3A_696, %dma_wait3A_702] : memref<262144x128xf32, #tpu.memory_space<hbm>> -> memref<128x128xf32, #tpu.memory_space<hbm>>
      %dma_wait3A_704 = arith.constant 0 : i32
      %dma_wait3A_705 = tpu.memref_slice %arg4[%add3A_696, %dma_wait3A_704] : memref<262144x128xf32, #tpu.memory_space<hbm>> -> memref<128x128xf32, #tpu.memory_space<hbm>>
      %dma_wait3A_706 = arith.constant 0 : i32
      %dma_wait3A_707 = arith.constant 0 : i32
      %dma_wait3A_708 = tpu.memref_slice %arg7[%dma_wait3A_697, %dma_wait3A_706, %dma_wait3A_707] : memref<4x128x128xf32, #tpu.memory_space<vmem>> -> memref<1x128x128xf32, #tpu.memory_space<vmem>>
      %dma_wait3A_709 = tpu.memref_squeeze %dma_wait3A_708 : memref<1x128x128xf32, #tpu.memory_space<vmem>> -> memref<128x128xf32, #tpu.memory_space<vmem>>
      tpu.wait_dma2 semaphore(%arg8 : memref<!tpu.dma_semaphore, #tpu.memory_space<semaphore_mem>>) src(%dma_wait3A_709 : memref<128x128xf32, #tpu.memory_space<vmem>>) dst(%dma_wait3A_705 : memref<128x128xf32, #tpu.memory_space<hbm>>)
      %add3A_710 = arith.constant 8 : i32
      %add3A_711 = arith.addi %scan3A_688, %add3A_710 : i32
      %add3A_712 = arith.addi %mul3A_32, %add3A_711 : i32
      %mul3A_713 = arith.constant 2048 : i32
      %mul3A_714 = arith.muli %add3A_712, %mul3A_713 : i32
      %add3A_715 = arith.addi %mul3A_714, %mul3A_34 : i32
      %add3A_716 = arith.constant 0 : i32
      %add3A_717 = arith.addi %add3A_715, %add3A_716 : i32
      %dma_wait3A_718 = arith.constant 1 : i32
      %dma_wait3A_719 = arith.constant 0 : i32
      %dma_wait3A_720 = arith.constant 0 : i32
      %dma_wait3A_721 = tpu.memref_slice %arg7[%dma_wait3A_718, %dma_wait3A_719, %dma_wait3A_720] : memref<4x128x128xf32, #tpu.memory_space<vmem>> -> memref<1x128x128xf32, #tpu.memory_space<vmem>>
      %dma_wait3A_722 = tpu.memref_squeeze %dma_wait3A_721 : memref<1x128x128xf32, #tpu.memory_space<vmem>> -> memref<128x128xf32, #tpu.memory_space<vmem>>
      %dma_wait3A_723 = arith.constant 0 : i32
      %dma_wait3A_724 = tpu.memref_slice %arg4[%add3A_717, %dma_wait3A_723] : memref<262144x128xf32, #tpu.memory_space<hbm>> -> memref<128x128xf32, #tpu.memory_space<hbm>>
      %dma_wait3A_725 = arith.constant 0 : i32
      %dma_wait3A_726 = tpu.memref_slice %arg4[%add3A_717, %dma_wait3A_725] : memref<262144x128xf32, #tpu.memory_space<hbm>> -> memref<128x128xf32, #tpu.memory_space<hbm>>
      %dma_wait3A_727 = arith.constant 0 : i32
      %dma_wait3A_728 = arith.constant 0 : i32
      %dma_wait3A_729 = tpu.memref_slice %arg7[%dma_wait3A_718, %dma_wait3A_727, %dma_wait3A_728] : memref<4x128x128xf32, #tpu.memory_space<vmem>> -> memref<1x128x128xf32, #tpu.memory_space<vmem>>
      %dma_wait3A_730 = tpu.memref_squeeze %dma_wait3A_729 : memref<1x128x128xf32, #tpu.memory_space<vmem>> -> memref<128x128xf32, #tpu.memory_space<vmem>>
      tpu.wait_dma2 semaphore(%arg9 : memref<!tpu.dma_semaphore, #tpu.memory_space<semaphore_mem>>) src(%dma_wait3A_730 : memref<128x128xf32, #tpu.memory_space<vmem>>) dst(%dma_wait3A_726 : memref<128x128xf32, #tpu.memory_space<hbm>>)
      %add3A_731 = arith.constant 0 : i32
      %add3A_732 = arith.addi %scan3A_688, %add3A_731 : i32
      %get3A_733 = arith.index_cast %add3A_732 : i32 to index
      %get3A_734 = arith.constant 0 : index
      %get3A_735 = tpu.vector_load %arg6[%get3A_733, %get3A_734] {strides = array<i32>} : memref<32x128xf32, #tpu.memory_space<vmem>>, vector<1x16xf32>,
      %get3A_736 = vector.shape_cast %get3A_735 : vector<1x16xf32> to vector<16xf32>
      %add3A_737 = arith.constant 0 : i32
      %add3A_738 = arith.addi %scan3A_688, %add3A_737 : i32
      %get3A_739 = arith.index_cast %add3A_738 : i32 to index
      %get3A_740 = arith.constant 16 : index
      %get3A_741 = tpu.vector_load %arg6[%get3A_739, %get3A_740] {strides = array<i32>} : memref<32x128xf32, #tpu.memory_space<vmem>>, vector<1x16xf32>,
      %get3A_742 = vector.shape_cast %get3A_741 : vector<1x16xf32> to vector<16xf32>
      %add3A_743 = arith.constant 0 : i32
      %add3A_744 = arith.addi %scan3A_688, %add3A_743 : i32
      %get3A_745 = arith.index_cast %add3A_744 : i32 to index
      %get3A_746 = arith.constant 32 : index
      %get3A_747 = tpu.vector_load %arg6[%get3A_745, %get3A_746] {strides = array<i32>} : memref<32x128xf32, #tpu.memory_space<vmem>>, vector<1x16xf32>,
      %get3A_748 = vector.shape_cast %get3A_747 : vector<1x16xf32> to vector<16xf32>
      %add3A_749 = arith.constant 0 : i32
      %add3A_750 = arith.addi %scan3A_688, %add3A_749 : i32
      %get3A_751 = arith.index_cast %add3A_750 : i32 to index
      %get3A_752 = arith.constant 48 : index
      %get3A_753 = tpu.vector_load %arg6[%get3A_751, %get3A_752] {strides = array<i32>} : memref<32x128xf32, #tpu.memory_space<vmem>>, vector<1x16xf32>,
      %get3A_754 = vector.shape_cast %get3A_753 : vector<1x16xf32> to vector<16xf32>
      %add3A_755 = arith.constant 0 : i32
      %add3A_756 = arith.addi %scan3A_688, %add3A_755 : i32
      %get3A_757 = arith.index_cast %add3A_756 : i32 to index
      %get3A_758 = arith.constant 64 : index
      %get3A_759 = tpu.vector_load %arg6[%get3A_757, %get3A_758] {strides = array<i32>} : memref<32x128xf32, #tpu.memory_space<vmem>>, vector<1x16xf32>,
      %get3A_760 = vector.shape_cast %get3A_759 : vector<1x16xf32> to vector<16xf32>
      %add3A_761 = arith.constant 0 : i32
      %add3A_762 = arith.addi %scan3A_688, %add3A_761 : i32
      %get3A_763 = arith.index_cast %add3A_762 : i32 to index
      %get3A_764 = arith.constant 80 : index
      %get3A_765 = tpu.vector_load %arg6[%get3A_763, %get3A_764] {strides = array<i32>} : memref<32x128xf32, #tpu.memory_space<vmem>>, vector<1x16xf32>,
      %get3A_766 = vector.shape_cast %get3A_765 : vector<1x16xf32> to vector<16xf32>
      %add3A_767 = arith.constant 0 : i32
      %add3A_768 = arith.addi %scan3A_688, %add3A_767 : i32
      %get3A_769 = arith.index_cast %add3A_768 : i32 to index
      %get3A_770 = arith.constant 96 : index
      %get3A_771 = tpu.vector_load %arg6[%get3A_769, %get3A_770] {strides = array<i32>} : memref<32x128xf32, #tpu.memory_space<vmem>>, vector<1x16xf32>,
      %get3A_772 = vector.shape_cast %get3A_771 : vector<1x16xf32> to vector<16xf32>
      %add3A_773 = arith.constant 0 : i32
      %add3A_774 = arith.addi %scan3A_688, %add3A_773 : i32
      %get3A_775 = arith.index_cast %add3A_774 : i32 to index
      %get3A_776 = arith.constant 112 : index
      %get3A_777 = tpu.vector_load %arg6[%get3A_775, %get3A_776] {strides = array<i32>} : memref<32x128xf32, #tpu.memory_space<vmem>>, vector<1x16xf32>,
      %get3A_778 = vector.shape_cast %get3A_777 : vector<1x16xf32> to vector<16xf32>
      %add3A_779 = arith.constant 8 : i32
      %add3A_780 = arith.addi %scan3A_688, %add3A_779 : i32
      %get3A_781 = arith.index_cast %add3A_780 : i32 to index
      %get3A_782 = arith.constant 0 : index
      %get3A_783 = tpu.vector_load %arg6[%get3A_781, %get3A_782] {strides = array<i32>} : memref<32x128xf32, #tpu.memory_space<vmem>>, vector<1x16xf32>,
      %get3A_784 = vector.shape_cast %get3A_783 : vector<1x16xf32> to vector<16xf32>
      %add3A_785 = arith.constant 8 : i32
      %add3A_786 = arith.addi %scan3A_688, %add3A_785 : i32
      %get3A_787 = arith.index_cast %add3A_786 : i32 to index
      %get3A_788 = arith.constant 16 : index
      %get3A_789 = tpu.vector_load %arg6[%get3A_787, %get3A_788] {strides = array<i32>} : memref<32x128xf32, #tpu.memory_space<vmem>>, vector<1x16xf32>,
      %get3A_790 = vector.shape_cast %get3A_789 : vector<1x16xf32> to vector<16xf32>
      %add3A_791 = arith.constant 8 : i32
      %add3A_792 = arith.addi %scan3A_688, %add3A_791 : i32
      %get3A_793 = arith.index_cast %add3A_792 : i32 to index
      %get3A_794 = arith.constant 32 : index
      %get3A_795 = tpu.vector_load %arg6[%get3A_793, %get3A_794] {strides = array<i32>} : memref<32x128xf32, #tpu.memory_space<vmem>>, vector<1x16xf32>,
      %get3A_796 = vector.shape_cast %get3A_795 : vector<1x16xf32> to vector<16xf32>
      %add3A_797 = arith.constant 8 : i32
      %add3A_798 = arith.addi %scan3A_688, %add3A_797 : i32
      %get3A_799 = arith.index_cast %add3A_798 : i32 to index
      %get3A_800 = arith.constant 48 : index
      %get3A_801 = tpu.vector_load %arg6[%get3A_799, %get3A_800] {strides = array<i32>} : memref<32x128xf32, #tpu.memory_space<vmem>>, vector<1x16xf32>,
      %get3A_802 = vector.shape_cast %get3A_801 : vector<1x16xf32> to vector<16xf32>
      %add3A_803 = arith.constant 8 : i32
      %add3A_804 = arith.addi %scan3A_688, %add3A_803 : i32
      %get3A_805 = arith.index_cast %add3A_804 : i32 to index
      %get3A_806 = arith.constant 64 : index
      %get3A_807 = tpu.vector_load %arg6[%get3A_805, %get3A_806] {strides = array<i32>} : memref<32x128xf32, #tpu.memory_space<vmem>>, vector<1x16xf32>,
      %get3A_808 = vector.shape_cast %get3A_807 : vector<1x16xf32> to vector<16xf32>
      %add3A_809 = arith.constant 8 : i32
      %add3A_810 = arith.addi %scan3A_688, %add3A_809 : i32
      %get3A_811 = arith.index_cast %add3A_810 : i32 to index
      %get3A_812 = arith.constant 80 : index
      %get3A_813 = tpu.vector_load %arg6[%get3A_811, %get3A_812] {strides = array<i32>} : memref<32x128xf32, #tpu.memory_space<vmem>>, vector<1x16xf32>,
      %get3A_814 = vector.shape_cast %get3A_813 : vector<1x16xf32> to vector<16xf32>
      %add3A_815 = arith.constant 8 : i32
      %add3A_816 = arith.addi %scan3A_688, %add3A_815 : i32
      %get3A_817 = arith.index_cast %add3A_816 : i32 to index
      %get3A_818 = arith.constant 96 : index
      %get3A_819 = tpu.vector_load %arg6[%get3A_817, %get3A_818] {strides = array<i32>} : memref<32x128xf32, #tpu.memory_space<vmem>>, vector<1x16xf32>,
      %get3A_820 = vector.shape_cast %get3A_819 : vector<1x16xf32> to vector<16xf32>
      %add3A_821 = arith.constant 8 : i32
      %add3A_822 = arith.addi %scan3A_688, %add3A_821 : i32
      %get3A_823 = arith.index_cast %add3A_822 : i32 to index
      %get3A_824 = arith.constant 112 : index
      %get3A_825 = tpu.vector_load %arg6[%get3A_823, %get3A_824] {strides = array<i32>} : memref<32x128xf32, #tpu.memory_space<vmem>>, vector<1x16xf32>,
      %get3A_826 = vector.shape_cast %get3A_825 : vector<1x16xf32> to vector<16xf32>
      %parallel_loop3A_827 = arith.constant 0 : i32
      %parallel_loop3A_828 = arith.constant 128 : i32
      %parallel_loop3A_829 = arith.constant 1 : i32
      scf.for %parallel_loop3A_1421 = %parallel_loop3A_827 to %parallel_loop3A_828 step %parallel_loop3A_829  : i32 {
        %parallel_loop3A_1422 = arith.constant 0 : i32
        %parallel_loop3A_1423 = arith.addi %parallel_loop3A_1422, %parallel_loop3A_1421 : i32
        %parallel_loop3A_1424 = arith.index_cast %parallel_loop3A_1423 : i32 to index
        %parallel_loop3A_1425 = arith.constant 0 : index
        %parallel_loop3A_1426 = tpu.vector_load %arg5[%parallel_loop3A_1424, %parallel_loop3A_1425] {strides = array<i32>} : memref<256x128xf32, #tpu.memory_space<vmem>>, vector<1x16xf32>,
        %parallel_loop3A_1427 = vector.shape_cast %parallel_loop3A_1426 : vector<1x16xf32> to vector<16xf32>
        %parallel_loop3A_1428 = arith.addf %parallel_loop3A_1427, %get3A_736 : vector<16xf32>
        %parallel_loop3A_1429 = arith.constant 0 : i32
        %parallel_loop3A_1430 = arith.index_cast %parallel_loop3A_1429 : i32 to index
        %parallel_loop3A_1431 = arith.index_cast %parallel_loop3A_1421 : i32 to index
        %parallel_loop3A_1432 = arith.constant 0 : index
        %parallel_loop3A_1433 = tpu.vector_load %arg7[%parallel_loop3A_1430, %parallel_loop3A_1431, %parallel_loop3A_1432] {strides = array<i32>} : memref<4x128x128xf32, #tpu.memory_space<vmem>>, vector<1x1x16xf32>,
        %parallel_loop3A_1434 = vector.shape_cast %parallel_loop3A_1433 : vector<1x1x16xf32> to vector<16xf32>
        %parallel_loop3A_1435 = vector.shape_cast %parallel_loop3A_1428 : vector<16xf32> to vector<1x1x16xf32>
        tpu.vector_store %arg7[%parallel_loop3A_1430, %parallel_loop3A_1431, %parallel_loop3A_1432], %parallel_loop3A_1435 {strides = array<i32>} : memref<4x128x128xf32, #tpu.memory_space<vmem>>, vector<1x1x16xf32>,
        %parallel_loop3A_1436 = arith.addf %parallel_loop3A_1427, %get3A_784 : vector<16xf32>
        %parallel_loop3A_1437 = arith.constant 1 : i32
        %parallel_loop3A_1438 = arith.index_cast %parallel_loop3A_1437 : i32 to index
        %parallel_loop3A_1439 = arith.index_cast %parallel_loop3A_1421 : i32 to index
        %parallel_loop3A_1440 = arith.constant 0 : index
        %parallel_loop3A_1441 = tpu.vector_load %arg7[%parallel_loop3A_1438, %parallel_loop3A_1439, %parallel_loop3A_1440] {strides = array<i32>} : memref<4x128x128xf32, #tpu.memory_space<vmem>>, vector<1x1x16xf32>,
        %parallel_loop3A_1442 = vector.shape_cast %parallel_loop3A_1441 : vector<1x1x16xf32> to vector<16xf32>
        %parallel_loop3A_1443 = vector.shape_cast %parallel_loop3A_1436 : vector<16xf32> to vector<1x1x16xf32>
        tpu.vector_store %arg7[%parallel_loop3A_1438, %parallel_loop3A_1439, %parallel_loop3A_1440], %parallel_loop3A_1443 {strides = array<i32>} : memref<4x128x128xf32, #tpu.memory_space<vmem>>, vector<1x1x16xf32>,
        %parallel_loop3A_1444 = arith.constant 0 : i32
        %parallel_loop3A_1445 = arith.addi %parallel_loop3A_1444, %parallel_loop3A_1421 : i32
        %parallel_loop3A_1446 = arith.index_cast %parallel_loop3A_1445 : i32 to index
        %parallel_loop3A_1447 = arith.constant 16 : index
        %parallel_loop3A_1448 = tpu.vector_load %arg5[%parallel_loop3A_1446, %parallel_loop3A_1447] {strides = array<i32>} : memref<256x128xf32, #tpu.memory_space<vmem>>, vector<1x16xf32>,
        %parallel_loop3A_1449 = vector.shape_cast %parallel_loop3A_1448 : vector<1x16xf32> to vector<16xf32>
        %parallel_loop3A_1450 = arith.addf %parallel_loop3A_1449, %get3A_742 : vector<16xf32>
        %parallel_loop3A_1451 = arith.constant 0 : i32
        %parallel_loop3A_1452 = arith.index_cast %parallel_loop3A_1451 : i32 to index
        %parallel_loop3A_1453 = arith.index_cast %parallel_loop3A_1421 : i32 to index
        %parallel_loop3A_1454 = arith.constant 16 : index
        %parallel_loop3A_1455 = tpu.vector_load %arg7[%parallel_loop3A_1452, %parallel_loop3A_1453, %parallel_loop3A_1454] {strides = array<i32>} : memref<4x128x128xf32, #tpu.memory_space<vmem>>, vector<1x1x16xf32>,
        %parallel_loop3A_1456 = vector.shape_cast %parallel_loop3A_1455 : vector<1x1x16xf32> to vector<16xf32>
        %parallel_loop3A_1457 = vector.shape_cast %parallel_loop3A_1450 : vector<16xf32> to vector<1x1x16xf32>
        tpu.vector_store %arg7[%parallel_loop3A_1452, %parallel_loop3A_1453, %parallel_loop3A_1454], %parallel_loop3A_1457 {strides = array<i32>} : memref<4x128x128xf32, #tpu.memory_space<vmem>>, vector<1x1x16xf32>,
        %parallel_loop3A_1458 = arith.addf %parallel_loop3A_1449, %get3A_790 : vector<16xf32>
        %parallel_loop3A_1459 = arith.constant 1 : i32
        %parallel_loop3A_1460 = arith.index_cast %parallel_loop3A_1459 : i32 to index
        %parallel_loop3A_1461 = arith.index_cast %parallel_loop3A_1421 : i32 to index
        %parallel_loop3A_1462 = arith.constant 16 : index
        %parallel_loop3A_1463 = tpu.vector_load %arg7[%parallel_loop3A_1460, %parallel_loop3A_1461, %parallel_loop3A_1462] {strides = array<i32>} : memref<4x128x128xf32, #tpu.memory_space<vmem>>, vector<1x1x16xf32>,
        %parallel_loop3A_1464 = vector.shape_cast %parallel_loop3A_1463 : vector<1x1x16xf32> to vector<16xf32>
        %parallel_loop3A_1465 = vector.shape_cast %parallel_loop3A_1458 : vector<16xf32> to vector<1x1x16xf32>
        tpu.vector_store %arg7[%parallel_loop3A_1460, %parallel_loop3A_1461, %parallel_loop3A_1462], %parallel_loop3A_1465 {strides = array<i32>} : memref<4x128x128xf32, #tpu.memory_space<vmem>>, vector<1x1x16xf32>,
        %parallel_loop3A_1466 = arith.constant 0 : i32
        %parallel_loop3A_1467 = arith.addi %parallel_loop3A_1466, %parallel_loop3A_1421 : i32
        %parallel_loop3A_1468 = arith.index_cast %parallel_loop3A_1467 : i32 to index
        %parallel_loop3A_1469 = arith.constant 32 : index
        %parallel_loop3A_1470 = tpu.vector_load %arg5[%parallel_loop3A_1468, %parallel_loop3A_1469] {strides = array<i32>} : memref<256x128xf32, #tpu.memory_space<vmem>>, vector<1x16xf32>,
        %parallel_loop3A_1471 = vector.shape_cast %parallel_loop3A_1470 : vector<1x16xf32> to vector<16xf32>
        %parallel_loop3A_1472 = arith.addf %parallel_loop3A_1471, %get3A_748 : vector<16xf32>
        %parallel_loop3A_1473 = arith.constant 0 : i32
        %parallel_loop3A_1474 = arith.index_cast %parallel_loop3A_1473 : i32 to index
        %parallel_loop3A_1475 = arith.index_cast %parallel_loop3A_1421 : i32 to index
        %parallel_loop3A_1476 = arith.constant 32 : index
        %parallel_loop3A_1477 = tpu.vector_load %arg7[%parallel_loop3A_1474, %parallel_loop3A_1475, %parallel_loop3A_1476] {strides = array<i32>} : memref<4x128x128xf32, #tpu.memory_space<vmem>>, vector<1x1x16xf32>,
        %parallel_loop3A_1478 = vector.shape_cast %parallel_loop3A_1477 : vector<1x1x16xf32> to vector<16xf32>
        %parallel_loop3A_1479 = vector.shape_cast %parallel_loop3A_1472 : vector<16xf32> to vector<1x1x16xf32>
        tpu.vector_store %arg7[%parallel_loop3A_1474, %parallel_loop3A_1475, %parallel_loop3A_1476], %parallel_loop3A_1479 {strides = array<i32>} : memref<4x128x128xf32, #tpu.memory_space<vmem>>, vector<1x1x16xf32>,
        %parallel_loop3A_1480 = arith.addf %parallel_loop3A_1471, %get3A_796 : vector<16xf32>
        %parallel_loop3A_1481 = arith.constant 1 : i32
        %parallel_loop3A_1482 = arith.index_cast %parallel_loop3A_1481 : i32 to index
        %parallel_loop3A_1483 = arith.index_cast %parallel_loop3A_1421 : i32 to index
        %parallel_loop3A_1484 = arith.constant 32 : index
        %parallel_loop3A_1485 = tpu.vector_load %arg7[%parallel_loop3A_1482, %parallel_loop3A_1483, %parallel_loop3A_1484] {strides = array<i32>} : memref<4x128x128xf32, #tpu.memory_space<vmem>>, vector<1x1x16xf32>,
        %parallel_loop3A_1486 = vector.shape_cast %parallel_loop3A_1485 : vector<1x1x16xf32> to vector<16xf32>
        %parallel_loop3A_1487 = vector.shape_cast %parallel_loop3A_1480 : vector<16xf32> to vector<1x1x16xf32>
        tpu.vector_store %arg7[%parallel_loop3A_1482, %parallel_loop3A_1483, %parallel_loop3A_1484], %parallel_loop3A_1487 {strides = array<i32>} : memref<4x128x128xf32, #tpu.memory_space<vmem>>, vector<1x1x16xf32>,
        %parallel_loop3A_1488 = arith.constant 0 : i32
        %parallel_loop3A_1489 = arith.addi %parallel_loop3A_1488, %parallel_loop3A_1421 : i32
        %parallel_loop3A_1490 = arith.index_cast %parallel_loop3A_1489 : i32 to index
        %parallel_loop3A_1491 = arith.constant 48 : index
        %parallel_loop3A_1492 = tpu.vector_load %arg5[%parallel_loop3A_1490, %parallel_loop3A_1491] {strides = array<i32>} : memref<256x128xf32, #tpu.memory_space<vmem>>, vector<1x16xf32>,
        %parallel_loop3A_1493 = vector.shape_cast %parallel_loop3A_1492 : vector<1x16xf32> to vector<16xf32>
        %parallel_loop3A_1494 = arith.addf %parallel_loop3A_1493, %get3A_754 : vector<16xf32>
        %parallel_loop3A_1495 = arith.constant 0 : i32
        %parallel_loop3A_1496 = arith.index_cast %parallel_loop3A_1495 : i32 to index
        %parallel_loop3A_1497 = arith.index_cast %parallel_loop3A_1421 : i32 to index
        %parallel_loop3A_1498 = arith.constant 48 : index
        %parallel_loop3A_1499 = tpu.vector_load %arg7[%parallel_loop3A_1496, %parallel_loop3A_1497, %parallel_loop3A_1498] {strides = array<i32>} : memref<4x128x128xf32, #tpu.memory_space<vmem>>, vector<1x1x16xf32>,
        %parallel_loop3A_1500 = vector.shape_cast %parallel_loop3A_1499 : vector<1x1x16xf32> to vector<16xf32>
        %parallel_loop3A_1501 = vector.shape_cast %parallel_loop3A_1494 : vector<16xf32> to vector<1x1x16xf32>
        tpu.vector_store %arg7[%parallel_loop3A_1496, %parallel_loop3A_1497, %parallel_loop3A_1498], %parallel_loop3A_1501 {strides = array<i32>} : memref<4x128x128xf32, #tpu.memory_space<vmem>>, vector<1x1x16xf32>,
        %parallel_loop3A_1502 = arith.addf %parallel_loop3A_1493, %get3A_802 : vector<16xf32>
        %parallel_loop3A_1503 = arith.constant 1 : i32
        %parallel_loop3A_1504 = arith.index_cast %parallel_loop3A_1503 : i32 to index
        %parallel_loop3A_1505 = arith.index_cast %parallel_loop3A_1421 : i32 to index
        %parallel_loop3A_1506 = arith.constant 48 : index
        %parallel_loop3A_1507 = tpu.vector_load %arg7[%parallel_loop3A_1504, %parallel_loop3A_1505, %parallel_loop3A_1506] {strides = array<i32>} : memref<4x128x128xf32, #tpu.memory_space<vmem>>, vector<1x1x16xf32>,
        %parallel_loop3A_1508 = vector.shape_cast %parallel_loop3A_1507 : vector<1x1x16xf32> to vector<16xf32>
        %parallel_loop3A_1509 = vector.shape_cast %parallel_loop3A_1502 : vector<16xf32> to vector<1x1x16xf32>
        tpu.vector_store %arg7[%parallel_loop3A_1504, %parallel_loop3A_1505, %parallel_loop3A_1506], %parallel_loop3A_1509 {strides = array<i32>} : memref<4x128x128xf32, #tpu.memory_space<vmem>>, vector<1x1x16xf32>,
        %parallel_loop3A_1510 = arith.constant 0 : i32
        %parallel_loop3A_1511 = arith.addi %parallel_loop3A_1510, %parallel_loop3A_1421 : i32
        %parallel_loop3A_1512 = arith.index_cast %parallel_loop3A_1511 : i32 to index
        %parallel_loop3A_1513 = arith.constant 64 : index
        %parallel_loop3A_1514 = tpu.vector_load %arg5[%parallel_loop3A_1512, %parallel_loop3A_1513] {strides = array<i32>} : memref<256x128xf32, #tpu.memory_space<vmem>>, vector<1x16xf32>,
        %parallel_loop3A_1515 = vector.shape_cast %parallel_loop3A_1514 : vector<1x16xf32> to vector<16xf32>
        %parallel_loop3A_1516 = arith.addf %parallel_loop3A_1515, %get3A_760 : vector<16xf32>
        %parallel_loop3A_1517 = arith.constant 0 : i32
        %parallel_loop3A_1518 = arith.index_cast %parallel_loop3A_1517 : i32 to index
        %parallel_loop3A_1519 = arith.index_cast %parallel_loop3A_1421 : i32 to index
        %parallel_loop3A_1520 = arith.constant 64 : index
        %parallel_loop3A_1521 = tpu.vector_load %arg7[%parallel_loop3A_1518, %parallel_loop3A_1519, %parallel_loop3A_1520] {strides = array<i32>} : memref<4x128x128xf32, #tpu.memory_space<vmem>>, vector<1x1x16xf32>,
        %parallel_loop3A_1522 = vector.shape_cast %parallel_loop3A_1521 : vector<1x1x16xf32> to vector<16xf32>
        %parallel_loop3A_1523 = vector.shape_cast %parallel_loop3A_1516 : vector<16xf32> to vector<1x1x16xf32>
        tpu.vector_store %arg7[%parallel_loop3A_1518, %parallel_loop3A_1519, %parallel_loop3A_1520], %parallel_loop3A_1523 {strides = array<i32>} : memref<4x128x128xf32, #tpu.memory_space<vmem>>, vector<1x1x16xf32>,
        %parallel_loop3A_1524 = arith.addf %parallel_loop3A_1515, %get3A_808 : vector<16xf32>
        %parallel_loop3A_1525 = arith.constant 1 : i32
        %parallel_loop3A_1526 = arith.index_cast %parallel_loop3A_1525 : i32 to index
        %parallel_loop3A_1527 = arith.index_cast %parallel_loop3A_1421 : i32 to index
        %parallel_loop3A_1528 = arith.constant 64 : index
        %parallel_loop3A_1529 = tpu.vector_load %arg7[%parallel_loop3A_1526, %parallel_loop3A_1527, %parallel_loop3A_1528] {strides = array<i32>} : memref<4x128x128xf32, #tpu.memory_space<vmem>>, vector<1x1x16xf32>,
        %parallel_loop3A_1530 = vector.shape_cast %parallel_loop3A_1529 : vector<1x1x16xf32> to vector<16xf32>
        %parallel_loop3A_1531 = vector.shape_cast %parallel_loop3A_1524 : vector<16xf32> to vector<1x1x16xf32>
        tpu.vector_store %arg7[%parallel_loop3A_1526, %parallel_loop3A_1527, %parallel_loop3A_1528], %parallel_loop3A_1531 {strides = array<i32>} : memref<4x128x128xf32, #tpu.memory_space<vmem>>, vector<1x1x16xf32>,
        %parallel_loop3A_1532 = arith.constant 0 : i32
        %parallel_loop3A_1533 = arith.addi %parallel_loop3A_1532, %parallel_loop3A_1421 : i32
        %parallel_loop3A_1534 = arith.index_cast %parallel_loop3A_1533 : i32 to index
        %parallel_loop3A_1535 = arith.constant 80 : index
        %parallel_loop3A_1536 = tpu.vector_load %arg5[%parallel_loop3A_1534, %parallel_loop3A_1535] {strides = array<i32>} : memref<256x128xf32, #tpu.memory_space<vmem>>, vector<1x16xf32>,
        %parallel_loop3A_1537 = vector.shape_cast %parallel_loop3A_1536 : vector<1x16xf32> to vector<16xf32>
        %parallel_loop3A_1538 = arith.addf %parallel_loop3A_1537, %get3A_766 : vector<16xf32>
        %parallel_loop3A_1539 = arith.constant 0 : i32
        %parallel_loop3A_1540 = arith.index_cast %parallel_loop3A_1539 : i32 to index
        %parallel_loop3A_1541 = arith.index_cast %parallel_loop3A_1421 : i32 to index
        %parallel_loop3A_1542 = arith.constant 80 : index
        %parallel_loop3A_1543 = tpu.vector_load %arg7[%parallel_loop3A_1540, %parallel_loop3A_1541, %parallel_loop3A_1542] {strides = array<i32>} : memref<4x128x128xf32, #tpu.memory_space<vmem>>, vector<1x1x16xf32>,
        %parallel_loop3A_1544 = vector.shape_cast %parallel_loop3A_1543 : vector<1x1x16xf32> to vector<16xf32>
        %parallel_loop3A_1545 = vector.shape_cast %parallel_loop3A_1538 : vector<16xf32> to vector<1x1x16xf32>
        tpu.vector_store %arg7[%parallel_loop3A_1540, %parallel_loop3A_1541, %parallel_loop3A_1542], %parallel_loop3A_1545 {strides = array<i32>} : memref<4x128x128xf32, #tpu.memory_space<vmem>>, vector<1x1x16xf32>,
        %parallel_loop3A_1546 = arith.addf %parallel_loop3A_1537, %get3A_814 : vector<16xf32>
        %parallel_loop3A_1547 = arith.constant 1 : i32
        %parallel_loop3A_1548 = arith.index_cast %parallel_loop3A_1547 : i32 to index
        %parallel_loop3A_1549 = arith.index_cast %parallel_loop3A_1421 : i32 to index
        %parallel_loop3A_1550 = arith.constant 80 : index
        %parallel_loop3A_1551 = tpu.vector_load %arg7[%parallel_loop3A_1548, %parallel_loop3A_1549, %parallel_loop3A_1550] {strides = array<i32>} : memref<4x128x128xf32, #tpu.memory_space<vmem>>, vector<1x1x16xf32>,
        %parallel_loop3A_1552 = vector.shape_cast %parallel_loop3A_1551 : vector<1x1x16xf32> to vector<16xf32>
        %parallel_loop3A_1553 = vector.shape_cast %parallel_loop3A_1546 : vector<16xf32> to vector<1x1x16xf32>
        tpu.vector_store %arg7[%parallel_loop3A_1548, %parallel_loop3A_1549, %parallel_loop3A_1550], %parallel_loop3A_1553 {strides = array<i32>} : memref<4x128x128xf32, #tpu.memory_space<vmem>>, vector<1x1x16xf32>,
        %parallel_loop3A_1554 = arith.constant 0 : i32
        %parallel_loop3A_1555 = arith.addi %parallel_loop3A_1554, %parallel_loop3A_1421 : i32
        %parallel_loop3A_1556 = arith.index_cast %parallel_loop3A_1555 : i32 to index
        %parallel_loop3A_1557 = arith.constant 96 : index
        %parallel_loop3A_1558 = tpu.vector_load %arg5[%parallel_loop3A_1556, %parallel_loop3A_1557] {strides = array<i32>} : memref<256x128xf32, #tpu.memory_space<vmem>>, vector<1x16xf32>,
        %parallel_loop3A_1559 = vector.shape_cast %parallel_loop3A_1558 : vector<1x16xf32> to vector<16xf32>
        %parallel_loop3A_1560 = arith.addf %parallel_loop3A_1559, %get3A_772 : vector<16xf32>
        %parallel_loop3A_1561 = arith.constant 0 : i32
        %parallel_loop3A_1562 = arith.index_cast %parallel_loop3A_1561 : i32 to index
        %parallel_loop3A_1563 = arith.index_cast %parallel_loop3A_1421 : i32 to index
        %parallel_loop3A_1564 = arith.constant 96 : index
        %parallel_loop3A_1565 = tpu.vector_load %arg7[%parallel_loop3A_1562, %parallel_loop3A_1563, %parallel_loop3A_1564] {strides = array<i32>} : memref<4x128x128xf32, #tpu.memory_space<vmem>>, vector<1x1x16xf32>,
        %parallel_loop3A_1566 = vector.shape_cast %parallel_loop3A_1565 : vector<1x1x16xf32> to vector<16xf32>
        %parallel_loop3A_1567 = vector.shape_cast %parallel_loop3A_1560 : vector<16xf32> to vector<1x1x16xf32>
        tpu.vector_store %arg7[%parallel_loop3A_1562, %parallel_loop3A_1563, %parallel_loop3A_1564], %parallel_loop3A_1567 {strides = array<i32>} : memref<4x128x128xf32, #tpu.memory_space<vmem>>, vector<1x1x16xf32>,
        %parallel_loop3A_1568 = arith.addf %parallel_loop3A_1559, %get3A_820 : vector<16xf32>
        %parallel_loop3A_1569 = arith.constant 1 : i32
        %parallel_loop3A_1570 = arith.index_cast %parallel_loop3A_1569 : i32 to index
        %parallel_loop3A_1571 = arith.index_cast %parallel_loop3A_1421 : i32 to index
        %parallel_loop3A_1572 = arith.constant 96 : index
        %parallel_loop3A_1573 = tpu.vector_load %arg7[%parallel_loop3A_1570, %parallel_loop3A_1571, %parallel_loop3A_1572] {strides = array<i32>} : memref<4x128x128xf32, #tpu.memory_space<vmem>>, vector<1x1x16xf32>,
        %parallel_loop3A_1574 = vector.shape_cast %parallel_loop3A_1573 : vector<1x1x16xf32> to vector<16xf32>
        %parallel_loop3A_1575 = vector.shape_cast %parallel_loop3A_1568 : vector<16xf32> to vector<1x1x16xf32>
        tpu.vector_store %arg7[%parallel_loop3A_1570, %parallel_loop3A_1571, %parallel_loop3A_1572], %parallel_loop3A_1575 {strides = array<i32>} : memref<4x128x128xf32, #tpu.memory_space<vmem>>, vector<1x1x16xf32>,
        %parallel_loop3A_1576 = arith.constant 0 : i32
        %parallel_loop3A_1577 = arith.addi %parallel_loop3A_1576, %parallel_loop3A_1421 : i32
        %parallel_loop3A_1578 = arith.index_cast %parallel_loop3A_1577 : i32 to index
        %parallel_loop3A_1579 = arith.constant 112 : index
        %parallel_loop3A_1580 = tpu.vector_load %arg5[%parallel_loop3A_1578, %parallel_loop3A_1579] {strides = array<i32>} : memref<256x128xf32, #tpu.memory_space<vmem>>, vector<1x16xf32>,
        %parallel_loop3A_1581 = vector.shape_cast %parallel_loop3A_1580 : vector<1x16xf32> to vector<16xf32>
        %parallel_loop3A_1582 = arith.addf %parallel_loop3A_1581, %get3A_778 : vector<16xf32>
        %parallel_loop3A_1583 = arith.constant 0 : i32
        %parallel_loop3A_1584 = arith.index_cast %parallel_loop3A_1583 : i32 to index
        %parallel_loop3A_1585 = arith.index_cast %parallel_loop3A_1421 : i32 to index
        %parallel_loop3A_1586 = arith.constant 112 : index
        %parallel_loop3A_1587 = tpu.vector_load %arg7[%parallel_loop3A_1584, %parallel_loop3A_1585, %parallel_loop3A_1586] {strides = array<i32>} : memref<4x128x128xf32, #tpu.memory_space<vmem>>, vector<1x1x16xf32>,
        %parallel_loop3A_1588 = vector.shape_cast %parallel_loop3A_1587 : vector<1x1x16xf32> to vector<16xf32>
        %parallel_loop3A_1589 = vector.shape_cast %parallel_loop3A_1582 : vector<16xf32> to vector<1x1x16xf32>
        tpu.vector_store %arg7[%parallel_loop3A_1584, %parallel_loop3A_1585, %parallel_loop3A_1586], %parallel_loop3A_1589 {strides = array<i32>} : memref<4x128x128xf32, #tpu.memory_space<vmem>>, vector<1x1x16xf32>,
        %parallel_loop3A_1590 = arith.addf %parallel_loop3A_1581, %get3A_826 : vector<16xf32>
        %parallel_loop3A_1591 = arith.constant 1 : i32
        %parallel_loop3A_1592 = arith.index_cast %parallel_loop3A_1591 : i32 to index
        %parallel_loop3A_1593 = arith.index_cast %parallel_loop3A_1421 : i32 to index
        %parallel_loop3A_1594 = arith.constant 112 : index
        %parallel_loop3A_1595 = tpu.vector_load %arg7[%parallel_loop3A_1592, %parallel_loop3A_1593, %parallel_loop3A_1594] {strides = array<i32>} : memref<4x128x128xf32, #tpu.memory_space<vmem>>, vector<1x1x16xf32>,
        %parallel_loop3A_1596 = vector.shape_cast %parallel_loop3A_1595 : vector<1x1x16xf32> to vector<16xf32>
        %parallel_loop3A_1597 = vector.shape_cast %parallel_loop3A_1590 : vector<16xf32> to vector<1x1x16xf32>
        tpu.vector_store %arg7[%parallel_loop3A_1592, %parallel_loop3A_1593, %parallel_loop3A_1594], %parallel_loop3A_1597 {strides = array<i32>} : memref<4x128x128xf32, #tpu.memory_space<vmem>>, vector<1x1x16xf32>,
      } {sc.loop_unroll_factor = 2 : i64, sc.parallel_access}
      %add3A_830 = arith.constant 0 : i32
      %add3A_831 = arith.addi %scan3A_688, %add3A_830 : i32
      %add3A_832 = arith.addi %mul3A_32, %add3A_831 : i32
      %mul3A_833 = arith.constant 2048 : i32
      %mul3A_834 = arith.muli %add3A_832, %mul3A_833 : i32
      %add3A_835 = arith.addi %mul3A_834, %mul3A_34 : i32
      %add3A_836 = arith.constant 0 : i32
      %add3A_837 = arith.addi %add3A_835, %add3A_836 : i32
      %dma_start3A_838 = arith.constant 0 : i32
      %dma_start3A_839 = arith.constant 0 : i32
      %dma_start3A_840 = arith.constant 0 : i32
      %dma_start3A_841 = tpu.memref_slice %arg7[%dma_start3A_838, %dma_start3A_839, %dma_start3A_840] : memref<4x128x128xf32, #tpu.memory_space<vmem>> -> memref<1x128x128xf32, #tpu.memory_space<vmem>>
      %dma_start3A_842 = tpu.memref_squeeze %dma_start3A_841 : memref<1x128x128xf32, #tpu.memory_space<vmem>> -> memref<128x128xf32, #tpu.memory_space<vmem>>
      %dma_start3A_843 = arith.constant 0 : i32
      %dma_start3A_844 = tpu.memref_slice %arg4[%add3A_837, %dma_start3A_843] : memref<262144x128xf32, #tpu.memory_space<hbm>> -> memref<128x128xf32, #tpu.memory_space<hbm>>
      %dma_start3A_845 = arith.constant 0 : i32
      %dma_start3A_846 = tpu.memref_slice %arg4[%add3A_837, %dma_start3A_845] : memref<262144x128xf32, #tpu.memory_space<hbm>> -> memref<128x128xf32, #tpu.memory_space<hbm>>
      %dma_start3A_847 = arith.constant 0 : i32
      %dma_start3A_848 = arith.constant 0 : i32
      %dma_start3A_849 = tpu.memref_slice %arg7[%dma_start3A_838, %dma_start3A_847, %dma_start3A_848] : memref<4x128x128xf32, #tpu.memory_space<vmem>> -> memref<1x128x128xf32, #tpu.memory_space<vmem>>
      %dma_start3A_850 = tpu.memref_squeeze %dma_start3A_849 : memref<1x128x128xf32, #tpu.memory_space<vmem>> -> memref<128x128xf32, #tpu.memory_space<vmem>>
      tpu.enqueue_dma source(%dma_start3A_850 : memref<128x128xf32, #tpu.memory_space<vmem>>) target(%dma_start3A_846 : memref<128x128xf32, #tpu.memory_space<hbm>>) target_semaphore(%arg8 : memref<!tpu.dma_semaphore, #tpu.memory_space<semaphore_mem>>)
      %add3A_851 = arith.constant 8 : i32
      %add3A_852 = arith.addi %scan3A_688, %add3A_851 : i32
      %add3A_853 = arith.addi %mul3A_32, %add3A_852 : i32
      %mul3A_854 = arith.constant 2048 : i32
      %mul3A_855 = arith.muli %add3A_853, %mul3A_854 : i32
      %add3A_856 = arith.addi %mul3A_855, %mul3A_34 : i32
      %add3A_857 = arith.constant 0 : i32
      %add3A_858 = arith.addi %add3A_856, %add3A_857 : i32
      %dma_start3A_859 = arith.constant 1 : i32
      %dma_start3A_860 = arith.constant 0 : i32
      %dma_start3A_861 = arith.constant 0 : i32
      %dma_start3A_862 = tpu.memref_slice %arg7[%dma_start3A_859, %dma_start3A_860, %dma_start3A_861] : memref<4x128x128xf32, #tpu.memory_space<vmem>> -> memref<1x128x128xf32, #tpu.memory_space<vmem>>
      %dma_start3A_863 = tpu.memref_squeeze %dma_start3A_862 : memref<1x128x128xf32, #tpu.memory_space<vmem>> -> memref<128x128xf32, #tpu.memory_space<vmem>>
      %dma_start3A_864 = arith.constant 0 : i32
      %dma_start3A_865 = tpu.memref_slice %arg4[%add3A_858, %dma_start3A_864] : memref<262144x128xf32, #tpu.memory_space<hbm>> -> memref<128x128xf32, #tpu.memory_space<hbm>>
      %dma_start3A_866 = arith.constant 0 : i32
      %dma_start3A_867 = tpu.memref_slice %arg4[%add3A_858, %dma_start3A_866] : memref<262144x128xf32, #tpu.memory_space<hbm>> -> memref<128x128xf32, #tpu.memory_space<hbm>>
      %dma_start3A_868 = arith.constant 0 : i32
      %dma_start3A_869 = arith.constant 0 : i32
      %dma_start3A_870 = tpu.memref_slice %arg7[%dma_start3A_859, %dma_start3A_868, %dma_start3A_869] : memref<4x128x128xf32, #tpu.memory_space<vmem>> -> memref<1x128x128xf32, #tpu.memory_space<vmem>>
      %dma_start3A_871 = tpu.memref_squeeze %dma_start3A_870 : memref<1x128x128xf32, #tpu.memory_space<vmem>> -> memref<128x128xf32, #tpu.memory_space<vmem>>
      tpu.enqueue_dma source(%dma_start3A_871 : memref<128x128xf32, #tpu.memory_space<vmem>>) target(%dma_start3A_867 : memref<128x128xf32, #tpu.memory_space<hbm>>) target_semaphore(%arg9 : memref<!tpu.dma_semaphore, #tpu.memory_space<semaphore_mem>>)
      %add3A_872 = arith.constant 16 : i32
      %add3A_873 = arith.addi %scan3A_688, %add3A_872 : i32
      %add3A_874 = arith.addi %mul3A_32, %add3A_873 : i32
      %mul3A_875 = arith.constant 2048 : i32
      %mul3A_876 = arith.muli %add3A_874, %mul3A_875 : i32
      %add3A_877 = arith.addi %mul3A_876, %mul3A_34 : i32
      %add3A_878 = arith.constant 0 : i32
      %add3A_879 = arith.addi %add3A_877, %add3A_878 : i32
      %dma_wait3A_880 = arith.constant 2 : i32
      %dma_wait3A_881 = arith.constant 0 : i32
      %dma_wait3A_882 = arith.constant 0 : i32
      %dma_wait3A_883 = tpu.memref_slice %arg7[%dma_wait3A_880, %dma_wait3A_881, %dma_wait3A_882] : memref<4x128x128xf32, #tpu.memory_space<vmem>> -> memref<1x128x128xf32, #tpu.memory_space<vmem>>
      %dma_wait3A_884 = tpu.memref_squeeze %dma_wait3A_883 : memref<1x128x128xf32, #tpu.memory_space<vmem>> -> memref<128x128xf32, #tpu.memory_space<vmem>>
      %dma_wait3A_885 = arith.constant 0 : i32
      %dma_wait3A_886 = tpu.memref_slice %arg4[%add3A_879, %dma_wait3A_885] : memref<262144x128xf32, #tpu.memory_space<hbm>> -> memref<128x128xf32, #tpu.memory_space<hbm>>
      %dma_wait3A_887 = arith.constant 0 : i32
      %dma_wait3A_888 = tpu.memref_slice %arg4[%add3A_879, %dma_wait3A_887] : memref<262144x128xf32, #tpu.memory_space<hbm>> -> memref<128x128xf32, #tpu.memory_space<hbm>>
      %dma_wait3A_889 = arith.constant 0 : i32
      %dma_wait3A_890 = arith.constant 0 : i32
      %dma_wait3A_891 = tpu.memref_slice %arg7[%dma_wait3A_880, %dma_wait3A_889, %dma_wait3A_890] : memref<4x128x128xf32, #tpu.memory_space<vmem>> -> memref<1x128x128xf32, #tpu.memory_space<vmem>>
      %dma_wait3A_892 = tpu.memref_squeeze %dma_wait3A_891 : memref<1x128x128xf32, #tpu.memory_space<vmem>> -> memref<128x128xf32, #tpu.memory_space<vmem>>
      tpu.wait_dma2 semaphore(%arg10 : memref<!tpu.dma_semaphore, #tpu.memory_space<semaphore_mem>>) src(%dma_wait3A_892 : memref<128x128xf32, #tpu.memory_space<vmem>>) dst(%dma_wait3A_888 : memref<128x128xf32, #tpu.memory_space<hbm>>)
      %add3A_893 = arith.constant 24 : i32
      %add3A_894 = arith.addi %scan3A_688, %add3A_893 : i32
      %add3A_895 = arith.addi %mul3A_32, %add3A_894 : i32
      %mul3A_896 = arith.constant 2048 : i32
      %mul3A_897 = arith.muli %add3A_895, %mul3A_896 : i32
      %add3A_898 = arith.addi %mul3A_897, %mul3A_34 : i32
      %add3A_899 = arith.constant 0 : i32
      %add3A_900 = arith.addi %add3A_898, %add3A_899 : i32
      %dma_wait3A_901 = arith.constant 3 : i32
      %dma_wait3A_902 = arith.constant 0 : i32
      %dma_wait3A_903 = arith.constant 0 : i32
      %dma_wait3A_904 = tpu.memref_slice %arg7[%dma_wait3A_901, %dma_wait3A_902, %dma_wait3A_903] : memref<4x128x128xf32, #tpu.memory_space<vmem>> -> memref<1x128x128xf32, #tpu.memory_space<vmem>>
      %dma_wait3A_905 = tpu.memref_squeeze %dma_wait3A_904 : memref<1x128x128xf32, #tpu.memory_space<vmem>> -> memref<128x128xf32, #tpu.memory_space<vmem>>
      %dma_wait3A_906 = arith.constant 0 : i32
      %dma_wait3A_907 = tpu.memref_slice %arg4[%add3A_900, %dma_wait3A_906] : memref<262144x128xf32, #tpu.memory_space<hbm>> -> memref<128x128xf32, #tpu.memory_space<hbm>>
      %dma_wait3A_908 = arith.constant 0 : i32
      %dma_wait3A_909 = tpu.memref_slice %arg4[%add3A_900, %dma_wait3A_908] : memref<262144x128xf32, #tpu.memory_space<hbm>> -> memref<128x128xf32, #tpu.memory_space<hbm>>
      %dma_wait3A_910 = arith.constant 0 : i32
      %dma_wait3A_911 = arith.constant 0 : i32
      %dma_wait3A_912 = tpu.memref_slice %arg7[%dma_wait3A_901, %dma_wait3A_910, %dma_wait3A_911] : memref<4x128x128xf32, #tpu.memory_space<vmem>> -> memref<1x128x128xf32, #tpu.memory_space<vmem>>
      %dma_wait3A_913 = tpu.memref_squeeze %dma_wait3A_912 : memref<1x128x128xf32, #tpu.memory_space<vmem>> -> memref<128x128xf32, #tpu.memory_space<vmem>>
      tpu.wait_dma2 semaphore(%arg11 : memref<!tpu.dma_semaphore, #tpu.memory_space<semaphore_mem>>) src(%dma_wait3A_913 : memref<128x128xf32, #tpu.memory_space<vmem>>) dst(%dma_wait3A_909 : memref<128x128xf32, #tpu.memory_space<hbm>>)
      %add3A_914 = arith.constant 16 : i32
      %add3A_915 = arith.addi %scan3A_688, %add3A_914 : i32
      %get3A_916 = arith.index_cast %add3A_915 : i32 to index
      %get3A_917 = arith.constant 0 : index
      %get3A_918 = tpu.vector_load %arg6[%get3A_916, %get3A_917] {strides = array<i32>} : memref<32x128xf32, #tpu.memory_space<vmem>>, vector<1x16xf32>,
      %get3A_919 = vector.shape_cast %get3A_918 : vector<1x16xf32> to vector<16xf32>
      %add3A_920 = arith.constant 16 : i32
      %add3A_921 = arith.addi %scan3A_688, %add3A_920 : i32
      %get3A_922 = arith.index_cast %add3A_921 : i32 to index
      %get3A_923 = arith.constant 16 : index
      %get3A_924 = tpu.vector_load %arg6[%get3A_922, %get3A_923] {strides = array<i32>} : memref<32x128xf32, #tpu.memory_space<vmem>>, vector<1x16xf32>,
      %get3A_925 = vector.shape_cast %get3A_924 : vector<1x16xf32> to vector<16xf32>
      %add3A_926 = arith.constant 16 : i32
      %add3A_927 = arith.addi %scan3A_688, %add3A_926 : i32
      %get3A_928 = arith.index_cast %add3A_927 : i32 to index
      %get3A_929 = arith.constant 32 : index
      %get3A_930 = tpu.vector_load %arg6[%get3A_928, %get3A_929] {strides = array<i32>} : memref<32x128xf32, #tpu.memory_space<vmem>>, vector<1x16xf32>,
      %get3A_931 = vector.shape_cast %get3A_930 : vector<1x16xf32> to vector<16xf32>
      %add3A_932 = arith.constant 16 : i32
      %add3A_933 = arith.addi %scan3A_688, %add3A_932 : i32
      %get3A_934 = arith.index_cast %add3A_933 : i32 to index
      %get3A_935 = arith.constant 48 : index
      %get3A_936 = tpu.vector_load %arg6[%get3A_934, %get3A_935] {strides = array<i32>} : memref<32x128xf32, #tpu.memory_space<vmem>>, vector<1x16xf32>,
      %get3A_937 = vector.shape_cast %get3A_936 : vector<1x16xf32> to vector<16xf32>
      %add3A_938 = arith.constant 16 : i32
      %add3A_939 = arith.addi %scan3A_688, %add3A_938 : i32
      %get3A_940 = arith.index_cast %add3A_939 : i32 to index
      %get3A_941 = arith.constant 64 : index
      %get3A_942 = tpu.vector_load %arg6[%get3A_940, %get3A_941] {strides = array<i32>} : memref<32x128xf32, #tpu.memory_space<vmem>>, vector<1x16xf32>,
      %get3A_943 = vector.shape_cast %get3A_942 : vector<1x16xf32> to vector<16xf32>
      %add3A_944 = arith.constant 16 : i32
      %add3A_945 = arith.addi %scan3A_688, %add3A_944 : i32
      %get3A_946 = arith.index_cast %add3A_945 : i32 to index
      %get3A_947 = arith.constant 80 : index
      %get3A_948 = tpu.vector_load %arg6[%get3A_946, %get3A_947] {strides = array<i32>} : memref<32x128xf32, #tpu.memory_space<vmem>>, vector<1x16xf32>,
      %get3A_949 = vector.shape_cast %get3A_948 : vector<1x16xf32> to vector<16xf32>
      %add3A_950 = arith.constant 16 : i32
      %add3A_951 = arith.addi %scan3A_688, %add3A_950 : i32
      %get3A_952 = arith.index_cast %add3A_951 : i32 to index
      %get3A_953 = arith.constant 96 : index
      %get3A_954 = tpu.vector_load %arg6[%get3A_952, %get3A_953] {strides = array<i32>} : memref<32x128xf32, #tpu.memory_space<vmem>>, vector<1x16xf32>,
      %get3A_955 = vector.shape_cast %get3A_954 : vector<1x16xf32> to vector<16xf32>
      %add3A_956 = arith.constant 16 : i32
      %add3A_957 = arith.addi %scan3A_688, %add3A_956 : i32
      %get3A_958 = arith.index_cast %add3A_957 : i32 to index
      %get3A_959 = arith.constant 112 : index
      %get3A_960 = tpu.vector_load %arg6[%get3A_958, %get3A_959] {strides = array<i32>} : memref<32x128xf32, #tpu.memory_space<vmem>>, vector<1x16xf32>,
      %get3A_961 = vector.shape_cast %get3A_960 : vector<1x16xf32> to vector<16xf32>
      %add3A_962 = arith.constant 24 : i32
      %add3A_963 = arith.addi %scan3A_688, %add3A_962 : i32
      %get3A_964 = arith.index_cast %add3A_963 : i32 to index
      %get3A_965 = arith.constant 0 : index
      %get3A_966 = tpu.vector_load %arg6[%get3A_964, %get3A_965] {strides = array<i32>} : memref<32x128xf32, #tpu.memory_space<vmem>>, vector<1x16xf32>,
      %get3A_967 = vector.shape_cast %get3A_966 : vector<1x16xf32> to vector<16xf32>
      %add3A_968 = arith.constant 24 : i32
      %add3A_969 = arith.addi %scan3A_688, %add3A_968 : i32
      %get3A_970 = arith.index_cast %add3A_969 : i32 to index
      %get3A_971 = arith.constant 16 : index
      %get3A_972 = tpu.vector_load %arg6[%get3A_970, %get3A_971] {strides = array<i32>} : memref<32x128xf32, #tpu.memory_space<vmem>>, vector<1x16xf32>,
      %get3A_973 = vector.shape_cast %get3A_972 : vector<1x16xf32> to vector<16xf32>
      %add3A_974 = arith.constant 24 : i32
      %add3A_975 = arith.addi %scan3A_688, %add3A_974 : i32
      %get3A_976 = arith.index_cast %add3A_975 : i32 to index
      %get3A_977 = arith.constant 32 : index
      %get3A_978 = tpu.vector_load %arg6[%get3A_976, %get3A_977] {strides = array<i32>} : memref<32x128xf32, #tpu.memory_space<vmem>>, vector<1x16xf32>,
      %get3A_979 = vector.shape_cast %get3A_978 : vector<1x16xf32> to vector<16xf32>
      %add3A_980 = arith.constant 24 : i32
      %add3A_981 = arith.addi %scan3A_688, %add3A_980 : i32
      %get3A_982 = arith.index_cast %add3A_981 : i32 to index
      %get3A_983 = arith.constant 48 : index
      %get3A_984 = tpu.vector_load %arg6[%get3A_982, %get3A_983] {strides = array<i32>} : memref<32x128xf32, #tpu.memory_space<vmem>>, vector<1x16xf32>,
      %get3A_985 = vector.shape_cast %get3A_984 : vector<1x16xf32> to vector<16xf32>
      %add3A_986 = arith.constant 24 : i32
      %add3A_987 = arith.addi %scan3A_688, %add3A_986 : i32
      %get3A_988 = arith.index_cast %add3A_987 : i32 to index
      %get3A_989 = arith.constant 64 : index
      %get3A_990 = tpu.vector_load %arg6[%get3A_988, %get3A_989] {strides = array<i32>} : memref<32x128xf32, #tpu.memory_space<vmem>>, vector<1x16xf32>,
      %get3A_991 = vector.shape_cast %get3A_990 : vector<1x16xf32> to vector<16xf32>
      %add3A_992 = arith.constant 24 : i32
      %add3A_993 = arith.addi %scan3A_688, %add3A_992 : i32
      %get3A_994 = arith.index_cast %add3A_993 : i32 to index
      %get3A_995 = arith.constant 80 : index
      %get3A_996 = tpu.vector_load %arg6[%get3A_994, %get3A_995] {strides = array<i32>} : memref<32x128xf32, #tpu.memory_space<vmem>>, vector<1x16xf32>,
      %get3A_997 = vector.shape_cast %get3A_996 : vector<1x16xf32> to vector<16xf32>
      %add3A_998 = arith.constant 24 : i32
      %add3A_999 = arith.addi %scan3A_688, %add3A_998 : i32
      %get3A_1000 = arith.index_cast %add3A_999 : i32 to index
      %get3A_1001 = arith.constant 96 : index
      %get3A_1002 = tpu.vector_load %arg6[%get3A_1000, %get3A_1001] {strides = array<i32>} : memref<32x128xf32, #tpu.memory_space<vmem>>, vector<1x16xf32>,
      %get3A_1003 = vector.shape_cast %get3A_1002 : vector<1x16xf32> to vector<16xf32>
      %add3A_1004 = arith.constant 24 : i32
      %add3A_1005 = arith.addi %scan3A_688, %add3A_1004 : i32
      %get3A_1006 = arith.index_cast %add3A_1005 : i32 to index
      %get3A_1007 = arith.constant 112 : index
      %get3A_1008 = tpu.vector_load %arg6[%get3A_1006, %get3A_1007] {strides = array<i32>} : memref<32x128xf32, #tpu.memory_space<vmem>>, vector<1x16xf32>,
      %get3A_1009 = vector.shape_cast %get3A_1008 : vector<1x16xf32> to vector<16xf32>
      %parallel_loop3A_1010 = arith.constant 0 : i32
      %parallel_loop3A_1011 = arith.constant 128 : i32
      %parallel_loop3A_1012 = arith.constant 1 : i32
      scf.for %parallel_loop3A_1421 = %parallel_loop3A_1010 to %parallel_loop3A_1011 step %parallel_loop3A_1012  : i32 {
        %parallel_loop3A_1422 = arith.constant 0 : i32
        %parallel_loop3A_1423 = arith.addi %parallel_loop3A_1422, %parallel_loop3A_1421 : i32
        %parallel_loop3A_1424 = arith.index_cast %parallel_loop3A_1423 : i32 to index
        %parallel_loop3A_1425 = arith.constant 0 : index
        %parallel_loop3A_1426 = tpu.vector_load %arg5[%parallel_loop3A_1424, %parallel_loop3A_1425] {strides = array<i32>} : memref<256x128xf32, #tpu.memory_space<vmem>>, vector<1x16xf32>,
        %parallel_loop3A_1427 = vector.shape_cast %parallel_loop3A_1426 : vector<1x16xf32> to vector<16xf32>
        %parallel_loop3A_1428 = arith.addf %parallel_loop3A_1427, %get3A_919 : vector<16xf32>
        %parallel_loop3A_1429 = arith.constant 2 : i32
        %parallel_loop3A_1430 = arith.index_cast %parallel_loop3A_1429 : i32 to index
        %parallel_loop3A_1431 = arith.index_cast %parallel_loop3A_1421 : i32 to index
        %parallel_loop3A_1432 = arith.constant 0 : index
        %parallel_loop3A_1433 = tpu.vector_load %arg7[%parallel_loop3A_1430, %parallel_loop3A_1431, %parallel_loop3A_1432] {strides = array<i32>} : memref<4x128x128xf32, #tpu.memory_space<vmem>>, vector<1x1x16xf32>,
        %parallel_loop3A_1434 = vector.shape_cast %parallel_loop3A_1433 : vector<1x1x16xf32> to vector<16xf32>
        %parallel_loop3A_1435 = vector.shape_cast %parallel_loop3A_1428 : vector<16xf32> to vector<1x1x16xf32>
        tpu.vector_store %arg7[%parallel_loop3A_1430, %parallel_loop3A_1431, %parallel_loop3A_1432], %parallel_loop3A_1435 {strides = array<i32>} : memref<4x128x128xf32, #tpu.memory_space<vmem>>, vector<1x1x16xf32>,
        %parallel_loop3A_1436 = arith.addf %parallel_loop3A_1427, %get3A_967 : vector<16xf32>
        %parallel_loop3A_1437 = arith.constant 3 : i32
        %parallel_loop3A_1438 = arith.index_cast %parallel_loop3A_1437 : i32 to index
        %parallel_loop3A_1439 = arith.index_cast %parallel_loop3A_1421 : i32 to index
        %parallel_loop3A_1440 = arith.constant 0 : index
        %parallel_loop3A_1441 = tpu.vector_load %arg7[%parallel_loop3A_1438, %parallel_loop3A_1439, %parallel_loop3A_1440] {strides = array<i32>} : memref<4x128x128xf32, #tpu.memory_space<vmem>>, vector<1x1x16xf32>,
        %parallel_loop3A_1442 = vector.shape_cast %parallel_loop3A_1441 : vector<1x1x16xf32> to vector<16xf32>
        %parallel_loop3A_1443 = vector.shape_cast %parallel_loop3A_1436 : vector<16xf32> to vector<1x1x16xf32>
        tpu.vector_store %arg7[%parallel_loop3A_1438, %parallel_loop3A_1439, %parallel_loop3A_1440], %parallel_loop3A_1443 {strides = array<i32>} : memref<4x128x128xf32, #tpu.memory_space<vmem>>, vector<1x1x16xf32>,
        %parallel_loop3A_1444 = arith.constant 0 : i32
        %parallel_loop3A_1445 = arith.addi %parallel_loop3A_1444, %parallel_loop3A_1421 : i32
        %parallel_loop3A_1446 = arith.index_cast %parallel_loop3A_1445 : i32 to index
        %parallel_loop3A_1447 = arith.constant 16 : index
        %parallel_loop3A_1448 = tpu.vector_load %arg5[%parallel_loop3A_1446, %parallel_loop3A_1447] {strides = array<i32>} : memref<256x128xf32, #tpu.memory_space<vmem>>, vector<1x16xf32>,
        %parallel_loop3A_1449 = vector.shape_cast %parallel_loop3A_1448 : vector<1x16xf32> to vector<16xf32>
        %parallel_loop3A_1450 = arith.addf %parallel_loop3A_1449, %get3A_925 : vector<16xf32>
        %parallel_loop3A_1451 = arith.constant 2 : i32
        %parallel_loop3A_1452 = arith.index_cast %parallel_loop3A_1451 : i32 to index
        %parallel_loop3A_1453 = arith.index_cast %parallel_loop3A_1421 : i32 to index
        %parallel_loop3A_1454 = arith.constant 16 : index
        %parallel_loop3A_1455 = tpu.vector_load %arg7[%parallel_loop3A_1452, %parallel_loop3A_1453, %parallel_loop3A_1454] {strides = array<i32>} : memref<4x128x128xf32, #tpu.memory_space<vmem>>, vector<1x1x16xf32>,
        %parallel_loop3A_1456 = vector.shape_cast %parallel_loop3A_1455 : vector<1x1x16xf32> to vector<16xf32>
        %parallel_loop3A_1457 = vector.shape_cast %parallel_loop3A_1450 : vector<16xf32> to vector<1x1x16xf32>
        tpu.vector_store %arg7[%parallel_loop3A_1452, %parallel_loop3A_1453, %parallel_loop3A_1454], %parallel_loop3A_1457 {strides = array<i32>} : memref<4x128x128xf32, #tpu.memory_space<vmem>>, vector<1x1x16xf32>,
        %parallel_loop3A_1458 = arith.addf %parallel_loop3A_1449, %get3A_973 : vector<16xf32>
        %parallel_loop3A_1459 = arith.constant 3 : i32
        %parallel_loop3A_1460 = arith.index_cast %parallel_loop3A_1459 : i32 to index
        %parallel_loop3A_1461 = arith.index_cast %parallel_loop3A_1421 : i32 to index
        %parallel_loop3A_1462 = arith.constant 16 : index
        %parallel_loop3A_1463 = tpu.vector_load %arg7[%parallel_loop3A_1460, %parallel_loop3A_1461, %parallel_loop3A_1462] {strides = array<i32>} : memref<4x128x128xf32, #tpu.memory_space<vmem>>, vector<1x1x16xf32>,
        %parallel_loop3A_1464 = vector.shape_cast %parallel_loop3A_1463 : vector<1x1x16xf32> to vector<16xf32>
        %parallel_loop3A_1465 = vector.shape_cast %parallel_loop3A_1458 : vector<16xf32> to vector<1x1x16xf32>
        tpu.vector_store %arg7[%parallel_loop3A_1460, %parallel_loop3A_1461, %parallel_loop3A_1462], %parallel_loop3A_1465 {strides = array<i32>} : memref<4x128x128xf32, #tpu.memory_space<vmem>>, vector<1x1x16xf32>,
        %parallel_loop3A_1466 = arith.constant 0 : i32
        %parallel_loop3A_1467 = arith.addi %parallel_loop3A_1466, %parallel_loop3A_1421 : i32
        %parallel_loop3A_1468 = arith.index_cast %parallel_loop3A_1467 : i32 to index
        %parallel_loop3A_1469 = arith.constant 32 : index
        %parallel_loop3A_1470 = tpu.vector_load %arg5[%parallel_loop3A_1468, %parallel_loop3A_1469] {strides = array<i32>} : memref<256x128xf32, #tpu.memory_space<vmem>>, vector<1x16xf32>,
        %parallel_loop3A_1471 = vector.shape_cast %parallel_loop3A_1470 : vector<1x16xf32> to vector<16xf32>
        %parallel_loop3A_1472 = arith.addf %parallel_loop3A_1471, %get3A_931 : vector<16xf32>
        %parallel_loop3A_1473 = arith.constant 2 : i32
        %parallel_loop3A_1474 = arith.index_cast %parallel_loop3A_1473 : i32 to index
        %parallel_loop3A_1475 = arith.index_cast %parallel_loop3A_1421 : i32 to index
        %parallel_loop3A_1476 = arith.constant 32 : index
        %parallel_loop3A_1477 = tpu.vector_load %arg7[%parallel_loop3A_1474, %parallel_loop3A_1475, %parallel_loop3A_1476] {strides = array<i32>} : memref<4x128x128xf32, #tpu.memory_space<vmem>>, vector<1x1x16xf32>,
        %parallel_loop3A_1478 = vector.shape_cast %parallel_loop3A_1477 : vector<1x1x16xf32> to vector<16xf32>
        %parallel_loop3A_1479 = vector.shape_cast %parallel_loop3A_1472 : vector<16xf32> to vector<1x1x16xf32>
        tpu.vector_store %arg7[%parallel_loop3A_1474, %parallel_loop3A_1475, %parallel_loop3A_1476], %parallel_loop3A_1479 {strides = array<i32>} : memref<4x128x128xf32, #tpu.memory_space<vmem>>, vector<1x1x16xf32>,
        %parallel_loop3A_1480 = arith.addf %parallel_loop3A_1471, %get3A_979 : vector<16xf32>
        %parallel_loop3A_1481 = arith.constant 3 : i32
        %parallel_loop3A_1482 = arith.index_cast %parallel_loop3A_1481 : i32 to index
        %parallel_loop3A_1483 = arith.index_cast %parallel_loop3A_1421 : i32 to index
        %parallel_loop3A_1484 = arith.constant 32 : index
        %parallel_loop3A_1485 = tpu.vector_load %arg7[%parallel_loop3A_1482, %parallel_loop3A_1483, %parallel_loop3A_1484] {strides = array<i32>} : memref<4x128x128xf32, #tpu.memory_space<vmem>>, vector<1x1x16xf32>,
        %parallel_loop3A_1486 = vector.shape_cast %parallel_loop3A_1485 : vector<1x1x16xf32> to vector<16xf32>
        %parallel_loop3A_1487 = vector.shape_cast %parallel_loop3A_1480 : vector<16xf32> to vector<1x1x16xf32>
        tpu.vector_store %arg7[%parallel_loop3A_1482, %parallel_loop3A_1483, %parallel_loop3A_1484], %parallel_loop3A_1487 {strides = array<i32>} : memref<4x128x128xf32, #tpu.memory_space<vmem>>, vector<1x1x16xf32>,
        %parallel_loop3A_1488 = arith.constant 0 : i32
        %parallel_loop3A_1489 = arith.addi %parallel_loop3A_1488, %parallel_loop3A_1421 : i32
        %parallel_loop3A_1490 = arith.index_cast %parallel_loop3A_1489 : i32 to index
        %parallel_loop3A_1491 = arith.constant 48 : index
        %parallel_loop3A_1492 = tpu.vector_load %arg5[%parallel_loop3A_1490, %parallel_loop3A_1491] {strides = array<i32>} : memref<256x128xf32, #tpu.memory_space<vmem>>, vector<1x16xf32>,
        %parallel_loop3A_1493 = vector.shape_cast %parallel_loop3A_1492 : vector<1x16xf32> to vector<16xf32>
        %parallel_loop3A_1494 = arith.addf %parallel_loop3A_1493, %get3A_937 : vector<16xf32>
        %parallel_loop3A_1495 = arith.constant 2 : i32
        %parallel_loop3A_1496 = arith.index_cast %parallel_loop3A_1495 : i32 to index
        %parallel_loop3A_1497 = arith.index_cast %parallel_loop3A_1421 : i32 to index
        %parallel_loop3A_1498 = arith.constant 48 : index
        %parallel_loop3A_1499 = tpu.vector_load %arg7[%parallel_loop3A_1496, %parallel_loop3A_1497, %parallel_loop3A_1498] {strides = array<i32>} : memref<4x128x128xf32, #tpu.memory_space<vmem>>, vector<1x1x16xf32>,
        %parallel_loop3A_1500 = vector.shape_cast %parallel_loop3A_1499 : vector<1x1x16xf32> to vector<16xf32>
        %parallel_loop3A_1501 = vector.shape_cast %parallel_loop3A_1494 : vector<16xf32> to vector<1x1x16xf32>
        tpu.vector_store %arg7[%parallel_loop3A_1496, %parallel_loop3A_1497, %parallel_loop3A_1498], %parallel_loop3A_1501 {strides = array<i32>} : memref<4x128x128xf32, #tpu.memory_space<vmem>>, vector<1x1x16xf32>,
        %parallel_loop3A_1502 = arith.addf %parallel_loop3A_1493, %get3A_985 : vector<16xf32>
        %parallel_loop3A_1503 = arith.constant 3 : i32
        %parallel_loop3A_1504 = arith.index_cast %parallel_loop3A_1503 : i32 to index
        %parallel_loop3A_1505 = arith.index_cast %parallel_loop3A_1421 : i32 to index
        %parallel_loop3A_1506 = arith.constant 48 : index
        %parallel_loop3A_1507 = tpu.vector_load %arg7[%parallel_loop3A_1504, %parallel_loop3A_1505, %parallel_loop3A_1506] {strides = array<i32>} : memref<4x128x128xf32, #tpu.memory_space<vmem>>, vector<1x1x16xf32>,
        %parallel_loop3A_1508 = vector.shape_cast %parallel_loop3A_1507 : vector<1x1x16xf32> to vector<16xf32>
        %parallel_loop3A_1509 = vector.shape_cast %parallel_loop3A_1502 : vector<16xf32> to vector<1x1x16xf32>
        tpu.vector_store %arg7[%parallel_loop3A_1504, %parallel_loop3A_1505, %parallel_loop3A_1506], %parallel_loop3A_1509 {strides = array<i32>} : memref<4x128x128xf32, #tpu.memory_space<vmem>>, vector<1x1x16xf32>,
        %parallel_loop3A_1510 = arith.constant 0 : i32
        %parallel_loop3A_1511 = arith.addi %parallel_loop3A_1510, %parallel_loop3A_1421 : i32
        %parallel_loop3A_1512 = arith.index_cast %parallel_loop3A_1511 : i32 to index
        %parallel_loop3A_1513 = arith.constant 64 : index
        %parallel_loop3A_1514 = tpu.vector_load %arg5[%parallel_loop3A_1512, %parallel_loop3A_1513] {strides = array<i32>} : memref<256x128xf32, #tpu.memory_space<vmem>>, vector<1x16xf32>,
        %parallel_loop3A_1515 = vector.shape_cast %parallel_loop3A_1514 : vector<1x16xf32> to vector<16xf32>
        %parallel_loop3A_1516 = arith.addf %parallel_loop3A_1515, %get3A_943 : vector<16xf32>
        %parallel_loop3A_1517 = arith.constant 2 : i32
        %parallel_loop3A_1518 = arith.index_cast %parallel_loop3A_1517 : i32 to index
        %parallel_loop3A_1519 = arith.index_cast %parallel_loop3A_1421 : i32 to index
        %parallel_loop3A_1520 = arith.constant 64 : index
        %parallel_loop3A_1521 = tpu.vector_load %arg7[%parallel_loop3A_1518, %parallel_loop3A_1519, %parallel_loop3A_1520] {strides = array<i32>} : memref<4x128x128xf32, #tpu.memory_space<vmem>>, vector<1x1x16xf32>,
        %parallel_loop3A_1522 = vector.shape_cast %parallel_loop3A_1521 : vector<1x1x16xf32> to vector<16xf32>
        %parallel_loop3A_1523 = vector.shape_cast %parallel_loop3A_1516 : vector<16xf32> to vector<1x1x16xf32>
        tpu.vector_store %arg7[%parallel_loop3A_1518, %parallel_loop3A_1519, %parallel_loop3A_1520], %parallel_loop3A_1523 {strides = array<i32>} : memref<4x128x128xf32, #tpu.memory_space<vmem>>, vector<1x1x16xf32>,
        %parallel_loop3A_1524 = arith.addf %parallel_loop3A_1515, %get3A_991 : vector<16xf32>
        %parallel_loop3A_1525 = arith.constant 3 : i32
        %parallel_loop3A_1526 = arith.index_cast %parallel_loop3A_1525 : i32 to index
        %parallel_loop3A_1527 = arith.index_cast %parallel_loop3A_1421 : i32 to index
        %parallel_loop3A_1528 = arith.constant 64 : index
        %parallel_loop3A_1529 = tpu.vector_load %arg7[%parallel_loop3A_1526, %parallel_loop3A_1527, %parallel_loop3A_1528] {strides = array<i32>} : memref<4x128x128xf32, #tpu.memory_space<vmem>>, vector<1x1x16xf32>,
        %parallel_loop3A_1530 = vector.shape_cast %parallel_loop3A_1529 : vector<1x1x16xf32> to vector<16xf32>
        %parallel_loop3A_1531 = vector.shape_cast %parallel_loop3A_1524 : vector<16xf32> to vector<1x1x16xf32>
        tpu.vector_store %arg7[%parallel_loop3A_1526, %parallel_loop3A_1527, %parallel_loop3A_1528], %parallel_loop3A_1531 {strides = array<i32>} : memref<4x128x128xf32, #tpu.memory_space<vmem>>, vector<1x1x16xf32>,
        %parallel_loop3A_1532 = arith.constant 0 : i32
        %parallel_loop3A_1533 = arith.addi %parallel_loop3A_1532, %parallel_loop3A_1421 : i32
        %parallel_loop3A_1534 = arith.index_cast %parallel_loop3A_1533 : i32 to index
        %parallel_loop3A_1535 = arith.constant 80 : index
        %parallel_loop3A_1536 = tpu.vector_load %arg5[%parallel_loop3A_1534, %parallel_loop3A_1535] {strides = array<i32>} : memref<256x128xf32, #tpu.memory_space<vmem>>, vector<1x16xf32>,
        %parallel_loop3A_1537 = vector.shape_cast %parallel_loop3A_1536 : vector<1x16xf32> to vector<16xf32>
        %parallel_loop3A_1538 = arith.addf %parallel_loop3A_1537, %get3A_949 : vector<16xf32>
        %parallel_loop3A_1539 = arith.constant 2 : i32
        %parallel_loop3A_1540 = arith.index_cast %parallel_loop3A_1539 : i32 to index
        %parallel_loop3A_1541 = arith.index_cast %parallel_loop3A_1421 : i32 to index
        %parallel_loop3A_1542 = arith.constant 80 : index
        %parallel_loop3A_1543 = tpu.vector_load %arg7[%parallel_loop3A_1540, %parallel_loop3A_1541, %parallel_loop3A_1542] {strides = array<i32>} : memref<4x128x128xf32, #tpu.memory_space<vmem>>, vector<1x1x16xf32>,
        %parallel_loop3A_1544 = vector.shape_cast %parallel_loop3A_1543 : vector<1x1x16xf32> to vector<16xf32>
        %parallel_loop3A_1545 = vector.shape_cast %parallel_loop3A_1538 : vector<16xf32> to vector<1x1x16xf32>
        tpu.vector_store %arg7[%parallel_loop3A_1540, %parallel_loop3A_1541, %parallel_loop3A_1542], %parallel_loop3A_1545 {strides = array<i32>} : memref<4x128x128xf32, #tpu.memory_space<vmem>>, vector<1x1x16xf32>,
        %parallel_loop3A_1546 = arith.addf %parallel_loop3A_1537, %get3A_997 : vector<16xf32>
        %parallel_loop3A_1547 = arith.constant 3 : i32
        %parallel_loop3A_1548 = arith.index_cast %parallel_loop3A_1547 : i32 to index
        %parallel_loop3A_1549 = arith.index_cast %parallel_loop3A_1421 : i32 to index
        %parallel_loop3A_1550 = arith.constant 80 : index
        %parallel_loop3A_1551 = tpu.vector_load %arg7[%parallel_loop3A_1548, %parallel_loop3A_1549, %parallel_loop3A_1550] {strides = array<i32>} : memref<4x128x128xf32, #tpu.memory_space<vmem>>, vector<1x1x16xf32>,
        %parallel_loop3A_1552 = vector.shape_cast %parallel_loop3A_1551 : vector<1x1x16xf32> to vector<16xf32>
        %parallel_loop3A_1553 = vector.shape_cast %parallel_loop3A_1546 : vector<16xf32> to vector<1x1x16xf32>
        tpu.vector_store %arg7[%parallel_loop3A_1548, %parallel_loop3A_1549, %parallel_loop3A_1550], %parallel_loop3A_1553 {strides = array<i32>} : memref<4x128x128xf32, #tpu.memory_space<vmem>>, vector<1x1x16xf32>,
        %parallel_loop3A_1554 = arith.constant 0 : i32
        %parallel_loop3A_1555 = arith.addi %parallel_loop3A_1554, %parallel_loop3A_1421 : i32
        %parallel_loop3A_1556 = arith.index_cast %parallel_loop3A_1555 : i32 to index
        %parallel_loop3A_1557 = arith.constant 96 : index
        %parallel_loop3A_1558 = tpu.vector_load %arg5[%parallel_loop3A_1556, %parallel_loop3A_1557] {strides = array<i32>} : memref<256x128xf32, #tpu.memory_space<vmem>>, vector<1x16xf32>,
        %parallel_loop3A_1559 = vector.shape_cast %parallel_loop3A_1558 : vector<1x16xf32> to vector<16xf32>
        %parallel_loop3A_1560 = arith.addf %parallel_loop3A_1559, %get3A_955 : vector<16xf32>
        %parallel_loop3A_1561 = arith.constant 2 : i32
        %parallel_loop3A_1562 = arith.index_cast %parallel_loop3A_1561 : i32 to index
        %parallel_loop3A_1563 = arith.index_cast %parallel_loop3A_1421 : i32 to index
        %parallel_loop3A_1564 = arith.constant 96 : index
        %parallel_loop3A_1565 = tpu.vector_load %arg7[%parallel_loop3A_1562, %parallel_loop3A_1563, %parallel_loop3A_1564] {strides = array<i32>} : memref<4x128x128xf32, #tpu.memory_space<vmem>>, vector<1x1x16xf32>,
        %parallel_loop3A_1566 = vector.shape_cast %parallel_loop3A_1565 : vector<1x1x16xf32> to vector<16xf32>
        %parallel_loop3A_1567 = vector.shape_cast %parallel_loop3A_1560 : vector<16xf32> to vector<1x1x16xf32>
        tpu.vector_store %arg7[%parallel_loop3A_1562, %parallel_loop3A_1563, %parallel_loop3A_1564], %parallel_loop3A_1567 {strides = array<i32>} : memref<4x128x128xf32, #tpu.memory_space<vmem>>, vector<1x1x16xf32>,
        %parallel_loop3A_1568 = arith.addf %parallel_loop3A_1559, %get3A_1003 : vector<16xf32>
        %parallel_loop3A_1569 = arith.constant 3 : i32
        %parallel_loop3A_1570 = arith.index_cast %parallel_loop3A_1569 : i32 to index
        %parallel_loop3A_1571 = arith.index_cast %parallel_loop3A_1421 : i32 to index
        %parallel_loop3A_1572 = arith.constant 96 : index
        %parallel_loop3A_1573 = tpu.vector_load %arg7[%parallel_loop3A_1570, %parallel_loop3A_1571, %parallel_loop3A_1572] {strides = array<i32>} : memref<4x128x128xf32, #tpu.memory_space<vmem>>, vector<1x1x16xf32>,
        %parallel_loop3A_1574 = vector.shape_cast %parallel_loop3A_1573 : vector<1x1x16xf32> to vector<16xf32>
        %parallel_loop3A_1575 = vector.shape_cast %parallel_loop3A_1568 : vector<16xf32> to vector<1x1x16xf32>
        tpu.vector_store %arg7[%parallel_loop3A_1570, %parallel_loop3A_1571, %parallel_loop3A_1572], %parallel_loop3A_1575 {strides = array<i32>} : memref<4x128x128xf32, #tpu.memory_space<vmem>>, vector<1x1x16xf32>,
        %parallel_loop3A_1576 = arith.constant 0 : i32
        %parallel_loop3A_1577 = arith.addi %parallel_loop3A_1576, %parallel_loop3A_1421 : i32
        %parallel_loop3A_1578 = arith.index_cast %parallel_loop3A_1577 : i32 to index
        %parallel_loop3A_1579 = arith.constant 112 : index
        %parallel_loop3A_1580 = tpu.vector_load %arg5[%parallel_loop3A_1578, %parallel_loop3A_1579] {strides = array<i32>} : memref<256x128xf32, #tpu.memory_space<vmem>>, vector<1x16xf32>,
        %parallel_loop3A_1581 = vector.shape_cast %parallel_loop3A_1580 : vector<1x16xf32> to vector<16xf32>
        %parallel_loop3A_1582 = arith.addf %parallel_loop3A_1581, %get3A_961 : vector<16xf32>
        %parallel_loop3A_1583 = arith.constant 2 : i32
        %parallel_loop3A_1584 = arith.index_cast %parallel_loop3A_1583 : i32 to index
        %parallel_loop3A_1585 = arith.index_cast %parallel_loop3A_1421 : i32 to index
        %parallel_loop3A_1586 = arith.constant 112 : index
        %parallel_loop3A_1587 = tpu.vector_load %arg7[%parallel_loop3A_1584, %parallel_loop3A_1585, %parallel_loop3A_1586] {strides = array<i32>} : memref<4x128x128xf32, #tpu.memory_space<vmem>>, vector<1x1x16xf32>,
        %parallel_loop3A_1588 = vector.shape_cast %parallel_loop3A_1587 : vector<1x1x16xf32> to vector<16xf32>
        %parallel_loop3A_1589 = vector.shape_cast %parallel_loop3A_1582 : vector<16xf32> to vector<1x1x16xf32>
        tpu.vector_store %arg7[%parallel_loop3A_1584, %parallel_loop3A_1585, %parallel_loop3A_1586], %parallel_loop3A_1589 {strides = array<i32>} : memref<4x128x128xf32, #tpu.memory_space<vmem>>, vector<1x1x16xf32>,
        %parallel_loop3A_1590 = arith.addf %parallel_loop3A_1581, %get3A_1009 : vector<16xf32>
        %parallel_loop3A_1591 = arith.constant 3 : i32
        %parallel_loop3A_1592 = arith.index_cast %parallel_loop3A_1591 : i32 to index
        %parallel_loop3A_1593 = arith.index_cast %parallel_loop3A_1421 : i32 to index
        %parallel_loop3A_1594 = arith.constant 112 : index
        %parallel_loop3A_1595 = tpu.vector_load %arg7[%parallel_loop3A_1592, %parallel_loop3A_1593, %parallel_loop3A_1594] {strides = array<i32>} : memref<4x128x128xf32, #tpu.memory_space<vmem>>, vector<1x1x16xf32>,
        %parallel_loop3A_1596 = vector.shape_cast %parallel_loop3A_1595 : vector<1x1x16xf32> to vector<16xf32>
        %parallel_loop3A_1597 = vector.shape_cast %parallel_loop3A_1590 : vector<16xf32> to vector<1x1x16xf32>
        tpu.vector_store %arg7[%parallel_loop3A_1592, %parallel_loop3A_1593, %parallel_loop3A_1594], %parallel_loop3A_1597 {strides = array<i32>} : memref<4x128x128xf32, #tpu.memory_space<vmem>>, vector<1x1x16xf32>,
      } {sc.loop_unroll_factor = 2 : i64, sc.parallel_access}
      %add3A_1013 = arith.constant 16 : i32
      %add3A_1014 = arith.addi %scan3A_688, %add3A_1013 : i32
      %add3A_1015 = arith.addi %mul3A_32, %add3A_1014 : i32
      %mul3A_1016 = arith.constant 2048 : i32
      %mul3A_1017 = arith.muli %add3A_1015, %mul3A_1016 : i32
      %add3A_1018 = arith.addi %mul3A_1017, %mul3A_34 : i32
      %add3A_1019 = arith.constant 0 : i32
      %add3A_1020 = arith.addi %add3A_1018, %add3A_1019 : i32
      %dma_start3A_1021 = arith.constant 2 : i32
      %dma_start3A_1022 = arith.constant 0 : i32
      %dma_start3A_1023 = arith.constant 0 : i32
      %dma_start3A_1024 = tpu.memref_slice %arg7[%dma_start3A_1021, %dma_start3A_1022, %dma_start3A_1023] : memref<4x128x128xf32, #tpu.memory_space<vmem>> -> memref<1x128x128xf32, #tpu.memory_space<vmem>>
      %dma_start3A_1025 = tpu.memref_squeeze %dma_start3A_1024 : memref<1x128x128xf32, #tpu.memory_space<vmem>> -> memref<128x128xf32, #tpu.memory_space<vmem>>
      %dma_start3A_1026 = arith.constant 0 : i32
      %dma_start3A_1027 = tpu.memref_slice %arg4[%add3A_1020, %dma_start3A_1026] : memref<262144x128xf32, #tpu.memory_space<hbm>> -> memref<128x128xf32, #tpu.memory_space<hbm>>
      %dma_start3A_1028 = arith.constant 0 : i32
      %dma_start3A_1029 = tpu.memref_slice %arg4[%add3A_1020, %dma_start3A_1028] : memref<262144x128xf32, #tpu.memory_space<hbm>> -> memref<128x128xf32, #tpu.memory_space<hbm>>
      %dma_start3A_1030 = arith.constant 0 : i32
      %dma_start3A_1031 = arith.constant 0 : i32
      %dma_start3A_1032 = tpu.memref_slice %arg7[%dma_start3A_1021, %dma_start3A_1030, %dma_start3A_1031] : memref<4x128x128xf32, #tpu.memory_space<vmem>> -> memref<1x128x128xf32, #tpu.memory_space<vmem>>
      %dma_start3A_1033 = tpu.memref_squeeze %dma_start3A_1032 : memref<1x128x128xf32, #tpu.memory_space<vmem>> -> memref<128x128xf32, #tpu.memory_space<vmem>>
      tpu.enqueue_dma source(%dma_start3A_1033 : memref<128x128xf32, #tpu.memory_space<vmem>>) target(%dma_start3A_1029 : memref<128x128xf32, #tpu.memory_space<hbm>>) target_semaphore(%arg10 : memref<!tpu.dma_semaphore, #tpu.memory_space<semaphore_mem>>)
      %add3A_1034 = arith.constant 24 : i32
      %add3A_1035 = arith.addi %scan3A_688, %add3A_1034 : i32
      %add3A_1036 = arith.addi %mul3A_32, %add3A_1035 : i32
      %mul3A_1037 = arith.constant 2048 : i32
      %mul3A_1038 = arith.muli %add3A_1036, %mul3A_1037 : i32
      %add3A_1039 = arith.addi %mul3A_1038, %mul3A_34 : i32
      %add3A_1040 = arith.constant 0 : i32
      %add3A_1041 = arith.addi %add3A_1039, %add3A_1040 : i32
      %dma_start3A_1042 = arith.constant 3 : i32
      %dma_start3A_1043 = arith.constant 0 : i32
      %dma_start3A_1044 = arith.constant 0 : i32
      %dma_start3A_1045 = tpu.memref_slice %arg7[%dma_start3A_1042, %dma_start3A_1043, %dma_start3A_1044] : memref<4x128x128xf32, #tpu.memory_space<vmem>> -> memref<1x128x128xf32, #tpu.memory_space<vmem>>
      %dma_start3A_1046 = tpu.memref_squeeze %dma_start3A_1045 : memref<1x128x128xf32, #tpu.memory_space<vmem>> -> memref<128x128xf32, #tpu.memory_space<vmem>>
      %dma_start3A_1047 = arith.constant 0 : i32
      %dma_start3A_1048 = tpu.memref_slice %arg4[%add3A_1041, %dma_start3A_1047] : memref<262144x128xf32, #tpu.memory_space<hbm>> -> memref<128x128xf32, #tpu.memory_space<hbm>>
      %dma_start3A_1049 = arith.constant 0 : i32
      %dma_start3A_1050 = tpu.memref_slice %arg4[%add3A_1041, %dma_start3A_1049] : memref<262144x128xf32, #tpu.memory_space<hbm>> -> memref<128x128xf32, #tpu.memory_space<hbm>>
      %dma_start3A_1051 = arith.constant 0 : i32
      %dma_start3A_1052 = arith.constant 0 : i32
      %dma_start3A_1053 = tpu.memref_slice %arg7[%dma_start3A_1042, %dma_start3A_1051, %dma_start3A_1052] : memref<4x128x128xf32, #tpu.memory_space<vmem>> -> memref<1x128x128xf32, #tpu.memory_space<vmem>>
      %dma_start3A_1054 = tpu.memref_squeeze %dma_start3A_1053 : memref<1x128x128xf32, #tpu.memory_space<vmem>> -> memref<128x128xf32, #tpu.memory_space<vmem>>
      tpu.enqueue_dma source(%dma_start3A_1054 : memref<128x128xf32, #tpu.memory_space<vmem>>) target(%dma_start3A_1050 : memref<128x128xf32, #tpu.memory_space<hbm>>) target_semaphore(%arg11 : memref<!tpu.dma_semaphore, #tpu.memory_space<semaphore_mem>>)
      %add3A_1055 = arith.constant 0 : i32
      %add3A_1056 = arith.addi %scan3A_688, %add3A_1055 : i32
      %add3A_1057 = arith.addi %mul3A_32, %add3A_1056 : i32
      %mul3A_1058 = arith.constant 2048 : i32
      %mul3A_1059 = arith.muli %add3A_1057, %mul3A_1058 : i32
      %add3A_1060 = arith.addi %mul3A_1059, %mul3A_34 : i32
      %add3A_1061 = arith.constant 128 : i32
      %add3A_1062 = arith.addi %add3A_1060, %add3A_1061 : i32
      %dma_wait3A_1063 = arith.constant 0 : i32
      %dma_wait3A_1064 = arith.constant 0 : i32
      %dma_wait3A_1065 = arith.constant 0 : i32
      %dma_wait3A_1066 = tpu.memref_slice %arg7[%dma_wait3A_1063, %dma_wait3A_1064, %dma_wait3A_1065] : memref<4x128x128xf32, #tpu.memory_space<vmem>> -> memref<1x128x128xf32, #tpu.memory_space<vmem>>
      %dma_wait3A_1067 = tpu.memref_squeeze %dma_wait3A_1066 : memref<1x128x128xf32, #tpu.memory_space<vmem>> -> memref<128x128xf32, #tpu.memory_space<vmem>>
      %dma_wait3A_1068 = arith.constant 0 : i32
      %dma_wait3A_1069 = tpu.memref_slice %arg4[%add3A_1062, %dma_wait3A_1068] : memref<262144x128xf32, #tpu.memory_space<hbm>> -> memref<128x128xf32, #tpu.memory_space<hbm>>
      %dma_wait3A_1070 = arith.constant 0 : i32
      %dma_wait3A_1071 = tpu.memref_slice %arg4[%add3A_1062, %dma_wait3A_1070] : memref<262144x128xf32, #tpu.memory_space<hbm>> -> memref<128x128xf32, #tpu.memory_space<hbm>>
      %dma_wait3A_1072 = arith.constant 0 : i32
      %dma_wait3A_1073 = arith.constant 0 : i32
      %dma_wait3A_1074 = tpu.memref_slice %arg7[%dma_wait3A_1063, %dma_wait3A_1072, %dma_wait3A_1073] : memref<4x128x128xf32, #tpu.memory_space<vmem>> -> memref<1x128x128xf32, #tpu.memory_space<vmem>>
      %dma_wait3A_1075 = tpu.memref_squeeze %dma_wait3A_1074 : memref<1x128x128xf32, #tpu.memory_space<vmem>> -> memref<128x128xf32, #tpu.memory_space<vmem>>
      tpu.wait_dma2 semaphore(%arg8 : memref<!tpu.dma_semaphore, #tpu.memory_space<semaphore_mem>>) src(%dma_wait3A_1075 : memref<128x128xf32, #tpu.memory_space<vmem>>) dst(%dma_wait3A_1071 : memref<128x128xf32, #tpu.memory_space<hbm>>)
      %add3A_1076 = arith.constant 8 : i32
      %add3A_1077 = arith.addi %scan3A_688, %add3A_1076 : i32
      %add3A_1078 = arith.addi %mul3A_32, %add3A_1077 : i32
      %mul3A_1079 = arith.constant 2048 : i32
      %mul3A_1080 = arith.muli %add3A_1078, %mul3A_1079 : i32
      %add3A_1081 = arith.addi %mul3A_1080, %mul3A_34 : i32
      %add3A_1082 = arith.constant 128 : i32
      %add3A_1083 = arith.addi %add3A_1081, %add3A_1082 : i32
      %dma_wait3A_1084 = arith.constant 1 : i32
      %dma_wait3A_1085 = arith.constant 0 : i32
      %dma_wait3A_1086 = arith.constant 0 : i32
      %dma_wait3A_1087 = tpu.memref_slice %arg7[%dma_wait3A_1084, %dma_wait3A_1085, %dma_wait3A_1086] : memref<4x128x128xf32, #tpu.memory_space<vmem>> -> memref<1x128x128xf32, #tpu.memory_space<vmem>>
      %dma_wait3A_1088 = tpu.memref_squeeze %dma_wait3A_1087 : memref<1x128x128xf32, #tpu.memory_space<vmem>> -> memref<128x128xf32, #tpu.memory_space<vmem>>
      %dma_wait3A_1089 = arith.constant 0 : i32
      %dma_wait3A_1090 = tpu.memref_slice %arg4[%add3A_1083, %dma_wait3A_1089] : memref<262144x128xf32, #tpu.memory_space<hbm>> -> memref<128x128xf32, #tpu.memory_space<hbm>>
      %dma_wait3A_1091 = arith.constant 0 : i32
      %dma_wait3A_1092 = tpu.memref_slice %arg4[%add3A_1083, %dma_wait3A_1091] : memref<262144x128xf32, #tpu.memory_space<hbm>> -> memref<128x128xf32, #tpu.memory_space<hbm>>
      %dma_wait3A_1093 = arith.constant 0 : i32
      %dma_wait3A_1094 = arith.constant 0 : i32
      %dma_wait3A_1095 = tpu.memref_slice %arg7[%dma_wait3A_1084, %dma_wait3A_1093, %dma_wait3A_1094] : memref<4x128x128xf32, #tpu.memory_space<vmem>> -> memref<1x128x128xf32, #tpu.memory_space<vmem>>
      %dma_wait3A_1096 = tpu.memref_squeeze %dma_wait3A_1095 : memref<1x128x128xf32, #tpu.memory_space<vmem>> -> memref<128x128xf32, #tpu.memory_space<vmem>>
      tpu.wait_dma2 semaphore(%arg9 : memref<!tpu.dma_semaphore, #tpu.memory_space<semaphore_mem>>) src(%dma_wait3A_1096 : memref<128x128xf32, #tpu.memory_space<vmem>>) dst(%dma_wait3A_1092 : memref<128x128xf32, #tpu.memory_space<hbm>>)
      %add3A_1097 = arith.constant 0 : i32
      %add3A_1098 = arith.addi %scan3A_688, %add3A_1097 : i32
      %get3A_1099 = arith.index_cast %add3A_1098 : i32 to index
      %get3A_1100 = arith.constant 0 : index
      %get3A_1101 = tpu.vector_load %arg6[%get3A_1099, %get3A_1100] {strides = array<i32>} : memref<32x128xf32, #tpu.memory_space<vmem>>, vector<1x16xf32>,
      %get3A_1102 = vector.shape_cast %get3A_1101 : vector<1x16xf32> to vector<16xf32>
      %add3A_1103 = arith.constant 0 : i32
      %add3A_1104 = arith.addi %scan3A_688, %add3A_1103 : i32
      %get3A_1105 = arith.index_cast %add3A_1104 : i32 to index
      %get3A_1106 = arith.constant 16 : index
      %get3A_1107 = tpu.vector_load %arg6[%get3A_1105, %get3A_1106] {strides = array<i32>} : memref<32x128xf32, #tpu.memory_space<vmem>>, vector<1x16xf32>,
      %get3A_1108 = vector.shape_cast %get3A_1107 : vector<1x16xf32> to vector<16xf32>
      %add3A_1109 = arith.constant 0 : i32
      %add3A_1110 = arith.addi %scan3A_688, %add3A_1109 : i32
      %get3A_1111 = arith.index_cast %add3A_1110 : i32 to index
      %get3A_1112 = arith.constant 32 : index
      %get3A_1113 = tpu.vector_load %arg6[%get3A_1111, %get3A_1112] {strides = array<i32>} : memref<32x128xf32, #tpu.memory_space<vmem>>, vector<1x16xf32>,
      %get3A_1114 = vector.shape_cast %get3A_1113 : vector<1x16xf32> to vector<16xf32>
      %add3A_1115 = arith.constant 0 : i32
      %add3A_1116 = arith.addi %scan3A_688, %add3A_1115 : i32
      %get3A_1117 = arith.index_cast %add3A_1116 : i32 to index
      %get3A_1118 = arith.constant 48 : index
      %get3A_1119 = tpu.vector_load %arg6[%get3A_1117, %get3A_1118] {strides = array<i32>} : memref<32x128xf32, #tpu.memory_space<vmem>>, vector<1x16xf32>,
      %get3A_1120 = vector.shape_cast %get3A_1119 : vector<1x16xf32> to vector<16xf32>
      %add3A_1121 = arith.constant 0 : i32
      %add3A_1122 = arith.addi %scan3A_688, %add3A_1121 : i32
      %get3A_1123 = arith.index_cast %add3A_1122 : i32 to index
      %get3A_1124 = arith.constant 64 : index
      %get3A_1125 = tpu.vector_load %arg6[%get3A_1123, %get3A_1124] {strides = array<i32>} : memref<32x128xf32, #tpu.memory_space<vmem>>, vector<1x16xf32>,
      %get3A_1126 = vector.shape_cast %get3A_1125 : vector<1x16xf32> to vector<16xf32>
      %add3A_1127 = arith.constant 0 : i32
      %add3A_1128 = arith.addi %scan3A_688, %add3A_1127 : i32
      %get3A_1129 = arith.index_cast %add3A_1128 : i32 to index
      %get3A_1130 = arith.constant 80 : index
      %get3A_1131 = tpu.vector_load %arg6[%get3A_1129, %get3A_1130] {strides = array<i32>} : memref<32x128xf32, #tpu.memory_space<vmem>>, vector<1x16xf32>,
      %get3A_1132 = vector.shape_cast %get3A_1131 : vector<1x16xf32> to vector<16xf32>
      %add3A_1133 = arith.constant 0 : i32
      %add3A_1134 = arith.addi %scan3A_688, %add3A_1133 : i32
      %get3A_1135 = arith.index_cast %add3A_1134 : i32 to index
      %get3A_1136 = arith.constant 96 : index
      %get3A_1137 = tpu.vector_load %arg6[%get3A_1135, %get3A_1136] {strides = array<i32>} : memref<32x128xf32, #tpu.memory_space<vmem>>, vector<1x16xf32>,
      %get3A_1138 = vector.shape_cast %get3A_1137 : vector<1x16xf32> to vector<16xf32>
      %add3A_1139 = arith.constant 0 : i32
      %add3A_1140 = arith.addi %scan3A_688, %add3A_1139 : i32
      %get3A_1141 = arith.index_cast %add3A_1140 : i32 to index
      %get3A_1142 = arith.constant 112 : index
      %get3A_1143 = tpu.vector_load %arg6[%get3A_1141, %get3A_1142] {strides = array<i32>} : memref<32x128xf32, #tpu.memory_space<vmem>>, vector<1x16xf32>,
      %get3A_1144 = vector.shape_cast %get3A_1143 : vector<1x16xf32> to vector<16xf32>
      %add3A_1145 = arith.constant 8 : i32
      %add3A_1146 = arith.addi %scan3A_688, %add3A_1145 : i32
      %get3A_1147 = arith.index_cast %add3A_1146 : i32 to index
      %get3A_1148 = arith.constant 0 : index
      %get3A_1149 = tpu.vector_load %arg6[%get3A_1147, %get3A_1148] {strides = array<i32>} : memref<32x128xf32, #tpu.memory_space<vmem>>, vector<1x16xf32>,
      %get3A_1150 = vector.shape_cast %get3A_1149 : vector<1x16xf32> to vector<16xf32>
      %add3A_1151 = arith.constant 8 : i32
      %add3A_1152 = arith.addi %scan3A_688, %add3A_1151 : i32
      %get3A_1153 = arith.index_cast %add3A_1152 : i32 to index
      %get3A_1154 = arith.constant 16 : index
      %get3A_1155 = tpu.vector_load %arg6[%get3A_1153, %get3A_1154] {strides = array<i32>} : memref<32x128xf32, #tpu.memory_space<vmem>>, vector<1x16xf32>,
      %get3A_1156 = vector.shape_cast %get3A_1155 : vector<1x16xf32> to vector<16xf32>
      %add3A_1157 = arith.constant 8 : i32
      %add3A_1158 = arith.addi %scan3A_688, %add3A_1157 : i32
      %get3A_1159 = arith.index_cast %add3A_1158 : i32 to index
      %get3A_1160 = arith.constant 32 : index
      %get3A_1161 = tpu.vector_load %arg6[%get3A_1159, %get3A_1160] {strides = array<i32>} : memref<32x128xf32, #tpu.memory_space<vmem>>, vector<1x16xf32>,
      %get3A_1162 = vector.shape_cast %get3A_1161 : vector<1x16xf32> to vector<16xf32>
      %add3A_1163 = arith.constant 8 : i32
      %add3A_1164 = arith.addi %scan3A_688, %add3A_1163 : i32
      %get3A_1165 = arith.index_cast %add3A_1164 : i32 to index
      %get3A_1166 = arith.constant 48 : index
      %get3A_1167 = tpu.vector_load %arg6[%get3A_1165, %get3A_1166] {strides = array<i32>} : memref<32x128xf32, #tpu.memory_space<vmem>>, vector<1x16xf32>,
      %get3A_1168 = vector.shape_cast %get3A_1167 : vector<1x16xf32> to vector<16xf32>
      %add3A_1169 = arith.constant 8 : i32
      %add3A_1170 = arith.addi %scan3A_688, %add3A_1169 : i32
      %get3A_1171 = arith.index_cast %add3A_1170 : i32 to index
      %get3A_1172 = arith.constant 64 : index
      %get3A_1173 = tpu.vector_load %arg6[%get3A_1171, %get3A_1172] {strides = array<i32>} : memref<32x128xf32, #tpu.memory_space<vmem>>, vector<1x16xf32>,
      %get3A_1174 = vector.shape_cast %get3A_1173 : vector<1x16xf32> to vector<16xf32>
      %add3A_1175 = arith.constant 8 : i32
      %add3A_1176 = arith.addi %scan3A_688, %add3A_1175 : i32
      %get3A_1177 = arith.index_cast %add3A_1176 : i32 to index
      %get3A_1178 = arith.constant 80 : index
      %get3A_1179 = tpu.vector_load %arg6[%get3A_1177, %get3A_1178] {strides = array<i32>} : memref<32x128xf32, #tpu.memory_space<vmem>>, vector<1x16xf32>,
      %get3A_1180 = vector.shape_cast %get3A_1179 : vector<1x16xf32> to vector<16xf32>
      %add3A_1181 = arith.constant 8 : i32
      %add3A_1182 = arith.addi %scan3A_688, %add3A_1181 : i32
      %get3A_1183 = arith.index_cast %add3A_1182 : i32 to index
      %get3A_1184 = arith.constant 96 : index
      %get3A_1185 = tpu.vector_load %arg6[%get3A_1183, %get3A_1184] {strides = array<i32>} : memref<32x128xf32, #tpu.memory_space<vmem>>, vector<1x16xf32>,
      %get3A_1186 = vector.shape_cast %get3A_1185 : vector<1x16xf32> to vector<16xf32>
      %add3A_1187 = arith.constant 8 : i32
      %add3A_1188 = arith.addi %scan3A_688, %add3A_1187 : i32
      %get3A_1189 = arith.index_cast %add3A_1188 : i32 to index
      %get3A_1190 = arith.constant 112 : index
      %get3A_1191 = tpu.vector_load %arg6[%get3A_1189, %get3A_1190] {strides = array<i32>} : memref<32x128xf32, #tpu.memory_space<vmem>>, vector<1x16xf32>,
      %get3A_1192 = vector.shape_cast %get3A_1191 : vector<1x16xf32> to vector<16xf32>
      %parallel_loop3A_1193 = arith.constant 0 : i32
      %parallel_loop3A_1194 = arith.constant 128 : i32
      %parallel_loop3A_1195 = arith.constant 1 : i32
      scf.for %parallel_loop3A_1421 = %parallel_loop3A_1193 to %parallel_loop3A_1194 step %parallel_loop3A_1195  : i32 {
        %parallel_loop3A_1422 = arith.constant 128 : i32
        %parallel_loop3A_1423 = arith.addi %parallel_loop3A_1422, %parallel_loop3A_1421 : i32
        %parallel_loop3A_1424 = arith.index_cast %parallel_loop3A_1423 : i32 to index
        %parallel_loop3A_1425 = arith.constant 0 : index
        %parallel_loop3A_1426 = tpu.vector_load %arg5[%parallel_loop3A_1424, %parallel_loop3A_1425] {strides = array<i32>} : memref<256x128xf32, #tpu.memory_space<vmem>>, vector<1x16xf32>,
        %parallel_loop3A_1427 = vector.shape_cast %parallel_loop3A_1426 : vector<1x16xf32> to vector<16xf32>
        %parallel_loop3A_1428 = arith.addf %parallel_loop3A_1427, %get3A_1102 : vector<16xf32>
        %parallel_loop3A_1429 = arith.constant 0 : i32
        %parallel_loop3A_1430 = arith.index_cast %parallel_loop3A_1429 : i32 to index
        %parallel_loop3A_1431 = arith.index_cast %parallel_loop3A_1421 : i32 to index
        %parallel_loop3A_1432 = arith.constant 0 : index
        %parallel_loop3A_1433 = tpu.vector_load %arg7[%parallel_loop3A_1430, %parallel_loop3A_1431, %parallel_loop3A_1432] {strides = array<i32>} : memref<4x128x128xf32, #tpu.memory_space<vmem>>, vector<1x1x16xf32>,
        %parallel_loop3A_1434 = vector.shape_cast %parallel_loop3A_1433 : vector<1x1x16xf32> to vector<16xf32>
        %parallel_loop3A_1435 = vector.shape_cast %parallel_loop3A_1428 : vector<16xf32> to vector<1x1x16xf32>
        tpu.vector_store %arg7[%parallel_loop3A_1430, %parallel_loop3A_1431, %parallel_loop3A_1432], %parallel_loop3A_1435 {strides = array<i32>} : memref<4x128x128xf32, #tpu.memory_space<vmem>>, vector<1x1x16xf32>,
        %parallel_loop3A_1436 = arith.addf %parallel_loop3A_1427, %get3A_1150 : vector<16xf32>
        %parallel_loop3A_1437 = arith.constant 1 : i32
        %parallel_loop3A_1438 = arith.index_cast %parallel_loop3A_1437 : i32 to index
        %parallel_loop3A_1439 = arith.index_cast %parallel_loop3A_1421 : i32 to index
        %parallel_loop3A_1440 = arith.constant 0 : index
        %parallel_loop3A_1441 = tpu.vector_load %arg7[%parallel_loop3A_1438, %parallel_loop3A_1439, %parallel_loop3A_1440] {strides = array<i32>} : memref<4x128x128xf32, #tpu.memory_space<vmem>>, vector<1x1x16xf32>,
        %parallel_loop3A_1442 = vector.shape_cast %parallel_loop3A_1441 : vector<1x1x16xf32> to vector<16xf32>
        %parallel_loop3A_1443 = vector.shape_cast %parallel_loop3A_1436 : vector<16xf32> to vector<1x1x16xf32>
        tpu.vector_store %arg7[%parallel_loop3A_1438, %parallel_loop3A_1439, %parallel_loop3A_1440], %parallel_loop3A_1443 {strides = array<i32>} : memref<4x128x128xf32, #tpu.memory_space<vmem>>, vector<1x1x16xf32>,
        %parallel_loop3A_1444 = arith.constant 128 : i32
        %parallel_loop3A_1445 = arith.addi %parallel_loop3A_1444, %parallel_loop3A_1421 : i32
        %parallel_loop3A_1446 = arith.index_cast %parallel_loop3A_1445 : i32 to index
        %parallel_loop3A_1447 = arith.constant 16 : index
        %parallel_loop3A_1448 = tpu.vector_load %arg5[%parallel_loop3A_1446, %parallel_loop3A_1447] {strides = array<i32>} : memref<256x128xf32, #tpu.memory_space<vmem>>, vector<1x16xf32>,
        %parallel_loop3A_1449 = vector.shape_cast %parallel_loop3A_1448 : vector<1x16xf32> to vector<16xf32>
        %parallel_loop3A_1450 = arith.addf %parallel_loop3A_1449, %get3A_1108 : vector<16xf32>
        %parallel_loop3A_1451 = arith.constant 0 : i32
        %parallel_loop3A_1452 = arith.index_cast %parallel_loop3A_1451 : i32 to index
        %parallel_loop3A_1453 = arith.index_cast %parallel_loop3A_1421 : i32 to index
        %parallel_loop3A_1454 = arith.constant 16 : index
        %parallel_loop3A_1455 = tpu.vector_load %arg7[%parallel_loop3A_1452, %parallel_loop3A_1453, %parallel_loop3A_1454] {strides = array<i32>} : memref<4x128x128xf32, #tpu.memory_space<vmem>>, vector<1x1x16xf32>,
        %parallel_loop3A_1456 = vector.shape_cast %parallel_loop3A_1455 : vector<1x1x16xf32> to vector<16xf32>
        %parallel_loop3A_1457 = vector.shape_cast %parallel_loop3A_1450 : vector<16xf32> to vector<1x1x16xf32>
        tpu.vector_store %arg7[%parallel_loop3A_1452, %parallel_loop3A_1453, %parallel_loop3A_1454], %parallel_loop3A_1457 {strides = array<i32>} : memref<4x128x128xf32, #tpu.memory_space<vmem>>, vector<1x1x16xf32>,
        %parallel_loop3A_1458 = arith.addf %parallel_loop3A_1449, %get3A_1156 : vector<16xf32>
        %parallel_loop3A_1459 = arith.constant 1 : i32
        %parallel_loop3A_1460 = arith.index_cast %parallel_loop3A_1459 : i32 to index
        %parallel_loop3A_1461 = arith.index_cast %parallel_loop3A_1421 : i32 to index
        %parallel_loop3A_1462 = arith.constant 16 : index
        %parallel_loop3A_1463 = tpu.vector_load %arg7[%parallel_loop3A_1460, %parallel_loop3A_1461, %parallel_loop3A_1462] {strides = array<i32>} : memref<4x128x128xf32, #tpu.memory_space<vmem>>, vector<1x1x16xf32>,
        %parallel_loop3A_1464 = vector.shape_cast %parallel_loop3A_1463 : vector<1x1x16xf32> to vector<16xf32>
        %parallel_loop3A_1465 = vector.shape_cast %parallel_loop3A_1458 : vector<16xf32> to vector<1x1x16xf32>
        tpu.vector_store %arg7[%parallel_loop3A_1460, %parallel_loop3A_1461, %parallel_loop3A_1462], %parallel_loop3A_1465 {strides = array<i32>} : memref<4x128x128xf32, #tpu.memory_space<vmem>>, vector<1x1x16xf32>,
        %parallel_loop3A_1466 = arith.constant 128 : i32
        %parallel_loop3A_1467 = arith.addi %parallel_loop3A_1466, %parallel_loop3A_1421 : i32
        %parallel_loop3A_1468 = arith.index_cast %parallel_loop3A_1467 : i32 to index
        %parallel_loop3A_1469 = arith.constant 32 : index
        %parallel_loop3A_1470 = tpu.vector_load %arg5[%parallel_loop3A_1468, %parallel_loop3A_1469] {strides = array<i32>} : memref<256x128xf32, #tpu.memory_space<vmem>>, vector<1x16xf32>,
        %parallel_loop3A_1471 = vector.shape_cast %parallel_loop3A_1470 : vector<1x16xf32> to vector<16xf32>
        %parallel_loop3A_1472 = arith.addf %parallel_loop3A_1471, %get3A_1114 : vector<16xf32>
        %parallel_loop3A_1473 = arith.constant 0 : i32
        %parallel_loop3A_1474 = arith.index_cast %parallel_loop3A_1473 : i32 to index
        %parallel_loop3A_1475 = arith.index_cast %parallel_loop3A_1421 : i32 to index
        %parallel_loop3A_1476 = arith.constant 32 : index
        %parallel_loop3A_1477 = tpu.vector_load %arg7[%parallel_loop3A_1474, %parallel_loop3A_1475, %parallel_loop3A_1476] {strides = array<i32>} : memref<4x128x128xf32, #tpu.memory_space<vmem>>, vector<1x1x16xf32>,
        %parallel_loop3A_1478 = vector.shape_cast %parallel_loop3A_1477 : vector<1x1x16xf32> to vector<16xf32>
        %parallel_loop3A_1479 = vector.shape_cast %parallel_loop3A_1472 : vector<16xf32> to vector<1x1x16xf32>
        tpu.vector_store %arg7[%parallel_loop3A_1474, %parallel_loop3A_1475, %parallel_loop3A_1476], %parallel_loop3A_1479 {strides = array<i32>} : memref<4x128x128xf32, #tpu.memory_space<vmem>>, vector<1x1x16xf32>,
        %parallel_loop3A_1480 = arith.addf %parallel_loop3A_1471, %get3A_1162 : vector<16xf32>
        %parallel_loop3A_1481 = arith.constant 1 : i32
        %parallel_loop3A_1482 = arith.index_cast %parallel_loop3A_1481 : i32 to index
        %parallel_loop3A_1483 = arith.index_cast %parallel_loop3A_1421 : i32 to index
        %parallel_loop3A_1484 = arith.constant 32 : index
        %parallel_loop3A_1485 = tpu.vector_load %arg7[%parallel_loop3A_1482, %parallel_loop3A_1483, %parallel_loop3A_1484] {strides = array<i32>} : memref<4x128x128xf32, #tpu.memory_space<vmem>>, vector<1x1x16xf32>,
        %parallel_loop3A_1486 = vector.shape_cast %parallel_loop3A_1485 : vector<1x1x16xf32> to vector<16xf32>
        %parallel_loop3A_1487 = vector.shape_cast %parallel_loop3A_1480 : vector<16xf32> to vector<1x1x16xf32>
        tpu.vector_store %arg7[%parallel_loop3A_1482, %parallel_loop3A_1483, %parallel_loop3A_1484], %parallel_loop3A_1487 {strides = array<i32>} : memref<4x128x128xf32, #tpu.memory_space<vmem>>, vector<1x1x16xf32>,
        %parallel_loop3A_1488 = arith.constant 128 : i32
        %parallel_loop3A_1489 = arith.addi %parallel_loop3A_1488, %parallel_loop3A_1421 : i32
        %parallel_loop3A_1490 = arith.index_cast %parallel_loop3A_1489 : i32 to index
        %parallel_loop3A_1491 = arith.constant 48 : index
        %parallel_loop3A_1492 = tpu.vector_load %arg5[%parallel_loop3A_1490, %parallel_loop3A_1491] {strides = array<i32>} : memref<256x128xf32, #tpu.memory_space<vmem>>, vector<1x16xf32>,
        %parallel_loop3A_1493 = vector.shape_cast %parallel_loop3A_1492 : vector<1x16xf32> to vector<16xf32>
        %parallel_loop3A_1494 = arith.addf %parallel_loop3A_1493, %get3A_1120 : vector<16xf32>
        %parallel_loop3A_1495 = arith.constant 0 : i32
        %parallel_loop3A_1496 = arith.index_cast %parallel_loop3A_1495 : i32 to index
        %parallel_loop3A_1497 = arith.index_cast %parallel_loop3A_1421 : i32 to index
        %parallel_loop3A_1498 = arith.constant 48 : index
        %parallel_loop3A_1499 = tpu.vector_load %arg7[%parallel_loop3A_1496, %parallel_loop3A_1497, %parallel_loop3A_1498] {strides = array<i32>} : memref<4x128x128xf32, #tpu.memory_space<vmem>>, vector<1x1x16xf32>,
        %parallel_loop3A_1500 = vector.shape_cast %parallel_loop3A_1499 : vector<1x1x16xf32> to vector<16xf32>
        %parallel_loop3A_1501 = vector.shape_cast %parallel_loop3A_1494 : vector<16xf32> to vector<1x1x16xf32>
        tpu.vector_store %arg7[%parallel_loop3A_1496, %parallel_loop3A_1497, %parallel_loop3A_1498], %parallel_loop3A_1501 {strides = array<i32>} : memref<4x128x128xf32, #tpu.memory_space<vmem>>, vector<1x1x16xf32>,
        %parallel_loop3A_1502 = arith.addf %parallel_loop3A_1493, %get3A_1168 : vector<16xf32>
        %parallel_loop3A_1503 = arith.constant 1 : i32
        %parallel_loop3A_1504 = arith.index_cast %parallel_loop3A_1503 : i32 to index
        %parallel_loop3A_1505 = arith.index_cast %parallel_loop3A_1421 : i32 to index
        %parallel_loop3A_1506 = arith.constant 48 : index
        %parallel_loop3A_1507 = tpu.vector_load %arg7[%parallel_loop3A_1504, %parallel_loop3A_1505, %parallel_loop3A_1506] {strides = array<i32>} : memref<4x128x128xf32, #tpu.memory_space<vmem>>, vector<1x1x16xf32>,
        %parallel_loop3A_1508 = vector.shape_cast %parallel_loop3A_1507 : vector<1x1x16xf32> to vector<16xf32>
        %parallel_loop3A_1509 = vector.shape_cast %parallel_loop3A_1502 : vector<16xf32> to vector<1x1x16xf32>
        tpu.vector_store %arg7[%parallel_loop3A_1504, %parallel_loop3A_1505, %parallel_loop3A_1506], %parallel_loop3A_1509 {strides = array<i32>} : memref<4x128x128xf32, #tpu.memory_space<vmem>>, vector<1x1x16xf32>,
        %parallel_loop3A_1510 = arith.constant 128 : i32
        %parallel_loop3A_1511 = arith.addi %parallel_loop3A_1510, %parallel_loop3A_1421 : i32
        %parallel_loop3A_1512 = arith.index_cast %parallel_loop3A_1511 : i32 to index
        %parallel_loop3A_1513 = arith.constant 64 : index
        %parallel_loop3A_1514 = tpu.vector_load %arg5[%parallel_loop3A_1512, %parallel_loop3A_1513] {strides = array<i32>} : memref<256x128xf32, #tpu.memory_space<vmem>>, vector<1x16xf32>,
        %parallel_loop3A_1515 = vector.shape_cast %parallel_loop3A_1514 : vector<1x16xf32> to vector<16xf32>
        %parallel_loop3A_1516 = arith.addf %parallel_loop3A_1515, %get3A_1126 : vector<16xf32>
        %parallel_loop3A_1517 = arith.constant 0 : i32
        %parallel_loop3A_1518 = arith.index_cast %parallel_loop3A_1517 : i32 to index
        %parallel_loop3A_1519 = arith.index_cast %parallel_loop3A_1421 : i32 to index
        %parallel_loop3A_1520 = arith.constant 64 : index
        %parallel_loop3A_1521 = tpu.vector_load %arg7[%parallel_loop3A_1518, %parallel_loop3A_1519, %parallel_loop3A_1520] {strides = array<i32>} : memref<4x128x128xf32, #tpu.memory_space<vmem>>, vector<1x1x16xf32>,
        %parallel_loop3A_1522 = vector.shape_cast %parallel_loop3A_1521 : vector<1x1x16xf32> to vector<16xf32>
        %parallel_loop3A_1523 = vector.shape_cast %parallel_loop3A_1516 : vector<16xf32> to vector<1x1x16xf32>
        tpu.vector_store %arg7[%parallel_loop3A_1518, %parallel_loop3A_1519, %parallel_loop3A_1520], %parallel_loop3A_1523 {strides = array<i32>} : memref<4x128x128xf32, #tpu.memory_space<vmem>>, vector<1x1x16xf32>,
        %parallel_loop3A_1524 = arith.addf %parallel_loop3A_1515, %get3A_1174 : vector<16xf32>
        %parallel_loop3A_1525 = arith.constant 1 : i32
        %parallel_loop3A_1526 = arith.index_cast %parallel_loop3A_1525 : i32 to index
        %parallel_loop3A_1527 = arith.index_cast %parallel_loop3A_1421 : i32 to index
        %parallel_loop3A_1528 = arith.constant 64 : index
        %parallel_loop3A_1529 = tpu.vector_load %arg7[%parallel_loop3A_1526, %parallel_loop3A_1527, %parallel_loop3A_1528] {strides = array<i32>} : memref<4x128x128xf32, #tpu.memory_space<vmem>>, vector<1x1x16xf32>,
        %parallel_loop3A_1530 = vector.shape_cast %parallel_loop3A_1529 : vector<1x1x16xf32> to vector<16xf32>
        %parallel_loop3A_1531 = vector.shape_cast %parallel_loop3A_1524 : vector<16xf32> to vector<1x1x16xf32>
        tpu.vector_store %arg7[%parallel_loop3A_1526, %parallel_loop3A_1527, %parallel_loop3A_1528], %parallel_loop3A_1531 {strides = array<i32>} : memref<4x128x128xf32, #tpu.memory_space<vmem>>, vector<1x1x16xf32>,
        %parallel_loop3A_1532 = arith.constant 128 : i32
        %parallel_loop3A_1533 = arith.addi %parallel_loop3A_1532, %parallel_loop3A_1421 : i32
        %parallel_loop3A_1534 = arith.index_cast %parallel_loop3A_1533 : i32 to index
        %parallel_loop3A_1535 = arith.constant 80 : index
        %parallel_loop3A_1536 = tpu.vector_load %arg5[%parallel_loop3A_1534, %parallel_loop3A_1535] {strides = array<i32>} : memref<256x128xf32, #tpu.memory_space<vmem>>, vector<1x16xf32>,
        %parallel_loop3A_1537 = vector.shape_cast %parallel_loop3A_1536 : vector<1x16xf32> to vector<16xf32>
        %parallel_loop3A_1538 = arith.addf %parallel_loop3A_1537, %get3A_1132 : vector<16xf32>
        %parallel_loop3A_1539 = arith.constant 0 : i32
        %parallel_loop3A_1540 = arith.index_cast %parallel_loop3A_1539 : i32 to index
        %parallel_loop3A_1541 = arith.index_cast %parallel_loop3A_1421 : i32 to index
        %parallel_loop3A_1542 = arith.constant 80 : index
        %parallel_loop3A_1543 = tpu.vector_load %arg7[%parallel_loop3A_1540, %parallel_loop3A_1541, %parallel_loop3A_1542] {strides = array<i32>} : memref<4x128x128xf32, #tpu.memory_space<vmem>>, vector<1x1x16xf32>,
        %parallel_loop3A_1544 = vector.shape_cast %parallel_loop3A_1543 : vector<1x1x16xf32> to vector<16xf32>
        %parallel_loop3A_1545 = vector.shape_cast %parallel_loop3A_1538 : vector<16xf32> to vector<1x1x16xf32>
        tpu.vector_store %arg7[%parallel_loop3A_1540, %parallel_loop3A_1541, %parallel_loop3A_1542], %parallel_loop3A_1545 {strides = array<i32>} : memref<4x128x128xf32, #tpu.memory_space<vmem>>, vector<1x1x16xf32>,
        %parallel_loop3A_1546 = arith.addf %parallel_loop3A_1537, %get3A_1180 : vector<16xf32>
        %parallel_loop3A_1547 = arith.constant 1 : i32
        %parallel_loop3A_1548 = arith.index_cast %parallel_loop3A_1547 : i32 to index
        %parallel_loop3A_1549 = arith.index_cast %parallel_loop3A_1421 : i32 to index
        %parallel_loop3A_1550 = arith.constant 80 : index
        %parallel_loop3A_1551 = tpu.vector_load %arg7[%parallel_loop3A_1548, %parallel_loop3A_1549, %parallel_loop3A_1550] {strides = array<i32>} : memref<4x128x128xf32, #tpu.memory_space<vmem>>, vector<1x1x16xf32>,
        %parallel_loop3A_1552 = vector.shape_cast %parallel_loop3A_1551 : vector<1x1x16xf32> to vector<16xf32>
        %parallel_loop3A_1553 = vector.shape_cast %parallel_loop3A_1546 : vector<16xf32> to vector<1x1x16xf32>
        tpu.vector_store %arg7[%parallel_loop3A_1548, %parallel_loop3A_1549, %parallel_loop3A_1550], %parallel_loop3A_1553 {strides = array<i32>} : memref<4x128x128xf32, #tpu.memory_space<vmem>>, vector<1x1x16xf32>,
        %parallel_loop3A_1554 = arith.constant 128 : i32
        %parallel_loop3A_1555 = arith.addi %parallel_loop3A_1554, %parallel_loop3A_1421 : i32
        %parallel_loop3A_1556 = arith.index_cast %parallel_loop3A_1555 : i32 to index
        %parallel_loop3A_1557 = arith.constant 96 : index
        %parallel_loop3A_1558 = tpu.vector_load %arg5[%parallel_loop3A_1556, %parallel_loop3A_1557] {strides = array<i32>} : memref<256x128xf32, #tpu.memory_space<vmem>>, vector<1x16xf32>,
        %parallel_loop3A_1559 = vector.shape_cast %parallel_loop3A_1558 : vector<1x16xf32> to vector<16xf32>
        %parallel_loop3A_1560 = arith.addf %parallel_loop3A_1559, %get3A_1138 : vector<16xf32>
        %parallel_loop3A_1561 = arith.constant 0 : i32
        %parallel_loop3A_1562 = arith.index_cast %parallel_loop3A_1561 : i32 to index
        %parallel_loop3A_1563 = arith.index_cast %parallel_loop3A_1421 : i32 to index
        %parallel_loop3A_1564 = arith.constant 96 : index
        %parallel_loop3A_1565 = tpu.vector_load %arg7[%parallel_loop3A_1562, %parallel_loop3A_1563, %parallel_loop3A_1564] {strides = array<i32>} : memref<4x128x128xf32, #tpu.memory_space<vmem>>, vector<1x1x16xf32>,
        %parallel_loop3A_1566 = vector.shape_cast %parallel_loop3A_1565 : vector<1x1x16xf32> to vector<16xf32>
        %parallel_loop3A_1567 = vector.shape_cast %parallel_loop3A_1560 : vector<16xf32> to vector<1x1x16xf32>
        tpu.vector_store %arg7[%parallel_loop3A_1562, %parallel_loop3A_1563, %parallel_loop3A_1564], %parallel_loop3A_1567 {strides = array<i32>} : memref<4x128x128xf32, #tpu.memory_space<vmem>>, vector<1x1x16xf32>,
        %parallel_loop3A_1568 = arith.addf %parallel_loop3A_1559, %get3A_1186 : vector<16xf32>
        %parallel_loop3A_1569 = arith.constant 1 : i32
        %parallel_loop3A_1570 = arith.index_cast %parallel_loop3A_1569 : i32 to index
        %parallel_loop3A_1571 = arith.index_cast %parallel_loop3A_1421 : i32 to index
        %parallel_loop3A_1572 = arith.constant 96 : index
        %parallel_loop3A_1573 = tpu.vector_load %arg7[%parallel_loop3A_1570, %parallel_loop3A_1571, %parallel_loop3A_1572] {strides = array<i32>} : memref<4x128x128xf32, #tpu.memory_space<vmem>>, vector<1x1x16xf32>,
        %parallel_loop3A_1574 = vector.shape_cast %parallel_loop3A_1573 : vector<1x1x16xf32> to vector<16xf32>
        %parallel_loop3A_1575 = vector.shape_cast %parallel_loop3A_1568 : vector<16xf32> to vector<1x1x16xf32>
        tpu.vector_store %arg7[%parallel_loop3A_1570, %parallel_loop3A_1571, %parallel_loop3A_1572], %parallel_loop3A_1575 {strides = array<i32>} : memref<4x128x128xf32, #tpu.memory_space<vmem>>, vector<1x1x16xf32>,
        %parallel_loop3A_1576 = arith.constant 128 : i32
        %parallel_loop3A_1577 = arith.addi %parallel_loop3A_1576, %parallel_loop3A_1421 : i32
        %parallel_loop3A_1578 = arith.index_cast %parallel_loop3A_1577 : i32 to index
        %parallel_loop3A_1579 = arith.constant 112 : index
        %parallel_loop3A_1580 = tpu.vector_load %arg5[%parallel_loop3A_1578, %parallel_loop3A_1579] {strides = array<i32>} : memref<256x128xf32, #tpu.memory_space<vmem>>, vector<1x16xf32>,
        %parallel_loop3A_1581 = vector.shape_cast %parallel_loop3A_1580 : vector<1x16xf32> to vector<16xf32>
        %parallel_loop3A_1582 = arith.addf %parallel_loop3A_1581, %get3A_1144 : vector<16xf32>
        %parallel_loop3A_1583 = arith.constant 0 : i32
        %parallel_loop3A_1584 = arith.index_cast %parallel_loop3A_1583 : i32 to index
        %parallel_loop3A_1585 = arith.index_cast %parallel_loop3A_1421 : i32 to index
        %parallel_loop3A_1586 = arith.constant 112 : index
        %parallel_loop3A_1587 = tpu.vector_load %arg7[%parallel_loop3A_1584, %parallel_loop3A_1585, %parallel_loop3A_1586] {strides = array<i32>} : memref<4x128x128xf32, #tpu.memory_space<vmem>>, vector<1x1x16xf32>,
        %parallel_loop3A_1588 = vector.shape_cast %parallel_loop3A_1587 : vector<1x1x16xf32> to vector<16xf32>
        %parallel_loop3A_1589 = vector.shape_cast %parallel_loop3A_1582 : vector<16xf32> to vector<1x1x16xf32>
        tpu.vector_store %arg7[%parallel_loop3A_1584, %parallel_loop3A_1585, %parallel_loop3A_1586], %parallel_loop3A_1589 {strides = array<i32>} : memref<4x128x128xf32, #tpu.memory_space<vmem>>, vector<1x1x16xf32>,
        %parallel_loop3A_1590 = arith.addf %parallel_loop3A_1581, %get3A_1192 : vector<16xf32>
        %parallel_loop3A_1591 = arith.constant 1 : i32
        %parallel_loop3A_1592 = arith.index_cast %parallel_loop3A_1591 : i32 to index
        %parallel_loop3A_1593 = arith.index_cast %parallel_loop3A_1421 : i32 to index
        %parallel_loop3A_1594 = arith.constant 112 : index
        %parallel_loop3A_1595 = tpu.vector_load %arg7[%parallel_loop3A_1592, %parallel_loop3A_1593, %parallel_loop3A_1594] {strides = array<i32>} : memref<4x128x128xf32, #tpu.memory_space<vmem>>, vector<1x1x16xf32>,
        %parallel_loop3A_1596 = vector.shape_cast %parallel_loop3A_1595 : vector<1x1x16xf32> to vector<16xf32>
        %parallel_loop3A_1597 = vector.shape_cast %parallel_loop3A_1590 : vector<16xf32> to vector<1x1x16xf32>
        tpu.vector_store %arg7[%parallel_loop3A_1592, %parallel_loop3A_1593, %parallel_loop3A_1594], %parallel_loop3A_1597 {strides = array<i32>} : memref<4x128x128xf32, #tpu.memory_space<vmem>>, vector<1x1x16xf32>,
      } {sc.loop_unroll_factor = 2 : i64, sc.parallel_access}
      %add3A_1196 = arith.constant 0 : i32
      %add3A_1197 = arith.addi %scan3A_688, %add3A_1196 : i32
      %add3A_1198 = arith.addi %mul3A_32, %add3A_1197 : i32
      %mul3A_1199 = arith.constant 2048 : i32
      %mul3A_1200 = arith.muli %add3A_1198, %mul3A_1199 : i32
      %add3A_1201 = arith.addi %mul3A_1200, %mul3A_34 : i32
      %add3A_1202 = arith.constant 128 : i32
      %add3A_1203 = arith.addi %add3A_1201, %add3A_1202 : i32
      %dma_start3A_1204 = arith.constant 0 : i32
      %dma_start3A_1205 = arith.constant 0 : i32
      %dma_start3A_1206 = arith.constant 0 : i32
      %dma_start3A_1207 = tpu.memref_slice %arg7[%dma_start3A_1204, %dma_start3A_1205, %dma_start3A_1206] : memref<4x128x128xf32, #tpu.memory_space<vmem>> -> memref<1x128x128xf32, #tpu.memory_space<vmem>>
      %dma_start3A_1208 = tpu.memref_squeeze %dma_start3A_1207 : memref<1x128x128xf32, #tpu.memory_space<vmem>> -> memref<128x128xf32, #tpu.memory_space<vmem>>
      %dma_start3A_1209 = arith.constant 0 : i32
      %dma_start3A_1210 = tpu.memref_slice %arg4[%add3A_1203, %dma_start3A_1209] : memref<262144x128xf32, #tpu.memory_space<hbm>> -> memref<128x128xf32, #tpu.memory_space<hbm>>
      %dma_start3A_1211 = arith.constant 0 : i32
      %dma_start3A_1212 = tpu.memref_slice %arg4[%add3A_1203, %dma_start3A_1211] : memref<262144x128xf32, #tpu.memory_space<hbm>> -> memref<128x128xf32, #tpu.memory_space<hbm>>
      %dma_start3A_1213 = arith.constant 0 : i32
      %dma_start3A_1214 = arith.constant 0 : i32
      %dma_start3A_1215 = tpu.memref_slice %arg7[%dma_start3A_1204, %dma_start3A_1213, %dma_start3A_1214] : memref<4x128x128xf32, #tpu.memory_space<vmem>> -> memref<1x128x128xf32, #tpu.memory_space<vmem>>
      %dma_start3A_1216 = tpu.memref_squeeze %dma_start3A_1215 : memref<1x128x128xf32, #tpu.memory_space<vmem>> -> memref<128x128xf32, #tpu.memory_space<vmem>>
      tpu.enqueue_dma source(%dma_start3A_1216 : memref<128x128xf32, #tpu.memory_space<vmem>>) target(%dma_start3A_1212 : memref<128x128xf32, #tpu.memory_space<hbm>>) target_semaphore(%arg8 : memref<!tpu.dma_semaphore, #tpu.memory_space<semaphore_mem>>)
      %add3A_1217 = arith.constant 8 : i32
      %add3A_1218 = arith.addi %scan3A_688, %add3A_1217 : i32
      %add3A_1219 = arith.addi %mul3A_32, %add3A_1218 : i32
      %mul3A_1220 = arith.constant 2048 : i32
      %mul3A_1221 = arith.muli %add3A_1219, %mul3A_1220 : i32
      %add3A_1222 = arith.addi %mul3A_1221, %mul3A_34 : i32
      %add3A_1223 = arith.constant 128 : i32
      %add3A_1224 = arith.addi %add3A_1222, %add3A_1223 : i32
      %dma_start3A_1225 = arith.constant 1 : i32
      %dma_start3A_1226 = arith.constant 0 : i32
      %dma_start3A_1227 = arith.constant 0 : i32
      %dma_start3A_1228 = tpu.memref_slice %arg7[%dma_start3A_1225, %dma_start3A_1226, %dma_start3A_1227] : memref<4x128x128xf32, #tpu.memory_space<vmem>> -> memref<1x128x128xf32, #tpu.memory_space<vmem>>
      %dma_start3A_1229 = tpu.memref_squeeze %dma_start3A_1228 : memref<1x128x128xf32, #tpu.memory_space<vmem>> -> memref<128x128xf32, #tpu.memory_space<vmem>>
      %dma_start3A_1230 = arith.constant 0 : i32
      %dma_start3A_1231 = tpu.memref_slice %arg4[%add3A_1224, %dma_start3A_1230] : memref<262144x128xf32, #tpu.memory_space<hbm>> -> memref<128x128xf32, #tpu.memory_space<hbm>>
      %dma_start3A_1232 = arith.constant 0 : i32
      %dma_start3A_1233 = tpu.memref_slice %arg4[%add3A_1224, %dma_start3A_1232] : memref<262144x128xf32, #tpu.memory_space<hbm>> -> memref<128x128xf32, #tpu.memory_space<hbm>>
      %dma_start3A_1234 = arith.constant 0 : i32
      %dma_start3A_1235 = arith.constant 0 : i32
      %dma_start3A_1236 = tpu.memref_slice %arg7[%dma_start3A_1225, %dma_start3A_1234, %dma_start3A_1235] : memref<4x128x128xf32, #tpu.memory_space<vmem>> -> memref<1x128x128xf32, #tpu.memory_space<vmem>>
      %dma_start3A_1237 = tpu.memref_squeeze %dma_start3A_1236 : memref<1x128x128xf32, #tpu.memory_space<vmem>> -> memref<128x128xf32, #tpu.memory_space<vmem>>
      tpu.enqueue_dma source(%dma_start3A_1237 : memref<128x128xf32, #tpu.memory_space<vmem>>) target(%dma_start3A_1233 : memref<128x128xf32, #tpu.memory_space<hbm>>) target_semaphore(%arg9 : memref<!tpu.dma_semaphore, #tpu.memory_space<semaphore_mem>>)
      %add3A_1238 = arith.constant 16 : i32
      %add3A_1239 = arith.addi %scan3A_688, %add3A_1238 : i32
      %add3A_1240 = arith.addi %mul3A_32, %add3A_1239 : i32
      %mul3A_1241 = arith.constant 2048 : i32
      %mul3A_1242 = arith.muli %add3A_1240, %mul3A_1241 : i32
      %add3A_1243 = arith.addi %mul3A_1242, %mul3A_34 : i32
      %add3A_1244 = arith.constant 128 : i32
      %add3A_1245 = arith.addi %add3A_1243, %add3A_1244 : i32
      %dma_wait3A_1246 = arith.constant 2 : i32
      %dma_wait3A_1247 = arith.constant 0 : i32
      %dma_wait3A_1248 = arith.constant 0 : i32
      %dma_wait3A_1249 = tpu.memref_slice %arg7[%dma_wait3A_1246, %dma_wait3A_1247, %dma_wait3A_1248] : memref<4x128x128xf32, #tpu.memory_space<vmem>> -> memref<1x128x128xf32, #tpu.memory_space<vmem>>
      %dma_wait3A_1250 = tpu.memref_squeeze %dma_wait3A_1249 : memref<1x128x128xf32, #tpu.memory_space<vmem>> -> memref<128x128xf32, #tpu.memory_space<vmem>>
      %dma_wait3A_1251 = arith.constant 0 : i32
      %dma_wait3A_1252 = tpu.memref_slice %arg4[%add3A_1245, %dma_wait3A_1251] : memref<262144x128xf32, #tpu.memory_space<hbm>> -> memref<128x128xf32, #tpu.memory_space<hbm>>
      %dma_wait3A_1253 = arith.constant 0 : i32
      %dma_wait3A_1254 = tpu.memref_slice %arg4[%add3A_1245, %dma_wait3A_1253] : memref<262144x128xf32, #tpu.memory_space<hbm>> -> memref<128x128xf32, #tpu.memory_space<hbm>>
      %dma_wait3A_1255 = arith.constant 0 : i32
      %dma_wait3A_1256 = arith.constant 0 : i32
      %dma_wait3A_1257 = tpu.memref_slice %arg7[%dma_wait3A_1246, %dma_wait3A_1255, %dma_wait3A_1256] : memref<4x128x128xf32, #tpu.memory_space<vmem>> -> memref<1x128x128xf32, #tpu.memory_space<vmem>>
      %dma_wait3A_1258 = tpu.memref_squeeze %dma_wait3A_1257 : memref<1x128x128xf32, #tpu.memory_space<vmem>> -> memref<128x128xf32, #tpu.memory_space<vmem>>
      tpu.wait_dma2 semaphore(%arg10 : memref<!tpu.dma_semaphore, #tpu.memory_space<semaphore_mem>>) src(%dma_wait3A_1258 : memref<128x128xf32, #tpu.memory_space<vmem>>) dst(%dma_wait3A_1254 : memref<128x128xf32, #tpu.memory_space<hbm>>)
      %add3A_1259 = arith.constant 24 : i32
      %add3A_1260 = arith.addi %scan3A_688, %add3A_1259 : i32
      %add3A_1261 = arith.addi %mul3A_32, %add3A_1260 : i32
      %mul3A_1262 = arith.constant 2048 : i32
      %mul3A_1263 = arith.muli %add3A_1261, %mul3A_1262 : i32
      %add3A_1264 = arith.addi %mul3A_1263, %mul3A_34 : i32
      %add3A_1265 = arith.constant 128 : i32
      %add3A_1266 = arith.addi %add3A_1264, %add3A_1265 : i32
      %dma_wait3A_1267 = arith.constant 3 : i32
      %dma_wait3A_1268 = arith.constant 0 : i32
      %dma_wait3A_1269 = arith.constant 0 : i32
      %dma_wait3A_1270 = tpu.memref_slice %arg7[%dma_wait3A_1267, %dma_wait3A_1268, %dma_wait3A_1269] : memref<4x128x128xf32, #tpu.memory_space<vmem>> -> memref<1x128x128xf32, #tpu.memory_space<vmem>>
      %dma_wait3A_1271 = tpu.memref_squeeze %dma_wait3A_1270 : memref<1x128x128xf32, #tpu.memory_space<vmem>> -> memref<128x128xf32, #tpu.memory_space<vmem>>
      %dma_wait3A_1272 = arith.constant 0 : i32
      %dma_wait3A_1273 = tpu.memref_slice %arg4[%add3A_1266, %dma_wait3A_1272] : memref<262144x128xf32, #tpu.memory_space<hbm>> -> memref<128x128xf32, #tpu.memory_space<hbm>>
      %dma_wait3A_1274 = arith.constant 0 : i32
      %dma_wait3A_1275 = tpu.memref_slice %arg4[%add3A_1266, %dma_wait3A_1274] : memref<262144x128xf32, #tpu.memory_space<hbm>> -> memref<128x128xf32, #tpu.memory_space<hbm>>
      %dma_wait3A_1276 = arith.constant 0 : i32
      %dma_wait3A_1277 = arith.constant 0 : i32
      %dma_wait3A_1278 = tpu.memref_slice %arg7[%dma_wait3A_1267, %dma_wait3A_1276, %dma_wait3A_1277] : memref<4x128x128xf32, #tpu.memory_space<vmem>> -> memref<1x128x128xf32, #tpu.memory_space<vmem>>
      %dma_wait3A_1279 = tpu.memref_squeeze %dma_wait3A_1278 : memref<1x128x128xf32, #tpu.memory_space<vmem>> -> memref<128x128xf32, #tpu.memory_space<vmem>>
      tpu.wait_dma2 semaphore(%arg11 : memref<!tpu.dma_semaphore, #tpu.memory_space<semaphore_mem>>) src(%dma_wait3A_1279 : memref<128x128xf32, #tpu.memory_space<vmem>>) dst(%dma_wait3A_1275 : memref<128x128xf32, #tpu.memory_space<hbm>>)
      %add3A_1280 = arith.constant 16 : i32
      %add3A_1281 = arith.addi %scan3A_688, %add3A_1280 : i32
      %get3A_1282 = arith.index_cast %add3A_1281 : i32 to index
      %get3A_1283 = arith.constant 0 : index
      %get3A_1284 = tpu.vector_load %arg6[%get3A_1282, %get3A_1283] {strides = array<i32>} : memref<32x128xf32, #tpu.memory_space<vmem>>, vector<1x16xf32>,
      %get3A_1285 = vector.shape_cast %get3A_1284 : vector<1x16xf32> to vector<16xf32>
      %add3A_1286 = arith.constant 16 : i32
      %add3A_1287 = arith.addi %scan3A_688, %add3A_1286 : i32
      %get3A_1288 = arith.index_cast %add3A_1287 : i32 to index
      %get3A_1289 = arith.constant 16 : index
      %get3A_1290 = tpu.vector_load %arg6[%get3A_1288, %get3A_1289] {strides = array<i32>} : memref<32x128xf32, #tpu.memory_space<vmem>>, vector<1x16xf32>,
      %get3A_1291 = vector.shape_cast %get3A_1290 : vector<1x16xf32> to vector<16xf32>
      %add3A_1292 = arith.constant 16 : i32
      %add3A_1293 = arith.addi %scan3A_688, %add3A_1292 : i32
      %get3A_1294 = arith.index_cast %add3A_1293 : i32 to index
      %get3A_1295 = arith.constant 32 : index
      %get3A_1296 = tpu.vector_load %arg6[%get3A_1294, %get3A_1295] {strides = array<i32>} : memref<32x128xf32, #tpu.memory_space<vmem>>, vector<1x16xf32>,
      %get3A_1297 = vector.shape_cast %get3A_1296 : vector<1x16xf32> to vector<16xf32>
      %add3A_1298 = arith.constant 16 : i32
      %add3A_1299 = arith.addi %scan3A_688, %add3A_1298 : i32
      %get3A_1300 = arith.index_cast %add3A_1299 : i32 to index
      %get3A_1301 = arith.constant 48 : index
      %get3A_1302 = tpu.vector_load %arg6[%get3A_1300, %get3A_1301] {strides = array<i32>} : memref<32x128xf32, #tpu.memory_space<vmem>>, vector<1x16xf32>,
      %get3A_1303 = vector.shape_cast %get3A_1302 : vector<1x16xf32> to vector<16xf32>
      %add3A_1304 = arith.constant 16 : i32
      %add3A_1305 = arith.addi %scan3A_688, %add3A_1304 : i32
      %get3A_1306 = arith.index_cast %add3A_1305 : i32 to index
      %get3A_1307 = arith.constant 64 : index
      %get3A_1308 = tpu.vector_load %arg6[%get3A_1306, %get3A_1307] {strides = array<i32>} : memref<32x128xf32, #tpu.memory_space<vmem>>, vector<1x16xf32>,
      %get3A_1309 = vector.shape_cast %get3A_1308 : vector<1x16xf32> to vector<16xf32>
      %add3A_1310 = arith.constant 16 : i32
      %add3A_1311 = arith.addi %scan3A_688, %add3A_1310 : i32
      %get3A_1312 = arith.index_cast %add3A_1311 : i32 to index
      %get3A_1313 = arith.constant 80 : index
      %get3A_1314 = tpu.vector_load %arg6[%get3A_1312, %get3A_1313] {strides = array<i32>} : memref<32x128xf32, #tpu.memory_space<vmem>>, vector<1x16xf32>,
      %get3A_1315 = vector.shape_cast %get3A_1314 : vector<1x16xf32> to vector<16xf32>
      %add3A_1316 = arith.constant 16 : i32
      %add3A_1317 = arith.addi %scan3A_688, %add3A_1316 : i32
      %get3A_1318 = arith.index_cast %add3A_1317 : i32 to index
      %get3A_1319 = arith.constant 96 : index
      %get3A_1320 = tpu.vector_load %arg6[%get3A_1318, %get3A_1319] {strides = array<i32>} : memref<32x128xf32, #tpu.memory_space<vmem>>, vector<1x16xf32>,
      %get3A_1321 = vector.shape_cast %get3A_1320 : vector<1x16xf32> to vector<16xf32>
      %add3A_1322 = arith.constant 16 : i32
      %add3A_1323 = arith.addi %scan3A_688, %add3A_1322 : i32
      %get3A_1324 = arith.index_cast %add3A_1323 : i32 to index
      %get3A_1325 = arith.constant 112 : index
      %get3A_1326 = tpu.vector_load %arg6[%get3A_1324, %get3A_1325] {strides = array<i32>} : memref<32x128xf32, #tpu.memory_space<vmem>>, vector<1x16xf32>,
      %get3A_1327 = vector.shape_cast %get3A_1326 : vector<1x16xf32> to vector<16xf32>
      %add3A_1328 = arith.constant 24 : i32
      %add3A_1329 = arith.addi %scan3A_688, %add3A_1328 : i32
      %get3A_1330 = arith.index_cast %add3A_1329 : i32 to index
      %get3A_1331 = arith.constant 0 : index
      %get3A_1332 = tpu.vector_load %arg6[%get3A_1330, %get3A_1331] {strides = array<i32>} : memref<32x128xf32, #tpu.memory_space<vmem>>, vector<1x16xf32>,
      %get3A_1333 = vector.shape_cast %get3A_1332 : vector<1x16xf32> to vector<16xf32>
      %add3A_1334 = arith.constant 24 : i32
      %add3A_1335 = arith.addi %scan3A_688, %add3A_1334 : i32
      %get3A_1336 = arith.index_cast %add3A_1335 : i32 to index
      %get3A_1337 = arith.constant 16 : index
      %get3A_1338 = tpu.vector_load %arg6[%get3A_1336, %get3A_1337] {strides = array<i32>} : memref<32x128xf32, #tpu.memory_space<vmem>>, vector<1x16xf32>,
      %get3A_1339 = vector.shape_cast %get3A_1338 : vector<1x16xf32> to vector<16xf32>
      %add3A_1340 = arith.constant 24 : i32
      %add3A_1341 = arith.addi %scan3A_688, %add3A_1340 : i32
      %get3A_1342 = arith.index_cast %add3A_1341 : i32 to index
      %get3A_1343 = arith.constant 32 : index
      %get3A_1344 = tpu.vector_load %arg6[%get3A_1342, %get3A_1343] {strides = array<i32>} : memref<32x128xf32, #tpu.memory_space<vmem>>, vector<1x16xf32>,
      %get3A_1345 = vector.shape_cast %get3A_1344 : vector<1x16xf32> to vector<16xf32>
      %add3A_1346 = arith.constant 24 : i32
      %add3A_1347 = arith.addi %scan3A_688, %add3A_1346 : i32
      %get3A_1348 = arith.index_cast %add3A_1347 : i32 to index
      %get3A_1349 = arith.constant 48 : index
      %get3A_1350 = tpu.vector_load %arg6[%get3A_1348, %get3A_1349] {strides = array<i32>} : memref<32x128xf32, #tpu.memory_space<vmem>>, vector<1x16xf32>,
      %get3A_1351 = vector.shape_cast %get3A_1350 : vector<1x16xf32> to vector<16xf32>
      %add3A_1352 = arith.constant 24 : i32
      %add3A_1353 = arith.addi %scan3A_688, %add3A_1352 : i32
      %get3A_1354 = arith.index_cast %add3A_1353 : i32 to index
      %get3A_1355 = arith.constant 64 : index
      %get3A_1356 = tpu.vector_load %arg6[%get3A_1354, %get3A_1355] {strides = array<i32>} : memref<32x128xf32, #tpu.memory_space<vmem>>, vector<1x16xf32>,
      %get3A_1357 = vector.shape_cast %get3A_1356 : vector<1x16xf32> to vector<16xf32>
      %add3A_1358 = arith.constant 24 : i32
      %add3A_1359 = arith.addi %scan3A_688, %add3A_1358 : i32
      %get3A_1360 = arith.index_cast %add3A_1359 : i32 to index
      %get3A_1361 = arith.constant 80 : index
      %get3A_1362 = tpu.vector_load %arg6[%get3A_1360, %get3A_1361] {strides = array<i32>} : memref<32x128xf32, #tpu.memory_space<vmem>>, vector<1x16xf32>,
      %get3A_1363 = vector.shape_cast %get3A_1362 : vector<1x16xf32> to vector<16xf32>
      %add3A_1364 = arith.constant 24 : i32
      %add3A_1365 = arith.addi %scan3A_688, %add3A_1364 : i32
      %get3A_1366 = arith.index_cast %add3A_1365 : i32 to index
      %get3A_1367 = arith.constant 96 : index
      %get3A_1368 = tpu.vector_load %arg6[%get3A_1366, %get3A_1367] {strides = array<i32>} : memref<32x128xf32, #tpu.memory_space<vmem>>, vector<1x16xf32>,
      %get3A_1369 = vector.shape_cast %get3A_1368 : vector<1x16xf32> to vector<16xf32>
      %add3A_1370 = arith.constant 24 : i32
      %add3A_1371 = arith.addi %scan3A_688, %add3A_1370 : i32
      %get3A_1372 = arith.index_cast %add3A_1371 : i32 to index
      %get3A_1373 = arith.constant 112 : index
      %get3A_1374 = tpu.vector_load %arg6[%get3A_1372, %get3A_1373] {strides = array<i32>} : memref<32x128xf32, #tpu.memory_space<vmem>>, vector<1x16xf32>,
      %get3A_1375 = vector.shape_cast %get3A_1374 : vector<1x16xf32> to vector<16xf32>
      %parallel_loop3A_1376 = arith.constant 0 : i32
      %parallel_loop3A_1377 = arith.constant 128 : i32
      %parallel_loop3A_1378 = arith.constant 1 : i32
      scf.for %parallel_loop3A_1421 = %parallel_loop3A_1376 to %parallel_loop3A_1377 step %parallel_loop3A_1378  : i32 {
        %parallel_loop3A_1422 = arith.constant 128 : i32
        %parallel_loop3A_1423 = arith.addi %parallel_loop3A_1422, %parallel_loop3A_1421 : i32
        %parallel_loop3A_1424 = arith.index_cast %parallel_loop3A_1423 : i32 to index
        %parallel_loop3A_1425 = arith.constant 0 : index
        %parallel_loop3A_1426 = tpu.vector_load %arg5[%parallel_loop3A_1424, %parallel_loop3A_1425] {strides = array<i32>} : memref<256x128xf32, #tpu.memory_space<vmem>>, vector<1x16xf32>,
        %parallel_loop3A_1427 = vector.shape_cast %parallel_loop3A_1426 : vector<1x16xf32> to vector<16xf32>
        %parallel_loop3A_1428 = arith.addf %parallel_loop3A_1427, %get3A_1285 : vector<16xf32>
        %parallel_loop3A_1429 = arith.constant 2 : i32
        %parallel_loop3A_1430 = arith.index_cast %parallel_loop3A_1429 : i32 to index
        %parallel_loop3A_1431 = arith.index_cast %parallel_loop3A_1421 : i32 to index
        %parallel_loop3A_1432 = arith.constant 0 : index
        %parallel_loop3A_1433 = tpu.vector_load %arg7[%parallel_loop3A_1430, %parallel_loop3A_1431, %parallel_loop3A_1432] {strides = array<i32>} : memref<4x128x128xf32, #tpu.memory_space<vmem>>, vector<1x1x16xf32>,
        %parallel_loop3A_1434 = vector.shape_cast %parallel_loop3A_1433 : vector<1x1x16xf32> to vector<16xf32>
        %parallel_loop3A_1435 = vector.shape_cast %parallel_loop3A_1428 : vector<16xf32> to vector<1x1x16xf32>
        tpu.vector_store %arg7[%parallel_loop3A_1430, %parallel_loop3A_1431, %parallel_loop3A_1432], %parallel_loop3A_1435 {strides = array<i32>} : memref<4x128x128xf32, #tpu.memory_space<vmem>>, vector<1x1x16xf32>,
        %parallel_loop3A_1436 = arith.addf %parallel_loop3A_1427, %get3A_1333 : vector<16xf32>
        %parallel_loop3A_1437 = arith.constant 3 : i32
        %parallel_loop3A_1438 = arith.index_cast %parallel_loop3A_1437 : i32 to index
        %parallel_loop3A_1439 = arith.index_cast %parallel_loop3A_1421 : i32 to index
        %parallel_loop3A_1440 = arith.constant 0 : index
        %parallel_loop3A_1441 = tpu.vector_load %arg7[%parallel_loop3A_1438, %parallel_loop3A_1439, %parallel_loop3A_1440] {strides = array<i32>} : memref<4x128x128xf32, #tpu.memory_space<vmem>>, vector<1x1x16xf32>,
        %parallel_loop3A_1442 = vector.shape_cast %parallel_loop3A_1441 : vector<1x1x16xf32> to vector<16xf32>
        %parallel_loop3A_1443 = vector.shape_cast %parallel_loop3A_1436 : vector<16xf32> to vector<1x1x16xf32>
        tpu.vector_store %arg7[%parallel_loop3A_1438, %parallel_loop3A_1439, %parallel_loop3A_1440], %parallel_loop3A_1443 {strides = array<i32>} : memref<4x128x128xf32, #tpu.memory_space<vmem>>, vector<1x1x16xf32>,
        %parallel_loop3A_1444 = arith.constant 128 : i32
        %parallel_loop3A_1445 = arith.addi %parallel_loop3A_1444, %parallel_loop3A_1421 : i32
        %parallel_loop3A_1446 = arith.index_cast %parallel_loop3A_1445 : i32 to index
        %parallel_loop3A_1447 = arith.constant 16 : index
        %parallel_loop3A_1448 = tpu.vector_load %arg5[%parallel_loop3A_1446, %parallel_loop3A_1447] {strides = array<i32>} : memref<256x128xf32, #tpu.memory_space<vmem>>, vector<1x16xf32>,
        %parallel_loop3A_1449 = vector.shape_cast %parallel_loop3A_1448 : vector<1x16xf32> to vector<16xf32>
        %parallel_loop3A_1450 = arith.addf %parallel_loop3A_1449, %get3A_1291 : vector<16xf32>
        %parallel_loop3A_1451 = arith.constant 2 : i32
        %parallel_loop3A_1452 = arith.index_cast %parallel_loop3A_1451 : i32 to index
        %parallel_loop3A_1453 = arith.index_cast %parallel_loop3A_1421 : i32 to index
        %parallel_loop3A_1454 = arith.constant 16 : index
        %parallel_loop3A_1455 = tpu.vector_load %arg7[%parallel_loop3A_1452, %parallel_loop3A_1453, %parallel_loop3A_1454] {strides = array<i32>} : memref<4x128x128xf32, #tpu.memory_space<vmem>>, vector<1x1x16xf32>,
        %parallel_loop3A_1456 = vector.shape_cast %parallel_loop3A_1455 : vector<1x1x16xf32> to vector<16xf32>
        %parallel_loop3A_1457 = vector.shape_cast %parallel_loop3A_1450 : vector<16xf32> to vector<1x1x16xf32>
        tpu.vector_store %arg7[%parallel_loop3A_1452, %parallel_loop3A_1453, %parallel_loop3A_1454], %parallel_loop3A_1457 {strides = array<i32>} : memref<4x128x128xf32, #tpu.memory_space<vmem>>, vector<1x1x16xf32>,
        %parallel_loop3A_1458 = arith.addf %parallel_loop3A_1449, %get3A_1339 : vector<16xf32>
        %parallel_loop3A_1459 = arith.constant 3 : i32
        %parallel_loop3A_1460 = arith.index_cast %parallel_loop3A_1459 : i32 to index
        %parallel_loop3A_1461 = arith.index_cast %parallel_loop3A_1421 : i32 to index
        %parallel_loop3A_1462 = arith.constant 16 : index
        %parallel_loop3A_1463 = tpu.vector_load %arg7[%parallel_loop3A_1460, %parallel_loop3A_1461, %parallel_loop3A_1462] {strides = array<i32>} : memref<4x128x128xf32, #tpu.memory_space<vmem>>, vector<1x1x16xf32>,
        %parallel_loop3A_1464 = vector.shape_cast %parallel_loop3A_1463 : vector<1x1x16xf32> to vector<16xf32>
        %parallel_loop3A_1465 = vector.shape_cast %parallel_loop3A_1458 : vector<16xf32> to vector<1x1x16xf32>
        tpu.vector_store %arg7[%parallel_loop3A_1460, %parallel_loop3A_1461, %parallel_loop3A_1462], %parallel_loop3A_1465 {strides = array<i32>} : memref<4x128x128xf32, #tpu.memory_space<vmem>>, vector<1x1x16xf32>,
        %parallel_loop3A_1466 = arith.constant 128 : i32
        %parallel_loop3A_1467 = arith.addi %parallel_loop3A_1466, %parallel_loop3A_1421 : i32
        %parallel_loop3A_1468 = arith.index_cast %parallel_loop3A_1467 : i32 to index
        %parallel_loop3A_1469 = arith.constant 32 : index
        %parallel_loop3A_1470 = tpu.vector_load %arg5[%parallel_loop3A_1468, %parallel_loop3A_1469] {strides = array<i32>} : memref<256x128xf32, #tpu.memory_space<vmem>>, vector<1x16xf32>,
        %parallel_loop3A_1471 = vector.shape_cast %parallel_loop3A_1470 : vector<1x16xf32> to vector<16xf32>
        %parallel_loop3A_1472 = arith.addf %parallel_loop3A_1471, %get3A_1297 : vector<16xf32>
        %parallel_loop3A_1473 = arith.constant 2 : i32
        %parallel_loop3A_1474 = arith.index_cast %parallel_loop3A_1473 : i32 to index
        %parallel_loop3A_1475 = arith.index_cast %parallel_loop3A_1421 : i32 to index
        %parallel_loop3A_1476 = arith.constant 32 : index
        %parallel_loop3A_1477 = tpu.vector_load %arg7[%parallel_loop3A_1474, %parallel_loop3A_1475, %parallel_loop3A_1476] {strides = array<i32>} : memref<4x128x128xf32, #tpu.memory_space<vmem>>, vector<1x1x16xf32>,
        %parallel_loop3A_1478 = vector.shape_cast %parallel_loop3A_1477 : vector<1x1x16xf32> to vector<16xf32>
        %parallel_loop3A_1479 = vector.shape_cast %parallel_loop3A_1472 : vector<16xf32> to vector<1x1x16xf32>
        tpu.vector_store %arg7[%parallel_loop3A_1474, %parallel_loop3A_1475, %parallel_loop3A_1476], %parallel_loop3A_1479 {strides = array<i32>} : memref<4x128x128xf32, #tpu.memory_space<vmem>>, vector<1x1x16xf32>,
        %parallel_loop3A_1480 = arith.addf %parallel_loop3A_1471, %get3A_1345 : vector<16xf32>
        %parallel_loop3A_1481 = arith.constant 3 : i32
        %parallel_loop3A_1482 = arith.index_cast %parallel_loop3A_1481 : i32 to index
        %parallel_loop3A_1483 = arith.index_cast %parallel_loop3A_1421 : i32 to index
        %parallel_loop3A_1484 = arith.constant 32 : index
        %parallel_loop3A_1485 = tpu.vector_load %arg7[%parallel_loop3A_1482, %parallel_loop3A_1483, %parallel_loop3A_1484] {strides = array<i32>} : memref<4x128x128xf32, #tpu.memory_space<vmem>>, vector<1x1x16xf32>,
        %parallel_loop3A_1486 = vector.shape_cast %parallel_loop3A_1485 : vector<1x1x16xf32> to vector<16xf32>
        %parallel_loop3A_1487 = vector.shape_cast %parallel_loop3A_1480 : vector<16xf32> to vector<1x1x16xf32>
        tpu.vector_store %arg7[%parallel_loop3A_1482, %parallel_loop3A_1483, %parallel_loop3A_1484], %parallel_loop3A_1487 {strides = array<i32>} : memref<4x128x128xf32, #tpu.memory_space<vmem>>, vector<1x1x16xf32>,
        %parallel_loop3A_1488 = arith.constant 128 : i32
        %parallel_loop3A_1489 = arith.addi %parallel_loop3A_1488, %parallel_loop3A_1421 : i32
        %parallel_loop3A_1490 = arith.index_cast %parallel_loop3A_1489 : i32 to index
        %parallel_loop3A_1491 = arith.constant 48 : index
        %parallel_loop3A_1492 = tpu.vector_load %arg5[%parallel_loop3A_1490, %parallel_loop3A_1491] {strides = array<i32>} : memref<256x128xf32, #tpu.memory_space<vmem>>, vector<1x16xf32>,
        %parallel_loop3A_1493 = vector.shape_cast %parallel_loop3A_1492 : vector<1x16xf32> to vector<16xf32>
        %parallel_loop3A_1494 = arith.addf %parallel_loop3A_1493, %get3A_1303 : vector<16xf32>
        %parallel_loop3A_1495 = arith.constant 2 : i32
        %parallel_loop3A_1496 = arith.index_cast %parallel_loop3A_1495 : i32 to index
        %parallel_loop3A_1497 = arith.index_cast %parallel_loop3A_1421 : i32 to index
        %parallel_loop3A_1498 = arith.constant 48 : index
        %parallel_loop3A_1499 = tpu.vector_load %arg7[%parallel_loop3A_1496, %parallel_loop3A_1497, %parallel_loop3A_1498] {strides = array<i32>} : memref<4x128x128xf32, #tpu.memory_space<vmem>>, vector<1x1x16xf32>,
        %parallel_loop3A_1500 = vector.shape_cast %parallel_loop3A_1499 : vector<1x1x16xf32> to vector<16xf32>
        %parallel_loop3A_1501 = vector.shape_cast %parallel_loop3A_1494 : vector<16xf32> to vector<1x1x16xf32>
        tpu.vector_store %arg7[%parallel_loop3A_1496, %parallel_loop3A_1497, %parallel_loop3A_1498], %parallel_loop3A_1501 {strides = array<i32>} : memref<4x128x128xf32, #tpu.memory_space<vmem>>, vector<1x1x16xf32>,
        %parallel_loop3A_1502 = arith.addf %parallel_loop3A_1493, %get3A_1351 : vector<16xf32>
        %parallel_loop3A_1503 = arith.constant 3 : i32
        %parallel_loop3A_1504 = arith.index_cast %parallel_loop3A_1503 : i32 to index
        %parallel_loop3A_1505 = arith.index_cast %parallel_loop3A_1421 : i32 to index
        %parallel_loop3A_1506 = arith.constant 48 : index
        %parallel_loop3A_1507 = tpu.vector_load %arg7[%parallel_loop3A_1504, %parallel_loop3A_1505, %parallel_loop3A_1506] {strides = array<i32>} : memref<4x128x128xf32, #tpu.memory_space<vmem>>, vector<1x1x16xf32>,
        %parallel_loop3A_1508 = vector.shape_cast %parallel_loop3A_1507 : vector<1x1x16xf32> to vector<16xf32>
        %parallel_loop3A_1509 = vector.shape_cast %parallel_loop3A_1502 : vector<16xf32> to vector<1x1x16xf32>
        tpu.vector_store %arg7[%parallel_loop3A_1504, %parallel_loop3A_1505, %parallel_loop3A_1506], %parallel_loop3A_1509 {strides = array<i32>} : memref<4x128x128xf32, #tpu.memory_space<vmem>>, vector<1x1x16xf32>,
        %parallel_loop3A_1510 = arith.constant 128 : i32
        %parallel_loop3A_1511 = arith.addi %parallel_loop3A_1510, %parallel_loop3A_1421 : i32
        %parallel_loop3A_1512 = arith.index_cast %parallel_loop3A_1511 : i32 to index
        %parallel_loop3A_1513 = arith.constant 64 : index
        %parallel_loop3A_1514 = tpu.vector_load %arg5[%parallel_loop3A_1512, %parallel_loop3A_1513] {strides = array<i32>} : memref<256x128xf32, #tpu.memory_space<vmem>>, vector<1x16xf32>,
        %parallel_loop3A_1515 = vector.shape_cast %parallel_loop3A_1514 : vector<1x16xf32> to vector<16xf32>
        %parallel_loop3A_1516 = arith.addf %parallel_loop3A_1515, %get3A_1309 : vector<16xf32>
        %parallel_loop3A_1517 = arith.constant 2 : i32
        %parallel_loop3A_1518 = arith.index_cast %parallel_loop3A_1517 : i32 to index
        %parallel_loop3A_1519 = arith.index_cast %parallel_loop3A_1421 : i32 to index
        %parallel_loop3A_1520 = arith.constant 64 : index
        %parallel_loop3A_1521 = tpu.vector_load %arg7[%parallel_loop3A_1518, %parallel_loop3A_1519, %parallel_loop3A_1520] {strides = array<i32>} : memref<4x128x128xf32, #tpu.memory_space<vmem>>, vector<1x1x16xf32>,
        %parallel_loop3A_1522 = vector.shape_cast %parallel_loop3A_1521 : vector<1x1x16xf32> to vector<16xf32>
        %parallel_loop3A_1523 = vector.shape_cast %parallel_loop3A_1516 : vector<16xf32> to vector<1x1x16xf32>
        tpu.vector_store %arg7[%parallel_loop3A_1518, %parallel_loop3A_1519, %parallel_loop3A_1520], %parallel_loop3A_1523 {strides = array<i32>} : memref<4x128x128xf32, #tpu.memory_space<vmem>>, vector<1x1x16xf32>,
        %parallel_loop3A_1524 = arith.addf %parallel_loop3A_1515, %get3A_1357 : vector<16xf32>
        %parallel_loop3A_1525 = arith.constant 3 : i32
        %parallel_loop3A_1526 = arith.index_cast %parallel_loop3A_1525 : i32 to index
        %parallel_loop3A_1527 = arith.index_cast %parallel_loop3A_1421 : i32 to index
        %parallel_loop3A_1528 = arith.constant 64 : index
        %parallel_loop3A_1529 = tpu.vector_load %arg7[%parallel_loop3A_1526, %parallel_loop3A_1527, %parallel_loop3A_1528] {strides = array<i32>} : memref<4x128x128xf32, #tpu.memory_space<vmem>>, vector<1x1x16xf32>,
        %parallel_loop3A_1530 = vector.shape_cast %parallel_loop3A_1529 : vector<1x1x16xf32> to vector<16xf32>
        %parallel_loop3A_1531 = vector.shape_cast %parallel_loop3A_1524 : vector<16xf32> to vector<1x1x16xf32>
        tpu.vector_store %arg7[%parallel_loop3A_1526, %parallel_loop3A_1527, %parallel_loop3A_1528], %parallel_loop3A_1531 {strides = array<i32>} : memref<4x128x128xf32, #tpu.memory_space<vmem>>, vector<1x1x16xf32>,
        %parallel_loop3A_1532 = arith.constant 128 : i32
        %parallel_loop3A_1533 = arith.addi %parallel_loop3A_1532, %parallel_loop3A_1421 : i32
        %parallel_loop3A_1534 = arith.index_cast %parallel_loop3A_1533 : i32 to index
        %parallel_loop3A_1535 = arith.constant 80 : index
        %parallel_loop3A_1536 = tpu.vector_load %arg5[%parallel_loop3A_1534, %parallel_loop3A_1535] {strides = array<i32>} : memref<256x128xf32, #tpu.memory_space<vmem>>, vector<1x16xf32>,
        %parallel_loop3A_1537 = vector.shape_cast %parallel_loop3A_1536 : vector<1x16xf32> to vector<16xf32>
        %parallel_loop3A_1538 = arith.addf %parallel_loop3A_1537, %get3A_1315 : vector<16xf32>
        %parallel_loop3A_1539 = arith.constant 2 : i32
        %parallel_loop3A_1540 = arith.index_cast %parallel_loop3A_1539 : i32 to index
        %parallel_loop3A_1541 = arith.index_cast %parallel_loop3A_1421 : i32 to index
        %parallel_loop3A_1542 = arith.constant 80 : index
        %parallel_loop3A_1543 = tpu.vector_load %arg7[%parallel_loop3A_1540, %parallel_loop3A_1541, %parallel_loop3A_1542] {strides = array<i32>} : memref<4x128x128xf32, #tpu.memory_space<vmem>>, vector<1x1x16xf32>,
        %parallel_loop3A_1544 = vector.shape_cast %parallel_loop3A_1543 : vector<1x1x16xf32> to vector<16xf32>
        %parallel_loop3A_1545 = vector.shape_cast %parallel_loop3A_1538 : vector<16xf32> to vector<1x1x16xf32>
        tpu.vector_store %arg7[%parallel_loop3A_1540, %parallel_loop3A_1541, %parallel_loop3A_1542], %parallel_loop3A_1545 {strides = array<i32>} : memref<4x128x128xf32, #tpu.memory_space<vmem>>, vector<1x1x16xf32>,
        %parallel_loop3A_1546 = arith.addf %parallel_loop3A_1537, %get3A_1363 : vector<16xf32>
        %parallel_loop3A_1547 = arith.constant 3 : i32
        %parallel_loop3A_1548 = arith.index_cast %parallel_loop3A_1547 : i32 to index
        %parallel_loop3A_1549 = arith.index_cast %parallel_loop3A_1421 : i32 to index
        %parallel_loop3A_1550 = arith.constant 80 : index
        %parallel_loop3A_1551 = tpu.vector_load %arg7[%parallel_loop3A_1548, %parallel_loop3A_1549, %parallel_loop3A_1550] {strides = array<i32>} : memref<4x128x128xf32, #tpu.memory_space<vmem>>, vector<1x1x16xf32>,
        %parallel_loop3A_1552 = vector.shape_cast %parallel_loop3A_1551 : vector<1x1x16xf32> to vector<16xf32>
        %parallel_loop3A_1553 = vector.shape_cast %parallel_loop3A_1546 : vector<16xf32> to vector<1x1x16xf32>
        tpu.vector_store %arg7[%parallel_loop3A_1548, %parallel_loop3A_1549, %parallel_loop3A_1550], %parallel_loop3A_1553 {strides = array<i32>} : memref<4x128x128xf32, #tpu.memory_space<vmem>>, vector<1x1x16xf32>,
        %parallel_loop3A_1554 = arith.constant 128 : i32
        %parallel_loop3A_1555 = arith.addi %parallel_loop3A_1554, %parallel_loop3A_1421 : i32
        %parallel_loop3A_1556 = arith.index_cast %parallel_loop3A_1555 : i32 to index
        %parallel_loop3A_1557 = arith.constant 96 : index
        %parallel_loop3A_1558 = tpu.vector_load %arg5[%parallel_loop3A_1556, %parallel_loop3A_1557] {strides = array<i32>} : memref<256x128xf32, #tpu.memory_space<vmem>>, vector<1x16xf32>,
        %parallel_loop3A_1559 = vector.shape_cast %parallel_loop3A_1558 : vector<1x16xf32> to vector<16xf32>
        %parallel_loop3A_1560 = arith.addf %parallel_loop3A_1559, %get3A_1321 : vector<16xf32>
        %parallel_loop3A_1561 = arith.constant 2 : i32
        %parallel_loop3A_1562 = arith.index_cast %parallel_loop3A_1561 : i32 to index
        %parallel_loop3A_1563 = arith.index_cast %parallel_loop3A_1421 : i32 to index
        %parallel_loop3A_1564 = arith.constant 96 : index
        %parallel_loop3A_1565 = tpu.vector_load %arg7[%parallel_loop3A_1562, %parallel_loop3A_1563, %parallel_loop3A_1564] {strides = array<i32>} : memref<4x128x128xf32, #tpu.memory_space<vmem>>, vector<1x1x16xf32>,
        %parallel_loop3A_1566 = vector.shape_cast %parallel_loop3A_1565 : vector<1x1x16xf32> to vector<16xf32>
        %parallel_loop3A_1567 = vector.shape_cast %parallel_loop3A_1560 : vector<16xf32> to vector<1x1x16xf32>
        tpu.vector_store %arg7[%parallel_loop3A_1562, %parallel_loop3A_1563, %parallel_loop3A_1564], %parallel_loop3A_1567 {strides = array<i32>} : memref<4x128x128xf32, #tpu.memory_space<vmem>>, vector<1x1x16xf32>,
        %parallel_loop3A_1568 = arith.addf %parallel_loop3A_1559, %get3A_1369 : vector<16xf32>
        %parallel_loop3A_1569 = arith.constant 3 : i32
        %parallel_loop3A_1570 = arith.index_cast %parallel_loop3A_1569 : i32 to index
        %parallel_loop3A_1571 = arith.index_cast %parallel_loop3A_1421 : i32 to index
        %parallel_loop3A_1572 = arith.constant 96 : index
        %parallel_loop3A_1573 = tpu.vector_load %arg7[%parallel_loop3A_1570, %parallel_loop3A_1571, %parallel_loop3A_1572] {strides = array<i32>} : memref<4x128x128xf32, #tpu.memory_space<vmem>>, vector<1x1x16xf32>,
        %parallel_loop3A_1574 = vector.shape_cast %parallel_loop3A_1573 : vector<1x1x16xf32> to vector<16xf32>
        %parallel_loop3A_1575 = vector.shape_cast %parallel_loop3A_1568 : vector<16xf32> to vector<1x1x16xf32>
        tpu.vector_store %arg7[%parallel_loop3A_1570, %parallel_loop3A_1571, %parallel_loop3A_1572], %parallel_loop3A_1575 {strides = array<i32>} : memref<4x128x128xf32, #tpu.memory_space<vmem>>, vector<1x1x16xf32>,
        %parallel_loop3A_1576 = arith.constant 128 : i32
        %parallel_loop3A_1577 = arith.addi %parallel_loop3A_1576, %parallel_loop3A_1421 : i32
        %parallel_loop3A_1578 = arith.index_cast %parallel_loop3A_1577 : i32 to index
        %parallel_loop3A_1579 = arith.constant 112 : index
        %parallel_loop3A_1580 = tpu.vector_load %arg5[%parallel_loop3A_1578, %parallel_loop3A_1579] {strides = array<i32>} : memref<256x128xf32, #tpu.memory_space<vmem>>, vector<1x16xf32>,
        %parallel_loop3A_1581 = vector.shape_cast %parallel_loop3A_1580 : vector<1x16xf32> to vector<16xf32>
        %parallel_loop3A_1582 = arith.addf %parallel_loop3A_1581, %get3A_1327 : vector<16xf32>
        %parallel_loop3A_1583 = arith.constant 2 : i32
        %parallel_loop3A_1584 = arith.index_cast %parallel_loop3A_1583 : i32 to index
        %parallel_loop3A_1585 = arith.index_cast %parallel_loop3A_1421 : i32 to index
        %parallel_loop3A_1586 = arith.constant 112 : index
        %parallel_loop3A_1587 = tpu.vector_load %arg7[%parallel_loop3A_1584, %parallel_loop3A_1585, %parallel_loop3A_1586] {strides = array<i32>} : memref<4x128x128xf32, #tpu.memory_space<vmem>>, vector<1x1x16xf32>,
        %parallel_loop3A_1588 = vector.shape_cast %parallel_loop3A_1587 : vector<1x1x16xf32> to vector<16xf32>
        %parallel_loop3A_1589 = vector.shape_cast %parallel_loop3A_1582 : vector<16xf32> to vector<1x1x16xf32>
        tpu.vector_store %arg7[%parallel_loop3A_1584, %parallel_loop3A_1585, %parallel_loop3A_1586], %parallel_loop3A_1589 {strides = array<i32>} : memref<4x128x128xf32, #tpu.memory_space<vmem>>, vector<1x1x16xf32>,
        %parallel_loop3A_1590 = arith.addf %parallel_loop3A_1581, %get3A_1375 : vector<16xf32>
        %parallel_loop3A_1591 = arith.constant 3 : i32
        %parallel_loop3A_1592 = arith.index_cast %parallel_loop3A_1591 : i32 to index
        %parallel_loop3A_1593 = arith.index_cast %parallel_loop3A_1421 : i32 to index
        %parallel_loop3A_1594 = arith.constant 112 : index
        %parallel_loop3A_1595 = tpu.vector_load %arg7[%parallel_loop3A_1592, %parallel_loop3A_1593, %parallel_loop3A_1594] {strides = array<i32>} : memref<4x128x128xf32, #tpu.memory_space<vmem>>, vector<1x1x16xf32>,
        %parallel_loop3A_1596 = vector.shape_cast %parallel_loop3A_1595 : vector<1x1x16xf32> to vector<16xf32>
        %parallel_loop3A_1597 = vector.shape_cast %parallel_loop3A_1590 : vector<16xf32> to vector<1x1x16xf32>
        tpu.vector_store %arg7[%parallel_loop3A_1592, %parallel_loop3A_1593, %parallel_loop3A_1594], %parallel_loop3A_1597 {strides = array<i32>} : memref<4x128x128xf32, #tpu.memory_space<vmem>>, vector<1x1x16xf32>,
      } {sc.loop_unroll_factor = 2 : i64, sc.parallel_access}
      %add3A_1379 = arith.constant 16 : i32
      %add3A_1380 = arith.addi %scan3A_688, %add3A_1379 : i32
      %add3A_1381 = arith.addi %mul3A_32, %add3A_1380 : i32
      %mul3A_1382 = arith.constant 2048 : i32
      %mul3A_1383 = arith.muli %add3A_1381, %mul3A_1382 : i32
      %add3A_1384 = arith.addi %mul3A_1383, %mul3A_34 : i32
      %add3A_1385 = arith.constant 128 : i32
      %add3A_1386 = arith.addi %add3A_1384, %add3A_1385 : i32
      %dma_start3A_1387 = arith.constant 2 : i32
      %dma_start3A_1388 = arith.constant 0 : i32
      %dma_start3A_1389 = arith.constant 0 : i32
      %dma_start3A_1390 = tpu.memref_slice %arg7[%dma_start3A_1387, %dma_start3A_1388, %dma_start3A_1389] : memref<4x128x128xf32, #tpu.memory_space<vmem>> -> memref<1x128x128xf32, #tpu.memory_space<vmem>>
      %dma_start3A_1391 = tpu.memref_squeeze %dma_start3A_1390 : memref<1x128x128xf32, #tpu.memory_space<vmem>> -> memref<128x128xf32, #tpu.memory_space<vmem>>
      %dma_start3A_1392 = arith.constant 0 : i32
      %dma_start3A_1393 = tpu.memref_slice %arg4[%add3A_1386, %dma_start3A_1392] : memref<262144x128xf32, #tpu.memory_space<hbm>> -> memref<128x128xf32, #tpu.memory_space<hbm>>
      %dma_start3A_1394 = arith.constant 0 : i32
      %dma_start3A_1395 = tpu.memref_slice %arg4[%add3A_1386, %dma_start3A_1394] : memref<262144x128xf32, #tpu.memory_space<hbm>> -> memref<128x128xf32, #tpu.memory_space<hbm>>
      %dma_start3A_1396 = arith.constant 0 : i32
      %dma_start3A_1397 = arith.constant 0 : i32
      %dma_start3A_1398 = tpu.memref_slice %arg7[%dma_start3A_1387, %dma_start3A_1396, %dma_start3A_1397] : memref<4x128x128xf32, #tpu.memory_space<vmem>> -> memref<1x128x128xf32, #tpu.memory_space<vmem>>
      %dma_start3A_1399 = tpu.memref_squeeze %dma_start3A_1398 : memref<1x128x128xf32, #tpu.memory_space<vmem>> -> memref<128x128xf32, #tpu.memory_space<vmem>>
      tpu.enqueue_dma source(%dma_start3A_1399 : memref<128x128xf32, #tpu.memory_space<vmem>>) target(%dma_start3A_1395 : memref<128x128xf32, #tpu.memory_space<hbm>>) target_semaphore(%arg10 : memref<!tpu.dma_semaphore, #tpu.memory_space<semaphore_mem>>)
      %add3A_1400 = arith.constant 24 : i32
      %add3A_1401 = arith.addi %scan3A_688, %add3A_1400 : i32
      %add3A_1402 = arith.addi %mul3A_32, %add3A_1401 : i32
      %mul3A_1403 = arith.constant 2048 : i32
      %mul3A_1404 = arith.muli %add3A_1402, %mul3A_1403 : i32
      %add3A_1405 = arith.addi %mul3A_1404, %mul3A_34 : i32
      %add3A_1406 = arith.constant 128 : i32
      %add3A_1407 = arith.addi %add3A_1405, %add3A_1406 : i32
      %dma_start3A_1408 = arith.constant 3 : i32
      %dma_start3A_1409 = arith.constant 0 : i32
      %dma_start3A_1410 = arith.constant 0 : i32
      %dma_start3A_1411 = tpu.memref_slice %arg7[%dma_start3A_1408, %dma_start3A_1409, %dma_start3A_1410] : memref<4x128x128xf32, #tpu.memory_space<vmem>> -> memref<1x128x128xf32, #tpu.memory_space<vmem>>
      %dma_start3A_1412 = tpu.memref_squeeze %dma_start3A_1411 : memref<1x128x128xf32, #tpu.memory_space<vmem>> -> memref<128x128xf32, #tpu.memory_space<vmem>>
      %dma_start3A_1413 = arith.constant 0 : i32
      %dma_start3A_1414 = tpu.memref_slice %arg4[%add3A_1407, %dma_start3A_1413] : memref<262144x128xf32, #tpu.memory_space<hbm>> -> memref<128x128xf32, #tpu.memory_space<hbm>>
      %dma_start3A_1415 = arith.constant 0 : i32
      %dma_start3A_1416 = tpu.memref_slice %arg4[%add3A_1407, %dma_start3A_1415] : memref<262144x128xf32, #tpu.memory_space<hbm>> -> memref<128x128xf32, #tpu.memory_space<hbm>>
      %dma_start3A_1417 = arith.constant 0 : i32
      %dma_start3A_1418 = arith.constant 0 : i32
      %dma_start3A_1419 = tpu.memref_slice %arg7[%dma_start3A_1408, %dma_start3A_1417, %dma_start3A_1418] : memref<4x128x128xf32, #tpu.memory_space<vmem>> -> memref<1x128x128xf32, #tpu.memory_space<vmem>>
      %dma_start3A_1420 = tpu.memref_squeeze %dma_start3A_1419 : memref<1x128x128xf32, #tpu.memory_space<vmem>> -> memref<128x128xf32, #tpu.memory_space<vmem>>
      tpu.enqueue_dma source(%dma_start3A_1420 : memref<128x128xf32, #tpu.memory_space<vmem>>) target(%dma_start3A_1416 : memref<128x128xf32, #tpu.memory_space<hbm>>) target_semaphore(%arg11 : memref<!tpu.dma_semaphore, #tpu.memory_space<semaphore_mem>>)
    }
    %scan3A_607 = arith.constant 7 : i32
    %add3A_608 = arith.constant 7 : i32
    %add3A_609 = arith.addi %mul3A_32, %add3A_608 : i32
    %mul3A_610 = arith.constant 2048 : i32
    %mul3A_611 = arith.muli %add3A_609, %mul3A_610 : i32
    %add3A_612 = arith.addi %mul3A_611, %mul3A_34 : i32
    %add3A_613 = arith.constant 128 : i32
    %add3A_614 = arith.addi %add3A_612, %add3A_613 : i32
    %dma_wait3A_615 = arith.constant 0 : i32
    %dma_wait3A_616 = arith.constant 0 : i32
    %dma_wait3A_617 = arith.constant 0 : i32
    %dma_wait3A_618 = tpu.memref_slice %arg7[%dma_wait3A_615, %dma_wait3A_616, %dma_wait3A_617] : memref<4x128x128xf32, #tpu.memory_space<vmem>> -> memref<1x128x128xf32, #tpu.memory_space<vmem>>
    %dma_wait3A_619 = tpu.memref_squeeze %dma_wait3A_618 : memref<1x128x128xf32, #tpu.memory_space<vmem>> -> memref<128x128xf32, #tpu.memory_space<vmem>>
    %dma_wait3A_620 = arith.constant 0 : i32
    %dma_wait3A_621 = tpu.memref_slice %arg4[%add3A_614, %dma_wait3A_620] : memref<262144x128xf32, #tpu.memory_space<hbm>> -> memref<128x128xf32, #tpu.memory_space<hbm>>
    %dma_wait3A_622 = arith.constant 0 : i32
    %dma_wait3A_623 = tpu.memref_slice %arg4[%add3A_614, %dma_wait3A_622] : memref<262144x128xf32, #tpu.memory_space<hbm>> -> memref<128x128xf32, #tpu.memory_space<hbm>>
    %dma_wait3A_624 = arith.constant 0 : i32
    %dma_wait3A_625 = arith.constant 0 : i32
    %dma_wait3A_626 = tpu.memref_slice %arg7[%dma_wait3A_615, %dma_wait3A_624, %dma_wait3A_625] : memref<4x128x128xf32, #tpu.memory_space<vmem>> -> memref<1x128x128xf32, #tpu.memory_space<vmem>>
    %dma_wait3A_627 = tpu.memref_squeeze %dma_wait3A_626 : memref<1x128x128xf32, #tpu.memory_space<vmem>> -> memref<128x128xf32, #tpu.memory_space<vmem>>
    tpu.wait_dma2 semaphore(%arg8 : memref<!tpu.dma_semaphore, #tpu.memory_space<semaphore_mem>>) src(%dma_wait3A_627 : memref<128x128xf32, #tpu.memory_space<vmem>>) dst(%dma_wait3A_623 : memref<128x128xf32, #tpu.memory_space<hbm>>)
    %add3A_628 = arith.constant 15 : i32
    %add3A_629 = arith.addi %mul3A_32, %add3A_628 : i32
    %mul3A_630 = arith.constant 2048 : i32
    %mul3A_631 = arith.muli %add3A_629, %mul3A_630 : i32
    %add3A_632 = arith.addi %mul3A_631, %mul3A_34 : i32
    %add3A_633 = arith.constant 128 : i32
    %add3A_634 = arith.addi %add3A_632, %add3A_633 : i32
    %dma_wait3A_635 = arith.constant 1 : i32
    %dma_wait3A_636 = arith.constant 0 : i32
    %dma_wait3A_637 = arith.constant 0 : i32
    %dma_wait3A_638 = tpu.memref_slice %arg7[%dma_wait3A_635, %dma_wait3A_636, %dma_wait3A_637] : memref<4x128x128xf32, #tpu.memory_space<vmem>> -> memref<1x128x128xf32, #tpu.memory_space<vmem>>
    %dma_wait3A_639 = tpu.memref_squeeze %dma_wait3A_638 : memref<1x128x128xf32, #tpu.memory_space<vmem>> -> memref<128x128xf32, #tpu.memory_space<vmem>>
    %dma_wait3A_640 = arith.constant 0 : i32
    %dma_wait3A_641 = tpu.memref_slice %arg4[%add3A_634, %dma_wait3A_640] : memref<262144x128xf32, #tpu.memory_space<hbm>> -> memref<128x128xf32, #tpu.memory_space<hbm>>
    %dma_wait3A_642 = arith.constant 0 : i32
    %dma_wait3A_643 = tpu.memref_slice %arg4[%add3A_634, %dma_wait3A_642] : memref<262144x128xf32, #tpu.memory_space<hbm>> -> memref<128x128xf32, #tpu.memory_space<hbm>>
    %dma_wait3A_644 = arith.constant 0 : i32
    %dma_wait3A_645 = arith.constant 0 : i32
    %dma_wait3A_646 = tpu.memref_slice %arg7[%dma_wait3A_635, %dma_wait3A_644, %dma_wait3A_645] : memref<4x128x128xf32, #tpu.memory_space<vmem>> -> memref<1x128x128xf32, #tpu.memory_space<vmem>>
    %dma_wait3A_647 = tpu.memref_squeeze %dma_wait3A_646 : memref<1x128x128xf32, #tpu.memory_space<vmem>> -> memref<128x128xf32, #tpu.memory_space<vmem>>
    tpu.wait_dma2 semaphore(%arg9 : memref<!tpu.dma_semaphore, #tpu.memory_space<semaphore_mem>>) src(%dma_wait3A_647 : memref<128x128xf32, #tpu.memory_space<vmem>>) dst(%dma_wait3A_643 : memref<128x128xf32, #tpu.memory_space<hbm>>)
    %add3A_648 = arith.constant 23 : i32
    %add3A_649 = arith.addi %mul3A_32, %add3A_648 : i32
    %mul3A_650 = arith.constant 2048 : i32
    %mul3A_651 = arith.muli %add3A_649, %mul3A_650 : i32
    %add3A_652 = arith.addi %mul3A_651, %mul3A_34 : i32
    %add3A_653 = arith.constant 128 : i32
    %add3A_654 = arith.addi %add3A_652, %add3A_653 : i32
    %dma_wait3A_655 = arith.constant 2 : i32
    %dma_wait3A_656 = arith.constant 0 : i32
    %dma_wait3A_657 = arith.constant 0 : i32
    %dma_wait3A_658 = tpu.memref_slice %arg7[%dma_wait3A_655, %dma_wait3A_656, %dma_wait3A_657] : memref<4x128x128xf32, #tpu.memory_space<vmem>> -> memref<1x128x128xf32, #tpu.memory_space<vmem>>
    %dma_wait3A_659 = tpu.memref_squeeze %dma_wait3A_658 : memref<1x128x128xf32, #tpu.memory_space<vmem>> -> memref<128x128xf32, #tpu.memory_space<vmem>>
    %dma_wait3A_660 = arith.constant 0 : i32
    %dma_wait3A_661 = tpu.memref_slice %arg4[%add3A_654, %dma_wait3A_660] : memref<262144x128xf32, #tpu.memory_space<hbm>> -> memref<128x128xf32, #tpu.memory_space<hbm>>
    %dma_wait3A_662 = arith.constant 0 : i32
    %dma_wait3A_663 = tpu.memref_slice %arg4[%add3A_654, %dma_wait3A_662] : memref<262144x128xf32, #tpu.memory_space<hbm>> -> memref<128x128xf32, #tpu.memory_space<hbm>>
    %dma_wait3A_664 = arith.constant 0 : i32
    %dma_wait3A_665 = arith.constant 0 : i32
    %dma_wait3A_666 = tpu.memref_slice %arg7[%dma_wait3A_655, %dma_wait3A_664, %dma_wait3A_665] : memref<4x128x128xf32, #tpu.memory_space<vmem>> -> memref<1x128x128xf32, #tpu.memory_space<vmem>>
    %dma_wait3A_667 = tpu.memref_squeeze %dma_wait3A_666 : memref<1x128x128xf32, #tpu.memory_space<vmem>> -> memref<128x128xf32, #tpu.memory_space<vmem>>
    tpu.wait_dma2 semaphore(%arg10 : memref<!tpu.dma_semaphore, #tpu.memory_space<semaphore_mem>>) src(%dma_wait3A_667 : memref<128x128xf32, #tpu.memory_space<vmem>>) dst(%dma_wait3A_663 : memref<128x128xf32, #tpu.memory_space<hbm>>)
    %add3A_668 = arith.constant 31 : i32
    %add3A_669 = arith.addi %mul3A_32, %add3A_668 : i32
    %mul3A_670 = arith.constant 2048 : i32
    %mul3A_671 = arith.muli %add3A_669, %mul3A_670 : i32
    %add3A_672 = arith.addi %mul3A_671, %mul3A_34 : i32
    %add3A_673 = arith.constant 128 : i32
    %add3A_674 = arith.addi %add3A_672, %add3A_673 : i32
    %dma_wait3A_675 = arith.constant 3 : i32
    %dma_wait3A_676 = arith.constant 0 : i32
    %dma_wait3A_677 = arith.constant 0 : i32
    %dma_wait3A_678 = tpu.memref_slice %arg7[%dma_wait3A_675, %dma_wait3A_676, %dma_wait3A_677] : memref<4x128x128xf32, #tpu.memory_space<vmem>> -> memref<1x128x128xf32, #tpu.memory_space<vmem>>
    %dma_wait3A_679 = tpu.memref_squeeze %dma_wait3A_678 : memref<1x128x128xf32, #tpu.memory_space<vmem>> -> memref<128x128xf32, #tpu.memory_space<vmem>>
    %dma_wait3A_680 = arith.constant 0 : i32
    %dma_wait3A_681 = tpu.memref_slice %arg4[%add3A_674, %dma_wait3A_680] : memref<262144x128xf32, #tpu.memory_space<hbm>> -> memref<128x128xf32, #tpu.memory_space<hbm>>
    %dma_wait3A_682 = arith.constant 0 : i32
    %dma_wait3A_683 = tpu.memref_slice %arg4[%add3A_674, %dma_wait3A_682] : memref<262144x128xf32, #tpu.memory_space<hbm>> -> memref<128x128xf32, #tpu.memory_space<hbm>>
    %dma_wait3A_684 = arith.constant 0 : i32
    %dma_wait3A_685 = arith.constant 0 : i32
    %dma_wait3A_686 = tpu.memref_slice %arg7[%dma_wait3A_675, %dma_wait3A_684, %dma_wait3A_685] : memref<4x128x128xf32, #tpu.memory_space<vmem>> -> memref<1x128x128xf32, #tpu.memory_space<vmem>>
    %dma_wait3A_687 = tpu.memref_squeeze %dma_wait3A_686 : memref<1x128x128xf32, #tpu.memory_space<vmem>> -> memref<128x128xf32, #tpu.memory_space<vmem>>
    tpu.wait_dma2 semaphore(%arg11 : memref<!tpu.dma_semaphore, #tpu.memory_space<semaphore_mem>>) src(%dma_wait3A_687 : memref<128x128xf32, #tpu.memory_space<vmem>>) dst(%dma_wait3A_683 : memref<128x128xf32, #tpu.memory_space<hbm>>)
    return
  }
}

</mosaic_0001>

<sc_bundles>
// kernel: kernel.3.cloned.1.call-start
scs
__scs_entry_jumppad:
0x0: {  	(pc) =	sbr.rel $0x88, $3  }
0x1: {  	(tag) =	ssettag $0x0;
	lr =	simm.s32 $0x1  }
0x2: {  	[smem:$0x3F9F] =	sst lr;
	_ =	strace $0xD0000000  }
0x3: {  	_ = 	snop  }
0x4: {  	_ = 	snop  }
0x5: {  	_ = 	snop  }
0x6: {  	_ = 	snop  }
0x7: {  	_ = 	snop  }
__scs_overlays_trampoline_lowered:
0x8: {  	[smem:$0x3FAE] =	sst s0  }
0x9: {  	[smem:$0x3FAF] =	sst s1  }
0xa: {  	[smem:$0x3FB0] =	sst s2  }
0xb: {  	[smem:$0x3FB1] =	sst s3  }
0xc: {  	[smem:$0x3FB2] =	sst s4  }
0xd: {  	[smem:$0x3FB3] =	sst s5  }
0xe: {  	[smem:$0x3FB4] =	sst s6  }
0xf: {  	[smem:$0x3FB5] =	sst s7  }
0x10: {  	[smem:$0x3FB6] =	sst s8  }
0x11: {  	[smem:$0x3FB7] =	sst s9;
	s0 =	simm.s32 @!p0 $0x0  }
0x12: {  	s1 =	sld [smem:$0x3F9D];
	s0 =	simm.s32 @p0 $0x1  }
0x13: {  	[smem:$0x3FB8] =	sst s0;
	s0 =	simm.s32 @!p1 $0x0  }
0x14: {  	s2 =	sld [smem:$0x3F9C];
	s0 =	simm.s32 @p1 $0x1  }
0x15: {  	[smem:$0x3FB9] =	sst s0;
	s0 =	simm.s32 @!p2 $0x0  }
0x16: {  	s3 =	sld [smem:$0x3FDB];
	s0 =	simm.s32 @p2 $0x1  }
0x17: {  	s4 =	simm.s32 $0x1BF5;
	[smem:$0x3FBB] =	sst s0  }
0x18: {  	s0 =	sld [smem:$0x3F9E];
	_ =	swait.ge [sflag:s4], $0x0  }
0x19: {  	s7 =	sld [smem:$0x3F9F]  }
0x1a: {  	s8 =	sadd.s32 $0xFFFFE003, lr  }
0x1b: {  	s9 =	sadd.s32 $0xFFFFFEF7, lr;
	s5 =	simm.s32 $0xFFFFFFFF;
	p2 =	slt.u32 s8, $0xFFFFF086  }
0x1c: {  	p1 =	slt.u32 s9, $0xF7A;
	s5 =	simm.s32 @!p2 $0x0  }
0x1d: {  	s5 =	simm.s32 @p1 $0x1;
	p0 =	seq.s32 s7, s2  }
0x1e: {  	s7 =	smul.u32 @!p0 $0xF7A, s2;
	p2 =	seq.s32 @!p0 s5, $0x0  }
0x1f: {  	s9 =	smul.u32 $0xF7A, s1;
	s8 =	simm.s32 @!p0 $0x1BF5;
	p2 =	por !p2, p0  }
0x20: {  	[sflag:s8] =	ssyncset.s32 @!p0 $0xFFFFF086;
	s6 =	sadd.s32 @!p0 s3, s7;
	s7 =	simm.s32 @!p0 $0x108  }
0x21: {  	s3 =	sadd.s32 s3, s9;
	s6 =	sadd.s32 @!p0 $0x88, s6;
	s7 =	simm.s32 @p2 $0x1082  }
0x22: {  	[simem:s7], [sflag:s8] =	dma.local @!p0 [hbm:s6], $0xF7A  }
0x23: {  	s9 =	sor.u32 $0xD0000000, s2;
	s6 =	simm.s32 $0x108;
	_ =	swait.ge @!p0 [sflag:s8], $0x0  }
0x24: {  	s3 =	sadd.s32 $0x88, s3;
	s6 =	simm.s32 @!p1 $0x1082;
	[sflag:s4] =	ssyncset.s32 $0xFFFFF086  }
0x25: {  	[simem:s6], [sflag:s4] =	dma.local [hbm:s3], $0xF7A  }
0x26: {  	[smem:$0x3F9F] =	sst s1;
	(tag) =	ssettag s2;
	_ =	strace s9  }
0x27: {  	s1 =	sld [smem:$0x3FAF]  }
0x28: {  	s2 =	sld [smem:$0x3FB0]  }
0x29: {  	s4 =	sld [smem:$0x3FB2]  }
0x2a: {  	p0 =	seq.s32 s5, $0x0;
	s5 =	sld [smem:$0x3FB3]  }
0x2b: {  	s6 =	sld [smem:$0x3FB4]  }
0x2c: {  	s7 =	sld [smem:$0x3FB5]  }
0x2d: {  	s3 =	simm.s32 $0x108;
	s8 =	sld [smem:$0x3FB6]  }
0x2e: {  	s3 =	simm.s32 @!p0 $0x1082;
	s9 =	sld [smem:$0x3FB7]  }
0x2f: {  	lr =	sadd.s32 s0, s3;
	s0 =	sld [smem:$0x3FAE]  }
0x30: {  	s3 =	sld [smem:$0x3FB1]  }
0x31: {  	[smem:$0x3FBA] =	sst s10  }
0x32: {  	s10 =	sld [smem:$0x3FB8];
	_ =	sdelay $0x3  }
0x33: {  	p0 =	seq.s32 s10, $0x1;
	s10 =	sld [smem:$0x3FBA];
	_ =	sdelay $0x3  }
0x34: {  	[smem:$0x3FBA] =	sst s10  }
0x35: {  	s10 =	sld [smem:$0x3FB9];
	_ =	sdelay $0x3  }
0x36: {  	p1 =	seq.s32 s10, $0x1;
	s10 =	sld [smem:$0x3FBA];
	_ =	sdelay $0x3  }
0x37: {  	[smem:$0x3FBA] =	sst s10  }
0x38: {  	s10 =	sld [smem:$0x3FBB]  }
0x39: {  	_ = 	snop;
	(pc) =	sbr.ind lr, $3  }
0x3a: {  	_ = 	snop  }
0x3b: {  	_ = 	snop  }
0x3c: {  	p2 =	seq.s32 s10, $0x1;
	s10 =	sld [smem:$0x3FBA]  }
0x3d: {  	_ =	shalt  }
0x3e: {  	_ =	shalt  }
0x3f: {  	_ =	shalt  }
0x40: {  	_ =	shalt  }
0x41: {  	_ =	shalt  }
0x42: {  	_ =	shalt  }
0x43: {  	_ =	shalt  }
0x44: {  	_ =	shalt  }
0x45: {  	_ =	shalt  }
0x46: {  	_ =	shalt  }
0x47: {  	_ =	shalt  }
0x48: {  	_ =	shalt  }
0x49: {  	_ =	shalt  }
0x4a: {  	_ =	shalt  }
0x4b: {  	_ =	shalt  }
0x4c: {  	_ =	shalt  }
0x4d: {  	_ =	shalt  }
0x4e: {  	_ =	shalt  }
0x4f: {  	_ =	shalt  }
0x50: {  	_ =	shalt  }
0x51: {  	_ =	shalt  }
0x52: {  	_ =	shalt  }
0x53: {  	_ =	shalt  }
0x54: {  	_ =	shalt  }
0x55: {  	_ =	shalt  }
0x56: {  	_ =	shalt  }
0x57: {  	_ =	shalt  }
0x58: {  	_ =	shalt  }
0x59: {  	_ =	shalt  }
0x5a: {  	_ =	shalt  }
0x5b: {  	_ =	shalt  }
0x5c: {  	_ =	shalt  }
0x5d: {  	_ =	shalt  }
0x5e: {  	_ =	shalt  }
0x5f: {  	_ =	shalt  }
0x60: {  	_ =	shalt  }
0x61: {  	_ =	shalt  }
0x62: {  	_ =	shalt  }
0x63: {  	_ =	shalt  }
0x64: {  	_ =	shalt  }
0x65: {  	_ =	shalt  }
0x66: {  	_ =	shalt  }
0x67: {  	_ =	shalt  }
0x68: {  	_ =	shalt  }
0x69: {  	_ =	shalt  }
0x6a: {  	_ =	shalt  }
0x6b: {  	_ =	shalt  }
0x6c: {  	_ =	shalt  }
0x6d: {  	_ =	shalt  }
0x6e: {  	_ =	shalt  }
0x6f: {  	_ =	shalt  }
0x70: {  	_ =	shalt  }
0x71: {  	_ =	shalt  }
0x72: {  	_ =	shalt  }
0x73: {  	_ =	shalt  }
0x74: {  	_ =	shalt  }
0x75: {  	_ =	shalt  }
0x76: {  	_ =	shalt  }
0x77: {  	_ =	shalt  }
0x78: {  	_ =	shalt  }
0x79: {  	_ =	shalt  }
0x7a: {  	_ =	shalt  }
0x7b: {  	_ =	shalt  }
0x7c: {  	_ =	shalt  }
0x7d: {  	_ =	shalt  }
0x7e: {  	_ =	shalt  }
0x7f: {  	_ =	shalt  }
0x80: {  	_ =	shalt  }
0x81: {  	_ =	shalt  }
0x82: {  	_ =	shalt  }
0x83: {  	_ =	shalt  }
0x84: {  	_ =	shalt  }
0x85: {  	_ =	shalt  }
0x86: {  	_ =	shalt  }
0x87: {  	_ =	shalt  }
.Lfunc_end0:
.L_simem_size_0:
called_computation_lowered:
.L_overlay_start_0:
0x88: {  	s2 =	sld [smem:$0x3FD9]  }
0x89: {  	s3 =	sld [smem:$0x3FFE];
	_ =	sdelay $0x1  }
0x8a: {  	s1 =	srdreg.scid  }
0x8b: {  	s0 =	sand.u32 $0x1, s1  }
0x8c: {  	s18 =	sshll.u32 s0, $0xA;
	s2 =	sadd.s32 s3, s2  }
0x8d: {  	s2 =	sadd.s32 s2, s18  }
0x8e: {  	[smem:$0x3FC6] =	sst s2  }
0x8f: {  	_ = 	snop  }
0x90: {  	s2 =	sld [smem:$0x3FC9]  }
0x91: {  	s19 =	sld [smem:$0x3FC8]  }
0x92: {  	s4 =	sld [smem:$0x3FD0];
	(tm) =	ssettm $0x1  }
0x93: {  	s5 =	sld [smem:$0x3FFB];
	_ =	sdelay $0x3  }
0x94: {  	_ =	strace s5  }
0x95: {  	s5 =	sld [smem:$0x3FFC];
	_ =	sdelay $0x3  }
0x96: {  	_ =	strace s5  }
0x97: {  	s5 =	sld [smem:$0x3FFD];
	_ =	sdelay $0x3  }
0x98: {  	_ =	strace s5  }
0x99: {  	_ =	strace $0x8FFFFFFF  }
0x9a: {  	s20 =	sld [smem:$0x3FDB];
	_ =	sdelay $0x1  }
0x9b: {  	s6 =	simm.s32 $_scs_section_size  }
0x9c: {  	s7 =	simm.s32 $_size__tile_overlayer_lowered;
	s8 =	simm.s32 $_tile_overlayer_lowered  }
0x9d: {  	s23 =	simm.s32 $0x1BFF;
	s22 =	sshll.u32 s8, $0x1;
	s5 =	sadd.s32 s6, s20  }
0x9e: {  	s9 =	simm.s32 $0x0;
	s21 =	sshll.u32 s7, $0x1;
	s7 =	sadd.s32 s22, s5  }
0x9f: {  	[timem:s9], [sflag:s23] =	dma.local [hbm:s7], s21  }
0xa0: {  	_ =	swait.ge [sflag:s23], s21  }
0xa1: {  	s6 =	ssub.s32 $0x0, s21;
	[sflag:s23] =	ssyncset.done $0x0  }
0xa2: {  	[sflag:s23] =	ssyncadd.s32 s6;
	_ =	sdelay $0x1  }
0xa3: {  	s24 =	simm.s32 $0x1B8B  }
0xa4: {  	_ =	swait.ge [sflag:s24], $0x1  }
0xa5: {  	[sflag:s24] =	ssyncset.done $0x0  }
0xa6: {  	s25 =	simm.s32 $0x1B8E;
	[sflag:s24] =	ssyncadd.s32 $0xFFFFFFFF  }
0xa7: {  	s26 =	simm.s32 $execute0_lowered;
	[smem:$0x3FD2] =	sst s25  }
0xa8: {  	s6 =	sshll.u32 s26, $0x1;
	_ =	strace $0x80000046;
	[dreg:$0x1] =	wrdreg $0xFFFFFFFF  }
0xa9: {  	s28 =	simm.s32 $_size_execute0_lowered;
	s5 =	sadd.s32 s5, s6;
	[dreg:$0x0] =	wrdreg $0x0  }
0xaa: {  	s6 =	sshll.u32 s28, $0x1;
	[dreg:$0x2] =	wrdreg s5  }
0xab: {  	[dreg:$0x3] =	wrdreg s6  }
0xac: {  	[dreg:$0x4] =	wrdreg $0xC0  }
0xad: {  	_ =	task [dreg:s9], $0x5FFFF  }
0xae: {  	[dreg:$0x1] =	wrdreg $0xFFFFFFFF  }
0xaf: {  	[dreg:$0x0] =	wrdreg $0x60  }
0xb0: {  	[dreg:$0x2] =	wrdreg s2  }
0xb1: {  	[dreg:$0x3] =	wrdreg s19  }
0xb2: {  	[dreg:$0x4] =	wrdreg s4  }
0xb3: {  	[dreg:$0x5] =	wrdreg $0x9  }
0xb4: {  	_ =	task.clear_ibuf [dreg:s9], $0x6FFFF;
	_ =	strace $0x90000046  }
0xb5: {  	s29 =	simm.s32 $0x9;
	_ =	strace $0x80000048  }
0xb6: {  	_ =	swait.ge [sflag:s29], $0x1  }
0xb7: {  	[sflag:s29] =	ssyncadd.s32 $0xFFFFFFFF  }
0xb8: {  	_ =	strace $0x90000048  }
0xb9: {  	_ =	sfence  }
0xba: {  	s30 =	sld [smem:$0x0];
	_ =	sdelay $0x2  }
0xbb: {  	s31 =	sshll.u32 s1, $0xD;
	s1 =	sshrl.u32 s1, $0x2  }
0xbc: {  	s3 =	sand.u32 $0x4000, s31;
	s1 =	sadd.s32 s1, s30  }
0xbd: {  	s0 =	sor.u32 s3, s0;
	s1 =	sshll.u32 s1, $0x11  }
0xbe: {  	s0 =	sor.u32 s1, s0  }
0xbf: {  	s0 =	sadd.s32 $0x8F2B, s0  }
0xc0: {  	[sflag:s0] =	ssyncadd.remote.s32 $0x1  }
0xc1: {  	_ =	sfence.sel $0xFFFF  }
0xc2: {  	[dreg:$0x0] =	wrdreg $0xFFFFFFFF;
	(pc) =	sbr.abs _section_cstart, $3  }
0xc3: {  	[dreg:$0x1] =	wrdreg $0xFFFFFFFF  }
0xc4: {  	_ =	task.clear_ibuf [dreg:s9], $0x2FFFF;
	_ =	strace $0x9FFFFFFF  }
0xc5: {  	(tm) =	ssettm $0x7FFFFFFF  }
tec
execute0_lowered:
.L_overlay_start_1:
0x0: {  	(tag) =	ssettag $0x1  }
0x1: {  	s0 =	rddreg [dreg:$0x0]  }
0x2: {  	s1 =	rddreg [dreg:$0x1]  }
0x3: {  	s2 =	rddreg [dreg:$0x2]  }
0x4: {  	s3 =	simm.s32 $0x0;
	s7 =	stileid.u32;
	s4 =	srdreg.scid  }
0x5: {  	s18 =	simm.s32 $0x5;
	s20 =	simm.s32 $0x9000;
	s28 =	simm.s32 $0x4  }
0x6: {  	s29 =	simm.s32 $0x0;
	[smem:$0x7FF] =	sst s3;
	s5 =	sshll.u32 s7, $0x1  }
0x7: {  	s4 =	sand.u32 $0x1, s4;
	s7 =	sshrl.u32 s7, $0x2;
	s5 =	sand.u32 $0x6, s5  }
0x8: {  	s10 =	sadd.s32 $0x800, s2;
	s6 =	ssub.s32 $0x2, s4;
	s4 =	sor.u32 s4, s5  }
0x9: {  	_ =	strace $0x80000047;
	s8 =	sshll.u32 s7, $0x14;
	s4 =	sshll.u32 s4, $0xC  }
0xa: {  	s22 =	sshll.u32 s7, $0x9;
	s5 =	sshll.u32 s7, $0x5;
	s0 =	sadd.s32 s0, s4  }
0xb: {  	s8 =	sor.u32 s8, s4;
	[dreg:$0x4] =	wrdreg s0;
	s0 =	sadd.s32 s1, s22  }
0xc: {  	s7 =	sadd.s32 s2, s8;
	s26 =	sadd.s32 s8, s10;
	[dreg:$0x5] =	wrdreg s0  }
0xd: {  	s21 =	sshrl.u32 s6, $0x1;
	s23 =	sadd.s32 $0x40000, s7;
	[dreg:$0x9] =	wrdreg s26  }
0xe: {  	s6 =	ssub.s32 s6, s21;
	s24 =	sadd.s32 $0x80000, s7;
	[dreg:$0x6] =	wrdreg s23  }
0xf: {  	s21 =	simm.s32 $0xD000;
	s25 =	sadd.s32 $0xC0000, s7;
	[dreg:$0x7] =	wrdreg s24  }
0x10: {  	s17 =	smax.u32 s6, $0x1;
	s30 =	sadd.s32 $0x40800, s7;
	[dreg:$0x8] =	wrdreg s25  }
0x11: {  	s22 =	simm.s32 $0x11000;
	s31 =	sadd.s32 $0x80800, s7;
	[dreg:$0xa] =	wrdreg s30  }
0x12: {  	s16 =	sadd.s32 $0xC0800, s7;
	s26 =	simm.s32 $0x3;
	[dreg:$0xb] =	wrdreg s31  }
0x13: {  	s23 =	simm.s32 $0x15000;
	s24 =	simm.s32 $0x1;
	s25 =	simm.s32 $0x2  }
.LBB2_1:
0x14: {  	s0 =	rddreg [dreg:$0x4]  }
0x15: {  	[tilespmem:s3], [sflag:$0x5] =	stream.linear.gather [hbm4b:s0+s3], $0x8000, $0x38;
	[tilespmem:$0x19000] =	vst v63  }
0x16: {  	_ =	swait.ge [sflag:s18], $0x8000  }
0x17: {  	[sflag:s18] =	ssyncset.done $0x0  }
0x18: {  	s1 =	simm.s32 $0x8000;
	s31 =	rddreg [dreg:$0x5];
	[sflag:s18] =	ssyncadd.s32 $0xFFFF8000  }
0x19: {  	[tilespmem:s1], [sflag:$0x5] =	stream.linear.gather [hbm4b:s31+s3], $0x1000, $0x38;
	[tilespmem:$0x19000] =	vst v63  }
0x1a: {  	_ =	swait.ge [sflag:s18], $0x1000  }
0x1b: {  	[sflag:s18] =	ssyncset.done $0x0  }
0x1c: {  	[sflag:s18] =	ssyncadd.s32 $0xFFFFF000  }
0x1d: {  	v0 =	vld [tilespmem:$0x8000]  }
0x1e: {  	v1 =	vld [tilespmem:$0x8010]  }
0x1f: {  	v2 =	vld [tilespmem:$0x8020]  }
0x20: {  	v3 =	vld [tilespmem:$0x8030]  }
0x21: {  	v4 =	vld [tilespmem:$0x8040]  }
0x22: {  	v5 =	vld [tilespmem:$0x8050]  }
0x23: {  	v6 =	vld [tilespmem:$0x8060]  }
0x24: {  	v7 =	vld [tilespmem:$0x8070]  }
0x25: {  	v8 =	vld [tilespmem:$0x8400]  }
0x26: {  	v9 =	vld [tilespmem:$0x8410]  }
0x27: {  	v10 =	vld [tilespmem:$0x8420]  }
0x28: {  	v11 =	vld [tilespmem:$0x8430]  }
0x29: {  	s0 =	simm.s32 $0x0;
	v15 =	vld [tilespmem:$0x8470]  }
0x2a: {  	v17 =	vld [tilespmem:s0+$0x0]  }
0x2b: {  	v16 =	vld [tilespmem:s0+$0xF0]  }
0x2c: {  	v12 =	vld [tilespmem:$0x8440]  }
0x2d: {  	v18 =	vld [tilespmem:s0+$0x10]  }
0x2e: {  	v13 =	vld [tilespmem:$0x8450]  }
0x2f: {  	v19 =	vld [tilespmem:s0+$0x20];
	v22 =	vadd.f32 v17, v0  }
0x30: {  	v14 =	vld [tilespmem:$0x8460];
	v24 =	vadd.f32 v16, v15  }
0x31: {  	v20 =	vld [tilespmem:s0+$0x30];
	v17 =	vadd.f32 v17, v8;
	[tilespmem:s0+$0x9000] =	vst v22  }
0x32: {  	v22 =	vadd.f32 v18, v1;
	[tilespmem:s0+$0xD0F0] =	vst v24  }
0x33: {  	v21 =	vld [tilespmem:s0+$0x40];
	v18 =	vadd.f32 v18, v9;
	[tilespmem:s0+$0xD000] =	vst v17  }
0x34: {  	v23 =	vld [tilespmem:s0+$0x50];
	v17 =	vadd.f32 v19, v2;
	[tilespmem:s0+$0x9010] =	vst v22  }
0x35: {  	v25 =	vld [tilespmem:s0+$0x60];
	v19 =	vadd.f32 v19, v10;
	[tilespmem:s0+$0xD010] =	vst v18  }
0x36: {  	v18 =	vadd.f32 v20, v3;
	[tilespmem:s0+$0x9020] =	vst v17  }
0x37: {  	v17 =	vadd.f32 v20, v11;
	[tilespmem:s0+$0xD020] =	vst v19  }
0x38: {  	v19 =	vadd.f32 v21, v4;
	[tilespmem:s0+$0x9030] =	vst v18  }
0x39: {  	v61 =	vld [tilespmem:s0+$0x70];
	v20 =	vadd.f32 v23, v13;
	[tilespmem:s0+$0xD030] =	vst v17  }
0x3a: {  	v22 =	vadd.f32 v25, v14;
	[tilespmem:s0+$0x9040] =	vst v19  }
0x3b: {  	v18 =	vadd.f32 v21, v12;
	v19 =	vld [tilespmem:s0+$0x80];
	[tilespmem:s0+$0xD050] =	vst v20  }
0x3c: {  	v17 =	vadd.f32 v23, v5;
	[tilespmem:s0+$0xD060] =	vst v22  }
0x3d: {  	v21 =	vadd.f32 v25, v6;
	v20 =	vld [tilespmem:s0+$0xB0];
	[tilespmem:s0+$0xD040] =	vst v18  }
0x3e: {  	v23 =	vadd.f32 v61, v7;
	v18 =	vld [tilespmem:s0+$0x90];
	[tilespmem:s0+$0x9050] =	vst v17  }
0x3f: {  	v62 =	vld [tilespmem:s0+$0xC0];
	[tilespmem:s0+$0x9060] =	vst v21;
	v21 =	vadd.f32 v61, v15  }
0x40: {  	v17 =	vld [tilespmem:s0+$0xA0];
	[tilespmem:s0+$0x9070] =	vst v23;
	v22 =	vadd.f32 v19, v0  }
0x41: {  	[tilespmem:s0+$0xD070] =	vst v21;
	v19 =	vadd.f32 v19, v8  }
0x42: {  	v63 =	vld [tilespmem:s0+$0xD0];
	v28 =	vadd.f32 v20, v3;
	[tilespmem:s0+$0x9080] =	vst v22  }
0x43: {  	v26 =	vld [tilespmem:s0+$0xE0];
	v16 =	vadd.f32 v16, v7;
	v21 =	vadd.f32 v18, v1;
	[tilespmem:s0+$0xD080] =	vst v19  }
0x44: {  	v23 =	vadd.f32 v62, v4;
	v18 =	vadd.f32 v18, v9;
	[tilespmem:s0+$0x90B0] =	vst v28  }
0x45: {  	v27 =	vadd.f32 v17, v2;
	v17 =	vadd.f32 v17, v10;
	[tilespmem:s0+$0x9090] =	vst v21  }
0x46: {  	v22 =	vadd.f32 v20, v11;
	v19 =	vadd.f32 v62, v12;
	[tilespmem:s0+$0xD090] =	vst v18  }
0x47: {  	v20 =	vadd.f32 v63, v5;
	[tilespmem:s0+$0x90A0] =	vst v27;
	v18 =	vadd.f32 v63, v13  }
0x48: {  	s6 =	simm.s32 $0x400;
	s1 =	simm.s32 $0x0;
	[tilespmem:s0+$0xD0A0] =	vst v17;
	v21 =	vadd.f32 v26, v6;
	v17 =	vadd.f32 v26, v14  }
.LBB2_2:
0x49: {  	s8 =	sshra.s32 s6, $0x2;
	s1 =	sadd.s32 $0x2, s1;
	[tilespmem:s0+$0xD0B0] =	vst v22  }
0x4a: {  	v22 =	vld [tilespmem:s8+$0xF0];
	p0 =	slt.u32 s1, $0x7E;
	[tilespmem:s0+$0x90C0] =	vst v23  }
0x4b: {  	v23 =	vld [tilespmem:s8+$0x0];
	[tilespmem:s0+$0xD0C0] =	vst v19  }
0x4c: {  	v19 =	vld [tilespmem:s8+$0x10];
	[tilespmem:s0+$0x90D0] =	vst v20  }
0x4d: {  	v20 =	vld [tilespmem:s8+$0x20];
	[tilespmem:s0+$0xD0D0] =	vst v18  }
0x4e: {  	v18 =	vld [tilespmem:s8+$0x30];
	[tilespmem:s0+$0x90E0] =	vst v21  }
0x4f: {  	v21 =	vld [tilespmem:s8+$0x40];
	v24 =	vadd.f32 v22, v7;
	v22 =	vadd.f32 v22, v15;
	[tilespmem:s0+$0xD0E0] =	vst v17  }
0x50: {  	v17 =	vadd.f32 v23, v0;
	v23 =	vadd.f32 v23, v8;
	v25 =	vld [tilespmem:s8+$0x50];
	[tilespmem:s0+$0x90F0] =	vst v16;
	s0 =	smov.u32 s8  }
0x51: {  	v26 =	vadd.f32 v19, v1;
	v19 =	vadd.f32 v19, v9;
	v27 =	vld [tilespmem:s0+$0x60];
	[tilespmem:s0+$0xD0F0] =	vst v22;
	v16 =	vmov v24  }
0x52: {  	[tilespmem:s0+$0x9000] =	vst v17;
	v17 =	vadd.f32 v20, v2;
	v20 =	vadd.f32 v20, v10;
	v22 =	vld [tilespmem:s0+$0x70]  }
0x53: {  	[tilespmem:s0+$0xD000] =	vst v23;
	v23 =	vadd.f32 v18, v3;
	v18 =	vadd.f32 v18, v11;
	v24 =	vld [tilespmem:s0+$0x80]  }
0x54: {  	[tilespmem:s0+$0x9010] =	vst v26;
	v26 =	vadd.f32 v21, v4;
	v21 =	vadd.f32 v21, v12;
	v28 =	vld [tilespmem:s0+$0x90]  }
0x55: {  	[tilespmem:s0+$0xD010] =	vst v19;
	v19 =	vadd.f32 v25, v5;
	v25 =	vadd.f32 v25, v13;
	v29 =	vld [tilespmem:s0+$0xA0]  }
0x56: {  	[tilespmem:s0+$0x9020] =	vst v17;
	v17 =	vadd.f32 v27, v6;
	v27 =	vadd.f32 v27, v14;
	v30 =	vld [tilespmem:s0+$0xB0]  }
0x57: {  	[tilespmem:s0+$0xD020] =	vst v20;
	v31 =	vadd.f32 v22, v7;
	v32 =	vadd.f32 v22, v15;
	v20 =	vld [tilespmem:s0+$0xC0]  }
0x58: {  	[tilespmem:s0+$0x9030] =	vst v23;
	v33 =	vadd.f32 v24, v0;
	v24 =	vadd.f32 v24, v8;
	v34 =	vld [tilespmem:s0+$0xD0]  }
0x59: {  	[tilespmem:s0+$0xD030] =	vst v18;
	v35 =	vadd.f32 v28, v1;
	v28 =	vadd.f32 v28, v9;
	v36 =	vld [tilespmem:s0+$0xE0]  }
0x5a: {  	[tilespmem:s0+$0x9040] =	vst v26;
	v26 =	vadd.f32 v29, v2;
	v29 =	vadd.f32 v29, v10  }
0x5b: {  	[tilespmem:s0+$0xD040] =	vst v21;
	v37 =	vadd.f32 v30, v3;
	v22 =	vadd.f32 v30, v11  }
0x5c: {  	[tilespmem:s0+$0x9050] =	vst v19;
	v23 =	vadd.f32 v20, v4;
	v19 =	vadd.f32 v20, v12  }
0x5d: {  	[tilespmem:s0+$0xD050] =	vst v25;
	v20 =	vadd.f32 v34, v5;
	v18 =	vadd.f32 v34, v13  }
0x5e: {  	[tilespmem:s0+$0x9060] =	vst v17;
	v21 =	vadd.f32 v36, v6;
	v17 =	vadd.f32 v36, v14  }
0x5f: {  	[tilespmem:s0+$0xD060] =	vst v27  }
0x60: {  	[tilespmem:s0+$0x9070] =	vst v31  }
0x61: {  	[tilespmem:s0+$0xD070] =	vst v32  }
0x62: {  	[tilespmem:s0+$0x9080] =	vst v33  }
0x63: {  	[tilespmem:s0+$0xD080] =	vst v24  }
.Ltmp0:
0x64: {  	[tilespmem:s0+$0x9090] =	vst v35;
	(pc) =	sbr.rel @p0 .LBB2_2-.Ltmp0, $4  }
0x65: {  	[tilespmem:s0+$0xD090] =	vst v28  }
0x66: {  	[tilespmem:s0+$0x90A0] =	vst v26  }
0x67: {  	[tilespmem:s0+$0xD0A0] =	vst v29  }
0x68: {  	s6 =	sadd.s32 $0x400, s6;
	[tilespmem:s0+$0x90B0] =	vst v37  }
0x69: {  	[tilespmem:s0+$0xD0B0] =	vst v22  }
0x6a: {  	[tilespmem:s0+$0x90C0] =	vst v23  }
0x6b: {  	[tilespmem:s0+$0xD0C0] =	vst v19  }
0x6c: {  	[tilespmem:s0+$0x90D0] =	vst v20  }
0x6d: {  	[tilespmem:s0+$0xD0D0] =	vst v18  }
0x6e: {  	[tilespmem:s0+$0x90E0] =	vst v21  }
0x6f: {  	[tilespmem:s0+$0xD0E0] =	vst v17  }
0x70: {  	[tilespmem:s0+$0x90F0] =	vst v16;
	s31 =	simm.s32 $0x0  }
0x71: {  	[hbm4b:s7+s31] =	stream.linear.scatter [tilespmem:s20], [sflag:$0x1], $0x4000, $0x38;
	[tilespmem:$0x19000] =	vst v63  }
0x72: {  	s1 =	rddreg [dreg:$0x6]  }
0x73: {  	[hbm4b:s1+s31] =	stream.linear.scatter [tilespmem:s21], [sflag:$0x2], $0x4000, $0x38;
	[tilespmem:$0x19000] =	vst v63  }
0x74: {  	v0 =	vld [tilespmem:$0x8800]  }
0x75: {  	v1 =	vld [tilespmem:$0x8810]  }
0x76: {  	v2 =	vld [tilespmem:$0x8820]  }
0x77: {  	v3 =	vld [tilespmem:$0x8830]  }
0x78: {  	v4 =	vld [tilespmem:$0x8840]  }
0x79: {  	v5 =	vld [tilespmem:$0x8850]  }
0x7a: {  	v6 =	vld [tilespmem:$0x8860]  }
0x7b: {  	v7 =	vld [tilespmem:$0x8870]  }
0x7c: {  	v8 =	vld [tilespmem:$0x8C00]  }
0x7d: {  	v9 =	vld [tilespmem:$0x8C10]  }
0x7e: {  	v10 =	vld [tilespmem:$0x8C20]  }
0x7f: {  	v11 =	vld [tilespmem:$0x8C30]  }
0x80: {  	s0 =	simm.s32 $0x0;
	v15 =	vld [tilespmem:$0x8C70]  }
0x81: {  	v17 =	vld [tilespmem:s0+$0x0]  }
0x82: {  	v16 =	vld [tilespmem:s0+$0xF0]  }
0x83: {  	v12 =	vld [tilespmem:$0x8C40]  }
0x84: {  	v18 =	vld [tilespmem:s0+$0x10]  }
0x85: {  	v13 =	vld [tilespmem:$0x8C50]  }
0x86: {  	v19 =	vld [tilespmem:s0+$0x20];
	v22 =	vadd.f32 v17, v0  }
0x87: {  	v14 =	vld [tilespmem:$0x8C60];
	v24 =	vadd.f32 v16, v15  }
0x88: {  	v20 =	vld [tilespmem:s0+$0x30];
	v17 =	vadd.f32 v17, v8;
	[tilespmem:s0+$0x11000] =	vst v22  }
0x89: {  	v22 =	vadd.f32 v18, v1;
	[tilespmem:s0+$0x150F0] =	vst v24  }
0x8a: {  	v21 =	vld [tilespmem:s0+$0x40];
	v18 =	vadd.f32 v18, v9;
	[tilespmem:s0+$0x15000] =	vst v17  }
0x8b: {  	v23 =	vld [tilespmem:s0+$0x50];
	v17 =	vadd.f32 v19, v2;
	[tilespmem:s0+$0x11010] =	vst v22  }
0x8c: {  	v25 =	vld [tilespmem:s0+$0x60];
	v19 =	vadd.f32 v19, v10;
	[tilespmem:s0+$0x15010] =	vst v18  }
0x8d: {  	v18 =	vadd.f32 v20, v3;
	[tilespmem:s0+$0x11020] =	vst v17  }
0x8e: {  	v17 =	vadd.f32 v20, v11;
	[tilespmem:s0+$0x15020] =	vst v19  }
0x8f: {  	v19 =	vadd.f32 v21, v4;
	[tilespmem:s0+$0x11030] =	vst v18  }
0x90: {  	v61 =	vld [tilespmem:s0+$0x70];
	v20 =	vadd.f32 v23, v13;
	[tilespmem:s0+$0x15030] =	vst v17  }
0x91: {  	v22 =	vadd.f32 v25, v14;
	[tilespmem:s0+$0x11040] =	vst v19  }
0x92: {  	v18 =	vadd.f32 v21, v12;
	v19 =	vld [tilespmem:s0+$0x80];
	[tilespmem:s0+$0x15050] =	vst v20  }
0x93: {  	v17 =	vadd.f32 v23, v5;
	[tilespmem:s0+$0x15060] =	vst v22  }
0x94: {  	v21 =	vadd.f32 v25, v6;
	v20 =	vld [tilespmem:s0+$0xB0];
	[tilespmem:s0+$0x15040] =	vst v18  }
0x95: {  	v23 =	vadd.f32 v61, v7;
	v18 =	vld [tilespmem:s0+$0x90];
	[tilespmem:s0+$0x11050] =	vst v17  }
0x96: {  	v62 =	vld [tilespmem:s0+$0xC0];
	[tilespmem:s0+$0x11060] =	vst v21;
	v21 =	vadd.f32 v61, v15  }
0x97: {  	v17 =	vld [tilespmem:s0+$0xA0];
	[tilespmem:s0+$0x11070] =	vst v23;
	v22 =	vadd.f32 v19, v0  }
0x98: {  	[tilespmem:s0+$0x15070] =	vst v21;
	v19 =	vadd.f32 v19, v8  }
0x99: {  	v63 =	vld [tilespmem:s0+$0xD0];
	v28 =	vadd.f32 v20, v3;
	[tilespmem:s0+$0x11080] =	vst v22  }
0x9a: {  	v26 =	vld [tilespmem:s0+$0xE0];
	v16 =	vadd.f32 v16, v7;
	v21 =	vadd.f32 v18, v1;
	[tilespmem:s0+$0x15080] =	vst v19  }
0x9b: {  	v23 =	vadd.f32 v62, v4;
	v18 =	vadd.f32 v18, v9;
	[tilespmem:s0+$0x110B0] =	vst v28  }
0x9c: {  	v27 =	vadd.f32 v17, v2;
	v17 =	vadd.f32 v17, v10;
	[tilespmem:s0+$0x11090] =	vst v21  }
0x9d: {  	v22 =	vadd.f32 v20, v11;
	v19 =	vadd.f32 v62, v12;
	[tilespmem:s0+$0x15090] =	vst v18  }
0x9e: {  	v20 =	vadd.f32 v63, v5;
	[tilespmem:s0+$0x110A0] =	vst v27;
	v18 =	vadd.f32 v63, v13  }
0x9f: {  	s6 =	simm.s32 $0x400;
	s1 =	simm.s32 $0x0;
	[tilespmem:s0+$0x150A0] =	vst v17;
	v21 =	vadd.f32 v26, v6;
	v17 =	vadd.f32 v26, v14  }
.LBB2_4:
0xa0: {  	s8 =	sshra.s32 s6, $0x2;
	s1 =	sadd.s32 $0x2, s1;
	[tilespmem:s0+$0x150B0] =	vst v22  }
0xa1: {  	v22 =	vld [tilespmem:s8+$0xF0];
	p0 =	slt.u32 s1, $0x7E;
	[tilespmem:s0+$0x110C0] =	vst v23  }
0xa2: {  	v23 =	vld [tilespmem:s8+$0x0];
	[tilespmem:s0+$0x150C0] =	vst v19  }
0xa3: {  	v19 =	vld [tilespmem:s8+$0x10];
	[tilespmem:s0+$0x110D0] =	vst v20  }
0xa4: {  	v20 =	vld [tilespmem:s8+$0x20];
	[tilespmem:s0+$0x150D0] =	vst v18  }
0xa5: {  	v18 =	vld [tilespmem:s8+$0x30];
	[tilespmem:s0+$0x110E0] =	vst v21  }
0xa6: {  	v21 =	vld [tilespmem:s8+$0x40];
	v24 =	vadd.f32 v22, v7;
	v22 =	vadd.f32 v22, v15;
	[tilespmem:s0+$0x150E0] =	vst v17  }
0xa7: {  	v17 =	vadd.f32 v23, v0;
	v23 =	vadd.f32 v23, v8;
	v25 =	vld [tilespmem:s8+$0x50];
	[tilespmem:s0+$0x110F0] =	vst v16;
	s0 =	smov.u32 s8  }
0xa8: {  	v26 =	vadd.f32 v19, v1;
	v19 =	vadd.f32 v19, v9;
	v27 =	vld [tilespmem:s0+$0x60];
	[tilespmem:s0+$0x150F0] =	vst v22;
	v16 =	vmov v24  }
0xa9: {  	[tilespmem:s0+$0x11000] =	vst v17;
	v17 =	vadd.f32 v20, v2;
	v20 =	vadd.f32 v20, v10;
	v22 =	vld [tilespmem:s0+$0x70]  }
0xaa: {  	[tilespmem:s0+$0x15000] =	vst v23;
	v23 =	vadd.f32 v18, v3;
	v18 =	vadd.f32 v18, v11;
	v24 =	vld [tilespmem:s0+$0x80]  }
0xab: {  	[tilespmem:s0+$0x11010] =	vst v26;
	v26 =	vadd.f32 v21, v4;
	v21 =	vadd.f32 v21, v12;
	v28 =	vld [tilespmem:s0+$0x90]  }
0xac: {  	[tilespmem:s0+$0x15010] =	vst v19;
	v19 =	vadd.f32 v25, v5;
	v25 =	vadd.f32 v25, v13;
	v29 =	vld [tilespmem:s0+$0xA0]  }
0xad: {  	[tilespmem:s0+$0x11020] =	vst v17;
	v17 =	vadd.f32 v27, v6;
	v27 =	vadd.f32 v27, v14;
	v30 =	vld [tilespmem:s0+$0xB0]  }
0xae: {  	[tilespmem:s0+$0x15020] =	vst v20;
	v31 =	vadd.f32 v22, v7;
	v32 =	vadd.f32 v22, v15;
	v20 =	vld [tilespmem:s0+$0xC0]  }
0xaf: {  	[tilespmem:s0+$0x11030] =	vst v23;
	v33 =	vadd.f32 v24, v0;
	v24 =	vadd.f32 v24, v8;
	v34 =	vld [tilespmem:s0+$0xD0]  }
0xb0: {  	[tilespmem:s0+$0x15030] =	vst v18;
	v35 =	vadd.f32 v28, v1;
	v28 =	vadd.f32 v28, v9;
	v36 =	vld [tilespmem:s0+$0xE0]  }
0xb1: {  	[tilespmem:s0+$0x11040] =	vst v26;
	v26 =	vadd.f32 v29, v2;
	v29 =	vadd.f32 v29, v10  }
0xb2: {  	[tilespmem:s0+$0x15040] =	vst v21;
	v37 =	vadd.f32 v30, v3;
	v22 =	vadd.f32 v30, v11  }
0xb3: {  	[tilespmem:s0+$0x11050] =	vst v19;
	v23 =	vadd.f32 v20, v4;
	v19 =	vadd.f32 v20, v12  }
0xb4: {  	[tilespmem:s0+$0x15050] =	vst v25;
	v20 =	vadd.f32 v34, v5;
	v18 =	vadd.f32 v34, v13  }
0xb5: {  	[tilespmem:s0+$0x11060] =	vst v17;
	v21 =	vadd.f32 v36, v6;
	v17 =	vadd.f32 v36, v14  }
0xb6: {  	[tilespmem:s0+$0x15060] =	vst v27  }
0xb7: {  	[tilespmem:s0+$0x11070] =	vst v31  }
0xb8: {  	[tilespmem:s0+$0x15070] =	vst v32  }
0xb9: {  	[tilespmem:s0+$0x11080] =	vst v33  }
0xba: {  	[tilespmem:s0+$0x15080] =	vst v24  }
.Ltmp1:
0xbb: {  	[tilespmem:s0+$0x11090] =	vst v35;
	(pc) =	sbr.rel @p0 .LBB2_4-.Ltmp1, $4  }
0xbc: {  	[tilespmem:s0+$0x15090] =	vst v28  }
0xbd: {  	[tilespmem:s0+$0x110A0] =	vst v26  }
0xbe: {  	[tilespmem:s0+$0x150A0] =	vst v29  }
0xbf: {  	s6 =	sadd.s32 $0x400, s6;
	[tilespmem:s0+$0x110B0] =	vst v37  }
0xc0: {  	[tilespmem:s0+$0x150B0] =	vst v22  }
0xc1: {  	[tilespmem:s0+$0x110C0] =	vst v23  }
0xc2: {  	[tilespmem:s0+$0x150C0] =	vst v19  }
0xc3: {  	[tilespmem:s0+$0x110D0] =	vst v20  }
0xc4: {  	[tilespmem:s0+$0x150D0] =	vst v18  }
0xc5: {  	[tilespmem:s0+$0x110E0] =	vst v21  }
0xc6: {  	[tilespmem:s0+$0x150E0] =	vst v17  }
0xc7: {  	[tilespmem:s0+$0x110F0] =	vst v16  }
0xc8: {  	s30 =	simm.s32 $0x0;
	s1 =	rddreg [dreg:$0x7]  }
0xc9: {  	[hbm4b:s1+s30] =	stream.linear.scatter [tilespmem:s22], [sflag:$0x3], $0x4000, $0x38;
	[tilespmem:$0x19000] =	vst v63  }
0xca: {  	s31 =	rddreg [dreg:$0x8]  }
0xcb: {  	[hbm4b:s31+s30] =	stream.linear.scatter [tilespmem:s23], [sflag:$0x4], $0x4000, $0x38;
	[tilespmem:$0x19000] =	vst v63  }
0xcc: {  	_ =	swait.ge [sflag:s24], $0x4000  }
0xcd: {  	[sflag:s24] =	ssyncset.done $0x0  }
0xce: {  	[sflag:s24] =	ssyncadd.s32 $0xFFFFC000  }
0xcf: {  	_ =	swait.ge [sflag:s25], $0x4000  }
0xd0: {  	[sflag:s25] =	ssyncset.done $0x0  }
0xd1: {  	[sflag:s25] =	ssyncadd.s32 $0xFFFFC000  }
0xd2: {  	v0 =	vld [tilespmem:$0x8000]  }
0xd3: {  	v1 =	vld [tilespmem:$0x8010]  }
0xd4: {  	v2 =	vld [tilespmem:$0x8020]  }
0xd5: {  	v3 =	vld [tilespmem:$0x8030]  }
0xd6: {  	v4 =	vld [tilespmem:$0x8040]  }
0xd7: {  	v5 =	vld [tilespmem:$0x8050]  }
0xd8: {  	v6 =	vld [tilespmem:$0x8060]  }
0xd9: {  	v7 =	vld [tilespmem:$0x8070]  }
0xda: {  	v8 =	vld [tilespmem:$0x8400]  }
0xdb: {  	v9 =	vld [tilespmem:$0x8410]  }
0xdc: {  	v10 =	vld [tilespmem:$0x8420]  }
0xdd: {  	v11 =	vld [tilespmem:$0x8430]  }
0xde: {  	s0 =	simm.s32 $0x0;
	v15 =	vld [tilespmem:$0x8470]  }
0xdf: {  	v17 =	vld [tilespmem:s0+$0x4000]  }
0xe0: {  	v16 =	vld [tilespmem:s0+$0x40F0]  }
0xe1: {  	v12 =	vld [tilespmem:$0x8440]  }
0xe2: {  	v18 =	vld [tilespmem:s0+$0x4010]  }
0xe3: {  	v13 =	vld [tilespmem:$0x8450]  }
0xe4: {  	v19 =	vld [tilespmem:s0+$0x4020];
	v22 =	vadd.f32 v17, v0  }
0xe5: {  	v14 =	vld [tilespmem:$0x8460];
	v24 =	vadd.f32 v16, v15  }
0xe6: {  	v20 =	vld [tilespmem:s0+$0x4030];
	v17 =	vadd.f32 v17, v8;
	[tilespmem:s0+$0x9000] =	vst v22  }
0xe7: {  	v22 =	vadd.f32 v18, v1;
	[tilespmem:s0+$0xD0F0] =	vst v24  }
0xe8: {  	v21 =	vld [tilespmem:s0+$0x4040];
	v18 =	vadd.f32 v18, v9;
	[tilespmem:s0+$0xD000] =	vst v17  }
0xe9: {  	v23 =	vld [tilespmem:s0+$0x4050];
	v17 =	vadd.f32 v19, v2;
	[tilespmem:s0+$0x9010] =	vst v22  }
0xea: {  	v25 =	vld [tilespmem:s0+$0x4060];
	v19 =	vadd.f32 v19, v10;
	[tilespmem:s0+$0xD010] =	vst v18  }
0xeb: {  	v18 =	vadd.f32 v20, v3;
	[tilespmem:s0+$0x9020] =	vst v17  }
0xec: {  	v17 =	vadd.f32 v20, v11;
	[tilespmem:s0+$0xD020] =	vst v19  }
0xed: {  	v19 =	vadd.f32 v21, v4;
	[tilespmem:s0+$0x9030] =	vst v18  }
0xee: {  	v61 =	vld [tilespmem:s0+$0x4070];
	v20 =	vadd.f32 v23, v13;
	[tilespmem:s0+$0xD030] =	vst v17  }
0xef: {  	v22 =	vadd.f32 v25, v14;
	[tilespmem:s0+$0x9040] =	vst v19  }
0xf0: {  	v18 =	vadd.f32 v21, v12;
	v19 =	vld [tilespmem:s0+$0x4080];
	[tilespmem:s0+$0xD050] =	vst v20  }
0xf1: {  	v17 =	vadd.f32 v23, v5;
	[tilespmem:s0+$0xD060] =	vst v22  }
0xf2: {  	v21 =	vadd.f32 v25, v6;
	v20 =	vld [tilespmem:s0+$0x40B0];
	[tilespmem:s0+$0xD040] =	vst v18  }
0xf3: {  	v23 =	vadd.f32 v61, v7;
	v18 =	vld [tilespmem:s0+$0x4090];
	[tilespmem:s0+$0x9050] =	vst v17  }
0xf4: {  	v62 =	vld [tilespmem:s0+$0x40C0];
	[tilespmem:s0+$0x9060] =	vst v21;
	v21 =	vadd.f32 v61, v15  }
0xf5: {  	v17 =	vld [tilespmem:s0+$0x40A0];
	[tilespmem:s0+$0x9070] =	vst v23;
	v22 =	vadd.f32 v19, v0  }
0xf6: {  	[tilespmem:s0+$0xD070] =	vst v21;
	v19 =	vadd.f32 v19, v8  }
0xf7: {  	v63 =	vld [tilespmem:s0+$0x40D0];
	v28 =	vadd.f32 v20, v3;
	[tilespmem:s0+$0x9080] =	vst v22  }
0xf8: {  	v26 =	vld [tilespmem:s0+$0x40E0];
	v16 =	vadd.f32 v16, v7;
	v21 =	vadd.f32 v18, v1;
	[tilespmem:s0+$0xD080] =	vst v19  }
0xf9: {  	v23 =	vadd.f32 v62, v4;
	v18 =	vadd.f32 v18, v9;
	[tilespmem:s0+$0x90B0] =	vst v28  }
0xfa: {  	v27 =	vadd.f32 v17, v2;
	v17 =	vadd.f32 v17, v10;
	[tilespmem:s0+$0x9090] =	vst v21  }
0xfb: {  	v22 =	vadd.f32 v20, v11;
	v19 =	vadd.f32 v62, v12;
	[tilespmem:s0+$0xD090] =	vst v18  }
0xfc: {  	v20 =	vadd.f32 v63, v5;
	[tilespmem:s0+$0x90A0] =	vst v27;
	v18 =	vadd.f32 v63, v13  }
0xfd: {  	s6 =	simm.s32 $0x400;
	s1 =	simm.s32 $0x0;
	[tilespmem:s0+$0xD0A0] =	vst v17;
	v21 =	vadd.f32 v26, v6;
	v17 =	vadd.f32 v26, v14  }
.LBB2_6:
0xfe: {  	s8 =	sshra.s32 s6, $0x2;
	s1 =	sadd.s32 $0x2, s1;
	[tilespmem:s0+$0xD0B0] =	vst v22  }
0xff: {  	v22 =	vld [tilespmem:s8+$0x40F0];
	p0 =	slt.u32 s1, $0x7E;
	[tilespmem:s0+$0x90C0] =	vst v23  }
0x100: {  	v23 =	vld [tilespmem:s8+$0x4000];
	[tilespmem:s0+$0xD0C0] =	vst v19  }
0x101: {  	v19 =	vld [tilespmem:s8+$0x4010];
	[tilespmem:s0+$0x90D0] =	vst v20  }
0x102: {  	v20 =	vld [tilespmem:s8+$0x4020];
	[tilespmem:s0+$0xD0D0] =	vst v18  }
0x103: {  	v18 =	vld [tilespmem:s8+$0x4030];
	[tilespmem:s0+$0x90E0] =	vst v21  }
0x104: {  	v21 =	vld [tilespmem:s8+$0x4040];
	v24 =	vadd.f32 v22, v7;
	v22 =	vadd.f32 v22, v15;
	[tilespmem:s0+$0xD0E0] =	vst v17  }
0x105: {  	v17 =	vadd.f32 v23, v0;
	v23 =	vadd.f32 v23, v8;
	v25 =	vld [tilespmem:s8+$0x4050];
	[tilespmem:s0+$0x90F0] =	vst v16;
	s0 =	smov.u32 s8  }
0x106: {  	v26 =	vadd.f32 v19, v1;
	v19 =	vadd.f32 v19, v9;
	v27 =	vld [tilespmem:s0+$0x4060];
	[tilespmem:s0+$0xD0F0] =	vst v22;
	v16 =	vmov v24  }
0x107: {  	[tilespmem:s0+$0x9000] =	vst v17;
	v17 =	vadd.f32 v20, v2;
	v20 =	vadd.f32 v20, v10;
	v22 =	vld [tilespmem:s0+$0x4070]  }
0x108: {  	[tilespmem:s0+$0xD000] =	vst v23;
	v23 =	vadd.f32 v18, v3;
	v18 =	vadd.f32 v18, v11;
	v24 =	vld [tilespmem:s0+$0x4080]  }
0x109: {  	[tilespmem:s0+$0x9010] =	vst v26;
	v26 =	vadd.f32 v21, v4;
	v21 =	vadd.f32 v21, v12;
	v28 =	vld [tilespmem:s0+$0x4090]  }
0x10a: {  	[tilespmem:s0+$0xD010] =	vst v19;
	v19 =	vadd.f32 v25, v5;
	v25 =	vadd.f32 v25, v13;
	v29 =	vld [tilespmem:s0+$0x40A0]  }
0x10b: {  	[tilespmem:s0+$0x9020] =	vst v17;
	v17 =	vadd.f32 v27, v6;
	v27 =	vadd.f32 v27, v14;
	v30 =	vld [tilespmem:s0+$0x40B0]  }
0x10c: {  	[tilespmem:s0+$0xD020] =	vst v20;
	v31 =	vadd.f32 v22, v7;
	v32 =	vadd.f32 v22, v15;
	v20 =	vld [tilespmem:s0+$0x40C0]  }
0x10d: {  	[tilespmem:s0+$0x9030] =	vst v23;
	v33 =	vadd.f32 v24, v0;
	v24 =	vadd.f32 v24, v8;
	v34 =	vld [tilespmem:s0+$0x40D0]  }
0x10e: {  	[tilespmem:s0+$0xD030] =	vst v18;
	v35 =	vadd.f32 v28, v1;
	v28 =	vadd.f32 v28, v9;
	v36 =	vld [tilespmem:s0+$0x40E0]  }
0x10f: {  	[tilespmem:s0+$0x9040] =	vst v26;
	v26 =	vadd.f32 v29, v2;
	v29 =	vadd.f32 v29, v10  }
0x110: {  	[tilespmem:s0+$0xD040] =	vst v21;
	v37 =	vadd.f32 v30, v3;
	v22 =	vadd.f32 v30, v11  }
0x111: {  	[tilespmem:s0+$0x9050] =	vst v19;
	v23 =	vadd.f32 v20, v4;
	v19 =	vadd.f32 v20, v12  }
0x112: {  	[tilespmem:s0+$0xD050] =	vst v25;
	v20 =	vadd.f32 v34, v5;
	v18 =	vadd.f32 v34, v13  }
0x113: {  	[tilespmem:s0+$0x9060] =	vst v17;
	v21 =	vadd.f32 v36, v6;
	v17 =	vadd.f32 v36, v14  }
0x114: {  	[tilespmem:s0+$0xD060] =	vst v27  }
0x115: {  	[tilespmem:s0+$0x9070] =	vst v31  }
0x116: {  	[tilespmem:s0+$0xD070] =	vst v32  }
0x117: {  	[tilespmem:s0+$0x9080] =	vst v33  }
0x118: {  	[tilespmem:s0+$0xD080] =	vst v24  }
.Ltmp2:
0x119: {  	[tilespmem:s0+$0x9090] =	vst v35;
	(pc) =	sbr.rel @p0 .LBB2_6-.Ltmp2, $4  }
0x11a: {  	[tilespmem:s0+$0xD090] =	vst v28  }
0x11b: {  	[tilespmem:s0+$0x90A0] =	vst v26  }
0x11c: {  	[tilespmem:s0+$0xD0A0] =	vst v29  }
0x11d: {  	s6 =	sadd.s32 $0x400, s6;
	[tilespmem:s0+$0x90B0] =	vst v37  }
0x11e: {  	[tilespmem:s0+$0xD0B0] =	vst v22  }
0x11f: {  	[tilespmem:s0+$0x90C0] =	vst v23  }
0x120: {  	[tilespmem:s0+$0xD0C0] =	vst v19  }
0x121: {  	[tilespmem:s0+$0x90D0] =	vst v20  }
0x122: {  	[tilespmem:s0+$0xD0D0] =	vst v18  }
0x123: {  	[tilespmem:s0+$0x90E0] =	vst v21  }
0x124: {  	[tilespmem:s0+$0xD0E0] =	vst v17  }
0x125: {  	[tilespmem:s0+$0x90F0] =	vst v16  }
0x126: {  	s30 =	simm.s32 $0x0;
	s1 =	rddreg [dreg:$0x9]  }
0x127: {  	[hbm4b:s1+s30] =	stream.linear.scatter [tilespmem:s20], [sflag:$0x1], $0x4000, $0x38;
	[tilespmem:$0x19000] =	vst v63  }
0x128: {  	s31 =	rddreg [dreg:$0xa]  }
0x129: {  	[hbm4b:s31+s30] =	stream.linear.scatter [tilespmem:s21], [sflag:$0x2], $0x4000, $0x38;
	[tilespmem:$0x19000] =	vst v63  }
0x12a: {  	_ =	swait.ge [sflag:s26], $0x4000  }
0x12b: {  	[sflag:s26] =	ssyncset.done $0x0  }
0x12c: {  	[sflag:s26] =	ssyncadd.s32 $0xFFFFC000  }
0x12d: {  	_ =	swait.ge [sflag:s28], $0x4000  }
0x12e: {  	[sflag:s28] =	ssyncset.done $0x0  }
0x12f: {  	[sflag:s28] =	ssyncadd.s32 $0xFFFFC000  }
0x130: {  	v0 =	vld [tilespmem:$0x8800]  }
0x131: {  	v1 =	vld [tilespmem:$0x8810]  }
0x132: {  	v2 =	vld [tilespmem:$0x8820]  }
0x133: {  	v3 =	vld [tilespmem:$0x8830]  }
0x134: {  	v4 =	vld [tilespmem:$0x8840]  }
0x135: {  	v5 =	vld [tilespmem:$0x8850]  }
0x136: {  	v6 =	vld [tilespmem:$0x8860]  }
0x137: {  	v7 =	vld [tilespmem:$0x8870]  }
0x138: {  	v8 =	vld [tilespmem:$0x8C00]  }
0x139: {  	v9 =	vld [tilespmem:$0x8C10]  }
0x13a: {  	v10 =	vld [tilespmem:$0x8C20]  }
0x13b: {  	v11 =	vld [tilespmem:$0x8C30]  }
0x13c: {  	s0 =	simm.s32 $0x0;
	v15 =	vld [tilespmem:$0x8C70]  }
0x13d: {  	v17 =	vld [tilespmem:s0+$0x4000]  }
0x13e: {  	v16 =	vld [tilespmem:s0+$0x40F0]  }
0x13f: {  	v12 =	vld [tilespmem:$0x8C40]  }
0x140: {  	v18 =	vld [tilespmem:s0+$0x4010]  }
0x141: {  	v13 =	vld [tilespmem:$0x8C50]  }
0x142: {  	v19 =	vld [tilespmem:s0+$0x4020];
	v22 =	vadd.f32 v17, v0  }
0x143: {  	v14 =	vld [tilespmem:$0x8C60];
	v24 =	vadd.f32 v16, v15  }
0x144: {  	v20 =	vld [tilespmem:s0+$0x4030];
	v17 =	vadd.f32 v17, v8;
	[tilespmem:s0+$0x11000] =	vst v22  }
0x145: {  	v22 =	vadd.f32 v18, v1;
	[tilespmem:s0+$0x150F0] =	vst v24  }
0x146: {  	v21 =	vld [tilespmem:s0+$0x4040];
	v18 =	vadd.f32 v18, v9;
	[tilespmem:s0+$0x15000] =	vst v17  }
0x147: {  	v23 =	vld [tilespmem:s0+$0x4050];
	v17 =	vadd.f32 v19, v2;
	[tilespmem:s0+$0x11010] =	vst v22  }
0x148: {  	v25 =	vld [tilespmem:s0+$0x4060];
	v19 =	vadd.f32 v19, v10;
	[tilespmem:s0+$0x15010] =	vst v18  }
0x149: {  	v18 =	vadd.f32 v20, v3;
	[tilespmem:s0+$0x11020] =	vst v17  }
0x14a: {  	v17 =	vadd.f32 v20, v11;
	[tilespmem:s0+$0x15020] =	vst v19  }
0x14b: {  	v19 =	vadd.f32 v21, v4;
	[tilespmem:s0+$0x11030] =	vst v18  }
0x14c: {  	v61 =	vld [tilespmem:s0+$0x4070];
	v20 =	vadd.f32 v23, v13;
	[tilespmem:s0+$0x15030] =	vst v17  }
0x14d: {  	v22 =	vadd.f32 v25, v14;
	[tilespmem:s0+$0x11040] =	vst v19  }
0x14e: {  	v18 =	vadd.f32 v21, v12;
	v19 =	vld [tilespmem:s0+$0x4080];
	[tilespmem:s0+$0x15050] =	vst v20  }
0x14f: {  	v17 =	vadd.f32 v23, v5;
	[tilespmem:s0+$0x15060] =	vst v22  }
0x150: {  	v21 =	vadd.f32 v25, v6;
	v20 =	vld [tilespmem:s0+$0x40B0];
	[tilespmem:s0+$0x15040] =	vst v18  }
0x151: {  	v23 =	vadd.f32 v61, v7;
	v18 =	vld [tilespmem:s0+$0x4090];
	[tilespmem:s0+$0x11050] =	vst v17  }
0x152: {  	v62 =	vld [tilespmem:s0+$0x40C0];
	[tilespmem:s0+$0x11060] =	vst v21;
	v21 =	vadd.f32 v61, v15  }
0x153: {  	v17 =	vld [tilespmem:s0+$0x40A0];
	[tilespmem:s0+$0x11070] =	vst v23;
	v22 =	vadd.f32 v19, v0  }
0x154: {  	[tilespmem:s0+$0x15070] =	vst v21;
	v19 =	vadd.f32 v19, v8  }
0x155: {  	v63 =	vld [tilespmem:s0+$0x40D0];
	v28 =	vadd.f32 v20, v3;
	[tilespmem:s0+$0x11080] =	vst v22  }
0x156: {  	v26 =	vld [tilespmem:s0+$0x40E0];
	v16 =	vadd.f32 v16, v7;
	v21 =	vadd.f32 v18, v1;
	[tilespmem:s0+$0x15080] =	vst v19  }
0x157: {  	v23 =	vadd.f32 v62, v4;
	v18 =	vadd.f32 v18, v9;
	[tilespmem:s0+$0x110B0] =	vst v28  }
0x158: {  	v27 =	vadd.f32 v17, v2;
	v17 =	vadd.f32 v17, v10;
	[tilespmem:s0+$0x11090] =	vst v21  }
0x159: {  	v22 =	vadd.f32 v20, v11;
	v19 =	vadd.f32 v62, v12;
	[tilespmem:s0+$0x15090] =	vst v18  }
0x15a: {  	v20 =	vadd.f32 v63, v5;
	[tilespmem:s0+$0x110A0] =	vst v27;
	v18 =	vadd.f32 v63, v13  }
0x15b: {  	s6 =	simm.s32 $0x400;
	s1 =	simm.s32 $0x0;
	[tilespmem:s0+$0x150A0] =	vst v17;
	v21 =	vadd.f32 v26, v6;
	v17 =	vadd.f32 v26, v14  }
.LBB2_8:
0x15c: {  	s8 =	sshra.s32 s6, $0x2;
	s1 =	sadd.s32 $0x2, s1;
	[tilespmem:s0+$0x150B0] =	vst v22  }
0x15d: {  	v22 =	vld [tilespmem:s8+$0x40F0];
	p0 =	slt.u32 s1, $0x7E;
	[tilespmem:s0+$0x110C0] =	vst v23  }
0x15e: {  	v23 =	vld [tilespmem:s8+$0x4000];
	[tilespmem:s0+$0x150C0] =	vst v19  }
0x15f: {  	v19 =	vld [tilespmem:s8+$0x4010];
	[tilespmem:s0+$0x110D0] =	vst v20  }
0x160: {  	v20 =	vld [tilespmem:s8+$0x4020];
	[tilespmem:s0+$0x150D0] =	vst v18  }
0x161: {  	v18 =	vld [tilespmem:s8+$0x4030];
	[tilespmem:s0+$0x110E0] =	vst v21  }
0x162: {  	v21 =	vld [tilespmem:s8+$0x4040];
	v24 =	vadd.f32 v22, v7;
	v22 =	vadd.f32 v22, v15;
	[tilespmem:s0+$0x150E0] =	vst v17  }
0x163: {  	v17 =	vadd.f32 v23, v0;
	v23 =	vadd.f32 v23, v8;
	v25 =	vld [tilespmem:s8+$0x4050];
	[tilespmem:s0+$0x110F0] =	vst v16;
	s0 =	smov.u32 s8  }
0x164: {  	v26 =	vadd.f32 v19, v1;
	v19 =	vadd.f32 v19, v9;
	v27 =	vld [tilespmem:s0+$0x4060];
	[tilespmem:s0+$0x150F0] =	vst v22;
	v16 =	vmov v24  }
0x165: {  	[tilespmem:s0+$0x11000] =	vst v17;
	v17 =	vadd.f32 v20, v2;
	v20 =	vadd.f32 v20, v10;
	v22 =	vld [tilespmem:s0+$0x4070]  }
0x166: {  	[tilespmem:s0+$0x15000] =	vst v23;
	v23 =	vadd.f32 v18, v3;
	v18 =	vadd.f32 v18, v11;
	v24 =	vld [tilespmem:s0+$0x4080]  }
0x167: {  	[tilespmem:s0+$0x11010] =	vst v26;
	v26 =	vadd.f32 v21, v4;
	v21 =	vadd.f32 v21, v12;
	v28 =	vld [tilespmem:s0+$0x4090]  }
0x168: {  	[tilespmem:s0+$0x15010] =	vst v19;
	v19 =	vadd.f32 v25, v5;
	v25 =	vadd.f32 v25, v13;
	v29 =	vld [tilespmem:s0+$0x40A0]  }
0x169: {  	[tilespmem:s0+$0x11020] =	vst v17;
	v17 =	vadd.f32 v27, v6;
	v27 =	vadd.f32 v27, v14;
	v30 =	vld [tilespmem:s0+$0x40B0]  }
0x16a: {  	[tilespmem:s0+$0x15020] =	vst v20;
	v31 =	vadd.f32 v22, v7;
	v32 =	vadd.f32 v22, v15;
	v20 =	vld [tilespmem:s0+$0x40C0]  }
0x16b: {  	[tilespmem:s0+$0x11030] =	vst v23;
	v33 =	vadd.f32 v24, v0;
	v24 =	vadd.f32 v24, v8;
	v34 =	vld [tilespmem:s0+$0x40D0]  }
0x16c: {  	[tilespmem:s0+$0x15030] =	vst v18;
	v35 =	vadd.f32 v28, v1;
	v28 =	vadd.f32 v28, v9;
	v36 =	vld [tilespmem:s0+$0x40E0]  }
0x16d: {  	[tilespmem:s0+$0x11040] =	vst v26;
	v26 =	vadd.f32 v29, v2;
	v29 =	vadd.f32 v29, v10  }
0x16e: {  	[tilespmem:s0+$0x15040] =	vst v21;
	v37 =	vadd.f32 v30, v3;
	v22 =	vadd.f32 v30, v11  }
0x16f: {  	[tilespmem:s0+$0x11050] =	vst v19;
	v23 =	vadd.f32 v20, v4;
	v19 =	vadd.f32 v20, v12  }
0x170: {  	[tilespmem:s0+$0x15050] =	vst v25;
	v20 =	vadd.f32 v34, v5;
	v18 =	vadd.f32 v34, v13  }
0x171: {  	[tilespmem:s0+$0x11060] =	vst v17;
	v21 =	vadd.f32 v36, v6;
	v17 =	vadd.f32 v36, v14  }
0x172: {  	[tilespmem:s0+$0x15060] =	vst v27  }
0x173: {  	[tilespmem:s0+$0x11070] =	vst v31  }
0x174: {  	[tilespmem:s0+$0x15070] =	vst v32  }
0x175: {  	[tilespmem:s0+$0x11080] =	vst v33  }
0x176: {  	[tilespmem:s0+$0x15080] =	vst v24  }
.Ltmp3:
0x177: {  	[tilespmem:s0+$0x11090] =	vst v35;
	(pc) =	sbr.rel @p0 .LBB2_8-.Ltmp3, $4  }
0x178: {  	[tilespmem:s0+$0x15090] =	vst v28  }
0x179: {  	[tilespmem:s0+$0x110A0] =	vst v26  }
0x17a: {  	[tilespmem:s0+$0x150A0] =	vst v29  }
0x17b: {  	s6 =	sadd.s32 $0x400, s6;
	[tilespmem:s0+$0x110B0] =	vst v37  }
0x17c: {  	[tilespmem:s0+$0x150B0] =	vst v22  }
0x17d: {  	[tilespmem:s0+$0x110C0] =	vst v23  }
0x17e: {  	[tilespmem:s0+$0x150C0] =	vst v19  }
0x17f: {  	[tilespmem:s0+$0x110D0] =	vst v20  }
0x180: {  	[tilespmem:s0+$0x150D0] =	vst v18  }
0x181: {  	[tilespmem:s0+$0x110E0] =	vst v21  }
0x182: {  	[tilespmem:s0+$0x150E0] =	vst v17  }
0x183: {  	[tilespmem:s0+$0x110F0] =	vst v16  }
0x184: {  	s0 =	rddreg [dreg:$0xb]  }
0x185: {  	[hbm4b:s0+s3] =	stream.linear.scatter [tilespmem:s22], [sflag:$0x3], $0x4000, $0x38;
	[tilespmem:$0x19000] =	vst v63  }
0x186: {  	s30 =	simm.s32 $0x1  }
0x187: {  	[hbm4b:s16+s3] =	stream.linear.scatter [tilespmem:s23], [sflag:$0x4], $0x4000, $0x38;
	[tilespmem:$0x19000] =	vst v63  }
.LBB2_10:
0x188: {  	_ =	swait.ge [sflag:s24], $0x4000  }
0x189: {  	[sflag:s24] =	ssyncset.done $0x0  }
0x18a: {  	[sflag:s24] =	ssyncadd.s32 $0xFFFFC000  }
0x18b: {  	_ =	swait.ge [sflag:s25], $0x4000  }
0x18c: {  	s0 =	sshll.u32 s30, $0x7;
	[sflag:s25] =	ssyncset.done $0x0  }
0x18d: {  	s31 =	sand.u32 $0x3FFFFF80, s0;
	[sflag:s25] =	ssyncadd.s32 $0xFFFFC000  }
0x18e: {  	v0 =	vld [tilespmem:s31+$0x8000]  }
0x18f: {  	v1 =	vld [tilespmem:s31+$0x8010]  }
0x190: {  	v2 =	vld [tilespmem:s31+$0x8020]  }
0x191: {  	v3 =	vld [tilespmem:s31+$0x8030]  }
0x192: {  	v4 =	vld [tilespmem:s31+$0x8040]  }
0x193: {  	s1 =	sor.u32 $0x8, s30;
	v5 =	vld [tilespmem:s31+$0x8050]  }
0x194: {  	s19 =	sshll.u32 s1, $0x7;
	v6 =	vld [tilespmem:s31+$0x8060]  }
0x195: {  	s0 =	sand.u32 $0x3FFFFF80, s19;
	v7 =	vld [tilespmem:s31+$0x8070]  }
0x196: {  	v8 =	vld [tilespmem:s0+$0x8000]  }
0x197: {  	v9 =	vld [tilespmem:s0+$0x8010]  }
0x198: {  	v10 =	vld [tilespmem:s0+$0x8020]  }
0x199: {  	v11 =	vld [tilespmem:s0+$0x8030]  }
0x19a: {  	s6 =	simm.s32 $0x0;
	v15 =	vld [tilespmem:s0+$0x8070]  }
0x19b: {  	v17 =	vld [tilespmem:s6+$0x0]  }
0x19c: {  	v16 =	vld [tilespmem:s6+$0xF0]  }
0x19d: {  	v12 =	vld [tilespmem:s0+$0x8040]  }
0x19e: {  	v18 =	vld [tilespmem:s6+$0x10]  }
0x19f: {  	v13 =	vld [tilespmem:s0+$0x8050]  }
0x1a0: {  	v19 =	vld [tilespmem:s6+$0x20];
	v22 =	vadd.f32 v17, v0  }
0x1a1: {  	v14 =	vld [tilespmem:s0+$0x8060];
	v24 =	vadd.f32 v16, v15  }
0x1a2: {  	v20 =	vld [tilespmem:s6+$0x30];
	v17 =	vadd.f32 v17, v8;
	[tilespmem:s6+$0x9000] =	vst v22  }
0x1a3: {  	v22 =	vadd.f32 v18, v1;
	[tilespmem:s6+$0xD0F0] =	vst v24  }
0x1a4: {  	v21 =	vld [tilespmem:s6+$0x40];
	v18 =	vadd.f32 v18, v9;
	[tilespmem:s6+$0xD000] =	vst v17  }
0x1a5: {  	v23 =	vld [tilespmem:s6+$0x50];
	v17 =	vadd.f32 v19, v2;
	[tilespmem:s6+$0x9010] =	vst v22  }
0x1a6: {  	v25 =	vld [tilespmem:s6+$0x60];
	v19 =	vadd.f32 v19, v10;
	[tilespmem:s6+$0xD010] =	vst v18  }
0x1a7: {  	v18 =	vadd.f32 v20, v3;
	[tilespmem:s6+$0x9020] =	vst v17  }
0x1a8: {  	v17 =	vadd.f32 v20, v11;
	[tilespmem:s6+$0xD020] =	vst v19  }
0x1a9: {  	v19 =	vadd.f32 v21, v4;
	[tilespmem:s6+$0x9030] =	vst v18  }
0x1aa: {  	v61 =	vld [tilespmem:s6+$0x70];
	v20 =	vadd.f32 v23, v13;
	[tilespmem:s6+$0xD030] =	vst v17  }
0x1ab: {  	v22 =	vadd.f32 v25, v14;
	[tilespmem:s6+$0x9040] =	vst v19  }
0x1ac: {  	v18 =	vadd.f32 v21, v12;
	v19 =	vld [tilespmem:s6+$0x80];
	[tilespmem:s6+$0xD050] =	vst v20  }
0x1ad: {  	v17 =	vadd.f32 v23, v5;
	[tilespmem:s6+$0xD060] =	vst v22  }
0x1ae: {  	v21 =	vadd.f32 v25, v6;
	v20 =	vld [tilespmem:s6+$0xB0];
	[tilespmem:s6+$0xD040] =	vst v18  }
0x1af: {  	v23 =	vadd.f32 v61, v7;
	v18 =	vld [tilespmem:s6+$0x90];
	[tilespmem:s6+$0x9050] =	vst v17  }
0x1b0: {  	v62 =	vld [tilespmem:s6+$0xC0];
	[tilespmem:s6+$0x9060] =	vst v21;
	v21 =	vadd.f32 v61, v15  }
0x1b1: {  	v17 =	vld [tilespmem:s6+$0xA0];
	[tilespmem:s6+$0x9070] =	vst v23;
	v22 =	vadd.f32 v19, v0  }
0x1b2: {  	v63 =	vld [tilespmem:s6+$0xD0];
	[tilespmem:s6+$0xD070] =	vst v21;
	v19 =	vadd.f32 v19, v8  }
0x1b3: {  	v26 =	vld [tilespmem:s6+$0xE0];
	v28 =	vadd.f32 v20, v3;
	[tilespmem:s6+$0x9080] =	vst v22  }
0x1b4: {  	v16 =	vadd.f32 v16, v7;
	v21 =	vadd.f32 v18, v1;
	[tilespmem:s6+$0xD080] =	vst v19  }
0x1b5: {  	v23 =	vadd.f32 v62, v4;
	v18 =	vadd.f32 v18, v9;
	[tilespmem:s6+$0x90B0] =	vst v28  }
0x1b6: {  	v27 =	vadd.f32 v17, v2;
	v17 =	vadd.f32 v17, v10;
	[tilespmem:s6+$0x9090] =	vst v21  }
0x1b7: {  	v22 =	vadd.f32 v20, v11;
	v19 =	vadd.f32 v62, v12;
	[tilespmem:s6+$0xD090] =	vst v18  }
0x1b8: {  	v20 =	vadd.f32 v26, v6;
	[tilespmem:s6+$0x90A0] =	vst v27;
	v21 =	vadd.f32 v63, v5  }
0x1b9: {  	s8 =	simm.s32 $0x0;
	s9 =	simm.s32 $0x400;
	v18 =	vadd.f32 v63, v13;
	[tilespmem:s6+$0xD0A0] =	vst v17;
	v17 =	vadd.f32 v26, v14  }
.LBB2_11:
0x1ba: {  	s11 =	sshra.s32 s9, $0x2;
	s8 =	sadd.s32 $0x2, s8;
	[tilespmem:s6+$0xD0B0] =	vst v22  }
0x1bb: {  	v22 =	vld [tilespmem:s11+$0xF0];
	p0 =	slt.u32 s8, $0x7E;
	[tilespmem:s6+$0x90C0] =	vst v23  }
0x1bc: {  	v23 =	vld [tilespmem:s11+$0x0];
	[tilespmem:s6+$0xD0C0] =	vst v19  }
0x1bd: {  	v19 =	vld [tilespmem:s11+$0x10];
	[tilespmem:s6+$0x90D0] =	vst v21  }
0x1be: {  	v21 =	vld [tilespmem:s11+$0x20];
	[tilespmem:s6+$0xD0D0] =	vst v18  }
0x1bf: {  	v18 =	vld [tilespmem:s11+$0x30];
	[tilespmem:s6+$0x90E0] =	vst v20  }
0x1c0: {  	v20 =	vld [tilespmem:s11+$0x40];
	v24 =	vadd.f32 v22, v7;
	v22 =	vadd.f32 v22, v15;
	[tilespmem:s6+$0xD0E0] =	vst v17  }
0x1c1: {  	v17 =	vadd.f32 v23, v0;
	v23 =	vadd.f32 v23, v8;
	v25 =	vld [tilespmem:s11+$0x50];
	[tilespmem:s6+$0x90F0] =	vst v16;
	s6 =	smov.u32 s11  }
0x1c2: {  	v26 =	vadd.f32 v19, v1;
	v19 =	vadd.f32 v19, v9;
	v27 =	vld [tilespmem:s6+$0x60];
	[tilespmem:s6+$0xD0F0] =	vst v22;
	v16 =	vmov v24  }
0x1c3: {  	[tilespmem:s6+$0x9000] =	vst v17;
	v17 =	vadd.f32 v21, v2;
	v21 =	vadd.f32 v21, v10;
	v22 =	vld [tilespmem:s6+$0x70]  }
0x1c4: {  	[tilespmem:s6+$0xD000] =	vst v23;
	v23 =	vadd.f32 v18, v3;
	v18 =	vadd.f32 v18, v11;
	v24 =	vld [tilespmem:s6+$0x80]  }
0x1c5: {  	[tilespmem:s6+$0x9010] =	vst v26;
	v26 =	vadd.f32 v20, v4;
	v20 =	vadd.f32 v20, v12;
	v28 =	vld [tilespmem:s6+$0x90]  }
0x1c6: {  	[tilespmem:s6+$0xD010] =	vst v19;
	v19 =	vadd.f32 v25, v5;
	v25 =	vadd.f32 v25, v13;
	v29 =	vld [tilespmem:s6+$0xA0]  }
0x1c7: {  	[tilespmem:s6+$0x9020] =	vst v17;
	v17 =	vadd.f32 v27, v6;
	v27 =	vadd.f32 v27, v14;
	v30 =	vld [tilespmem:s6+$0xB0]  }
0x1c8: {  	[tilespmem:s6+$0xD020] =	vst v21;
	v31 =	vadd.f32 v22, v7;
	v32 =	vadd.f32 v22, v15;
	v21 =	vld [tilespmem:s6+$0xC0]  }
0x1c9: {  	[tilespmem:s6+$0x9030] =	vst v23;
	v33 =	vadd.f32 v24, v0;
	v24 =	vadd.f32 v24, v8;
	v34 =	vld [tilespmem:s6+$0xD0]  }
0x1ca: {  	[tilespmem:s6+$0xD030] =	vst v18;
	v35 =	vadd.f32 v28, v1;
	v28 =	vadd.f32 v28, v9;
	v36 =	vld [tilespmem:s6+$0xE0]  }
0x1cb: {  	[tilespmem:s6+$0x9040] =	vst v26;
	v26 =	vadd.f32 v29, v2;
	v29 =	vadd.f32 v29, v10  }
0x1cc: {  	[tilespmem:s6+$0xD040] =	vst v20;
	v37 =	vadd.f32 v30, v3;
	v22 =	vadd.f32 v30, v11  }
0x1cd: {  	[tilespmem:s6+$0x9050] =	vst v19;
	v23 =	vadd.f32 v21, v4;
	v19 =	vadd.f32 v21, v12  }
0x1ce: {  	[tilespmem:s6+$0xD050] =	vst v25;
	v21 =	vadd.f32 v34, v5;
	v18 =	vadd.f32 v34, v13  }
0x1cf: {  	[tilespmem:s6+$0x9060] =	vst v17;
	v20 =	vadd.f32 v36, v6;
	v17 =	vadd.f32 v36, v14  }
0x1d0: {  	[tilespmem:s6+$0xD060] =	vst v27  }
0x1d1: {  	[tilespmem:s6+$0x9070] =	vst v31  }
0x1d2: {  	[tilespmem:s6+$0xD070] =	vst v32  }
0x1d3: {  	[tilespmem:s6+$0x9080] =	vst v33  }
0x1d4: {  	[tilespmem:s6+$0xD080] =	vst v24  }
.Ltmp4:
0x1d5: {  	[tilespmem:s6+$0x9090] =	vst v35;
	(pc) =	sbr.rel @p0 .LBB2_11-.Ltmp4, $4  }
0x1d6: {  	[tilespmem:s6+$0xD090] =	vst v28  }
0x1d7: {  	[tilespmem:s6+$0x90A0] =	vst v26  }
0x1d8: {  	[tilespmem:s6+$0xD0A0] =	vst v29  }
0x1d9: {  	s9 =	sadd.s32 $0x400, s9;
	[tilespmem:s6+$0x90B0] =	vst v37  }
0x1da: {  	[tilespmem:s6+$0xD0B0] =	vst v22  }
0x1db: {  	[tilespmem:s6+$0x90C0] =	vst v23  }
0x1dc: {  	[tilespmem:s6+$0xD0C0] =	vst v19  }
0x1dd: {  	[tilespmem:s6+$0x90D0] =	vst v21  }
0x1de: {  	[tilespmem:s6+$0xD0D0] =	vst v18;
	s8 =	sadd.s32 s5, s30  }
0x1df: {  	[tilespmem:s6+$0x90E0] =	vst v20;
	s1 =	sadd.s32 s5, s1;
	s8 =	sshll.u32 s8, $0xF  }
0x1e0: {  	[tilespmem:s6+$0xD0E0] =	vst v17;
	s1 =	sshll.u32 s1, $0xF;
	s19 =	sor.u32 s4, s8  }
0x1e1: {  	[tilespmem:s6+$0x90F0] =	vst v16;
	s9 =	simm.s32 $0x0;
	s8 =	sor.u32 s4, s1;
	s13 =	sadd.s32 s2, s19  }
0x1e2: {  	[hbm4b:s13+s9] =	stream.linear.scatter [tilespmem:s20], [sflag:$0x1], $0x4000, $0x38;
	[tilespmem:$0x19000] =	vst v63  }
0x1e3: {  	s1 =	sadd.s32 s2, s8  }
0x1e4: {  	[hbm4b:s1+s9] =	stream.linear.scatter [tilespmem:s21], [sflag:$0x2], $0x4000, $0x38;
	[tilespmem:$0x19000] =	vst v63  }
0x1e5: {  	_ =	swait.ge [sflag:s26], $0x4000  }
0x1e6: {  	[sflag:s26] =	ssyncset.done $0x0  }
0x1e7: {  	[sflag:s26] =	ssyncadd.s32 $0xFFFFC000  }
0x1e8: {  	s9 =	sor.u32 $0x10, s30;
	_ =	swait.ge [sflag:s28], $0x4000  }
0x1e9: {  	s14 =	sshll.u32 s9, $0x7;
	[sflag:s28] =	ssyncset.done $0x0  }
0x1ea: {  	s1 =	sand.u32 $0x3FFFFF80, s14;
	[sflag:s28] =	ssyncadd.s32 $0xFFFFC000  }
0x1eb: {  	v0 =	vld [tilespmem:s1+$0x8000]  }
0x1ec: {  	v1 =	vld [tilespmem:s1+$0x8010]  }
0x1ed: {  	v2 =	vld [tilespmem:s1+$0x8020]  }
0x1ee: {  	v3 =	vld [tilespmem:s1+$0x8030]  }
0x1ef: {  	v4 =	vld [tilespmem:s1+$0x8040]  }
0x1f0: {  	s11 =	sor.u32 $0x18, s30;
	v5 =	vld [tilespmem:s1+$0x8050]  }
0x1f1: {  	s15 =	sshll.u32 s11, $0x7;
	v6 =	vld [tilespmem:s1+$0x8060]  }
0x1f2: {  	s6 =	sand.u32 $0x3FFFFF80, s15;
	v7 =	vld [tilespmem:s1+$0x8070]  }
0x1f3: {  	v8 =	vld [tilespmem:s6+$0x8000]  }
0x1f4: {  	v9 =	vld [tilespmem:s6+$0x8010]  }
0x1f5: {  	v10 =	vld [tilespmem:s6+$0x8020]  }
0x1f6: {  	v11 =	vld [tilespmem:s6+$0x8030]  }
0x1f7: {  	s12 =	simm.s32 $0x0;
	v15 =	vld [tilespmem:s6+$0x8070]  }
0x1f8: {  	v17 =	vld [tilespmem:s12+$0x0]  }
0x1f9: {  	v16 =	vld [tilespmem:s12+$0xF0]  }
0x1fa: {  	v12 =	vld [tilespmem:s6+$0x8040]  }
0x1fb: {  	v18 =	vld [tilespmem:s12+$0x10]  }
0x1fc: {  	v13 =	vld [tilespmem:s6+$0x8050]  }
0x1fd: {  	v19 =	vld [tilespmem:s12+$0x20];
	v22 =	vadd.f32 v17, v0  }
0x1fe: {  	v14 =	vld [tilespmem:s6+$0x8060];
	v24 =	vadd.f32 v16, v15  }
0x1ff: {  	v20 =	vld [tilespmem:s12+$0x30];
	v17 =	vadd.f32 v17, v8;
	[tilespmem:s12+$0x11000] =	vst v22  }
0x200: {  	v22 =	vadd.f32 v18, v1;
	[tilespmem:s12+$0x150F0] =	vst v24  }
0x201: {  	v21 =	vld [tilespmem:s12+$0x40];
	v18 =	vadd.f32 v18, v9;
	[tilespmem:s12+$0x15000] =	vst v17  }
0x202: {  	v23 =	vld [tilespmem:s12+$0x50];
	v17 =	vadd.f32 v19, v2;
	[tilespmem:s12+$0x11010] =	vst v22  }
0x203: {  	v25 =	vld [tilespmem:s12+$0x60];
	v19 =	vadd.f32 v19, v10;
	[tilespmem:s12+$0x15010] =	vst v18  }
0x204: {  	v18 =	vadd.f32 v20, v3;
	[tilespmem:s12+$0x11020] =	vst v17  }
0x205: {  	v17 =	vadd.f32 v20, v11;
	[tilespmem:s12+$0x15020] =	vst v19  }
0x206: {  	v19 =	vadd.f32 v21, v4;
	[tilespmem:s12+$0x11030] =	vst v18  }
0x207: {  	v61 =	vld [tilespmem:s12+$0x70];
	v20 =	vadd.f32 v23, v13;
	[tilespmem:s12+$0x15030] =	vst v17  }
0x208: {  	v22 =	vadd.f32 v25, v14;
	[tilespmem:s12+$0x11040] =	vst v19  }
0x209: {  	v18 =	vadd.f32 v21, v12;
	v19 =	vld [tilespmem:s12+$0x80];
	[tilespmem:s12+$0x15050] =	vst v20  }
0x20a: {  	v17 =	vadd.f32 v23, v5;
	[tilespmem:s12+$0x15060] =	vst v22  }
0x20b: {  	v21 =	vadd.f32 v25, v6;
	v20 =	vld [tilespmem:s12+$0xB0];
	[tilespmem:s12+$0x15040] =	vst v18  }
0x20c: {  	v23 =	vadd.f32 v61, v7;
	v18 =	vld [tilespmem:s12+$0x90];
	[tilespmem:s12+$0x11050] =	vst v17  }
0x20d: {  	v62 =	vld [tilespmem:s12+$0xC0];
	[tilespmem:s12+$0x11060] =	vst v21;
	v21 =	vadd.f32 v61, v15  }
0x20e: {  	v17 =	vld [tilespmem:s12+$0xA0];
	[tilespmem:s12+$0x11070] =	vst v23;
	v22 =	vadd.f32 v19, v0  }
0x20f: {  	v63 =	vld [tilespmem:s12+$0xD0];
	[tilespmem:s12+$0x15070] =	vst v21;
	v19 =	vadd.f32 v19, v8  }
0x210: {  	v26 =	vld [tilespmem:s12+$0xE0];
	v28 =	vadd.f32 v20, v3;
	[tilespmem:s12+$0x11080] =	vst v22  }
0x211: {  	v16 =	vadd.f32 v16, v7;
	v21 =	vadd.f32 v18, v1;
	[tilespmem:s12+$0x15080] =	vst v19  }
0x212: {  	v23 =	vadd.f32 v62, v4;
	v18 =	vadd.f32 v18, v9;
	[tilespmem:s12+$0x110B0] =	vst v28  }
0x213: {  	v27 =	vadd.f32 v17, v2;
	v17 =	vadd.f32 v17, v10;
	[tilespmem:s12+$0x11090] =	vst v21  }
0x214: {  	v22 =	vadd.f32 v20, v11;
	v19 =	vadd.f32 v62, v12;
	[tilespmem:s12+$0x15090] =	vst v18  }
0x215: {  	v20 =	vadd.f32 v26, v6;
	[tilespmem:s12+$0x110A0] =	vst v27;
	v21 =	vadd.f32 v63, v5  }
0x216: {  	s13 =	simm.s32 $0x0;
	s14 =	simm.s32 $0x400;
	v18 =	vadd.f32 v63, v13;
	[tilespmem:s12+$0x150A0] =	vst v17;
	v17 =	vadd.f32 v26, v14  }
.LBB2_13:
0x217: {  	s15 =	sshra.s32 s14, $0x2;
	s13 =	sadd.s32 $0x2, s13;
	[tilespmem:s12+$0x150B0] =	vst v22  }
0x218: {  	v22 =	vld [tilespmem:s15+$0xF0];
	p0 =	slt.u32 s13, $0x7E;
	[tilespmem:s12+$0x110C0] =	vst v23  }
0x219: {  	v23 =	vld [tilespmem:s15+$0x0];
	[tilespmem:s12+$0x150C0] =	vst v19  }
0x21a: {  	v19 =	vld [tilespmem:s15+$0x10];
	[tilespmem:s12+$0x110D0] =	vst v21  }
0x21b: {  	v21 =	vld [tilespmem:s15+$0x20];
	[tilespmem:s12+$0x150D0] =	vst v18  }
0x21c: {  	v18 =	vld [tilespmem:s15+$0x30];
	[tilespmem:s12+$0x110E0] =	vst v20  }
0x21d: {  	v20 =	vld [tilespmem:s15+$0x40];
	v24 =	vadd.f32 v22, v7;
	v22 =	vadd.f32 v22, v15;
	[tilespmem:s12+$0x150E0] =	vst v17  }
0x21e: {  	v17 =	vadd.f32 v23, v0;
	v23 =	vadd.f32 v23, v8;
	v25 =	vld [tilespmem:s15+$0x50];
	[tilespmem:s12+$0x110F0] =	vst v16;
	s12 =	smov.u32 s15  }
0x21f: {  	v26 =	vadd.f32 v19, v1;
	v19 =	vadd.f32 v19, v9;
	v27 =	vld [tilespmem:s12+$0x60];
	[tilespmem:s12+$0x150F0] =	vst v22;
	v16 =	vmov v24  }
0x220: {  	[tilespmem:s12+$0x11000] =	vst v17;
	v17 =	vadd.f32 v21, v2;
	v21 =	vadd.f32 v21, v10;
	v22 =	vld [tilespmem:s12+$0x70]  }
0x221: {  	[tilespmem:s12+$0x15000] =	vst v23;
	v23 =	vadd.f32 v18, v3;
	v18 =	vadd.f32 v18, v11;
	v24 =	vld [tilespmem:s12+$0x80]  }
0x222: {  	[tilespmem:s12+$0x11010] =	vst v26;
	v26 =	vadd.f32 v20, v4;
	v20 =	vadd.f32 v20, v12;
	v28 =	vld [tilespmem:s12+$0x90]  }
0x223: {  	[tilespmem:s12+$0x15010] =	vst v19;
	v19 =	vadd.f32 v25, v5;
	v25 =	vadd.f32 v25, v13;
	v29 =	vld [tilespmem:s12+$0xA0]  }
0x224: {  	[tilespmem:s12+$0x11020] =	vst v17;
	v17 =	vadd.f32 v27, v6;
	v27 =	vadd.f32 v27, v14;
	v30 =	vld [tilespmem:s12+$0xB0]  }
0x225: {  	[tilespmem:s12+$0x15020] =	vst v21;
	v31 =	vadd.f32 v22, v7;
	v32 =	vadd.f32 v22, v15;
	v21 =	vld [tilespmem:s12+$0xC0]  }
0x226: {  	[tilespmem:s12+$0x11030] =	vst v23;
	v33 =	vadd.f32 v24, v0;
	v24 =	vadd.f32 v24, v8;
	v34 =	vld [tilespmem:s12+$0xD0]  }
0x227: {  	[tilespmem:s12+$0x15030] =	vst v18;
	v35 =	vadd.f32 v28, v1;
	v28 =	vadd.f32 v28, v9;
	v36 =	vld [tilespmem:s12+$0xE0]  }
0x228: {  	[tilespmem:s12+$0x11040] =	vst v26;
	v26 =	vadd.f32 v29, v2;
	v29 =	vadd.f32 v29, v10  }
0x229: {  	[tilespmem:s12+$0x15040] =	vst v20;
	v37 =	vadd.f32 v30, v3;
	v22 =	vadd.f32 v30, v11  }
0x22a: {  	[tilespmem:s12+$0x11050] =	vst v19;
	v23 =	vadd.f32 v21, v4;
	v19 =	vadd.f32 v21, v12  }
0x22b: {  	[tilespmem:s12+$0x15050] =	vst v25;
	v21 =	vadd.f32 v34, v5;
	v18 =	vadd.f32 v34, v13  }
0x22c: {  	[tilespmem:s12+$0x11060] =	vst v17;
	v20 =	vadd.f32 v36, v6;
	v17 =	vadd.f32 v36, v14  }
0x22d: {  	[tilespmem:s12+$0x15060] =	vst v27  }
0x22e: {  	[tilespmem:s12+$0x11070] =	vst v31  }
0x22f: {  	[tilespmem:s12+$0x15070] =	vst v32  }
0x230: {  	[tilespmem:s12+$0x11080] =	vst v33  }
0x231: {  	[tilespmem:s12+$0x15080] =	vst v24  }
.Ltmp5:
0x232: {  	[tilespmem:s12+$0x11090] =	vst v35;
	(pc) =	sbr.rel @p0 .LBB2_13-.Ltmp5, $4  }
0x233: {  	[tilespmem:s12+$0x15090] =	vst v28  }
0x234: {  	[tilespmem:s12+$0x110A0] =	vst v26  }
0x235: {  	[tilespmem:s12+$0x150A0] =	vst v29  }
0x236: {  	s14 =	sadd.s32 $0x400, s14;
	[tilespmem:s12+$0x110B0] =	vst v37  }
0x237: {  	[tilespmem:s12+$0x150B0] =	vst v22  }
0x238: {  	[tilespmem:s12+$0x110C0] =	vst v23  }
0x239: {  	[tilespmem:s12+$0x150C0] =	vst v19  }
0x23a: {  	[tilespmem:s12+$0x110D0] =	vst v21  }
0x23b: {  	[tilespmem:s12+$0x150D0] =	vst v18;
	s9 =	sadd.s32 s5, s9  }
0x23c: {  	[tilespmem:s12+$0x110E0] =	vst v20;
	s11 =	sadd.s32 s5, s11;
	s9 =	sshll.u32 s9, $0xF  }
0x23d: {  	[tilespmem:s12+$0x150E0] =	vst v17;
	s13 =	sshll.u32 s11, $0xF;
	s11 =	sor.u32 s4, s9  }
0x23e: {  	[tilespmem:s12+$0x110F0] =	vst v16;
	s14 =	simm.s32 $0x0;
	s9 =	sor.u32 s4, s13;
	s13 =	sadd.s32 s2, s11  }
0x23f: {  	[hbm4b:s13+s14] =	stream.linear.scatter [tilespmem:s22], [sflag:$0x3], $0x4000, $0x38;
	[tilespmem:$0x19000] =	vst v63  }
0x240: {  	s15 =	sadd.s32 s2, s9  }
0x241: {  	[hbm4b:s15+s14] =	stream.linear.scatter [tilespmem:s23], [sflag:$0x4], $0x4000, $0x38;
	[tilespmem:$0x19000] =	vst v63  }
0x242: {  	_ =	swait.ge [sflag:s24], $0x4000  }
0x243: {  	[sflag:s24] =	ssyncset.done $0x0  }
0x244: {  	[sflag:s24] =	ssyncadd.s32 $0xFFFFC000  }
0x245: {  	_ =	swait.ge [sflag:s25], $0x4000  }
0x246: {  	[sflag:s25] =	ssyncset.done $0x0  }
0x247: {  	[sflag:s25] =	ssyncadd.s32 $0xFFFFC000  }
0x248: {  	v0 =	vld [tilespmem:s31+$0x8000]  }
0x249: {  	v1 =	vld [tilespmem:s31+$0x8010]  }
0x24a: {  	v2 =	vld [tilespmem:s31+$0x8020]  }
0x24b: {  	v3 =	vld [tilespmem:s31+$0x8030]  }
0x24c: {  	v4 =	vld [tilespmem:s31+$0x8040]  }
0x24d: {  	v8 =	vld [tilespmem:s0+$0x8000]  }
0x24e: {  	v9 =	vld [tilespmem:s0+$0x8010]  }
0x24f: {  	v10 =	vld [tilespmem:s0+$0x8020]  }
0x250: {  	v11 =	vld [tilespmem:s0+$0x8030]  }
0x251: {  	v12 =	vld [tilespmem:s0+$0x8040]  }
0x252: {  	v13 =	vld [tilespmem:s0+$0x8050]  }
0x253: {  	v14 =	vld [tilespmem:s0+$0x8060]  }
0x254: {  	v15 =	vld [tilespmem:s0+$0x8070];
	s0 =	simm.s32 $0x0  }
0x255: {  	v17 =	vld [tilespmem:s0+$0x4000]  }
0x256: {  	v16 =	vld [tilespmem:s0+$0x40F0]  }
0x257: {  	v5 =	vld [tilespmem:s31+$0x8050]  }
0x258: {  	v18 =	vld [tilespmem:s0+$0x4010]  }
0x259: {  	v6 =	vld [tilespmem:s31+$0x8060]  }
0x25a: {  	v19 =	vld [tilespmem:s0+$0x4020];
	v22 =	vadd.f32 v17, v0  }
0x25b: {  	v7 =	vld [tilespmem:s31+$0x8070];
	v24 =	vadd.f32 v16, v15  }
0x25c: {  	v20 =	vld [tilespmem:s0+$0x4030];
	v17 =	vadd.f32 v17, v8;
	[tilespmem:s0+$0x9000] =	vst v22  }
0x25d: {  	v22 =	vadd.f32 v18, v1;
	[tilespmem:s0+$0xD0F0] =	vst v24  }
0x25e: {  	v21 =	vld [tilespmem:s0+$0x4040];
	v18 =	vadd.f32 v18, v9;
	[tilespmem:s0+$0xD000] =	vst v17  }
0x25f: {  	v23 =	vld [tilespmem:s0+$0x4050];
	v17 =	vadd.f32 v19, v2;
	[tilespmem:s0+$0x9010] =	vst v22  }
0x260: {  	v25 =	vld [tilespmem:s0+$0x4060];
	v19 =	vadd.f32 v19, v10;
	[tilespmem:s0+$0xD010] =	vst v18  }
0x261: {  	v18 =	vadd.f32 v20, v3;
	[tilespmem:s0+$0x9020] =	vst v17  }
0x262: {  	v17 =	vadd.f32 v20, v11;
	[tilespmem:s0+$0xD020] =	vst v19  }
0x263: {  	v19 =	vadd.f32 v21, v4;
	[tilespmem:s0+$0x9030] =	vst v18  }
0x264: {  	v61 =	vld [tilespmem:s0+$0x4070];
	v20 =	vadd.f32 v23, v13;
	[tilespmem:s0+$0xD030] =	vst v17  }
0x265: {  	v22 =	vadd.f32 v25, v14;
	[tilespmem:s0+$0x9040] =	vst v19  }
0x266: {  	v18 =	vadd.f32 v21, v12;
	v19 =	vld [tilespmem:s0+$0x4080];
	[tilespmem:s0+$0xD050] =	vst v20  }
0x267: {  	v17 =	vadd.f32 v23, v5;
	[tilespmem:s0+$0xD060] =	vst v22  }
0x268: {  	v21 =	vadd.f32 v25, v6;
	v20 =	vld [tilespmem:s0+$0x40B0];
	[tilespmem:s0+$0xD040] =	vst v18  }
0x269: {  	v23 =	vadd.f32 v61, v7;
	v18 =	vld [tilespmem:s0+$0x4090];
	[tilespmem:s0+$0x9050] =	vst v17  }
0x26a: {  	v62 =	vld [tilespmem:s0+$0x40C0];
	[tilespmem:s0+$0x9060] =	vst v21;
	v21 =	vadd.f32 v61, v15  }
0x26b: {  	v17 =	vld [tilespmem:s0+$0x40A0];
	[tilespmem:s0+$0x9070] =	vst v23;
	v22 =	vadd.f32 v19, v0  }
0x26c: {  	[tilespmem:s0+$0xD070] =	vst v21;
	v19 =	vadd.f32 v19, v8  }
0x26d: {  	v63 =	vld [tilespmem:s0+$0x40D0];
	v28 =	vadd.f32 v20, v3;
	[tilespmem:s0+$0x9080] =	vst v22  }
0x26e: {  	v26 =	vld [tilespmem:s0+$0x40E0];
	v16 =	vadd.f32 v16, v7;
	v21 =	vadd.f32 v18, v1;
	[tilespmem:s0+$0xD080] =	vst v19  }
0x26f: {  	v23 =	vadd.f32 v62, v4;
	v18 =	vadd.f32 v18, v9;
	[tilespmem:s0+$0x90B0] =	vst v28  }
0x270: {  	v27 =	vadd.f32 v17, v2;
	v17 =	vadd.f32 v17, v10;
	[tilespmem:s0+$0x9090] =	vst v21  }
0x271: {  	v22 =	vadd.f32 v20, v11;
	v19 =	vadd.f32 v62, v12;
	[tilespmem:s0+$0xD090] =	vst v18  }
0x272: {  	v20 =	vadd.f32 v63, v5;
	[tilespmem:s0+$0x90A0] =	vst v27;
	v18 =	vadd.f32 v63, v13  }
0x273: {  	s12 =	simm.s32 $0x0;
	s13 =	simm.s32 $0x400;
	[tilespmem:s0+$0xD0A0] =	vst v17;
	v21 =	vadd.f32 v26, v6;
	v17 =	vadd.f32 v26, v14  }
.LBB2_15:
0x274: {  	s14 =	sshra.s32 s13, $0x2;
	s12 =	sadd.s32 $0x2, s12;
	[tilespmem:s0+$0xD0B0] =	vst v22  }
0x275: {  	v22 =	vld [tilespmem:s14+$0x40F0];
	p0 =	slt.u32 s12, $0x7E;
	[tilespmem:s0+$0x90C0] =	vst v23  }
0x276: {  	v23 =	vld [tilespmem:s14+$0x4000];
	[tilespmem:s0+$0xD0C0] =	vst v19  }
0x277: {  	v19 =	vld [tilespmem:s14+$0x4010];
	[tilespmem:s0+$0x90D0] =	vst v20  }
0x278: {  	v20 =	vld [tilespmem:s14+$0x4020];
	[tilespmem:s0+$0xD0D0] =	vst v18  }
0x279: {  	v18 =	vld [tilespmem:s14+$0x4030];
	[tilespmem:s0+$0x90E0] =	vst v21  }
0x27a: {  	v21 =	vld [tilespmem:s14+$0x4040];
	v24 =	vadd.f32 v22, v7;
	v22 =	vadd.f32 v22, v15;
	[tilespmem:s0+$0xD0E0] =	vst v17  }
0x27b: {  	v17 =	vadd.f32 v23, v0;
	v23 =	vadd.f32 v23, v8;
	v25 =	vld [tilespmem:s14+$0x4050];
	[tilespmem:s0+$0x90F0] =	vst v16;
	s0 =	smov.u32 s14  }
0x27c: {  	v26 =	vadd.f32 v19, v1;
	v19 =	vadd.f32 v19, v9;
	v27 =	vld [tilespmem:s0+$0x4060];
	[tilespmem:s0+$0xD0F0] =	vst v22;
	v16 =	vmov v24  }
0x27d: {  	[tilespmem:s0+$0x9000] =	vst v17;
	v17 =	vadd.f32 v20, v2;
	v20 =	vadd.f32 v20, v10;
	v22 =	vld [tilespmem:s0+$0x4070]  }
0x27e: {  	[tilespmem:s0+$0xD000] =	vst v23;
	v23 =	vadd.f32 v18, v3;
	v18 =	vadd.f32 v18, v11;
	v24 =	vld [tilespmem:s0+$0x4080]  }
0x27f: {  	[tilespmem:s0+$0x9010] =	vst v26;
	v26 =	vadd.f32 v21, v4;
	v21 =	vadd.f32 v21, v12;
	v28 =	vld [tilespmem:s0+$0x4090]  }
0x280: {  	[tilespmem:s0+$0xD010] =	vst v19;
	v19 =	vadd.f32 v25, v5;
	v25 =	vadd.f32 v25, v13;
	v29 =	vld [tilespmem:s0+$0x40A0]  }
0x281: {  	[tilespmem:s0+$0x9020] =	vst v17;
	v17 =	vadd.f32 v27, v6;
	v27 =	vadd.f32 v27, v14;
	v30 =	vld [tilespmem:s0+$0x40B0]  }
0x282: {  	[tilespmem:s0+$0xD020] =	vst v20;
	v31 =	vadd.f32 v22, v7;
	v32 =	vadd.f32 v22, v15;
	v20 =	vld [tilespmem:s0+$0x40C0]  }
0x283: {  	[tilespmem:s0+$0x9030] =	vst v23;
	v33 =	vadd.f32 v24, v0;
	v24 =	vadd.f32 v24, v8;
	v34 =	vld [tilespmem:s0+$0x40D0]  }
0x284: {  	[tilespmem:s0+$0xD030] =	vst v18;
	v35 =	vadd.f32 v28, v1;
	v28 =	vadd.f32 v28, v9;
	v36 =	vld [tilespmem:s0+$0x40E0]  }
0x285: {  	[tilespmem:s0+$0x9040] =	vst v26;
	v26 =	vadd.f32 v29, v2;
	v29 =	vadd.f32 v29, v10  }
0x286: {  	[tilespmem:s0+$0xD040] =	vst v21;
	v37 =	vadd.f32 v30, v3;
	v22 =	vadd.f32 v30, v11  }
0x287: {  	[tilespmem:s0+$0x9050] =	vst v19;
	v23 =	vadd.f32 v20, v4;
	v19 =	vadd.f32 v20, v12  }
0x288: {  	[tilespmem:s0+$0xD050] =	vst v25;
	v20 =	vadd.f32 v34, v5;
	v18 =	vadd.f32 v34, v13  }
0x289: {  	[tilespmem:s0+$0x9060] =	vst v17;
	v21 =	vadd.f32 v36, v6;
	v17 =	vadd.f32 v36, v14  }
0x28a: {  	[tilespmem:s0+$0xD060] =	vst v27  }
0x28b: {  	[tilespmem:s0+$0x9070] =	vst v31  }
0x28c: {  	[tilespmem:s0+$0xD070] =	vst v32  }
0x28d: {  	[tilespmem:s0+$0x9080] =	vst v33  }
0x28e: {  	[tilespmem:s0+$0xD080] =	vst v24  }
.Ltmp6:
0x28f: {  	[tilespmem:s0+$0x9090] =	vst v35;
	(pc) =	sbr.rel @p0 .LBB2_15-.Ltmp6, $4  }
0x290: {  	[tilespmem:s0+$0xD090] =	vst v28  }
0x291: {  	[tilespmem:s0+$0x90A0] =	vst v26  }
0x292: {  	[tilespmem:s0+$0xD0A0] =	vst v29  }
0x293: {  	s13 =	sadd.s32 $0x400, s13;
	[tilespmem:s0+$0x90B0] =	vst v37  }
0x294: {  	[tilespmem:s0+$0xD0B0] =	vst v22  }
0x295: {  	[tilespmem:s0+$0x90C0] =	vst v23  }
0x296: {  	[tilespmem:s0+$0xD0C0] =	vst v19  }
0x297: {  	[tilespmem:s0+$0x90D0] =	vst v20  }
0x298: {  	[tilespmem:s0+$0xD0D0] =	vst v18  }
0x299: {  	[tilespmem:s0+$0x90E0] =	vst v21  }
0x29a: {  	[tilespmem:s0+$0xD0E0] =	vst v17;
	s12 =	sand.u32 $0x1FF3F000, s19  }
0x29b: {  	[tilespmem:s0+$0x90F0] =	vst v16;
	s19 =	simm.s32 $0x0;
	s31 =	sand.u32 $0x1FF7F000, s8;
	s15 =	sadd.s32 s12, s10  }
0x29c: {  	[hbm4b:s15+s19] =	stream.linear.scatter [tilespmem:s20], [sflag:$0x1], $0x4000, $0x38;
	[tilespmem:$0x19000] =	vst v63  }
0x29d: {  	s0 =	sadd.s32 s31, s10  }
0x29e: {  	[hbm4b:s0+s19] =	stream.linear.scatter [tilespmem:s21], [sflag:$0x2], $0x4000, $0x38;
	[tilespmem:$0x19000] =	vst v63  }
0x29f: {  	_ =	swait.ge [sflag:s26], $0x4000  }
0x2a0: {  	[sflag:s26] =	ssyncset.done $0x0  }
0x2a1: {  	[sflag:s26] =	ssyncadd.s32 $0xFFFFC000  }
0x2a2: {  	_ =	swait.ge [sflag:s28], $0x4000  }
0x2a3: {  	[sflag:s28] =	ssyncset.done $0x0  }
0x2a4: {  	[sflag:s28] =	ssyncadd.s32 $0xFFFFC000  }
0x2a5: {  	v0 =	vld [tilespmem:s1+$0x8000]  }
0x2a6: {  	v1 =	vld [tilespmem:s1+$0x8010]  }
0x2a7: {  	v2 =	vld [tilespmem:s1+$0x8020]  }
0x2a8: {  	v3 =	vld [tilespmem:s1+$0x8030]  }
0x2a9: {  	v4 =	vld [tilespmem:s1+$0x8040]  }
0x2aa: {  	v5 =	vld [tilespmem:s1+$0x8050]  }
0x2ab: {  	v6 =	vld [tilespmem:s1+$0x8060]  }
0x2ac: {  	v7 =	vld [tilespmem:s1+$0x8070]  }
0x2ad: {  	v8 =	vld [tilespmem:s6+$0x8000]  }
0x2ae: {  	v9 =	vld [tilespmem:s6+$0x8010]  }
0x2af: {  	v10 =	vld [tilespmem:s6+$0x8020]  }
0x2b0: {  	v11 =	vld [tilespmem:s6+$0x8030]  }
0x2b1: {  	s0 =	simm.s32 $0x0;
	v15 =	vld [tilespmem:s6+$0x8070]  }
0x2b2: {  	v17 =	vld [tilespmem:s0+$0x4000]  }
0x2b3: {  	v16 =	vld [tilespmem:s0+$0x40F0]  }
0x2b4: {  	v12 =	vld [tilespmem:s6+$0x8040]  }
0x2b5: {  	v18 =	vld [tilespmem:s0+$0x4010]  }
0x2b6: {  	v13 =	vld [tilespmem:s6+$0x8050]  }
0x2b7: {  	v19 =	vld [tilespmem:s0+$0x4020];
	v22 =	vadd.f32 v17, v0  }
0x2b8: {  	v14 =	vld [tilespmem:s6+$0x8060];
	v24 =	vadd.f32 v16, v15  }
0x2b9: {  	v20 =	vld [tilespmem:s0+$0x4030];
	v17 =	vadd.f32 v17, v8;
	[tilespmem:s0+$0x11000] =	vst v22  }
0x2ba: {  	v22 =	vadd.f32 v18, v1;
	[tilespmem:s0+$0x150F0] =	vst v24  }
0x2bb: {  	v21 =	vld [tilespmem:s0+$0x4040];
	v18 =	vadd.f32 v18, v9;
	[tilespmem:s0+$0x15000] =	vst v17  }
0x2bc: {  	v23 =	vld [tilespmem:s0+$0x4050];
	v17 =	vadd.f32 v19, v2;
	[tilespmem:s0+$0x11010] =	vst v22  }
0x2bd: {  	v25 =	vld [tilespmem:s0+$0x4060];
	v19 =	vadd.f32 v19, v10;
	[tilespmem:s0+$0x15010] =	vst v18  }
0x2be: {  	v18 =	vadd.f32 v20, v3;
	[tilespmem:s0+$0x11020] =	vst v17  }
0x2bf: {  	v17 =	vadd.f32 v20, v11;
	[tilespmem:s0+$0x15020] =	vst v19  }
0x2c0: {  	v19 =	vadd.f32 v21, v4;
	[tilespmem:s0+$0x11030] =	vst v18  }
0x2c1: {  	v61 =	vld [tilespmem:s0+$0x4070];
	v20 =	vadd.f32 v23, v13;
	[tilespmem:s0+$0x15030] =	vst v17  }
0x2c2: {  	v22 =	vadd.f32 v25, v14;
	[tilespmem:s0+$0x11040] =	vst v19  }
0x2c3: {  	v18 =	vadd.f32 v21, v12;
	v19 =	vld [tilespmem:s0+$0x4080];
	[tilespmem:s0+$0x15050] =	vst v20  }
0x2c4: {  	v17 =	vadd.f32 v23, v5;
	[tilespmem:s0+$0x15060] =	vst v22  }
0x2c5: {  	v21 =	vadd.f32 v25, v6;
	v20 =	vld [tilespmem:s0+$0x40B0];
	[tilespmem:s0+$0x15040] =	vst v18  }
0x2c6: {  	v23 =	vadd.f32 v61, v7;
	v18 =	vld [tilespmem:s0+$0x4090];
	[tilespmem:s0+$0x11050] =	vst v17  }
0x2c7: {  	v62 =	vld [tilespmem:s0+$0x40C0];
	[tilespmem:s0+$0x11060] =	vst v21;
	v21 =	vadd.f32 v61, v15  }
0x2c8: {  	v17 =	vld [tilespmem:s0+$0x40A0];
	[tilespmem:s0+$0x11070] =	vst v23;
	v22 =	vadd.f32 v19, v0  }
0x2c9: {  	[tilespmem:s0+$0x15070] =	vst v21;
	v19 =	vadd.f32 v19, v8  }
0x2ca: {  	v63 =	vld [tilespmem:s0+$0x40D0];
	v28 =	vadd.f32 v20, v3;
	[tilespmem:s0+$0x11080] =	vst v22  }
0x2cb: {  	v26 =	vld [tilespmem:s0+$0x40E0];
	v16 =	vadd.f32 v16, v7;
	v21 =	vadd.f32 v18, v1;
	[tilespmem:s0+$0x15080] =	vst v19  }
0x2cc: {  	v23 =	vadd.f32 v62, v4;
	v18 =	vadd.f32 v18, v9;
	[tilespmem:s0+$0x110B0] =	vst v28  }
0x2cd: {  	v27 =	vadd.f32 v17, v2;
	v17 =	vadd.f32 v17, v10;
	[tilespmem:s0+$0x11090] =	vst v21  }
0x2ce: {  	v22 =	vadd.f32 v20, v11;
	v19 =	vadd.f32 v62, v12;
	[tilespmem:s0+$0x15090] =	vst v18  }
0x2cf: {  	v20 =	vadd.f32 v63, v5;
	[tilespmem:s0+$0x110A0] =	vst v27;
	v18 =	vadd.f32 v63, v13  }
0x2d0: {  	s1 =	simm.s32 $0x0;
	s6 =	simm.s32 $0x400;
	[tilespmem:s0+$0x150A0] =	vst v17;
	v21 =	vadd.f32 v26, v6;
	v17 =	vadd.f32 v26, v14  }
.LBB2_17:
0x2d1: {  	s8 =	sshra.s32 s6, $0x2;
	s1 =	sadd.s32 $0x2, s1;
	[tilespmem:s0+$0x150B0] =	vst v22  }
0x2d2: {  	v22 =	vld [tilespmem:s8+$0x40F0];
	p0 =	slt.u32 s1, $0x7E;
	[tilespmem:s0+$0x110C0] =	vst v23  }
0x2d3: {  	v23 =	vld [tilespmem:s8+$0x4000];
	[tilespmem:s0+$0x150C0] =	vst v19  }
0x2d4: {  	v19 =	vld [tilespmem:s8+$0x4010];
	[tilespmem:s0+$0x110D0] =	vst v20  }
0x2d5: {  	v20 =	vld [tilespmem:s8+$0x4020];
	[tilespmem:s0+$0x150D0] =	vst v18  }
0x2d6: {  	v18 =	vld [tilespmem:s8+$0x4030];
	[tilespmem:s0+$0x110E0] =	vst v21  }
0x2d7: {  	v21 =	vld [tilespmem:s8+$0x4040];
	v24 =	vadd.f32 v22, v7;
	v22 =	vadd.f32 v22, v15;
	[tilespmem:s0+$0x150E0] =	vst v17  }
0x2d8: {  	v17 =	vadd.f32 v23, v0;
	v23 =	vadd.f32 v23, v8;
	v25 =	vld [tilespmem:s8+$0x4050];
	[tilespmem:s0+$0x110F0] =	vst v16;
	s0 =	smov.u32 s8  }
0x2d9: {  	v26 =	vadd.f32 v19, v1;
	v19 =	vadd.f32 v19, v9;
	v27 =	vld [tilespmem:s0+$0x4060];
	[tilespmem:s0+$0x150F0] =	vst v22;
	v16 =	vmov v24  }
0x2da: {  	[tilespmem:s0+$0x11000] =	vst v17;
	v17 =	vadd.f32 v20, v2;
	v20 =	vadd.f32 v20, v10;
	v22 =	vld [tilespmem:s0+$0x4070]  }
0x2db: {  	[tilespmem:s0+$0x15000] =	vst v23;
	v23 =	vadd.f32 v18, v3;
	v18 =	vadd.f32 v18, v11;
	v24 =	vld [tilespmem:s0+$0x4080]  }
0x2dc: {  	[tilespmem:s0+$0x11010] =	vst v26;
	v26 =	vadd.f32 v21, v4;
	v21 =	vadd.f32 v21, v12;
	v28 =	vld [tilespmem:s0+$0x4090]  }
0x2dd: {  	[tilespmem:s0+$0x15010] =	vst v19;
	v19 =	vadd.f32 v25, v5;
	v25 =	vadd.f32 v25, v13;
	v29 =	vld [tilespmem:s0+$0x40A0]  }
0x2de: {  	[tilespmem:s0+$0x11020] =	vst v17;
	v17 =	vadd.f32 v27, v6;
	v27 =	vadd.f32 v27, v14;
	v30 =	vld [tilespmem:s0+$0x40B0]  }
0x2df: {  	[tilespmem:s0+$0x15020] =	vst v20;
	v31 =	vadd.f32 v22, v7;
	v32 =	vadd.f32 v22, v15;
	v20 =	vld [tilespmem:s0+$0x40C0]  }
0x2e0: {  	[tilespmem:s0+$0x11030] =	vst v23;
	v33 =	vadd.f32 v24, v0;
	v24 =	vadd.f32 v24, v8;
	v34 =	vld [tilespmem:s0+$0x40D0]  }
0x2e1: {  	[tilespmem:s0+$0x15030] =	vst v18;
	v35 =	vadd.f32 v28, v1;
	v28 =	vadd.f32 v28, v9;
	v36 =	vld [tilespmem:s0+$0x40E0]  }
0x2e2: {  	[tilespmem:s0+$0x11040] =	vst v26;
	v26 =	vadd.f32 v29, v2;
	v29 =	vadd.f32 v29, v10  }
0x2e3: {  	[tilespmem:s0+$0x15040] =	vst v21;
	v37 =	vadd.f32 v30, v3;
	v22 =	vadd.f32 v30, v11  }
0x2e4: {  	[tilespmem:s0+$0x11050] =	vst v19;
	v23 =	vadd.f32 v20, v4;
	v19 =	vadd.f32 v20, v12  }
0x2e5: {  	[tilespmem:s0+$0x15050] =	vst v25;
	v20 =	vadd.f32 v34, v5;
	v18 =	vadd.f32 v34, v13  }
0x2e6: {  	[tilespmem:s0+$0x11060] =	vst v17;
	v21 =	vadd.f32 v36, v6;
	v17 =	vadd.f32 v36, v14  }
0x2e7: {  	[tilespmem:s0+$0x15060] =	vst v27  }
0x2e8: {  	[tilespmem:s0+$0x11070] =	vst v31  }
0x2e9: {  	[tilespmem:s0+$0x15070] =	vst v32  }
0x2ea: {  	[tilespmem:s0+$0x11080] =	vst v33  }
0x2eb: {  	[tilespmem:s0+$0x15080] =	vst v24  }
.Ltmp7:
0x2ec: {  	[tilespmem:s0+$0x11090] =	vst v35;
	(pc) =	sbr.rel @p0 .LBB2_17-.Ltmp7, $4  }
0x2ed: {  	[tilespmem:s0+$0x15090] =	vst v28  }
0x2ee: {  	[tilespmem:s0+$0x110A0] =	vst v26  }
0x2ef: {  	[tilespmem:s0+$0x150A0] =	vst v29  }
0x2f0: {  	s6 =	sadd.s32 $0x400, s6;
	[tilespmem:s0+$0x110B0] =	vst v37  }
0x2f1: {  	[tilespmem:s0+$0x150B0] =	vst v22  }
0x2f2: {  	[tilespmem:s0+$0x110C0] =	vst v23  }
0x2f3: {  	[tilespmem:s0+$0x150C0] =	vst v19  }
0x2f4: {  	[tilespmem:s0+$0x110D0] =	vst v20  }
0x2f5: {  	[tilespmem:s0+$0x150D0] =	vst v18;
	s30 =	sadd.s32 $0x1, s30  }
0x2f6: {  	[tilespmem:s0+$0x110E0] =	vst v21;
	p0 =	sne.s32 s30, $0x8  }
.Ltmp8:
0x2f7: {  	[tilespmem:s0+$0x150E0] =	vst v17;
	s1 =	sand.u32 $0x1FFBF000, s11;
	(pc) =	sbr.rel @p0 .LBB2_10-.Ltmp8, $4  }
0x2f8: {  	[tilespmem:s0+$0x110F0] =	vst v16;
	s19 =	sadd.s32 s1, s10  }
0x2f9: {  	[hbm4b:s19+s3] =	stream.linear.scatter [tilespmem:s22], [sflag:$0x3], $0x4000, $0x38;
	[tilespmem:$0x19000] =	vst v63  }
0x2fa: {  	s31 =	sadd.s32 s9, s10  }
0x2fb: {  	[hbm4b:s31+s3] =	stream.linear.scatter [tilespmem:s23], [sflag:$0x4], $0x4000, $0x38;
	[tilespmem:$0x19000] =	vst v63  }
0x2fc: {  	_ =	swait.ge [sflag:s24], $0x4000  }
0x2fd: {  	[sflag:s24] =	ssyncset.done $0x0  }
0x2fe: {  	[sflag:s24] =	ssyncadd.s32 $0xFFFFC000  }
0x2ff: {  	_ =	swait.ge [sflag:s25], $0x4000  }
0x300: {  	[sflag:s25] =	ssyncset.done $0x0  }
0x301: {  	s29 =	sadd.s32 $0x1, s29;
	[sflag:s25] =	ssyncadd.s32 $0xFFFFC000  }
0x302: {  	p0 =	sne.s32 s29, s17;
	_ =	swait.ge [sflag:s26], $0x4000  }
.Ltmp9:
0x303: {  	[sflag:s26] =	ssyncset.done $0x0;
	(pc) =	sbr.rel @p0 .LBB2_1-.Ltmp9, $4  }
0x304: {  	[sflag:s26] =	ssyncadd.s32 $0xFFFFC000  }
0x305: {  	_ =	swait.ge [sflag:s28], $0x4000  }
0x306: {  	[sflag:s28] =	ssyncset.done $0x0  }
0x307: {  	[sflag:s28] =	ssyncadd.s32 $0xFFFFC000  }
0x308: {  	_ =	sfence.sel $0x180000  }
0x309: {  	[bflag:$0x0] =	sbarrier.arrive $0xFFFF  }
0x30a: {  	_ =	strace $0x90000047  }
0x30b: {  	s0 =	stileid.u32;
	[bflag:$0x2] =	sbarrier.arrive $0xFFFF  }
0x30c: {  	p0 =	sne.s32 s0, $0x0;
	s0 =	rddreg [dreg:$0x3]  }
0x30d: {  	s0 =	sadd.s32 @!p0 $0x100000, s0  }
0x30e: {  	[sflag:s0] =	ssyncadd.tile.s32 @!p0 $0x1;
	_ =	shalt  }
.Lfunc_end2:
_tile_overlayer_lowered:
.L_overlay_start_2:
0x30f: {  	(tag) =	ssettag $0x2  }
0x310: {  	s0 =	rddreg [dreg:$0x0];
	s2 =	stileid.u32  }
0x311: {  	s1 =	rddreg [dreg:$0x1];
	p0 =	sne.s32 s2, $0x0  }
0x312: {  	s3 =	rddreg [dreg:$0x2];
	[bflag:$0x3] =	sbarrier.arrive $0xFFFF;
	s2 =	simm.s32 @!p0 $0x1C05  }
0x313: {  	[timem:s3], [sflag:s2] =	dma.local @!p0 [hbm:s0], s1  }
0x314: {  	s0 =	simm.s32 @!p0 $0x5  }
0x315: {  	_ =	swait.ge @!p0 [sflag:s0], s1  }
0x316: {  	s1 =	ssub.s32 @!p0 $0x0, s1;
	[sflag:s0] =	ssyncset.done @!p0 $0x0  }
0x317: {  	[sflag:s0] =	ssyncadd.s32 @!p0 s1  }
0x318: {  	[bflag:$0x3] =	sbarrier.arrive $0xFFFF  }
0x319: {  	_ =	shalt  }

</sc_bundles>
